<compile_context>
chip_gen: v7x
topology: tpu7x:2x2x1
jax: 0.10.2.dev20260603
libtpu: 0.0.44.dev20260713+nightly
codegen_flags: <defaults>
</compile_context>

<pallas_src>
import functools

import jax
import jax.numpy as jnp
from jax import lax
from jax.experimental import pallas as pl
from jax.experimental.pallas import tpu as pltpu
from jax.experimental.pallas import tpu_sc as plsc

_OUT = 4096
_IN = 4096
_NBINS = 8
_NTOK = 2048
_NNZ = 10
_WPAD = 16
_G = 4
_GIDX = _G * _NNZ

_NC = 2
_NS = 16
_NW = _NC * _NS
_ROWS_PER_W = _OUT // _NW
_GROUPS_PER_W = _ROWS_PER_W // _G
_LANES = 16
_NPAIR = _NTOK // 2
_NSLICE = _NPAIR // _LANES



def _sc_body(xT32, cols, wpad, out32, idx_v, w_v, buf, obuf, gs0, gs1, os0, os1):
    cid = lax.axis_index("c")
    sid = lax.axis_index("s")
    wid = sid * _NC + cid
    base_row = wid * _ROWS_PER_W

    gsems = (gs0, gs1)
    osems = (os0, os1)

    pltpu.sync_copy(cols.at[pl.ds(base_row * _NNZ, _ROWS_PER_W * _NNZ)], idx_v)
    pltpu.sync_copy(wpad.at[pl.ds(base_row * _WPAD, _ROWS_PER_W * _WPAD)], w_v)

    def start_gather(g, slot):
        pltpu.make_async_copy(
            xT32.at[idx_v.at[pl.ds(g * _GIDX, _GIDX)]], buf.at[slot], gsems[slot]
        ).start()

    def wait_gather(g, slot):
        pltpu.make_async_copy(
            xT32.at[idx_v.at[pl.ds(g * _GIDX, _GIDX)]], buf.at[slot], gsems[slot]
        ).wait()

    def start_out(g, slot):
        pltpu.make_async_copy(
            obuf.at[slot], out32.at[pl.ds(base_row + g * _G, _G)], osems[slot]
        ).start()

    def wait_out(g, slot):
        pltpu.make_async_copy(
            obuf.at[slot], out32.at[pl.ds(base_row + g * _G, _G)], osems[slot]
        ).wait()

    def compute_group(g, slot):
        wks = []
        for k in range(_G):
            w_all = w_v[pl.ds((g * _G + k) * _WPAD, _LANES)]
            wks.append([jnp.broadcast_to(w_all[j], (_LANES,)) for j in range(_NNZ)])

        @plsc.parallel_loop(0, _NSLICE, unroll=2)
        def sbody(s, wks=wks):
            off = s * _LANES
            for k in range(_G):
                ws = wks[k]
                acc_a = None
                acc_b = None
                for j in range(_NNZ):
                    pair = buf[slot, k * _NNZ + j, pl.ds(off, _LANES)]
                    xa, xb = plsc.unpack(
                        plsc.bitcast(pair, jnp.bfloat16),
                        format=plsc.PackFormat.INTERLEAVED,
                    )
                    if acc_a is None:
                        acc_a = ws[j] * xa
                        acc_b = ws[j] * xb
                    else:
                        acc_a = acc_a + ws[j] * xa
                        acc_b = acc_b + ws[j] * xb
                packed = plsc.pack(
                    acc_a, acc_b, format=plsc.PackFormat.INTERLEAVED
                )
                obuf[slot, k, pl.ds(off, _LANES)] = plsc.bitcast(packed, jnp.int32)

    start_gather(0, 0)
    start_gather(1, 1)

    def handle_group(g, slot):
        wait_gather(g, slot)

        @pl.when(g >= 2)
        def _():
            wait_out(g - 2, slot)

        compute_group(g, slot)
        start_out(g, slot)

        @pl.when(g + 2 < _GROUPS_PER_W)
        def _():
            start_gather(g + 2, slot)

    def g2body(g2, carry):
        g0 = g2 * 2
        handle_group(g0, 0)
        handle_group(g0 + 1, 1)
        return carry

    lax.fori_loop(0, _GROUPS_PER_W // 2, g2body, 0)

    wait_out(_GROUPS_PER_W - 2, 0)
    wait_out(_GROUPS_PER_W - 1, 1)


def _sc_correction(xT32, cols, wpad):
    mesh = plsc.VectorSubcoreMesh(core_axis_name="c", subcore_axis_name="s")
    return pl.kernel(
        _sc_body,
        out_type=jax.ShapeDtypeStruct((_OUT, _NPAIR), jnp.int32),
        mesh=mesh,
        compiler_params=pltpu.CompilerParams(needs_layout_passes=False),
        scratch_types=[
            pltpu.VMEM((_ROWS_PER_W * _NNZ,), jnp.int32),
            pltpu.VMEM((_ROWS_PER_W * _WPAD,), jnp.float32),
            pltpu.VMEM((2, _GIDX, _NPAIR), jnp.int32),
            pltpu.VMEM((2, _G, _NPAIR), jnp.int32),
            pltpu.SemaphoreType.DMA,
            pltpu.SemaphoreType.DMA,
            pltpu.SemaphoreType.DMA,
            pltpu.SemaphoreType.DMA,
        ],
    )(xT32, cols, wpad)



_BO = 256
_NOT = _OUT // _BO
_HALF = _NTOK // 2


def _dequant(c, lut):
    w = jnp.where(c == 1, lut[:, 1:2], lut[:, 0:1])
    for b in range(2, _NBINS):
        w = jnp.where(c == b, lut[:, b : b + 1], w)
    return w.astype(jnp.bfloat16)


def _tc_body(codes0_ref, codesn_ref, lut0_ref, lutn_ref, xlo_ref, xhi_ref,
             corr_ref, out_ref, wa_ref, wb_ref):
    o = pl.program_id(0)

    @pl.when(o == 0)
    def _():
        wa_ref[...] = _dequant(codes0_ref[...], lut0_ref[...])

    def emit(wcur, wnext):
        ci = corr_ref[...]
        lo = lax.bitcast_convert_type(ci << 16, jnp.float32)
        hi = lax.bitcast_convert_type(ci & jnp.int32(-65536), jnp.float32)
        d_lo = lax.dot_general(
            xlo_ref[...], wcur[...],
            (((1,), (1,)), ((), ())), preferred_element_type=jnp.float32,
        )
        out_ref[pl.ds(0, _HALF), :] = d_lo + lo.T
        d_hi = lax.dot_general(
            xhi_ref[...], wcur[...],
            (((1,), (1,)), ((), ())), preferred_element_type=jnp.float32,
        )
        out_ref[pl.ds(_HALF, _HALF), :] = d_hi + hi.T
        wnext[...] = _dequant(codesn_ref[...], lutn_ref[...])

    @pl.when(o % 2 == 0)
    def _():
        emit(wa_ref, wb_ref)

    @pl.when(o % 2 == 1)
    def _():
        emit(wb_ref, wa_ref)


def _tc_matmul(xbf_lo, xbf_hi, codes, lookup_table, corrT32):
    return pl.pallas_call(
        _tc_body,
        grid=(_NOT,),
        in_specs=[
            pl.BlockSpec((_BO, _IN), lambda o: (0, 0)),
            pl.BlockSpec((_BO, _IN), lambda o: ((o + 1) % _NOT, 0)),
            pl.BlockSpec((_BO, _NBINS), lambda o: (0, 0)),
            pl.BlockSpec((_BO, _NBINS), lambda o: ((o + 1) % _NOT, 0)),
            pl.BlockSpec((_HALF, _IN), lambda o: (0, 0)),
            pl.BlockSpec((_HALF, _IN), lambda o: (0, 0)),
            pl.BlockSpec((_BO, _NPAIR), lambda o: (o, 0)),
        ],
        out_specs=pl.BlockSpec((_NTOK, _BO), lambda o: (0, o)),
        out_shape=jax.ShapeDtypeStruct((_NTOK, _OUT), jnp.float32),
        scratch_shapes=[
            pltpu.VMEM((_BO, _IN), jnp.bfloat16),
            pltpu.VMEM((_BO, _IN), jnp.bfloat16),
        ],
    )(codes, codes, lookup_table, lookup_table, xbf_lo, xbf_hi, corrT32)



_TBC = 512
_TBP = 512


def _tp_body(xlo_ref, xhi_ref, out_ref, blo_ref, bhi_ref):
    lo_bf = xlo_ref[...].astype(jnp.bfloat16)
    hi_bf = xhi_ref[...].astype(jnp.bfloat16)
    blo_ref[...] = lo_bf
    bhi_ref[...] = hi_bf
    lo = lax.bitcast_convert_type(lo_bf, jnp.int16).astype(jnp.int32)
    hi = lax.bitcast_convert_type(hi_bf, jnp.int16).astype(jnp.int32)
    packed = (hi << 16) | (lo & 0xFFFF)
    out_ref[...] = packed.T


def _transpose_pack(x):
    return pl.pallas_call(
        _tp_body,
        grid=(_IN // _TBC, _NPAIR // _TBP),
        in_specs=[
            pl.BlockSpec((_TBP, _TBC), lambda c, t: (t, c)),
            pl.BlockSpec((_TBP, _TBC), lambda c, t: (t + _NPAIR // _TBP, c)),
        ],
        out_specs=[
            pl.BlockSpec((_TBC, _TBP), lambda c, t: (c, t)),
            pl.BlockSpec((_TBP, _TBC), lambda c, t: (t, c)),
            pl.BlockSpec((_TBP, _TBC), lambda c, t: (t, c)),
        ],
        out_shape=[
            jax.ShapeDtypeStruct((_IN, _NPAIR), jnp.int32),
            jax.ShapeDtypeStruct((_HALF, _IN), jnp.bfloat16),
            jax.ShapeDtypeStruct((_HALF, _IN), jnp.bfloat16),
        ],
    )(x, x)



@jax.jit
def _run(x, codes, lookup_table, cols, vals):
    x = x.astype(jnp.float32)
    xT32, xbf_lo, xbf_hi = _transpose_pack(x)
    vals2 = vals.reshape(_OUT, _NNZ)
    wpad = jnp.pad(vals2, ((0, 0), (0, _WPAD - _NNZ))).reshape(-1)

    corrT32 = _sc_correction(xT32, cols, wpad)
    return _tc_matmul(xbf_lo, xbf_hi, codes, lookup_table, corrT32)


def kernel(x, codes, lookup_table, rows, cols, vals):
    del rows
    return _run(x, codes, lookup_table, cols, vals)

# --- scband reference (transcript-rebuilt; emitter-appended) ---
"""Pipeline reference for scband-quant-linear-lut-25769804260 (READ-ONLY COPY).

The authoritative reference and input builder live on the scoring server;
editing this copy changes nothing except your own understanding.
"""

import jax, jax.numpy as jnp
import numpy as np

OUT = 4096
IN = 4096
NUMVALS = 40960
NBINS = 8  # 2**bits, bits=3
NTOK = 2048

def setup_inputs(seed: int = 0) -> dict:
    key = jax.random.key(seed)
    k1, k2, k3, k4, k5 = jax.random.split(key, 5)
    x = jax.random.normal(k1, (NTOK, IN), dtype=jnp.float32)
    # 3-bit per-channel NUQ codes (unpacked representation of qweight)
    codes = jax.random.randint(k2, (OUT, IN), 0, NBINS, dtype=jnp.int32)
    # per-output-channel lookup table of 8 centroids
    lookup_table = jax.random.normal(k3, (OUT, NBINS), dtype=jnp.float32) * 0.02
    # CSR sparse outliers: num_nonzero_per_thread=10 nnz per output row
    per_row = NUMVALS // OUT
    rows = (jnp.arange(OUT + 1, dtype=jnp.int32) * per_row).astype(jnp.int32)
    cols = jax.random.randint(k4, (NUMVALS,), 0, IN, dtype=jnp.int32)
    vals = jax.random.normal(k5, (NUMVALS,), dtype=jnp.float32)
    return {"x": x, "codes": codes, "lookup_table": lookup_table, "rows": rows, "cols": cols, "vals": vals}

def reference(x, codes, lookup_table, rows, cols, vals):
    # vecquant3matmul_spmv_nuq_perchannel:
    # y = x @ dequant(qweight, LUT).T + spmv(CSR(rows, cols, vals), x)
    x = x.astype(jnp.float32)
    # per-channel LUT dequantization (gather)
    W = jnp.take_along_axis(lookup_table, codes, axis=1)  # [OUT, IN]
    # add sparse outliers stored in CSR into the dense weight (scatter-add)
    counts = rows[1:] - rows[:-1]
    row_ids = jnp.repeat(jnp.arange(W.shape[0], dtype=jnp.int32), counts, total_repeat_length=vals.shape[0])
    W = W.at[row_ids, cols].add(vals)
    y = x @ W.T  # [NTOK, OUT]
    return y

if __name__ == "__main__":
    import jax
    _d = setup_inputs()
    print(jax.jit(kernel)(*tuple(_d.values())))

</pallas_src>

<mosaic_0001>
#map = affine_map<(d0, d1) -> (0, 0)>
#map1 = affine_map<(d0, d1) -> (0)>
module attributes {stable_mosaic.version = 14 : i64} {
  func.func @_sc_body(%arg0: i32, %arg1: i32, %arg2: memref<4096x1024xi32, #tpu.memory_space<hbm>>, %arg3: memref<40960xi32, #tpu.memory_space<hbm>>, %arg4: memref<65536xf32, #tpu.memory_space<hbm>>, %arg5: memref<4096x1024xi32, #tpu.memory_space<hbm>>, %arg6: memref<1280xi32, #tpu.memory_space<vmem>>, %arg7: memref<2048xf32, #tpu.memory_space<vmem>>, %arg8: memref<2x40x1024xi32, #tpu.memory_space<vmem>>, %arg9: memref<2x4x1024xi32, #tpu.memory_space<vmem>>, %arg10: memref<!tpu.dma_semaphore, #tpu.memory_space<semaphore_mem>>, %arg11: memref<!tpu.dma_semaphore, #tpu.memory_space<semaphore_mem>>, %arg12: memref<!tpu.dma_semaphore, #tpu.memory_space<semaphore_mem>>, %arg13: memref<!tpu.dma_semaphore, #tpu.memory_space<semaphore_mem>>) attributes {dimension_semantics = [#tpu.dimension_semantics<core_parallel>, #tpu.dimension_semantics<subcore_parallel>], iteration_bounds = array<i64: 2, 16>, scalar_prefetch = 0 : i64, scratch_operands = 8 : i64, tpu.core_type = #tpu.core_type<sc_vector_subcore>, window_params = [{transform_indices = #map}, {transform_indices = #map1}, {transform_indices = #map1}, {transform_indices = #map}]} {
    %mul3A = arith.constant 2 : i32
    %mul3A_0 = arith.muli %arg1, %mul3A : i32
    %add3A = arith.addi %mul3A_0, %arg0 : i32
    %mul3A_1 = arith.constant 128 : i32
    %mul3A_2 = arith.muli %add3A, %mul3A_1 : i32
    %mul3A_3 = arith.constant 10 : i32
    %mul3A_4 = arith.muli %mul3A_2, %mul3A_3 : i32
    "tpu.region"() ({
      %run_scoped3A = tpu.sem_alloc : memref<!tpu.dma_semaphore, #tpu.memory_space<semaphore_mem>>
      %dma_start3A_60 = tpu.memref_slice %arg3[%mul3A_4] : memref<40960xi32, #tpu.memory_space<hbm>> -> memref<1280xi32, #tpu.memory_space<hbm>>
      %dma_start3A_61 = tpu.memref_slice %arg3[%mul3A_4] : memref<40960xi32, #tpu.memory_space<hbm>> -> memref<1280xi32, #tpu.memory_space<hbm>>
      tpu.enqueue_dma source(%dma_start3A_61 : memref<1280xi32, #tpu.memory_space<hbm>>) target(%arg6 : memref<1280xi32, #tpu.memory_space<vmem>>) target_semaphore(%run_scoped3A : memref<!tpu.dma_semaphore, #tpu.memory_space<semaphore_mem>>)
      %dma_wait3A_62 = tpu.memref_slice %arg3[%mul3A_4] : memref<40960xi32, #tpu.memory_space<hbm>> -> memref<1280xi32, #tpu.memory_space<hbm>>
      %dma_wait3A_63 = tpu.memref_slice %arg3[%mul3A_4] : memref<40960xi32, #tpu.memory_space<hbm>> -> memref<1280xi32, #tpu.memory_space<hbm>>
      tpu.wait_dma2 semaphore(%run_scoped3A : memref<!tpu.dma_semaphore, #tpu.memory_space<semaphore_mem>>) src(%dma_wait3A_63 : memref<1280xi32, #tpu.memory_space<hbm>>) dst(%arg6 : memref<1280xi32, #tpu.memory_space<vmem>>)
      tpu.yield
    }) : () -> ()
    %mul3A_5 = arith.constant 16 : i32
    %mul3A_6 = arith.muli %mul3A_2, %mul3A_5 : i32
    "tpu.region"() ({
      %run_scoped3A = tpu.sem_alloc : memref<!tpu.dma_semaphore, #tpu.memory_space<semaphore_mem>>
      %dma_start3A_60 = tpu.memref_slice %arg4[%mul3A_6] : memref<65536xf32, #tpu.memory_space<hbm>> -> memref<2048xf32, #tpu.memory_space<hbm>>
      %dma_start3A_61 = tpu.memref_slice %arg4[%mul3A_6] : memref<65536xf32, #tpu.memory_space<hbm>> -> memref<2048xf32, #tpu.memory_space<hbm>>
      tpu.enqueue_dma source(%dma_start3A_61 : memref<2048xf32, #tpu.memory_space<hbm>>) target(%arg7 : memref<2048xf32, #tpu.memory_space<vmem>>) target_semaphore(%run_scoped3A : memref<!tpu.dma_semaphore, #tpu.memory_space<semaphore_mem>>)
      %dma_wait3A_62 = tpu.memref_slice %arg4[%mul3A_6] : memref<65536xf32, #tpu.memory_space<hbm>> -> memref<2048xf32, #tpu.memory_space<hbm>>
      %dma_wait3A_63 = tpu.memref_slice %arg4[%mul3A_6] : memref<65536xf32, #tpu.memory_space<hbm>> -> memref<2048xf32, #tpu.memory_space<hbm>>
      tpu.wait_dma2 semaphore(%run_scoped3A : memref<!tpu.dma_semaphore, #tpu.memory_space<semaphore_mem>>) src(%dma_wait3A_63 : memref<2048xf32, #tpu.memory_space<hbm>>) dst(%arg7 : memref<2048xf32, #tpu.memory_space<vmem>>)
      tpu.yield
    }) : () -> ()
    %dma_start3A = arith.constant 0 : i32
    %dma_start3A_7 = arith.constant 0 : i32
    %dma_start3A_8 = arith.constant 0 : i32
    %dma_start3A_9 = tpu.memref_slice %arg8[%dma_start3A, %dma_start3A_7, %dma_start3A_8] : memref<2x40x1024xi32, #tpu.memory_space<vmem>> -> memref<1x40x1024xi32, #tpu.memory_space<vmem>>
    %dma_start3A_10 = tpu.memref_squeeze %dma_start3A_9 : memref<1x40x1024xi32, #tpu.memory_space<vmem>> -> memref<40x1024xi32, #tpu.memory_space<vmem>>
    %dma_start3A_11 = arith.constant 0 : i32
    %dma_start3A_12 = tpu.memref_slice %arg6[%dma_start3A_11] : memref<1280xi32, #tpu.memory_space<vmem>> -> memref<40xi32, #tpu.memory_space<vmem>>
    %dma_start3A_13 = arith.constant 0 : i32
    %dma_start3A_14 = arith.constant 0 : i32
    %dma_start3A_15 = tpu.memref_slice %arg2[%dma_start3A_13, %dma_start3A_14] : memref<4096x1024xi32, #tpu.memory_space<hbm>> -> memref<4096x1024xi32, #tpu.memory_space<hbm>>
    tpu.enqueue_indirect_dma source(%dma_start3A_15 : memref<4096x1024xi32, #tpu.memory_space<hbm>>) target(%dma_start3A_10 : memref<40x1024xi32, #tpu.memory_space<vmem>>) offsets(%dma_start3A_12 : memref<40xi32, #tpu.memory_space<vmem>>) semaphore(%arg10 : memref<!tpu.dma_semaphore, #tpu.memory_space<semaphore_mem>>)
    %dma_start3A_16 = arith.constant 1 : i32
    %dma_start3A_17 = arith.constant 0 : i32
    %dma_start3A_18 = arith.constant 0 : i32
    %dma_start3A_19 = tpu.memref_slice %arg8[%dma_start3A_16, %dma_start3A_17, %dma_start3A_18] : memref<2x40x1024xi32, #tpu.memory_space<vmem>> -> memref<1x40x1024xi32, #tpu.memory_space<vmem>>
    %dma_start3A_20 = tpu.memref_squeeze %dma_start3A_19 : memref<1x40x1024xi32, #tpu.memory_space<vmem>> -> memref<40x1024xi32, #tpu.memory_space<vmem>>
    %dma_start3A_21 = arith.constant 40 : i32
    %dma_start3A_22 = tpu.memref_slice %arg6[%dma_start3A_21] : memref<1280xi32, #tpu.memory_space<vmem>> -> memref<40xi32, #tpu.memory_space<vmem>>
    %dma_start3A_23 = arith.constant 0 : i32
    %dma_start3A_24 = arith.constant 0 : i32
    %dma_start3A_25 = tpu.memref_slice %arg2[%dma_start3A_23, %dma_start3A_24] : memref<4096x1024xi32, #tpu.memory_space<hbm>> -> memref<4096x1024xi32, #tpu.memory_space<hbm>>
    tpu.enqueue_indirect_dma source(%dma_start3A_25 : memref<4096x1024xi32, #tpu.memory_space<hbm>>) target(%dma_start3A_20 : memref<40x1024xi32, #tpu.memory_space<vmem>>) offsets(%dma_start3A_22 : memref<40xi32, #tpu.memory_space<vmem>>) semaphore(%arg11 : memref<!tpu.dma_semaphore, #tpu.memory_space<semaphore_mem>>)
    %scan3A = arith.constant 0 : i32
    %scan3A_26 = arith.constant 0 : i32
    %scan3A_27 = arith.constant 16 : i32
    %scan3A_28 = arith.addi %scan3A_26, %scan3A_27 : i32
    %scan3A_29 = arith.constant 1 : i32
    scf.for %scan3A_60 = %scan3A_26 to %scan3A_28 step %scan3A_29  : i32 {
      %mul3A_61 = arith.constant 2 : i32
      %mul3A_62 = arith.muli %scan3A_60, %mul3A_61 : i32
      %mul3A_63 = arith.constant 40 : i32
      %mul3A_64 = arith.muli %mul3A_62, %mul3A_63 : i32
      %dma_wait3A_65 = arith.constant 0 : i32
      %dma_wait3A_66 = arith.constant 0 : i32
      %dma_wait3A_67 = arith.constant 0 : i32
      %dma_wait3A_68 = tpu.memref_slice %arg8[%dma_wait3A_65, %dma_wait3A_66, %dma_wait3A_67] : memref<2x40x1024xi32, #tpu.memory_space<vmem>> -> memref<1x40x1024xi32, #tpu.memory_space<vmem>>
      %dma_wait3A_69 = tpu.memref_squeeze %dma_wait3A_68 : memref<1x40x1024xi32, #tpu.memory_space<vmem>> -> memref<40x1024xi32, #tpu.memory_space<vmem>>
      %dma_wait3A_70 = tpu.memref_slice %arg6[%mul3A_64] : memref<1280xi32, #tpu.memory_space<vmem>> -> memref<40xi32, #tpu.memory_space<vmem>>
      %dma_wait3A_71 = arith.constant 0 : i32
      %dma_wait3A_72 = arith.constant 0 : i32
      %dma_wait3A_73 = tpu.memref_slice %arg2[%dma_wait3A_71, %dma_wait3A_72] : memref<4096x1024xi32, #tpu.memory_space<hbm>> -> memref<4096x1024xi32, #tpu.memory_space<hbm>>
      tpu.wait_indirect_dma semaphore(%arg10 : memref<!tpu.dma_semaphore, #tpu.memory_space<semaphore_mem>>) src(%dma_wait3A_73 : memref<4096x1024xi32, #tpu.memory_space<hbm>>) dst(%dma_wait3A_69 : memref<40x1024xi32, #tpu.memory_space<vmem>>)
      %ge3A = arith.constant 2 : i32
      %ge3A_74 = arith.cmpi sge, %mul3A_62, %ge3A : i32
      %convert_element_type3A = arith.extui %ge3A_74 : i1 to i32
      %cond3A = arith.constant 0 : i32
      %cond3A_75 = arith.cmpi ne, %convert_element_type3A, %cond3A : i32
      scf.if %cond3A_75 {
        %sub3A = arith.constant 2 : i32
        %sub3A_444 = arith.subi %mul3A_62, %sub3A : i32
        %mul3A_445 = arith.constant 4 : i32
        %mul3A_446 = arith.muli %sub3A_444, %mul3A_445 : i32
        %add3A_447 = arith.addi %mul3A_2, %mul3A_446 : i32
        %dma_wait3A_448 = arith.constant 0 : i32
        %dma_wait3A_449 = arith.constant 0 : i32
        %dma_wait3A_450 = arith.constant 0 : i32
        %dma_wait3A_451 = tpu.memref_slice %arg9[%dma_wait3A_448, %dma_wait3A_449, %dma_wait3A_450] : memref<2x4x1024xi32, #tpu.memory_space<vmem>> -> memref<1x4x1024xi32, #tpu.memory_space<vmem>>
        %dma_wait3A_452 = tpu.memref_squeeze %dma_wait3A_451 : memref<1x4x1024xi32, #tpu.memory_space<vmem>> -> memref<4x1024xi32, #tpu.memory_space<vmem>>
        %dma_wait3A_453 = arith.constant 0 : i32
        %dma_wait3A_454 = tpu.memref_slice %arg5[%add3A_447, %dma_wait3A_453] : memref<4096x1024xi32, #tpu.memory_space<hbm>> -> memref<4x1024xi32, #tpu.memory_space<hbm>>
        %dma_wait3A_455 = arith.constant 0 : i32
        %dma_wait3A_456 = tpu.memref_slice %arg5[%add3A_447, %dma_wait3A_455] : memref<4096x1024xi32, #tpu.memory_space<hbm>> -> memref<4x1024xi32, #tpu.memory_space<hbm>>
        %dma_wait3A_457 = arith.constant 0 : i32
        %dma_wait3A_458 = arith.constant 0 : i32
        %dma_wait3A_459 = tpu.memref_slice %arg9[%dma_wait3A_448, %dma_wait3A_457, %dma_wait3A_458] : memref<2x4x1024xi32, #tpu.memory_space<vmem>> -> memref<1x4x1024xi32, #tpu.memory_space<vmem>>
        %dma_wait3A_460 = tpu.memref_squeeze %dma_wait3A_459 : memref<1x4x1024xi32, #tpu.memory_space<vmem>> -> memref<4x1024xi32, #tpu.memory_space<vmem>>
        tpu.wait_dma2 semaphore(%arg12 : memref<!tpu.dma_semaphore, #tpu.memory_space<semaphore_mem>>) src(%dma_wait3A_460 : memref<4x1024xi32, #tpu.memory_space<vmem>>) dst(%dma_wait3A_456 : memref<4x1024xi32, #tpu.memory_space<hbm>>)
      } else {
      }
      %mul3A_76 = arith.constant 4 : i32
      %mul3A_77 = arith.muli %mul3A_62, %mul3A_76 : i32
      %add3A_78 = arith.constant 0 : i32
      %add3A_79 = arith.addi %mul3A_77, %add3A_78 : i32
      %mul3A_80 = arith.constant 16 : i32
      %mul3A_81 = arith.muli %add3A_79, %mul3A_80 : i32
      %get3A = arith.index_cast %mul3A_81 : i32 to index
      %get3A_82 = tpu.vector_load %arg7[%get3A] {strides = array<i32>} : memref<2048xf32, #tpu.memory_space<vmem>>, vector<16xf32>,
      %slice3A = vector.extract_strided_slice %get3A_82 {offsets = [0], sizes = [1], strides = [1]} : vector<16xf32> to vector<1xf32>
      %squeeze3A = vector.extract %slice3A[0] : f32 from vector<1xf32>
      %broadcast_in_dim3A = vector.broadcast %squeeze3A : f32 to vector<16xf32>
      %slice3A_83 = vector.extract_strided_slice %get3A_82 {offsets = [1], sizes = [1], strides = [1]} : vector<16xf32> to vector<1xf32>
      %squeeze3A_84 = vector.extract %slice3A_83[0] : f32 from vector<1xf32>
      %broadcast_in_dim3A_85 = vector.broadcast %squeeze3A_84 : f32 to vector<16xf32>
      %slice3A_86 = vector.extract_strided_slice %get3A_82 {offsets = [2], sizes = [1], strides = [1]} : vector<16xf32> to vector<1xf32>
      %squeeze3A_87 = vector.extract %slice3A_86[0] : f32 from vector<1xf32>
      %broadcast_in_dim3A_88 = vector.broadcast %squeeze3A_87 : f32 to vector<16xf32>
      %slice3A_89 = vector.extract_strided_slice %get3A_82 {offsets = [3], sizes = [1], strides = [1]} : vector<16xf32> to vector<1xf32>
      %squeeze3A_90 = vector.extract %slice3A_89[0] : f32 from vector<1xf32>
      %broadcast_in_dim3A_91 = vector.broadcast %squeeze3A_90 : f32 to vector<16xf32>
      %slice3A_92 = vector.extract_strided_slice %get3A_82 {offsets = [4], sizes = [1], strides = [1]} : vector<16xf32> to vector<1xf32>
      %squeeze3A_93 = vector.extract %slice3A_92[0] : f32 from vector<1xf32>
      %broadcast_in_dim3A_94 = vector.broadcast %squeeze3A_93 : f32 to vector<16xf32>
      %slice3A_95 = vector.extract_strided_slice %get3A_82 {offsets = [5], sizes = [1], strides = [1]} : vector<16xf32> to vector<1xf32>
      %squeeze3A_96 = vector.extract %slice3A_95[0] : f32 from vector<1xf32>
      %broadcast_in_dim3A_97 = vector.broadcast %squeeze3A_96 : f32 to vector<16xf32>
      %slice3A_98 = vector.extract_strided_slice %get3A_82 {offsets = [6], sizes = [1], strides = [1]} : vector<16xf32> to vector<1xf32>
      %squeeze3A_99 = vector.extract %slice3A_98[0] : f32 from vector<1xf32>
      %broadcast_in_dim3A_100 = vector.broadcast %squeeze3A_99 : f32 to vector<16xf32>
      %slice3A_101 = vector.extract_strided_slice %get3A_82 {offsets = [7], sizes = [1], strides = [1]} : vector<16xf32> to vector<1xf32>
      %squeeze3A_102 = vector.extract %slice3A_101[0] : f32 from vector<1xf32>
      %broadcast_in_dim3A_103 = vector.broadcast %squeeze3A_102 : f32 to vector<16xf32>
      %slice3A_104 = vector.extract_strided_slice %get3A_82 {offsets = [8], sizes = [1], strides = [1]} : vector<16xf32> to vector<1xf32>
      %squeeze3A_105 = vector.extract %slice3A_104[0] : f32 from vector<1xf32>
      %broadcast_in_dim3A_106 = vector.broadcast %squeeze3A_105 : f32 to vector<16xf32>
      %slice3A_107 = vector.extract_strided_slice %get3A_82 {offsets = [9], sizes = [1], strides = [1]} : vector<16xf32> to vector<1xf32>
      %squeeze3A_108 = vector.extract %slice3A_107[0] : f32 from vector<1xf32>
      %broadcast_in_dim3A_109 = vector.broadcast %squeeze3A_108 : f32 to vector<16xf32>
      %mul3A_110 = arith.constant 4 : i32
      %mul3A_111 = arith.muli %mul3A_62, %mul3A_110 : i32
      %add3A_112 = arith.constant 1 : i32
      %add3A_113 = arith.addi %mul3A_111, %add3A_112 : i32
      %mul3A_114 = arith.constant 16 : i32
      %mul3A_115 = arith.muli %add3A_113, %mul3A_114 : i32
      %get3A_116 = arith.index_cast %mul3A_115 : i32 to index
      %get3A_117 = tpu.vector_load %arg7[%get3A_116] {strides = array<i32>} : memref<2048xf32, #tpu.memory_space<vmem>>, vector<16xf32>,
      %slice3A_118 = vector.extract_strided_slice %get3A_117 {offsets = [0], sizes = [1], strides = [1]} : vector<16xf32> to vector<1xf32>
      %squeeze3A_119 = vector.extract %slice3A_118[0] : f32 from vector<1xf32>
      %broadcast_in_dim3A_120 = vector.broadcast %squeeze3A_119 : f32 to vector<16xf32>
      %slice3A_121 = vector.extract_strided_slice %get3A_117 {offsets = [1], sizes = [1], strides = [1]} : vector<16xf32> to vector<1xf32>
      %squeeze3A_122 = vector.extract %slice3A_121[0] : f32 from vector<1xf32>
      %broadcast_in_dim3A_123 = vector.broadcast %squeeze3A_122 : f32 to vector<16xf32>
      %slice3A_124 = vector.extract_strided_slice %get3A_117 {offsets = [2], sizes = [1], strides = [1]} : vector<16xf32> to vector<1xf32>
      %squeeze3A_125 = vector.extract %slice3A_124[0] : f32 from vector<1xf32>
      %broadcast_in_dim3A_126 = vector.broadcast %squeeze3A_125 : f32 to vector<16xf32>
      %slice3A_127 = vector.extract_strided_slice %get3A_117 {offsets = [3], sizes = [1], strides = [1]} : vector<16xf32> to vector<1xf32>
      %squeeze3A_128 = vector.extract %slice3A_127[0] : f32 from vector<1xf32>
      %broadcast_in_dim3A_129 = vector.broadcast %squeeze3A_128 : f32 to vector<16xf32>
      %slice3A_130 = vector.extract_strided_slice %get3A_117 {offsets = [4], sizes = [1], strides = [1]} : vector<16xf32> to vector<1xf32>
      %squeeze3A_131 = vector.extract %slice3A_130[0] : f32 from vector<1xf32>
      %broadcast_in_dim3A_132 = vector.broadcast %squeeze3A_131 : f32 to vector<16xf32>
      %slice3A_133 = vector.extract_strided_slice %get3A_117 {offsets = [5], sizes = [1], strides = [1]} : vector<16xf32> to vector<1xf32>
      %squeeze3A_134 = vector.extract %slice3A_133[0] : f32 from vector<1xf32>
      %broadcast_in_dim3A_135 = vector.broadcast %squeeze3A_134 : f32 to vector<16xf32>
      %slice3A_136 = vector.extract_strided_slice %get3A_117 {offsets = [6], sizes = [1], strides = [1]} : vector<16xf32> to vector<1xf32>
      %squeeze3A_137 = vector.extract %slice3A_136[0] : f32 from vector<1xf32>
      %broadcast_in_dim3A_138 = vector.broadcast %squeeze3A_137 : f32 to vector<16xf32>
      %slice3A_139 = vector.extract_strided_slice %get3A_117 {offsets = [7], sizes = [1], strides = [1]} : vector<16xf32> to vector<1xf32>
      %squeeze3A_140 = vector.extract %slice3A_139[0] : f32 from vector<1xf32>
      %broadcast_in_dim3A_141 = vector.broadcast %squeeze3A_140 : f32 to vector<16xf32>
      %slice3A_142 = vector.extract_strided_slice %get3A_117 {offsets = [8], sizes = [1], strides = [1]} : vector<16xf32> to vector<1xf32>
      %squeeze3A_143 = vector.extract %slice3A_142[0] : f32 from vector<1xf32>
      %broadcast_in_dim3A_144 = vector.broadcast %squeeze3A_143 : f32 to vector<16xf32>
      %slice3A_145 = vector.extract_strided_slice %get3A_117 {offsets = [9], sizes = [1], strides = [1]} : vector<16xf32> to vector<1xf32>
      %squeeze3A_146 = vector.extract %slice3A_145[0] : f32 from vector<1xf32>
      %broadcast_in_dim3A_147 = vector.broadcast %squeeze3A_146 : f32 to vector<16xf32>
      %mul3A_148 = arith.constant 4 : i32
      %mul3A_149 = arith.muli %mul3A_62, %mul3A_148 : i32
      %add3A_150 = arith.constant 2 : i32
      %add3A_151 = arith.addi %mul3A_149, %add3A_150 : i32
      %mul3A_152 = arith.constant 16 : i32
      %mul3A_153 = arith.muli %add3A_151, %mul3A_152 : i32
      %get3A_154 = arith.index_cast %mul3A_153 : i32 to index
      %get3A_155 = tpu.vector_load %arg7[%get3A_154] {strides = array<i32>} : memref<2048xf32, #tpu.memory_space<vmem>>, vector<16xf32>,
      %slice3A_156 = vector.extract_strided_slice %get3A_155 {offsets = [0], sizes = [1], strides = [1]} : vector<16xf32> to vector<1xf32>
      %squeeze3A_157 = vector.extract %slice3A_156[0] : f32 from vector<1xf32>
      %broadcast_in_dim3A_158 = vector.broadcast %squeeze3A_157 : f32 to vector<16xf32>
      %slice3A_159 = vector.extract_strided_slice %get3A_155 {offsets = [1], sizes = [1], strides = [1]} : vector<16xf32> to vector<1xf32>
      %squeeze3A_160 = vector.extract %slice3A_159[0] : f32 from vector<1xf32>
      %broadcast_in_dim3A_161 = vector.broadcast %squeeze3A_160 : f32 to vector<16xf32>
      %slice3A_162 = vector.extract_strided_slice %get3A_155 {offsets = [2], sizes = [1], strides = [1]} : vector<16xf32> to vector<1xf32>
      %squeeze3A_163 = vector.extract %slice3A_162[0] : f32 from vector<1xf32>
      %broadcast_in_dim3A_164 = vector.broadcast %squeeze3A_163 : f32 to vector<16xf32>
      %slice3A_165 = vector.extract_strided_slice %get3A_155 {offsets = [3], sizes = [1], strides = [1]} : vector<16xf32> to vector<1xf32>
      %squeeze3A_166 = vector.extract %slice3A_165[0] : f32 from vector<1xf32>
      %broadcast_in_dim3A_167 = vector.broadcast %squeeze3A_166 : f32 to vector<16xf32>
      %slice3A_168 = vector.extract_strided_slice %get3A_155 {offsets = [4], sizes = [1], strides = [1]} : vector<16xf32> to vector<1xf32>
      %squeeze3A_169 = vector.extract %slice3A_168[0] : f32 from vector<1xf32>
      %broadcast_in_dim3A_170 = vector.broadcast %squeeze3A_169 : f32 to vector<16xf32>
      %slice3A_171 = vector.extract_strided_slice %get3A_155 {offsets = [5], sizes = [1], strides = [1]} : vector<16xf32> to vector<1xf32>
      %squeeze3A_172 = vector.extract %slice3A_171[0] : f32 from vector<1xf32>
      %broadcast_in_dim3A_173 = vector.broadcast %squeeze3A_172 : f32 to vector<16xf32>
      %slice3A_174 = vector.extract_strided_slice %get3A_155 {offsets = [6], sizes = [1], strides = [1]} : vector<16xf32> to vector<1xf32>
      %squeeze3A_175 = vector.extract %slice3A_174[0] : f32 from vector<1xf32>
      %broadcast_in_dim3A_176 = vector.broadcast %squeeze3A_175 : f32 to vector<16xf32>
      %slice3A_177 = vector.extract_strided_slice %get3A_155 {offsets = [7], sizes = [1], strides = [1]} : vector<16xf32> to vector<1xf32>
      %squeeze3A_178 = vector.extract %slice3A_177[0] : f32 from vector<1xf32>
      %broadcast_in_dim3A_179 = vector.broadcast %squeeze3A_178 : f32 to vector<16xf32>
      %slice3A_180 = vector.extract_strided_slice %get3A_155 {offsets = [8], sizes = [1], strides = [1]} : vector<16xf32> to vector<1xf32>
      %squeeze3A_181 = vector.extract %slice3A_180[0] : f32 from vector<1xf32>
      %broadcast_in_dim3A_182 = vector.broadcast %squeeze3A_181 : f32 to vector<16xf32>
      %slice3A_183 = vector.extract_strided_slice %get3A_155 {offsets = [9], sizes = [1], strides = [1]} : vector<16xf32> to vector<1xf32>
      %squeeze3A_184 = vector.extract %slice3A_183[0] : f32 from vector<1xf32>
      %broadcast_in_dim3A_185 = vector.broadcast %squeeze3A_184 : f32 to vector<16xf32>
      %mul3A_186 = arith.constant 4 : i32
      %mul3A_187 = arith.muli %mul3A_62, %mul3A_186 : i32
      %add3A_188 = arith.constant 3 : i32
      %add3A_189 = arith.addi %mul3A_187, %add3A_188 : i32
      %mul3A_190 = arith.constant 16 : i32
      %mul3A_191 = arith.muli %add3A_189, %mul3A_190 : i32
      %get3A_192 = arith.index_cast %mul3A_191 : i32 to index
      %get3A_193 = tpu.vector_load %arg7[%get3A_192] {strides = array<i32>} : memref<2048xf32, #tpu.memory_space<vmem>>, vector<16xf32>,
      %slice3A_194 = vector.extract_strided_slice %get3A_193 {offsets = [0], sizes = [1], strides = [1]} : vector<16xf32> to vector<1xf32>
      %squeeze3A_195 = vector.extract %slice3A_194[0] : f32 from vector<1xf32>
      %broadcast_in_dim3A_196 = vector.broadcast %squeeze3A_195 : f32 to vector<16xf32>
      %slice3A_197 = vector.extract_strided_slice %get3A_193 {offsets = [1], sizes = [1], strides = [1]} : vector<16xf32> to vector<1xf32>
      %squeeze3A_198 = vector.extract %slice3A_197[0] : f32 from vector<1xf32>
      %broadcast_in_dim3A_199 = vector.broadcast %squeeze3A_198 : f32 to vector<16xf32>
      %slice3A_200 = vector.extract_strided_slice %get3A_193 {offsets = [2], sizes = [1], strides = [1]} : vector<16xf32> to vector<1xf32>
      %squeeze3A_201 = vector.extract %slice3A_200[0] : f32 from vector<1xf32>
      %broadcast_in_dim3A_202 = vector.broadcast %squeeze3A_201 : f32 to vector<16xf32>
      %slice3A_203 = vector.extract_strided_slice %get3A_193 {offsets = [3], sizes = [1], strides = [1]} : vector<16xf32> to vector<1xf32>
      %squeeze3A_204 = vector.extract %slice3A_203[0] : f32 from vector<1xf32>
      %broadcast_in_dim3A_205 = vector.broadcast %squeeze3A_204 : f32 to vector<16xf32>
      %slice3A_206 = vector.extract_strided_slice %get3A_193 {offsets = [4], sizes = [1], strides = [1]} : vector<16xf32> to vector<1xf32>
      %squeeze3A_207 = vector.extract %slice3A_206[0] : f32 from vector<1xf32>
      %broadcast_in_dim3A_208 = vector.broadcast %squeeze3A_207 : f32 to vector<16xf32>
      %slice3A_209 = vector.extract_strided_slice %get3A_193 {offsets = [5], sizes = [1], strides = [1]} : vector<16xf32> to vector<1xf32>
      %squeeze3A_210 = vector.extract %slice3A_209[0] : f32 from vector<1xf32>
      %broadcast_in_dim3A_211 = vector.broadcast %squeeze3A_210 : f32 to vector<16xf32>
      %slice3A_212 = vector.extract_strided_slice %get3A_193 {offsets = [6], sizes = [1], strides = [1]} : vector<16xf32> to vector<1xf32>
      %squeeze3A_213 = vector.extract %slice3A_212[0] : f32 from vector<1xf32>
      %broadcast_in_dim3A_214 = vector.broadcast %squeeze3A_213 : f32 to vector<16xf32>
      %slice3A_215 = vector.extract_strided_slice %get3A_193 {offsets = [7], sizes = [1], strides = [1]} : vector<16xf32> to vector<1xf32>
      %squeeze3A_216 = vector.extract %slice3A_215[0] : f32 from vector<1xf32>
      %broadcast_in_dim3A_217 = vector.broadcast %squeeze3A_216 : f32 to vector<16xf32>
      %slice3A_218 = vector.extract_strided_slice %get3A_193 {offsets = [8], sizes = [1], strides = [1]} : vector<16xf32> to vector<1xf32>
      %squeeze3A_219 = vector.extract %slice3A_218[0] : f32 from vector<1xf32>
      %broadcast_in_dim3A_220 = vector.broadcast %squeeze3A_219 : f32 to vector<16xf32>
      %slice3A_221 = vector.extract_strided_slice %get3A_193 {offsets = [9], sizes = [1], strides = [1]} : vector<16xf32> to vector<1xf32>
      %squeeze3A_222 = vector.extract %slice3A_221[0] : f32 from vector<1xf32>
      %broadcast_in_dim3A_223 = vector.broadcast %squeeze3A_222 : f32 to vector<16xf32>
      %parallel_loop3A = arith.constant 0 : i32
      %parallel_loop3A_224 = arith.constant 64 : i32
      %parallel_loop3A_225 = arith.constant 1 : i32
      scf.for %parallel_loop3A_444 = %parallel_loop3A to %parallel_loop3A_224 step %parallel_loop3A_225  : i32 {
        %parallel_loop3A_445 = arith.constant 16 : i32
        %parallel_loop3A_446 = arith.muli %parallel_loop3A_444, %parallel_loop3A_445 : i32
        %parallel_loop3A_447 = arith.constant 0 : i32
        %parallel_loop3A_448 = arith.constant 0 : i32
        %parallel_loop3A_449 = arith.index_cast %parallel_loop3A_447 : i32 to index
        %parallel_loop3A_450 = arith.index_cast %parallel_loop3A_448 : i32 to index
        %parallel_loop3A_451 = arith.index_cast %parallel_loop3A_446 : i32 to index
        %parallel_loop3A_452 = tpu.vector_load %arg8[%parallel_loop3A_449, %parallel_loop3A_450, %parallel_loop3A_451] {strides = array<i32>} : memref<2x40x1024xi32, #tpu.memory_space<vmem>>, vector<16xi32>,
        %parallel_loop3A_453 = vector.bitcast %parallel_loop3A_452 : vector<16xi32> to vector<32xbf16>
        %parallel_loop3A_454 = tpu.unpack_subelements %parallel_loop3A_453, 0 {pack_format = #tpu.pack_format<interleaved>} : vector<32xbf16> -> vector<16xf32>
        %parallel_loop3A_455 = tpu.unpack_subelements %parallel_loop3A_453, 1 {pack_format = #tpu.pack_format<interleaved>} : vector<32xbf16> -> vector<16xf32>
        %parallel_loop3A_456 = arith.mulf %broadcast_in_dim3A, %parallel_loop3A_454 : vector<16xf32>
        %parallel_loop3A_457 = arith.mulf %broadcast_in_dim3A, %parallel_loop3A_455 : vector<16xf32>
        %parallel_loop3A_458 = arith.constant 0 : i32
        %parallel_loop3A_459 = arith.constant 1 : i32
        %parallel_loop3A_460 = arith.index_cast %parallel_loop3A_458 : i32 to index
        %parallel_loop3A_461 = arith.index_cast %parallel_loop3A_459 : i32 to index
        %parallel_loop3A_462 = arith.index_cast %parallel_loop3A_446 : i32 to index
        %parallel_loop3A_463 = tpu.vector_load %arg8[%parallel_loop3A_460, %parallel_loop3A_461, %parallel_loop3A_462] {strides = array<i32>} : memref<2x40x1024xi32, #tpu.memory_space<vmem>>, vector<16xi32>,
        %parallel_loop3A_464 = vector.bitcast %parallel_loop3A_463 : vector<16xi32> to vector<32xbf16>
        %parallel_loop3A_465 = tpu.unpack_subelements %parallel_loop3A_464, 0 {pack_format = #tpu.pack_format<interleaved>} : vector<32xbf16> -> vector<16xf32>
        %parallel_loop3A_466 = tpu.unpack_subelements %parallel_loop3A_464, 1 {pack_format = #tpu.pack_format<interleaved>} : vector<32xbf16> -> vector<16xf32>
        %parallel_loop3A_467 = arith.mulf %broadcast_in_dim3A_85, %parallel_loop3A_465 : vector<16xf32>
        %parallel_loop3A_468 = arith.addf %parallel_loop3A_456, %parallel_loop3A_467 : vector<16xf32>
        %parallel_loop3A_469 = arith.mulf %broadcast_in_dim3A_85, %parallel_loop3A_466 : vector<16xf32>
        %parallel_loop3A_470 = arith.addf %parallel_loop3A_457, %parallel_loop3A_469 : vector<16xf32>
        %parallel_loop3A_471 = arith.constant 0 : i32
        %parallel_loop3A_472 = arith.constant 2 : i32
        %parallel_loop3A_473 = arith.index_cast %parallel_loop3A_471 : i32 to index
        %parallel_loop3A_474 = arith.index_cast %parallel_loop3A_472 : i32 to index
        %parallel_loop3A_475 = arith.index_cast %parallel_loop3A_446 : i32 to index
        %parallel_loop3A_476 = tpu.vector_load %arg8[%parallel_loop3A_473, %parallel_loop3A_474, %parallel_loop3A_475] {strides = array<i32>} : memref<2x40x1024xi32, #tpu.memory_space<vmem>>, vector<16xi32>,
        %parallel_loop3A_477 = vector.bitcast %parallel_loop3A_476 : vector<16xi32> to vector<32xbf16>
        %parallel_loop3A_478 = tpu.unpack_subelements %parallel_loop3A_477, 0 {pack_format = #tpu.pack_format<interleaved>} : vector<32xbf16> -> vector<16xf32>
        %parallel_loop3A_479 = tpu.unpack_subelements %parallel_loop3A_477, 1 {pack_format = #tpu.pack_format<interleaved>} : vector<32xbf16> -> vector<16xf32>
        %parallel_loop3A_480 = arith.mulf %broadcast_in_dim3A_88, %parallel_loop3A_478 : vector<16xf32>
        %parallel_loop3A_481 = arith.addf %parallel_loop3A_468, %parallel_loop3A_480 : vector<16xf32>
        %parallel_loop3A_482 = arith.mulf %broadcast_in_dim3A_88, %parallel_loop3A_479 : vector<16xf32>
        %parallel_loop3A_483 = arith.addf %parallel_loop3A_470, %parallel_loop3A_482 : vector<16xf32>
        %parallel_loop3A_484 = arith.constant 0 : i32
        %parallel_loop3A_485 = arith.constant 3 : i32
        %parallel_loop3A_486 = arith.index_cast %parallel_loop3A_484 : i32 to index
        %parallel_loop3A_487 = arith.index_cast %parallel_loop3A_485 : i32 to index
        %parallel_loop3A_488 = arith.index_cast %parallel_loop3A_446 : i32 to index
        %parallel_loop3A_489 = tpu.vector_load %arg8[%parallel_loop3A_486, %parallel_loop3A_487, %parallel_loop3A_488] {strides = array<i32>} : memref<2x40x1024xi32, #tpu.memory_space<vmem>>, vector<16xi32>,
        %parallel_loop3A_490 = vector.bitcast %parallel_loop3A_489 : vector<16xi32> to vector<32xbf16>
        %parallel_loop3A_491 = tpu.unpack_subelements %parallel_loop3A_490, 0 {pack_format = #tpu.pack_format<interleaved>} : vector<32xbf16> -> vector<16xf32>
        %parallel_loop3A_492 = tpu.unpack_subelements %parallel_loop3A_490, 1 {pack_format = #tpu.pack_format<interleaved>} : vector<32xbf16> -> vector<16xf32>
        %parallel_loop3A_493 = arith.mulf %broadcast_in_dim3A_91, %parallel_loop3A_491 : vector<16xf32>
        %parallel_loop3A_494 = arith.addf %parallel_loop3A_481, %parallel_loop3A_493 : vector<16xf32>
        %parallel_loop3A_495 = arith.mulf %broadcast_in_dim3A_91, %parallel_loop3A_492 : vector<16xf32>
        %parallel_loop3A_496 = arith.addf %parallel_loop3A_483, %parallel_loop3A_495 : vector<16xf32>
        %parallel_loop3A_497 = arith.constant 0 : i32
        %parallel_loop3A_498 = arith.constant 4 : i32
        %parallel_loop3A_499 = arith.index_cast %parallel_loop3A_497 : i32 to index
        %parallel_loop3A_500 = arith.index_cast %parallel_loop3A_498 : i32 to index
        %parallel_loop3A_501 = arith.index_cast %parallel_loop3A_446 : i32 to index
        %parallel_loop3A_502 = tpu.vector_load %arg8[%parallel_loop3A_499, %parallel_loop3A_500, %parallel_loop3A_501] {strides = array<i32>} : memref<2x40x1024xi32, #tpu.memory_space<vmem>>, vector<16xi32>,
        %parallel_loop3A_503 = vector.bitcast %parallel_loop3A_502 : vector<16xi32> to vector<32xbf16>
        %parallel_loop3A_504 = tpu.unpack_subelements %parallel_loop3A_503, 0 {pack_format = #tpu.pack_format<interleaved>} : vector<32xbf16> -> vector<16xf32>
        %parallel_loop3A_505 = tpu.unpack_subelements %parallel_loop3A_503, 1 {pack_format = #tpu.pack_format<interleaved>} : vector<32xbf16> -> vector<16xf32>
        %parallel_loop3A_506 = arith.mulf %broadcast_in_dim3A_94, %parallel_loop3A_504 : vector<16xf32>
        %parallel_loop3A_507 = arith.addf %parallel_loop3A_494, %parallel_loop3A_506 : vector<16xf32>
        %parallel_loop3A_508 = arith.mulf %broadcast_in_dim3A_94, %parallel_loop3A_505 : vector<16xf32>
        %parallel_loop3A_509 = arith.addf %parallel_loop3A_496, %parallel_loop3A_508 : vector<16xf32>
        %parallel_loop3A_510 = arith.constant 0 : i32
        %parallel_loop3A_511 = arith.constant 5 : i32
        %parallel_loop3A_512 = arith.index_cast %parallel_loop3A_510 : i32 to index
        %parallel_loop3A_513 = arith.index_cast %parallel_loop3A_511 : i32 to index
        %parallel_loop3A_514 = arith.index_cast %parallel_loop3A_446 : i32 to index
        %parallel_loop3A_515 = tpu.vector_load %arg8[%parallel_loop3A_512, %parallel_loop3A_513, %parallel_loop3A_514] {strides = array<i32>} : memref<2x40x1024xi32, #tpu.memory_space<vmem>>, vector<16xi32>,
        %parallel_loop3A_516 = vector.bitcast %parallel_loop3A_515 : vector<16xi32> to vector<32xbf16>
        %parallel_loop3A_517 = tpu.unpack_subelements %parallel_loop3A_516, 0 {pack_format = #tpu.pack_format<interleaved>} : vector<32xbf16> -> vector<16xf32>
        %parallel_loop3A_518 = tpu.unpack_subelements %parallel_loop3A_516, 1 {pack_format = #tpu.pack_format<interleaved>} : vector<32xbf16> -> vector<16xf32>
        %parallel_loop3A_519 = arith.mulf %broadcast_in_dim3A_97, %parallel_loop3A_517 : vector<16xf32>
        %parallel_loop3A_520 = arith.addf %parallel_loop3A_507, %parallel_loop3A_519 : vector<16xf32>
        %parallel_loop3A_521 = arith.mulf %broadcast_in_dim3A_97, %parallel_loop3A_518 : vector<16xf32>
        %parallel_loop3A_522 = arith.addf %parallel_loop3A_509, %parallel_loop3A_521 : vector<16xf32>
        %parallel_loop3A_523 = arith.constant 0 : i32
        %parallel_loop3A_524 = arith.constant 6 : i32
        %parallel_loop3A_525 = arith.index_cast %parallel_loop3A_523 : i32 to index
        %parallel_loop3A_526 = arith.index_cast %parallel_loop3A_524 : i32 to index
        %parallel_loop3A_527 = arith.index_cast %parallel_loop3A_446 : i32 to index
        %parallel_loop3A_528 = tpu.vector_load %arg8[%parallel_loop3A_525, %parallel_loop3A_526, %parallel_loop3A_527] {strides = array<i32>} : memref<2x40x1024xi32, #tpu.memory_space<vmem>>, vector<16xi32>,
        %parallel_loop3A_529 = vector.bitcast %parallel_loop3A_528 : vector<16xi32> to vector<32xbf16>
        %parallel_loop3A_530 = tpu.unpack_subelements %parallel_loop3A_529, 0 {pack_format = #tpu.pack_format<interleaved>} : vector<32xbf16> -> vector<16xf32>
        %parallel_loop3A_531 = tpu.unpack_subelements %parallel_loop3A_529, 1 {pack_format = #tpu.pack_format<interleaved>} : vector<32xbf16> -> vector<16xf32>
        %parallel_loop3A_532 = arith.mulf %broadcast_in_dim3A_100, %parallel_loop3A_530 : vector<16xf32>
        %parallel_loop3A_533 = arith.addf %parallel_loop3A_520, %parallel_loop3A_532 : vector<16xf32>
        %parallel_loop3A_534 = arith.mulf %broadcast_in_dim3A_100, %parallel_loop3A_531 : vector<16xf32>
        %parallel_loop3A_535 = arith.addf %parallel_loop3A_522, %parallel_loop3A_534 : vector<16xf32>
        %parallel_loop3A_536 = arith.constant 0 : i32
        %parallel_loop3A_537 = arith.constant 7 : i32
        %parallel_loop3A_538 = arith.index_cast %parallel_loop3A_536 : i32 to index
        %parallel_loop3A_539 = arith.index_cast %parallel_loop3A_537 : i32 to index
        %parallel_loop3A_540 = arith.index_cast %parallel_loop3A_446 : i32 to index
        %parallel_loop3A_541 = tpu.vector_load %arg8[%parallel_loop3A_538, %parallel_loop3A_539, %parallel_loop3A_540] {strides = array<i32>} : memref<2x40x1024xi32, #tpu.memory_space<vmem>>, vector<16xi32>,
        %parallel_loop3A_542 = vector.bitcast %parallel_loop3A_541 : vector<16xi32> to vector<32xbf16>
        %parallel_loop3A_543 = tpu.unpack_subelements %parallel_loop3A_542, 0 {pack_format = #tpu.pack_format<interleaved>} : vector<32xbf16> -> vector<16xf32>
        %parallel_loop3A_544 = tpu.unpack_subelements %parallel_loop3A_542, 1 {pack_format = #tpu.pack_format<interleaved>} : vector<32xbf16> -> vector<16xf32>
        %parallel_loop3A_545 = arith.mulf %broadcast_in_dim3A_103, %parallel_loop3A_543 : vector<16xf32>
        %parallel_loop3A_546 = arith.addf %parallel_loop3A_533, %parallel_loop3A_545 : vector<16xf32>
        %parallel_loop3A_547 = arith.mulf %broadcast_in_dim3A_103, %parallel_loop3A_544 : vector<16xf32>
        %parallel_loop3A_548 = arith.addf %parallel_loop3A_535, %parallel_loop3A_547 : vector<16xf32>
        %parallel_loop3A_549 = arith.constant 0 : i32
        %parallel_loop3A_550 = arith.constant 8 : i32
        %parallel_loop3A_551 = arith.index_cast %parallel_loop3A_549 : i32 to index
        %parallel_loop3A_552 = arith.index_cast %parallel_loop3A_550 : i32 to index
        %parallel_loop3A_553 = arith.index_cast %parallel_loop3A_446 : i32 to index
        %parallel_loop3A_554 = tpu.vector_load %arg8[%parallel_loop3A_551, %parallel_loop3A_552, %parallel_loop3A_553] {strides = array<i32>} : memref<2x40x1024xi32, #tpu.memory_space<vmem>>, vector<16xi32>,
        %parallel_loop3A_555 = vector.bitcast %parallel_loop3A_554 : vector<16xi32> to vector<32xbf16>
        %parallel_loop3A_556 = tpu.unpack_subelements %parallel_loop3A_555, 0 {pack_format = #tpu.pack_format<interleaved>} : vector<32xbf16> -> vector<16xf32>
        %parallel_loop3A_557 = tpu.unpack_subelements %parallel_loop3A_555, 1 {pack_format = #tpu.pack_format<interleaved>} : vector<32xbf16> -> vector<16xf32>
        %parallel_loop3A_558 = arith.mulf %broadcast_in_dim3A_106, %parallel_loop3A_556 : vector<16xf32>
        %parallel_loop3A_559 = arith.addf %parallel_loop3A_546, %parallel_loop3A_558 : vector<16xf32>
        %parallel_loop3A_560 = arith.mulf %broadcast_in_dim3A_106, %parallel_loop3A_557 : vector<16xf32>
        %parallel_loop3A_561 = arith.addf %parallel_loop3A_548, %parallel_loop3A_560 : vector<16xf32>
        %parallel_loop3A_562 = arith.constant 0 : i32
        %parallel_loop3A_563 = arith.constant 9 : i32
        %parallel_loop3A_564 = arith.index_cast %parallel_loop3A_562 : i32 to index
        %parallel_loop3A_565 = arith.index_cast %parallel_loop3A_563 : i32 to index
        %parallel_loop3A_566 = arith.index_cast %parallel_loop3A_446 : i32 to index
        %parallel_loop3A_567 = tpu.vector_load %arg8[%parallel_loop3A_564, %parallel_loop3A_565, %parallel_loop3A_566] {strides = array<i32>} : memref<2x40x1024xi32, #tpu.memory_space<vmem>>, vector<16xi32>,
        %parallel_loop3A_568 = vector.bitcast %parallel_loop3A_567 : vector<16xi32> to vector<32xbf16>
        %parallel_loop3A_569 = tpu.unpack_subelements %parallel_loop3A_568, 0 {pack_format = #tpu.pack_format<interleaved>} : vector<32xbf16> -> vector<16xf32>
        %parallel_loop3A_570 = tpu.unpack_subelements %parallel_loop3A_568, 1 {pack_format = #tpu.pack_format<interleaved>} : vector<32xbf16> -> vector<16xf32>
        %parallel_loop3A_571 = arith.mulf %broadcast_in_dim3A_109, %parallel_loop3A_569 : vector<16xf32>
        %parallel_loop3A_572 = arith.addf %parallel_loop3A_559, %parallel_loop3A_571 : vector<16xf32>
        %parallel_loop3A_573 = arith.mulf %broadcast_in_dim3A_109, %parallel_loop3A_570 : vector<16xf32>
        %parallel_loop3A_574 = arith.addf %parallel_loop3A_561, %parallel_loop3A_573 : vector<16xf32>
        %parallel_loop3A_575 = tpu.pack_subelements %parallel_loop3A_572, %parallel_loop3A_574 {pack_format = #tpu.pack_format<interleaved>, positions = array<i32: 0, 1>} : vector<16xf32>, vector<16xf32> -> vector<32xbf16>
        %parallel_loop3A_576 = vector.bitcast %parallel_loop3A_575 : vector<32xbf16> to vector<16xi32>
        %parallel_loop3A_577 = arith.constant 0 : i32
        %parallel_loop3A_578 = arith.constant 0 : i32
        %parallel_loop3A_579 = arith.index_cast %parallel_loop3A_577 : i32 to index
        %parallel_loop3A_580 = arith.index_cast %parallel_loop3A_578 : i32 to index
        %parallel_loop3A_581 = arith.index_cast %parallel_loop3A_446 : i32 to index
        %parallel_loop3A_582 = tpu.vector_load %arg9[%parallel_loop3A_579, %parallel_loop3A_580, %parallel_loop3A_581] {strides = array<i32>} : memref<2x4x1024xi32, #tpu.memory_space<vmem>>, vector<16xi32>,
        tpu.vector_store %arg9[%parallel_loop3A_579, %parallel_loop3A_580, %parallel_loop3A_581], %parallel_loop3A_576 {strides = array<i32>} : memref<2x4x1024xi32, #tpu.memory_space<vmem>>, vector<16xi32>,
        %parallel_loop3A_583 = arith.constant 0 : i32
        %parallel_loop3A_584 = arith.constant 10 : i32
        %parallel_loop3A_585 = arith.index_cast %parallel_loop3A_583 : i32 to index
        %parallel_loop3A_586 = arith.index_cast %parallel_loop3A_584 : i32 to index
        %parallel_loop3A_587 = arith.index_cast %parallel_loop3A_446 : i32 to index
        %parallel_loop3A_588 = tpu.vector_load %arg8[%parallel_loop3A_585, %parallel_loop3A_586, %parallel_loop3A_587] {strides = array<i32>} : memref<2x40x1024xi32, #tpu.memory_space<vmem>>, vector<16xi32>,
        %parallel_loop3A_589 = vector.bitcast %parallel_loop3A_588 : vector<16xi32> to vector<32xbf16>
        %parallel_loop3A_590 = tpu.unpack_subelements %parallel_loop3A_589, 0 {pack_format = #tpu.pack_format<interleaved>} : vector<32xbf16> -> vector<16xf32>
        %parallel_loop3A_591 = tpu.unpack_subelements %parallel_loop3A_589, 1 {pack_format = #tpu.pack_format<interleaved>} : vector<32xbf16> -> vector<16xf32>
        %parallel_loop3A_592 = arith.mulf %broadcast_in_dim3A_120, %parallel_loop3A_590 : vector<16xf32>
        %parallel_loop3A_593 = arith.mulf %broadcast_in_dim3A_120, %parallel_loop3A_591 : vector<16xf32>
        %parallel_loop3A_594 = arith.constant 0 : i32
        %parallel_loop3A_595 = arith.constant 11 : i32
        %parallel_loop3A_596 = arith.index_cast %parallel_loop3A_594 : i32 to index
        %parallel_loop3A_597 = arith.index_cast %parallel_loop3A_595 : i32 to index
        %parallel_loop3A_598 = arith.index_cast %parallel_loop3A_446 : i32 to index
        %parallel_loop3A_599 = tpu.vector_load %arg8[%parallel_loop3A_596, %parallel_loop3A_597, %parallel_loop3A_598] {strides = array<i32>} : memref<2x40x1024xi32, #tpu.memory_space<vmem>>, vector<16xi32>,
        %parallel_loop3A_600 = vector.bitcast %parallel_loop3A_599 : vector<16xi32> to vector<32xbf16>
        %parallel_loop3A_601 = tpu.unpack_subelements %parallel_loop3A_600, 0 {pack_format = #tpu.pack_format<interleaved>} : vector<32xbf16> -> vector<16xf32>
        %parallel_loop3A_602 = tpu.unpack_subelements %parallel_loop3A_600, 1 {pack_format = #tpu.pack_format<interleaved>} : vector<32xbf16> -> vector<16xf32>
        %parallel_loop3A_603 = arith.mulf %broadcast_in_dim3A_123, %parallel_loop3A_601 : vector<16xf32>
        %parallel_loop3A_604 = arith.addf %parallel_loop3A_592, %parallel_loop3A_603 : vector<16xf32>
        %parallel_loop3A_605 = arith.mulf %broadcast_in_dim3A_123, %parallel_loop3A_602 : vector<16xf32>
        %parallel_loop3A_606 = arith.addf %parallel_loop3A_593, %parallel_loop3A_605 : vector<16xf32>
        %parallel_loop3A_607 = arith.constant 0 : i32
        %parallel_loop3A_608 = arith.constant 12 : i32
        %parallel_loop3A_609 = arith.index_cast %parallel_loop3A_607 : i32 to index
        %parallel_loop3A_610 = arith.index_cast %parallel_loop3A_608 : i32 to index
        %parallel_loop3A_611 = arith.index_cast %parallel_loop3A_446 : i32 to index
        %parallel_loop3A_612 = tpu.vector_load %arg8[%parallel_loop3A_609, %parallel_loop3A_610, %parallel_loop3A_611] {strides = array<i32>} : memref<2x40x1024xi32, #tpu.memory_space<vmem>>, vector<16xi32>,
        %parallel_loop3A_613 = vector.bitcast %parallel_loop3A_612 : vector<16xi32> to vector<32xbf16>
        %parallel_loop3A_614 = tpu.unpack_subelements %parallel_loop3A_613, 0 {pack_format = #tpu.pack_format<interleaved>} : vector<32xbf16> -> vector<16xf32>
        %parallel_loop3A_615 = tpu.unpack_subelements %parallel_loop3A_613, 1 {pack_format = #tpu.pack_format<interleaved>} : vector<32xbf16> -> vector<16xf32>
        %parallel_loop3A_616 = arith.mulf %broadcast_in_dim3A_126, %parallel_loop3A_614 : vector<16xf32>
        %parallel_loop3A_617 = arith.addf %parallel_loop3A_604, %parallel_loop3A_616 : vector<16xf32>
        %parallel_loop3A_618 = arith.mulf %broadcast_in_dim3A_126, %parallel_loop3A_615 : vector<16xf32>
        %parallel_loop3A_619 = arith.addf %parallel_loop3A_606, %parallel_loop3A_618 : vector<16xf32>
        %parallel_loop3A_620 = arith.constant 0 : i32
        %parallel_loop3A_621 = arith.constant 13 : i32
        %parallel_loop3A_622 = arith.index_cast %parallel_loop3A_620 : i32 to index
        %parallel_loop3A_623 = arith.index_cast %parallel_loop3A_621 : i32 to index
        %parallel_loop3A_624 = arith.index_cast %parallel_loop3A_446 : i32 to index
        %parallel_loop3A_625 = tpu.vector_load %arg8[%parallel_loop3A_622, %parallel_loop3A_623, %parallel_loop3A_624] {strides = array<i32>} : memref<2x40x1024xi32, #tpu.memory_space<vmem>>, vector<16xi32>,
        %parallel_loop3A_626 = vector.bitcast %parallel_loop3A_625 : vector<16xi32> to vector<32xbf16>
        %parallel_loop3A_627 = tpu.unpack_subelements %parallel_loop3A_626, 0 {pack_format = #tpu.pack_format<interleaved>} : vector<32xbf16> -> vector<16xf32>
        %parallel_loop3A_628 = tpu.unpack_subelements %parallel_loop3A_626, 1 {pack_format = #tpu.pack_format<interleaved>} : vector<32xbf16> -> vector<16xf32>
        %parallel_loop3A_629 = arith.mulf %broadcast_in_dim3A_129, %parallel_loop3A_627 : vector<16xf32>
        %parallel_loop3A_630 = arith.addf %parallel_loop3A_617, %parallel_loop3A_629 : vector<16xf32>
        %parallel_loop3A_631 = arith.mulf %broadcast_in_dim3A_129, %parallel_loop3A_628 : vector<16xf32>
        %parallel_loop3A_632 = arith.addf %parallel_loop3A_619, %parallel_loop3A_631 : vector<16xf32>
        %parallel_loop3A_633 = arith.constant 0 : i32
        %parallel_loop3A_634 = arith.constant 14 : i32
        %parallel_loop3A_635 = arith.index_cast %parallel_loop3A_633 : i32 to index
        %parallel_loop3A_636 = arith.index_cast %parallel_loop3A_634 : i32 to index
        %parallel_loop3A_637 = arith.index_cast %parallel_loop3A_446 : i32 to index
        %parallel_loop3A_638 = tpu.vector_load %arg8[%parallel_loop3A_635, %parallel_loop3A_636, %parallel_loop3A_637] {strides = array<i32>} : memref<2x40x1024xi32, #tpu.memory_space<vmem>>, vector<16xi32>,
        %parallel_loop3A_639 = vector.bitcast %parallel_loop3A_638 : vector<16xi32> to vector<32xbf16>
        %parallel_loop3A_640 = tpu.unpack_subelements %parallel_loop3A_639, 0 {pack_format = #tpu.pack_format<interleaved>} : vector<32xbf16> -> vector<16xf32>
        %parallel_loop3A_641 = tpu.unpack_subelements %parallel_loop3A_639, 1 {pack_format = #tpu.pack_format<interleaved>} : vector<32xbf16> -> vector<16xf32>
        %parallel_loop3A_642 = arith.mulf %broadcast_in_dim3A_132, %parallel_loop3A_640 : vector<16xf32>
        %parallel_loop3A_643 = arith.addf %parallel_loop3A_630, %parallel_loop3A_642 : vector<16xf32>
        %parallel_loop3A_644 = arith.mulf %broadcast_in_dim3A_132, %parallel_loop3A_641 : vector<16xf32>
        %parallel_loop3A_645 = arith.addf %parallel_loop3A_632, %parallel_loop3A_644 : vector<16xf32>
        %parallel_loop3A_646 = arith.constant 0 : i32
        %parallel_loop3A_647 = arith.constant 15 : i32
        %parallel_loop3A_648 = arith.index_cast %parallel_loop3A_646 : i32 to index
        %parallel_loop3A_649 = arith.index_cast %parallel_loop3A_647 : i32 to index
        %parallel_loop3A_650 = arith.index_cast %parallel_loop3A_446 : i32 to index
        %parallel_loop3A_651 = tpu.vector_load %arg8[%parallel_loop3A_648, %parallel_loop3A_649, %parallel_loop3A_650] {strides = array<i32>} : memref<2x40x1024xi32, #tpu.memory_space<vmem>>, vector<16xi32>,
        %parallel_loop3A_652 = vector.bitcast %parallel_loop3A_651 : vector<16xi32> to vector<32xbf16>
        %parallel_loop3A_653 = tpu.unpack_subelements %parallel_loop3A_652, 0 {pack_format = #tpu.pack_format<interleaved>} : vector<32xbf16> -> vector<16xf32>
        %parallel_loop3A_654 = tpu.unpack_subelements %parallel_loop3A_652, 1 {pack_format = #tpu.pack_format<interleaved>} : vector<32xbf16> -> vector<16xf32>
        %parallel_loop3A_655 = arith.mulf %broadcast_in_dim3A_135, %parallel_loop3A_653 : vector<16xf32>
        %parallel_loop3A_656 = arith.addf %parallel_loop3A_643, %parallel_loop3A_655 : vector<16xf32>
        %parallel_loop3A_657 = arith.mulf %broadcast_in_dim3A_135, %parallel_loop3A_654 : vector<16xf32>
        %parallel_loop3A_658 = arith.addf %parallel_loop3A_645, %parallel_loop3A_657 : vector<16xf32>
        %parallel_loop3A_659 = arith.constant 0 : i32
        %parallel_loop3A_660 = arith.constant 16 : i32
        %parallel_loop3A_661 = arith.index_cast %parallel_loop3A_659 : i32 to index
        %parallel_loop3A_662 = arith.index_cast %parallel_loop3A_660 : i32 to index
        %parallel_loop3A_663 = arith.index_cast %parallel_loop3A_446 : i32 to index
        %parallel_loop3A_664 = tpu.vector_load %arg8[%parallel_loop3A_661, %parallel_loop3A_662, %parallel_loop3A_663] {strides = array<i32>} : memref<2x40x1024xi32, #tpu.memory_space<vmem>>, vector<16xi32>,
        %parallel_loop3A_665 = vector.bitcast %parallel_loop3A_664 : vector<16xi32> to vector<32xbf16>
        %parallel_loop3A_666 = tpu.unpack_subelements %parallel_loop3A_665, 0 {pack_format = #tpu.pack_format<interleaved>} : vector<32xbf16> -> vector<16xf32>
        %parallel_loop3A_667 = tpu.unpack_subelements %parallel_loop3A_665, 1 {pack_format = #tpu.pack_format<interleaved>} : vector<32xbf16> -> vector<16xf32>
        %parallel_loop3A_668 = arith.mulf %broadcast_in_dim3A_138, %parallel_loop3A_666 : vector<16xf32>
        %parallel_loop3A_669 = arith.addf %parallel_loop3A_656, %parallel_loop3A_668 : vector<16xf32>
        %parallel_loop3A_670 = arith.mulf %broadcast_in_dim3A_138, %parallel_loop3A_667 : vector<16xf32>
        %parallel_loop3A_671 = arith.addf %parallel_loop3A_658, %parallel_loop3A_670 : vector<16xf32>
        %parallel_loop3A_672 = arith.constant 0 : i32
        %parallel_loop3A_673 = arith.constant 17 : i32
        %parallel_loop3A_674 = arith.index_cast %parallel_loop3A_672 : i32 to index
        %parallel_loop3A_675 = arith.index_cast %parallel_loop3A_673 : i32 to index
        %parallel_loop3A_676 = arith.index_cast %parallel_loop3A_446 : i32 to index
        %parallel_loop3A_677 = tpu.vector_load %arg8[%parallel_loop3A_674, %parallel_loop3A_675, %parallel_loop3A_676] {strides = array<i32>} : memref<2x40x1024xi32, #tpu.memory_space<vmem>>, vector<16xi32>,
        %parallel_loop3A_678 = vector.bitcast %parallel_loop3A_677 : vector<16xi32> to vector<32xbf16>
        %parallel_loop3A_679 = tpu.unpack_subelements %parallel_loop3A_678, 0 {pack_format = #tpu.pack_format<interleaved>} : vector<32xbf16> -> vector<16xf32>
        %parallel_loop3A_680 = tpu.unpack_subelements %parallel_loop3A_678, 1 {pack_format = #tpu.pack_format<interleaved>} : vector<32xbf16> -> vector<16xf32>
        %parallel_loop3A_681 = arith.mulf %broadcast_in_dim3A_141, %parallel_loop3A_679 : vector<16xf32>
        %parallel_loop3A_682 = arith.addf %parallel_loop3A_669, %parallel_loop3A_681 : vector<16xf32>
        %parallel_loop3A_683 = arith.mulf %broadcast_in_dim3A_141, %parallel_loop3A_680 : vector<16xf32>
        %parallel_loop3A_684 = arith.addf %parallel_loop3A_671, %parallel_loop3A_683 : vector<16xf32>
        %parallel_loop3A_685 = arith.constant 0 : i32
        %parallel_loop3A_686 = arith.constant 18 : i32
        %parallel_loop3A_687 = arith.index_cast %parallel_loop3A_685 : i32 to index
        %parallel_loop3A_688 = arith.index_cast %parallel_loop3A_686 : i32 to index
        %parallel_loop3A_689 = arith.index_cast %parallel_loop3A_446 : i32 to index
        %parallel_loop3A_690 = tpu.vector_load %arg8[%parallel_loop3A_687, %parallel_loop3A_688, %parallel_loop3A_689] {strides = array<i32>} : memref<2x40x1024xi32, #tpu.memory_space<vmem>>, vector<16xi32>,
        %parallel_loop3A_691 = vector.bitcast %parallel_loop3A_690 : vector<16xi32> to vector<32xbf16>
        %parallel_loop3A_692 = tpu.unpack_subelements %parallel_loop3A_691, 0 {pack_format = #tpu.pack_format<interleaved>} : vector<32xbf16> -> vector<16xf32>
        %parallel_loop3A_693 = tpu.unpack_subelements %parallel_loop3A_691, 1 {pack_format = #tpu.pack_format<interleaved>} : vector<32xbf16> -> vector<16xf32>
        %parallel_loop3A_694 = arith.mulf %broadcast_in_dim3A_144, %parallel_loop3A_692 : vector<16xf32>
        %parallel_loop3A_695 = arith.addf %parallel_loop3A_682, %parallel_loop3A_694 : vector<16xf32>
        %parallel_loop3A_696 = arith.mulf %broadcast_in_dim3A_144, %parallel_loop3A_693 : vector<16xf32>
        %parallel_loop3A_697 = arith.addf %parallel_loop3A_684, %parallel_loop3A_696 : vector<16xf32>
        %parallel_loop3A_698 = arith.constant 0 : i32
        %parallel_loop3A_699 = arith.constant 19 : i32
        %parallel_loop3A_700 = arith.index_cast %parallel_loop3A_698 : i32 to index
        %parallel_loop3A_701 = arith.index_cast %parallel_loop3A_699 : i32 to index
        %parallel_loop3A_702 = arith.index_cast %parallel_loop3A_446 : i32 to index
        %parallel_loop3A_703 = tpu.vector_load %arg8[%parallel_loop3A_700, %parallel_loop3A_701, %parallel_loop3A_702] {strides = array<i32>} : memref<2x40x1024xi32, #tpu.memory_space<vmem>>, vector<16xi32>,
        %parallel_loop3A_704 = vector.bitcast %parallel_loop3A_703 : vector<16xi32> to vector<32xbf16>
        %parallel_loop3A_705 = tpu.unpack_subelements %parallel_loop3A_704, 0 {pack_format = #tpu.pack_format<interleaved>} : vector<32xbf16> -> vector<16xf32>
        %parallel_loop3A_706 = tpu.unpack_subelements %parallel_loop3A_704, 1 {pack_format = #tpu.pack_format<interleaved>} : vector<32xbf16> -> vector<16xf32>
        %parallel_loop3A_707 = arith.mulf %broadcast_in_dim3A_147, %parallel_loop3A_705 : vector<16xf32>
        %parallel_loop3A_708 = arith.addf %parallel_loop3A_695, %parallel_loop3A_707 : vector<16xf32>
        %parallel_loop3A_709 = arith.mulf %broadcast_in_dim3A_147, %parallel_loop3A_706 : vector<16xf32>
        %parallel_loop3A_710 = arith.addf %parallel_loop3A_697, %parallel_loop3A_709 : vector<16xf32>
        %parallel_loop3A_711 = tpu.pack_subelements %parallel_loop3A_708, %parallel_loop3A_710 {pack_format = #tpu.pack_format<interleaved>, positions = array<i32: 0, 1>} : vector<16xf32>, vector<16xf32> -> vector<32xbf16>
        %parallel_loop3A_712 = vector.bitcast %parallel_loop3A_711 : vector<32xbf16> to vector<16xi32>
        %parallel_loop3A_713 = arith.constant 0 : i32
        %parallel_loop3A_714 = arith.constant 1 : i32
        %parallel_loop3A_715 = arith.index_cast %parallel_loop3A_713 : i32 to index
        %parallel_loop3A_716 = arith.index_cast %parallel_loop3A_714 : i32 to index
        %parallel_loop3A_717 = arith.index_cast %parallel_loop3A_446 : i32 to index
        %parallel_loop3A_718 = tpu.vector_load %arg9[%parallel_loop3A_715, %parallel_loop3A_716, %parallel_loop3A_717] {strides = array<i32>} : memref<2x4x1024xi32, #tpu.memory_space<vmem>>, vector<16xi32>,
        tpu.vector_store %arg9[%parallel_loop3A_715, %parallel_loop3A_716, %parallel_loop3A_717], %parallel_loop3A_712 {strides = array<i32>} : memref<2x4x1024xi32, #tpu.memory_space<vmem>>, vector<16xi32>,
        %parallel_loop3A_719 = arith.constant 0 : i32
        %parallel_loop3A_720 = arith.constant 20 : i32
        %parallel_loop3A_721 = arith.index_cast %parallel_loop3A_719 : i32 to index
        %parallel_loop3A_722 = arith.index_cast %parallel_loop3A_720 : i32 to index
        %parallel_loop3A_723 = arith.index_cast %parallel_loop3A_446 : i32 to index
        %parallel_loop3A_724 = tpu.vector_load %arg8[%parallel_loop3A_721, %parallel_loop3A_722, %parallel_loop3A_723] {strides = array<i32>} : memref<2x40x1024xi32, #tpu.memory_space<vmem>>, vector<16xi32>,
        %parallel_loop3A_725 = vector.bitcast %parallel_loop3A_724 : vector<16xi32> to vector<32xbf16>
        %parallel_loop3A_726 = tpu.unpack_subelements %parallel_loop3A_725, 0 {pack_format = #tpu.pack_format<interleaved>} : vector<32xbf16> -> vector<16xf32>
        %parallel_loop3A_727 = tpu.unpack_subelements %parallel_loop3A_725, 1 {pack_format = #tpu.pack_format<interleaved>} : vector<32xbf16> -> vector<16xf32>
        %parallel_loop3A_728 = arith.mulf %broadcast_in_dim3A_158, %parallel_loop3A_726 : vector<16xf32>
        %parallel_loop3A_729 = arith.mulf %broadcast_in_dim3A_158, %parallel_loop3A_727 : vector<16xf32>
        %parallel_loop3A_730 = arith.constant 0 : i32
        %parallel_loop3A_731 = arith.constant 21 : i32
        %parallel_loop3A_732 = arith.index_cast %parallel_loop3A_730 : i32 to index
        %parallel_loop3A_733 = arith.index_cast %parallel_loop3A_731 : i32 to index
        %parallel_loop3A_734 = arith.index_cast %parallel_loop3A_446 : i32 to index
        %parallel_loop3A_735 = tpu.vector_load %arg8[%parallel_loop3A_732, %parallel_loop3A_733, %parallel_loop3A_734] {strides = array<i32>} : memref<2x40x1024xi32, #tpu.memory_space<vmem>>, vector<16xi32>,
        %parallel_loop3A_736 = vector.bitcast %parallel_loop3A_735 : vector<16xi32> to vector<32xbf16>
        %parallel_loop3A_737 = tpu.unpack_subelements %parallel_loop3A_736, 0 {pack_format = #tpu.pack_format<interleaved>} : vector<32xbf16> -> vector<16xf32>
        %parallel_loop3A_738 = tpu.unpack_subelements %parallel_loop3A_736, 1 {pack_format = #tpu.pack_format<interleaved>} : vector<32xbf16> -> vector<16xf32>
        %parallel_loop3A_739 = arith.mulf %broadcast_in_dim3A_161, %parallel_loop3A_737 : vector<16xf32>
        %parallel_loop3A_740 = arith.addf %parallel_loop3A_728, %parallel_loop3A_739 : vector<16xf32>
        %parallel_loop3A_741 = arith.mulf %broadcast_in_dim3A_161, %parallel_loop3A_738 : vector<16xf32>
        %parallel_loop3A_742 = arith.addf %parallel_loop3A_729, %parallel_loop3A_741 : vector<16xf32>
        %parallel_loop3A_743 = arith.constant 0 : i32
        %parallel_loop3A_744 = arith.constant 22 : i32
        %parallel_loop3A_745 = arith.index_cast %parallel_loop3A_743 : i32 to index
        %parallel_loop3A_746 = arith.index_cast %parallel_loop3A_744 : i32 to index
        %parallel_loop3A_747 = arith.index_cast %parallel_loop3A_446 : i32 to index
        %parallel_loop3A_748 = tpu.vector_load %arg8[%parallel_loop3A_745, %parallel_loop3A_746, %parallel_loop3A_747] {strides = array<i32>} : memref<2x40x1024xi32, #tpu.memory_space<vmem>>, vector<16xi32>,
        %parallel_loop3A_749 = vector.bitcast %parallel_loop3A_748 : vector<16xi32> to vector<32xbf16>
        %parallel_loop3A_750 = tpu.unpack_subelements %parallel_loop3A_749, 0 {pack_format = #tpu.pack_format<interleaved>} : vector<32xbf16> -> vector<16xf32>
        %parallel_loop3A_751 = tpu.unpack_subelements %parallel_loop3A_749, 1 {pack_format = #tpu.pack_format<interleaved>} : vector<32xbf16> -> vector<16xf32>
        %parallel_loop3A_752 = arith.mulf %broadcast_in_dim3A_164, %parallel_loop3A_750 : vector<16xf32>
        %parallel_loop3A_753 = arith.addf %parallel_loop3A_740, %parallel_loop3A_752 : vector<16xf32>
        %parallel_loop3A_754 = arith.mulf %broadcast_in_dim3A_164, %parallel_loop3A_751 : vector<16xf32>
        %parallel_loop3A_755 = arith.addf %parallel_loop3A_742, %parallel_loop3A_754 : vector<16xf32>
        %parallel_loop3A_756 = arith.constant 0 : i32
        %parallel_loop3A_757 = arith.constant 23 : i32
        %parallel_loop3A_758 = arith.index_cast %parallel_loop3A_756 : i32 to index
        %parallel_loop3A_759 = arith.index_cast %parallel_loop3A_757 : i32 to index
        %parallel_loop3A_760 = arith.index_cast %parallel_loop3A_446 : i32 to index
        %parallel_loop3A_761 = tpu.vector_load %arg8[%parallel_loop3A_758, %parallel_loop3A_759, %parallel_loop3A_760] {strides = array<i32>} : memref<2x40x1024xi32, #tpu.memory_space<vmem>>, vector<16xi32>,
        %parallel_loop3A_762 = vector.bitcast %parallel_loop3A_761 : vector<16xi32> to vector<32xbf16>
        %parallel_loop3A_763 = tpu.unpack_subelements %parallel_loop3A_762, 0 {pack_format = #tpu.pack_format<interleaved>} : vector<32xbf16> -> vector<16xf32>
        %parallel_loop3A_764 = tpu.unpack_subelements %parallel_loop3A_762, 1 {pack_format = #tpu.pack_format<interleaved>} : vector<32xbf16> -> vector<16xf32>
        %parallel_loop3A_765 = arith.mulf %broadcast_in_dim3A_167, %parallel_loop3A_763 : vector<16xf32>
        %parallel_loop3A_766 = arith.addf %parallel_loop3A_753, %parallel_loop3A_765 : vector<16xf32>
        %parallel_loop3A_767 = arith.mulf %broadcast_in_dim3A_167, %parallel_loop3A_764 : vector<16xf32>
        %parallel_loop3A_768 = arith.addf %parallel_loop3A_755, %parallel_loop3A_767 : vector<16xf32>
        %parallel_loop3A_769 = arith.constant 0 : i32
        %parallel_loop3A_770 = arith.constant 24 : i32
        %parallel_loop3A_771 = arith.index_cast %parallel_loop3A_769 : i32 to index
        %parallel_loop3A_772 = arith.index_cast %parallel_loop3A_770 : i32 to index
        %parallel_loop3A_773 = arith.index_cast %parallel_loop3A_446 : i32 to index
        %parallel_loop3A_774 = tpu.vector_load %arg8[%parallel_loop3A_771, %parallel_loop3A_772, %parallel_loop3A_773] {strides = array<i32>} : memref<2x40x1024xi32, #tpu.memory_space<vmem>>, vector<16xi32>,
        %parallel_loop3A_775 = vector.bitcast %parallel_loop3A_774 : vector<16xi32> to vector<32xbf16>
        %parallel_loop3A_776 = tpu.unpack_subelements %parallel_loop3A_775, 0 {pack_format = #tpu.pack_format<interleaved>} : vector<32xbf16> -> vector<16xf32>
        %parallel_loop3A_777 = tpu.unpack_subelements %parallel_loop3A_775, 1 {pack_format = #tpu.pack_format<interleaved>} : vector<32xbf16> -> vector<16xf32>
        %parallel_loop3A_778 = arith.mulf %broadcast_in_dim3A_170, %parallel_loop3A_776 : vector<16xf32>
        %parallel_loop3A_779 = arith.addf %parallel_loop3A_766, %parallel_loop3A_778 : vector<16xf32>
        %parallel_loop3A_780 = arith.mulf %broadcast_in_dim3A_170, %parallel_loop3A_777 : vector<16xf32>
        %parallel_loop3A_781 = arith.addf %parallel_loop3A_768, %parallel_loop3A_780 : vector<16xf32>
        %parallel_loop3A_782 = arith.constant 0 : i32
        %parallel_loop3A_783 = arith.constant 25 : i32
        %parallel_loop3A_784 = arith.index_cast %parallel_loop3A_782 : i32 to index
        %parallel_loop3A_785 = arith.index_cast %parallel_loop3A_783 : i32 to index
        %parallel_loop3A_786 = arith.index_cast %parallel_loop3A_446 : i32 to index
        %parallel_loop3A_787 = tpu.vector_load %arg8[%parallel_loop3A_784, %parallel_loop3A_785, %parallel_loop3A_786] {strides = array<i32>} : memref<2x40x1024xi32, #tpu.memory_space<vmem>>, vector<16xi32>,
        %parallel_loop3A_788 = vector.bitcast %parallel_loop3A_787 : vector<16xi32> to vector<32xbf16>
        %parallel_loop3A_789 = tpu.unpack_subelements %parallel_loop3A_788, 0 {pack_format = #tpu.pack_format<interleaved>} : vector<32xbf16> -> vector<16xf32>
        %parallel_loop3A_790 = tpu.unpack_subelements %parallel_loop3A_788, 1 {pack_format = #tpu.pack_format<interleaved>} : vector<32xbf16> -> vector<16xf32>
        %parallel_loop3A_791 = arith.mulf %broadcast_in_dim3A_173, %parallel_loop3A_789 : vector<16xf32>
        %parallel_loop3A_792 = arith.addf %parallel_loop3A_779, %parallel_loop3A_791 : vector<16xf32>
        %parallel_loop3A_793 = arith.mulf %broadcast_in_dim3A_173, %parallel_loop3A_790 : vector<16xf32>
        %parallel_loop3A_794 = arith.addf %parallel_loop3A_781, %parallel_loop3A_793 : vector<16xf32>
        %parallel_loop3A_795 = arith.constant 0 : i32
        %parallel_loop3A_796 = arith.constant 26 : i32
        %parallel_loop3A_797 = arith.index_cast %parallel_loop3A_795 : i32 to index
        %parallel_loop3A_798 = arith.index_cast %parallel_loop3A_796 : i32 to index
        %parallel_loop3A_799 = arith.index_cast %parallel_loop3A_446 : i32 to index
        %parallel_loop3A_800 = tpu.vector_load %arg8[%parallel_loop3A_797, %parallel_loop3A_798, %parallel_loop3A_799] {strides = array<i32>} : memref<2x40x1024xi32, #tpu.memory_space<vmem>>, vector<16xi32>,
        %parallel_loop3A_801 = vector.bitcast %parallel_loop3A_800 : vector<16xi32> to vector<32xbf16>
        %parallel_loop3A_802 = tpu.unpack_subelements %parallel_loop3A_801, 0 {pack_format = #tpu.pack_format<interleaved>} : vector<32xbf16> -> vector<16xf32>
        %parallel_loop3A_803 = tpu.unpack_subelements %parallel_loop3A_801, 1 {pack_format = #tpu.pack_format<interleaved>} : vector<32xbf16> -> vector<16xf32>
        %parallel_loop3A_804 = arith.mulf %broadcast_in_dim3A_176, %parallel_loop3A_802 : vector<16xf32>
        %parallel_loop3A_805 = arith.addf %parallel_loop3A_792, %parallel_loop3A_804 : vector<16xf32>
        %parallel_loop3A_806 = arith.mulf %broadcast_in_dim3A_176, %parallel_loop3A_803 : vector<16xf32>
        %parallel_loop3A_807 = arith.addf %parallel_loop3A_794, %parallel_loop3A_806 : vector<16xf32>
        %parallel_loop3A_808 = arith.constant 0 : i32
        %parallel_loop3A_809 = arith.constant 27 : i32
        %parallel_loop3A_810 = arith.index_cast %parallel_loop3A_808 : i32 to index
        %parallel_loop3A_811 = arith.index_cast %parallel_loop3A_809 : i32 to index
        %parallel_loop3A_812 = arith.index_cast %parallel_loop3A_446 : i32 to index
        %parallel_loop3A_813 = tpu.vector_load %arg8[%parallel_loop3A_810, %parallel_loop3A_811, %parallel_loop3A_812] {strides = array<i32>} : memref<2x40x1024xi32, #tpu.memory_space<vmem>>, vector<16xi32>,
        %parallel_loop3A_814 = vector.bitcast %parallel_loop3A_813 : vector<16xi32> to vector<32xbf16>
        %parallel_loop3A_815 = tpu.unpack_subelements %parallel_loop3A_814, 0 {pack_format = #tpu.pack_format<interleaved>} : vector<32xbf16> -> vector<16xf32>
        %parallel_loop3A_816 = tpu.unpack_subelements %parallel_loop3A_814, 1 {pack_format = #tpu.pack_format<interleaved>} : vector<32xbf16> -> vector<16xf32>
        %parallel_loop3A_817 = arith.mulf %broadcast_in_dim3A_179, %parallel_loop3A_815 : vector<16xf32>
        %parallel_loop3A_818 = arith.addf %parallel_loop3A_805, %parallel_loop3A_817 : vector<16xf32>
        %parallel_loop3A_819 = arith.mulf %broadcast_in_dim3A_179, %parallel_loop3A_816 : vector<16xf32>
        %parallel_loop3A_820 = arith.addf %parallel_loop3A_807, %parallel_loop3A_819 : vector<16xf32>
        %parallel_loop3A_821 = arith.constant 0 : i32
        %parallel_loop3A_822 = arith.constant 28 : i32
        %parallel_loop3A_823 = arith.index_cast %parallel_loop3A_821 : i32 to index
        %parallel_loop3A_824 = arith.index_cast %parallel_loop3A_822 : i32 to index
        %parallel_loop3A_825 = arith.index_cast %parallel_loop3A_446 : i32 to index
        %parallel_loop3A_826 = tpu.vector_load %arg8[%parallel_loop3A_823, %parallel_loop3A_824, %parallel_loop3A_825] {strides = array<i32>} : memref<2x40x1024xi32, #tpu.memory_space<vmem>>, vector<16xi32>,
        %parallel_loop3A_827 = vector.bitcast %parallel_loop3A_826 : vector<16xi32> to vector<32xbf16>
        %parallel_loop3A_828 = tpu.unpack_subelements %parallel_loop3A_827, 0 {pack_format = #tpu.pack_format<interleaved>} : vector<32xbf16> -> vector<16xf32>
        %parallel_loop3A_829 = tpu.unpack_subelements %parallel_loop3A_827, 1 {pack_format = #tpu.pack_format<interleaved>} : vector<32xbf16> -> vector<16xf32>
        %parallel_loop3A_830 = arith.mulf %broadcast_in_dim3A_182, %parallel_loop3A_828 : vector<16xf32>
        %parallel_loop3A_831 = arith.addf %parallel_loop3A_818, %parallel_loop3A_830 : vector<16xf32>
        %parallel_loop3A_832 = arith.mulf %broadcast_in_dim3A_182, %parallel_loop3A_829 : vector<16xf32>
        %parallel_loop3A_833 = arith.addf %parallel_loop3A_820, %parallel_loop3A_832 : vector<16xf32>
        %parallel_loop3A_834 = arith.constant 0 : i32
        %parallel_loop3A_835 = arith.constant 29 : i32
        %parallel_loop3A_836 = arith.index_cast %parallel_loop3A_834 : i32 to index
        %parallel_loop3A_837 = arith.index_cast %parallel_loop3A_835 : i32 to index
        %parallel_loop3A_838 = arith.index_cast %parallel_loop3A_446 : i32 to index
        %parallel_loop3A_839 = tpu.vector_load %arg8[%parallel_loop3A_836, %parallel_loop3A_837, %parallel_loop3A_838] {strides = array<i32>} : memref<2x40x1024xi32, #tpu.memory_space<vmem>>, vector<16xi32>,
        %parallel_loop3A_840 = vector.bitcast %parallel_loop3A_839 : vector<16xi32> to vector<32xbf16>
        %parallel_loop3A_841 = tpu.unpack_subelements %parallel_loop3A_840, 0 {pack_format = #tpu.pack_format<interleaved>} : vector<32xbf16> -> vector<16xf32>
        %parallel_loop3A_842 = tpu.unpack_subelements %parallel_loop3A_840, 1 {pack_format = #tpu.pack_format<interleaved>} : vector<32xbf16> -> vector<16xf32>
        %parallel_loop3A_843 = arith.mulf %broadcast_in_dim3A_185, %parallel_loop3A_841 : vector<16xf32>
        %parallel_loop3A_844 = arith.addf %parallel_loop3A_831, %parallel_loop3A_843 : vector<16xf32>
        %parallel_loop3A_845 = arith.mulf %broadcast_in_dim3A_185, %parallel_loop3A_842 : vector<16xf32>
        %parallel_loop3A_846 = arith.addf %parallel_loop3A_833, %parallel_loop3A_845 : vector<16xf32>
        %parallel_loop3A_847 = tpu.pack_subelements %parallel_loop3A_844, %parallel_loop3A_846 {pack_format = #tpu.pack_format<interleaved>, positions = array<i32: 0, 1>} : vector<16xf32>, vector<16xf32> -> vector<32xbf16>
        %parallel_loop3A_848 = vector.bitcast %parallel_loop3A_847 : vector<32xbf16> to vector<16xi32>
        %parallel_loop3A_849 = arith.constant 0 : i32
        %parallel_loop3A_850 = arith.constant 2 : i32
        %parallel_loop3A_851 = arith.index_cast %parallel_loop3A_849 : i32 to index
        %parallel_loop3A_852 = arith.index_cast %parallel_loop3A_850 : i32 to index
        %parallel_loop3A_853 = arith.index_cast %parallel_loop3A_446 : i32 to index
        %parallel_loop3A_854 = tpu.vector_load %arg9[%parallel_loop3A_851, %parallel_loop3A_852, %parallel_loop3A_853] {strides = array<i32>} : memref<2x4x1024xi32, #tpu.memory_space<vmem>>, vector<16xi32>,
        tpu.vector_store %arg9[%parallel_loop3A_851, %parallel_loop3A_852, %parallel_loop3A_853], %parallel_loop3A_848 {strides = array<i32>} : memref<2x4x1024xi32, #tpu.memory_space<vmem>>, vector<16xi32>,
        %parallel_loop3A_855 = arith.constant 0 : i32
        %parallel_loop3A_856 = arith.constant 30 : i32
        %parallel_loop3A_857 = arith.index_cast %parallel_loop3A_855 : i32 to index
        %parallel_loop3A_858 = arith.index_cast %parallel_loop3A_856 : i32 to index
        %parallel_loop3A_859 = arith.index_cast %parallel_loop3A_446 : i32 to index
        %parallel_loop3A_860 = tpu.vector_load %arg8[%parallel_loop3A_857, %parallel_loop3A_858, %parallel_loop3A_859] {strides = array<i32>} : memref<2x40x1024xi32, #tpu.memory_space<vmem>>, vector<16xi32>,
        %parallel_loop3A_861 = vector.bitcast %parallel_loop3A_860 : vector<16xi32> to vector<32xbf16>
        %parallel_loop3A_862 = tpu.unpack_subelements %parallel_loop3A_861, 0 {pack_format = #tpu.pack_format<interleaved>} : vector<32xbf16> -> vector<16xf32>
        %parallel_loop3A_863 = tpu.unpack_subelements %parallel_loop3A_861, 1 {pack_format = #tpu.pack_format<interleaved>} : vector<32xbf16> -> vector<16xf32>
        %parallel_loop3A_864 = arith.mulf %broadcast_in_dim3A_196, %parallel_loop3A_862 : vector<16xf32>
        %parallel_loop3A_865 = arith.mulf %broadcast_in_dim3A_196, %parallel_loop3A_863 : vector<16xf32>
        %parallel_loop3A_866 = arith.constant 0 : i32
        %parallel_loop3A_867 = arith.constant 31 : i32
        %parallel_loop3A_868 = arith.index_cast %parallel_loop3A_866 : i32 to index
        %parallel_loop3A_869 = arith.index_cast %parallel_loop3A_867 : i32 to index
        %parallel_loop3A_870 = arith.index_cast %parallel_loop3A_446 : i32 to index
        %parallel_loop3A_871 = tpu.vector_load %arg8[%parallel_loop3A_868, %parallel_loop3A_869, %parallel_loop3A_870] {strides = array<i32>} : memref<2x40x1024xi32, #tpu.memory_space<vmem>>, vector<16xi32>,
        %parallel_loop3A_872 = vector.bitcast %parallel_loop3A_871 : vector<16xi32> to vector<32xbf16>
        %parallel_loop3A_873 = tpu.unpack_subelements %parallel_loop3A_872, 0 {pack_format = #tpu.pack_format<interleaved>} : vector<32xbf16> -> vector<16xf32>
        %parallel_loop3A_874 = tpu.unpack_subelements %parallel_loop3A_872, 1 {pack_format = #tpu.pack_format<interleaved>} : vector<32xbf16> -> vector<16xf32>
        %parallel_loop3A_875 = arith.mulf %broadcast_in_dim3A_199, %parallel_loop3A_873 : vector<16xf32>
        %parallel_loop3A_876 = arith.addf %parallel_loop3A_864, %parallel_loop3A_875 : vector<16xf32>
        %parallel_loop3A_877 = arith.mulf %broadcast_in_dim3A_199, %parallel_loop3A_874 : vector<16xf32>
        %parallel_loop3A_878 = arith.addf %parallel_loop3A_865, %parallel_loop3A_877 : vector<16xf32>
        %parallel_loop3A_879 = arith.constant 0 : i32
        %parallel_loop3A_880 = arith.constant 32 : i32
        %parallel_loop3A_881 = arith.index_cast %parallel_loop3A_879 : i32 to index
        %parallel_loop3A_882 = arith.index_cast %parallel_loop3A_880 : i32 to index
        %parallel_loop3A_883 = arith.index_cast %parallel_loop3A_446 : i32 to index
        %parallel_loop3A_884 = tpu.vector_load %arg8[%parallel_loop3A_881, %parallel_loop3A_882, %parallel_loop3A_883] {strides = array<i32>} : memref<2x40x1024xi32, #tpu.memory_space<vmem>>, vector<16xi32>,
        %parallel_loop3A_885 = vector.bitcast %parallel_loop3A_884 : vector<16xi32> to vector<32xbf16>
        %parallel_loop3A_886 = tpu.unpack_subelements %parallel_loop3A_885, 0 {pack_format = #tpu.pack_format<interleaved>} : vector<32xbf16> -> vector<16xf32>
        %parallel_loop3A_887 = tpu.unpack_subelements %parallel_loop3A_885, 1 {pack_format = #tpu.pack_format<interleaved>} : vector<32xbf16> -> vector<16xf32>
        %parallel_loop3A_888 = arith.mulf %broadcast_in_dim3A_202, %parallel_loop3A_886 : vector<16xf32>
        %parallel_loop3A_889 = arith.addf %parallel_loop3A_876, %parallel_loop3A_888 : vector<16xf32>
        %parallel_loop3A_890 = arith.mulf %broadcast_in_dim3A_202, %parallel_loop3A_887 : vector<16xf32>
        %parallel_loop3A_891 = arith.addf %parallel_loop3A_878, %parallel_loop3A_890 : vector<16xf32>
        %parallel_loop3A_892 = arith.constant 0 : i32
        %parallel_loop3A_893 = arith.constant 33 : i32
        %parallel_loop3A_894 = arith.index_cast %parallel_loop3A_892 : i32 to index
        %parallel_loop3A_895 = arith.index_cast %parallel_loop3A_893 : i32 to index
        %parallel_loop3A_896 = arith.index_cast %parallel_loop3A_446 : i32 to index
        %parallel_loop3A_897 = tpu.vector_load %arg8[%parallel_loop3A_894, %parallel_loop3A_895, %parallel_loop3A_896] {strides = array<i32>} : memref<2x40x1024xi32, #tpu.memory_space<vmem>>, vector<16xi32>,
        %parallel_loop3A_898 = vector.bitcast %parallel_loop3A_897 : vector<16xi32> to vector<32xbf16>
        %parallel_loop3A_899 = tpu.unpack_subelements %parallel_loop3A_898, 0 {pack_format = #tpu.pack_format<interleaved>} : vector<32xbf16> -> vector<16xf32>
        %parallel_loop3A_900 = tpu.unpack_subelements %parallel_loop3A_898, 1 {pack_format = #tpu.pack_format<interleaved>} : vector<32xbf16> -> vector<16xf32>
        %parallel_loop3A_901 = arith.mulf %broadcast_in_dim3A_205, %parallel_loop3A_899 : vector<16xf32>
        %parallel_loop3A_902 = arith.addf %parallel_loop3A_889, %parallel_loop3A_901 : vector<16xf32>
        %parallel_loop3A_903 = arith.mulf %broadcast_in_dim3A_205, %parallel_loop3A_900 : vector<16xf32>
        %parallel_loop3A_904 = arith.addf %parallel_loop3A_891, %parallel_loop3A_903 : vector<16xf32>
        %parallel_loop3A_905 = arith.constant 0 : i32
        %parallel_loop3A_906 = arith.constant 34 : i32
        %parallel_loop3A_907 = arith.index_cast %parallel_loop3A_905 : i32 to index
        %parallel_loop3A_908 = arith.index_cast %parallel_loop3A_906 : i32 to index
        %parallel_loop3A_909 = arith.index_cast %parallel_loop3A_446 : i32 to index
        %parallel_loop3A_910 = tpu.vector_load %arg8[%parallel_loop3A_907, %parallel_loop3A_908, %parallel_loop3A_909] {strides = array<i32>} : memref<2x40x1024xi32, #tpu.memory_space<vmem>>, vector<16xi32>,
        %parallel_loop3A_911 = vector.bitcast %parallel_loop3A_910 : vector<16xi32> to vector<32xbf16>
        %parallel_loop3A_912 = tpu.unpack_subelements %parallel_loop3A_911, 0 {pack_format = #tpu.pack_format<interleaved>} : vector<32xbf16> -> vector<16xf32>
        %parallel_loop3A_913 = tpu.unpack_subelements %parallel_loop3A_911, 1 {pack_format = #tpu.pack_format<interleaved>} : vector<32xbf16> -> vector<16xf32>
        %parallel_loop3A_914 = arith.mulf %broadcast_in_dim3A_208, %parallel_loop3A_912 : vector<16xf32>
        %parallel_loop3A_915 = arith.addf %parallel_loop3A_902, %parallel_loop3A_914 : vector<16xf32>
        %parallel_loop3A_916 = arith.mulf %broadcast_in_dim3A_208, %parallel_loop3A_913 : vector<16xf32>
        %parallel_loop3A_917 = arith.addf %parallel_loop3A_904, %parallel_loop3A_916 : vector<16xf32>
        %parallel_loop3A_918 = arith.constant 0 : i32
        %parallel_loop3A_919 = arith.constant 35 : i32
        %parallel_loop3A_920 = arith.index_cast %parallel_loop3A_918 : i32 to index
        %parallel_loop3A_921 = arith.index_cast %parallel_loop3A_919 : i32 to index
        %parallel_loop3A_922 = arith.index_cast %parallel_loop3A_446 : i32 to index
        %parallel_loop3A_923 = tpu.vector_load %arg8[%parallel_loop3A_920, %parallel_loop3A_921, %parallel_loop3A_922] {strides = array<i32>} : memref<2x40x1024xi32, #tpu.memory_space<vmem>>, vector<16xi32>,
        %parallel_loop3A_924 = vector.bitcast %parallel_loop3A_923 : vector<16xi32> to vector<32xbf16>
        %parallel_loop3A_925 = tpu.unpack_subelements %parallel_loop3A_924, 0 {pack_format = #tpu.pack_format<interleaved>} : vector<32xbf16> -> vector<16xf32>
        %parallel_loop3A_926 = tpu.unpack_subelements %parallel_loop3A_924, 1 {pack_format = #tpu.pack_format<interleaved>} : vector<32xbf16> -> vector<16xf32>
        %parallel_loop3A_927 = arith.mulf %broadcast_in_dim3A_211, %parallel_loop3A_925 : vector<16xf32>
        %parallel_loop3A_928 = arith.addf %parallel_loop3A_915, %parallel_loop3A_927 : vector<16xf32>
        %parallel_loop3A_929 = arith.mulf %broadcast_in_dim3A_211, %parallel_loop3A_926 : vector<16xf32>
        %parallel_loop3A_930 = arith.addf %parallel_loop3A_917, %parallel_loop3A_929 : vector<16xf32>
        %parallel_loop3A_931 = arith.constant 0 : i32
        %parallel_loop3A_932 = arith.constant 36 : i32
        %parallel_loop3A_933 = arith.index_cast %parallel_loop3A_931 : i32 to index
        %parallel_loop3A_934 = arith.index_cast %parallel_loop3A_932 : i32 to index
        %parallel_loop3A_935 = arith.index_cast %parallel_loop3A_446 : i32 to index
        %parallel_loop3A_936 = tpu.vector_load %arg8[%parallel_loop3A_933, %parallel_loop3A_934, %parallel_loop3A_935] {strides = array<i32>} : memref<2x40x1024xi32, #tpu.memory_space<vmem>>, vector<16xi32>,
        %parallel_loop3A_937 = vector.bitcast %parallel_loop3A_936 : vector<16xi32> to vector<32xbf16>
        %parallel_loop3A_938 = tpu.unpack_subelements %parallel_loop3A_937, 0 {pack_format = #tpu.pack_format<interleaved>} : vector<32xbf16> -> vector<16xf32>
        %parallel_loop3A_939 = tpu.unpack_subelements %parallel_loop3A_937, 1 {pack_format = #tpu.pack_format<interleaved>} : vector<32xbf16> -> vector<16xf32>
        %parallel_loop3A_940 = arith.mulf %broadcast_in_dim3A_214, %parallel_loop3A_938 : vector<16xf32>
        %parallel_loop3A_941 = arith.addf %parallel_loop3A_928, %parallel_loop3A_940 : vector<16xf32>
        %parallel_loop3A_942 = arith.mulf %broadcast_in_dim3A_214, %parallel_loop3A_939 : vector<16xf32>
        %parallel_loop3A_943 = arith.addf %parallel_loop3A_930, %parallel_loop3A_942 : vector<16xf32>
        %parallel_loop3A_944 = arith.constant 0 : i32
        %parallel_loop3A_945 = arith.constant 37 : i32
        %parallel_loop3A_946 = arith.index_cast %parallel_loop3A_944 : i32 to index
        %parallel_loop3A_947 = arith.index_cast %parallel_loop3A_945 : i32 to index
        %parallel_loop3A_948 = arith.index_cast %parallel_loop3A_446 : i32 to index
        %parallel_loop3A_949 = tpu.vector_load %arg8[%parallel_loop3A_946, %parallel_loop3A_947, %parallel_loop3A_948] {strides = array<i32>} : memref<2x40x1024xi32, #tpu.memory_space<vmem>>, vector<16xi32>,
        %parallel_loop3A_950 = vector.bitcast %parallel_loop3A_949 : vector<16xi32> to vector<32xbf16>
        %parallel_loop3A_951 = tpu.unpack_subelements %parallel_loop3A_950, 0 {pack_format = #tpu.pack_format<interleaved>} : vector<32xbf16> -> vector<16xf32>
        %parallel_loop3A_952 = tpu.unpack_subelements %parallel_loop3A_950, 1 {pack_format = #tpu.pack_format<interleaved>} : vector<32xbf16> -> vector<16xf32>
        %parallel_loop3A_953 = arith.mulf %broadcast_in_dim3A_217, %parallel_loop3A_951 : vector<16xf32>
        %parallel_loop3A_954 = arith.addf %parallel_loop3A_941, %parallel_loop3A_953 : vector<16xf32>
        %parallel_loop3A_955 = arith.mulf %broadcast_in_dim3A_217, %parallel_loop3A_952 : vector<16xf32>
        %parallel_loop3A_956 = arith.addf %parallel_loop3A_943, %parallel_loop3A_955 : vector<16xf32>
        %parallel_loop3A_957 = arith.constant 0 : i32
        %parallel_loop3A_958 = arith.constant 38 : i32
        %parallel_loop3A_959 = arith.index_cast %parallel_loop3A_957 : i32 to index
        %parallel_loop3A_960 = arith.index_cast %parallel_loop3A_958 : i32 to index
        %parallel_loop3A_961 = arith.index_cast %parallel_loop3A_446 : i32 to index
        %parallel_loop3A_962 = tpu.vector_load %arg8[%parallel_loop3A_959, %parallel_loop3A_960, %parallel_loop3A_961] {strides = array<i32>} : memref<2x40x1024xi32, #tpu.memory_space<vmem>>, vector<16xi32>,
        %parallel_loop3A_963 = vector.bitcast %parallel_loop3A_962 : vector<16xi32> to vector<32xbf16>
        %parallel_loop3A_964 = tpu.unpack_subelements %parallel_loop3A_963, 0 {pack_format = #tpu.pack_format<interleaved>} : vector<32xbf16> -> vector<16xf32>
        %parallel_loop3A_965 = tpu.unpack_subelements %parallel_loop3A_963, 1 {pack_format = #tpu.pack_format<interleaved>} : vector<32xbf16> -> vector<16xf32>
        %parallel_loop3A_966 = arith.mulf %broadcast_in_dim3A_220, %parallel_loop3A_964 : vector<16xf32>
        %parallel_loop3A_967 = arith.addf %parallel_loop3A_954, %parallel_loop3A_966 : vector<16xf32>
        %parallel_loop3A_968 = arith.mulf %broadcast_in_dim3A_220, %parallel_loop3A_965 : vector<16xf32>
        %parallel_loop3A_969 = arith.addf %parallel_loop3A_956, %parallel_loop3A_968 : vector<16xf32>
        %parallel_loop3A_970 = arith.constant 0 : i32
        %parallel_loop3A_971 = arith.constant 39 : i32
        %parallel_loop3A_972 = arith.index_cast %parallel_loop3A_970 : i32 to index
        %parallel_loop3A_973 = arith.index_cast %parallel_loop3A_971 : i32 to index
        %parallel_loop3A_974 = arith.index_cast %parallel_loop3A_446 : i32 to index
        %parallel_loop3A_975 = tpu.vector_load %arg8[%parallel_loop3A_972, %parallel_loop3A_973, %parallel_loop3A_974] {strides = array<i32>} : memref<2x40x1024xi32, #tpu.memory_space<vmem>>, vector<16xi32>,
        %parallel_loop3A_976 = vector.bitcast %parallel_loop3A_975 : vector<16xi32> to vector<32xbf16>
        %parallel_loop3A_977 = tpu.unpack_subelements %parallel_loop3A_976, 0 {pack_format = #tpu.pack_format<interleaved>} : vector<32xbf16> -> vector<16xf32>
        %parallel_loop3A_978 = tpu.unpack_subelements %parallel_loop3A_976, 1 {pack_format = #tpu.pack_format<interleaved>} : vector<32xbf16> -> vector<16xf32>
        %parallel_loop3A_979 = arith.mulf %broadcast_in_dim3A_223, %parallel_loop3A_977 : vector<16xf32>
        %parallel_loop3A_980 = arith.addf %parallel_loop3A_967, %parallel_loop3A_979 : vector<16xf32>
        %parallel_loop3A_981 = arith.mulf %broadcast_in_dim3A_223, %parallel_loop3A_978 : vector<16xf32>
        %parallel_loop3A_982 = arith.addf %parallel_loop3A_969, %parallel_loop3A_981 : vector<16xf32>
        %parallel_loop3A_983 = tpu.pack_subelements %parallel_loop3A_980, %parallel_loop3A_982 {pack_format = #tpu.pack_format<interleaved>, positions = array<i32: 0, 1>} : vector<16xf32>, vector<16xf32> -> vector<32xbf16>
        %parallel_loop3A_984 = vector.bitcast %parallel_loop3A_983 : vector<32xbf16> to vector<16xi32>
        %parallel_loop3A_985 = arith.constant 0 : i32
        %parallel_loop3A_986 = arith.constant 3 : i32
        %parallel_loop3A_987 = arith.index_cast %parallel_loop3A_985 : i32 to index
        %parallel_loop3A_988 = arith.index_cast %parallel_loop3A_986 : i32 to index
        %parallel_loop3A_989 = arith.index_cast %parallel_loop3A_446 : i32 to index
        %parallel_loop3A_990 = tpu.vector_load %arg9[%parallel_loop3A_987, %parallel_loop3A_988, %parallel_loop3A_989] {strides = array<i32>} : memref<2x4x1024xi32, #tpu.memory_space<vmem>>, vector<16xi32>,
        tpu.vector_store %arg9[%parallel_loop3A_987, %parallel_loop3A_988, %parallel_loop3A_989], %parallel_loop3A_984 {strides = array<i32>} : memref<2x4x1024xi32, #tpu.memory_space<vmem>>, vector<16xi32>,
      } {sc.loop_unroll_factor = 2 : i64, sc.parallel_access}
      %mul3A_226 = arith.constant 4 : i32
      %mul3A_227 = arith.muli %mul3A_62, %mul3A_226 : i32
      %add3A_228 = arith.addi %mul3A_2, %mul3A_227 : i32
      %dma_start3A_229 = arith.constant 0 : i32
      %dma_start3A_230 = arith.constant 0 : i32
      %dma_start3A_231 = arith.constant 0 : i32
      %dma_start3A_232 = tpu.memref_slice %arg9[%dma_start3A_229, %dma_start3A_230, %dma_start3A_231] : memref<2x4x1024xi32, #tpu.memory_space<vmem>> -> memref<1x4x1024xi32, #tpu.memory_space<vmem>>
      %dma_start3A_233 = tpu.memref_squeeze %dma_start3A_232 : memref<1x4x1024xi32, #tpu.memory_space<vmem>> -> memref<4x1024xi32, #tpu.memory_space<vmem>>
      %dma_start3A_234 = arith.constant 0 : i32
      %dma_start3A_235 = tpu.memref_slice %arg5[%add3A_228, %dma_start3A_234] : memref<4096x1024xi32, #tpu.memory_space<hbm>> -> memref<4x1024xi32, #tpu.memory_space<hbm>>
      %dma_start3A_236 = arith.constant 0 : i32
      %dma_start3A_237 = tpu.memref_slice %arg5[%add3A_228, %dma_start3A_236] : memref<4096x1024xi32, #tpu.memory_space<hbm>> -> memref<4x1024xi32, #tpu.memory_space<hbm>>
      %dma_start3A_238 = arith.constant 0 : i32
      %dma_start3A_239 = arith.constant 0 : i32
      %dma_start3A_240 = tpu.memref_slice %arg9[%dma_start3A_229, %dma_start3A_238, %dma_start3A_239] : memref<2x4x1024xi32, #tpu.memory_space<vmem>> -> memref<1x4x1024xi32, #tpu.memory_space<vmem>>
      %dma_start3A_241 = tpu.memref_squeeze %dma_start3A_240 : memref<1x4x1024xi32, #tpu.memory_space<vmem>> -> memref<4x1024xi32, #tpu.memory_space<vmem>>
      tpu.enqueue_dma source(%dma_start3A_241 : memref<4x1024xi32, #tpu.memory_space<vmem>>) target(%dma_start3A_237 : memref<4x1024xi32, #tpu.memory_space<hbm>>) target_semaphore(%arg12 : memref<!tpu.dma_semaphore, #tpu.memory_space<semaphore_mem>>)
      %add3A_242 = arith.constant 2 : i32
      %add3A_243 = arith.addi %mul3A_62, %add3A_242 : i32
      %lt3A = arith.constant 32 : i32
      %lt3A_244 = arith.cmpi slt, %add3A_243, %lt3A : i32
      %convert_element_type3A_245 = arith.extui %lt3A_244 : i1 to i32
      %cond3A_246 = arith.constant 0 : i32
      %cond3A_247 = arith.cmpi ne, %convert_element_type3A_245, %cond3A_246 : i32
      scf.if %cond3A_247 {
        %add3A_444 = arith.constant 2 : i32
        %add3A_445 = arith.addi %mul3A_62, %add3A_444 : i32
        %mul3A_446 = arith.constant 40 : i32
        %mul3A_447 = arith.muli %add3A_445, %mul3A_446 : i32
        %dma_start3A_448 = arith.constant 0 : i32
        %dma_start3A_449 = arith.constant 0 : i32
        %dma_start3A_450 = arith.constant 0 : i32
        %dma_start3A_451 = tpu.memref_slice %arg8[%dma_start3A_448, %dma_start3A_449, %dma_start3A_450] : memref<2x40x1024xi32, #tpu.memory_space<vmem>> -> memref<1x40x1024xi32, #tpu.memory_space<vmem>>
        %dma_start3A_452 = tpu.memref_squeeze %dma_start3A_451 : memref<1x40x1024xi32, #tpu.memory_space<vmem>> -> memref<40x1024xi32, #tpu.memory_space<vmem>>
        %dma_start3A_453 = tpu.memref_slice %arg6[%mul3A_447] : memref<1280xi32, #tpu.memory_space<vmem>> -> memref<40xi32, #tpu.memory_space<vmem>>
        %dma_start3A_454 = arith.constant 0 : i32
        %dma_start3A_455 = arith.constant 0 : i32
        %dma_start3A_456 = tpu.memref_slice %arg2[%dma_start3A_454, %dma_start3A_455] : memref<4096x1024xi32, #tpu.memory_space<hbm>> -> memref<4096x1024xi32, #tpu.memory_space<hbm>>
        tpu.enqueue_indirect_dma source(%dma_start3A_456 : memref<4096x1024xi32, #tpu.memory_space<hbm>>) target(%dma_start3A_452 : memref<40x1024xi32, #tpu.memory_space<vmem>>) offsets(%dma_start3A_453 : memref<40xi32, #tpu.memory_space<vmem>>) semaphore(%arg10 : memref<!tpu.dma_semaphore, #tpu.memory_space<semaphore_mem>>)
      } else {
      }
      %add3A_248 = arith.constant 1 : i32
      %add3A_249 = arith.addi %mul3A_62, %add3A_248 : i32
      %mul3A_250 = arith.constant 40 : i32
      %mul3A_251 = arith.muli %add3A_249, %mul3A_250 : i32
      %dma_wait3A_252 = arith.constant 1 : i32
      %dma_wait3A_253 = arith.constant 0 : i32
      %dma_wait3A_254 = arith.constant 0 : i32
      %dma_wait3A_255 = tpu.memref_slice %arg8[%dma_wait3A_252, %dma_wait3A_253, %dma_wait3A_254] : memref<2x40x1024xi32, #tpu.memory_space<vmem>> -> memref<1x40x1024xi32, #tpu.memory_space<vmem>>
      %dma_wait3A_256 = tpu.memref_squeeze %dma_wait3A_255 : memref<1x40x1024xi32, #tpu.memory_space<vmem>> -> memref<40x1024xi32, #tpu.memory_space<vmem>>
      %dma_wait3A_257 = tpu.memref_slice %arg6[%mul3A_251] : memref<1280xi32, #tpu.memory_space<vmem>> -> memref<40xi32, #tpu.memory_space<vmem>>
      %dma_wait3A_258 = arith.constant 0 : i32
      %dma_wait3A_259 = arith.constant 0 : i32
      %dma_wait3A_260 = tpu.memref_slice %arg2[%dma_wait3A_258, %dma_wait3A_259] : memref<4096x1024xi32, #tpu.memory_space<hbm>> -> memref<4096x1024xi32, #tpu.memory_space<hbm>>
      tpu.wait_indirect_dma semaphore(%arg11 : memref<!tpu.dma_semaphore, #tpu.memory_space<semaphore_mem>>) src(%dma_wait3A_260 : memref<4096x1024xi32, #tpu.memory_space<hbm>>) dst(%dma_wait3A_256 : memref<40x1024xi32, #tpu.memory_space<vmem>>)
      %ge3A_261 = arith.constant 2 : i32
      %ge3A_262 = arith.cmpi sge, %add3A_249, %ge3A_261 : i32
      %convert_element_type3A_263 = arith.extui %ge3A_262 : i1 to i32
      %cond3A_264 = arith.constant 0 : i32
      %cond3A_265 = arith.cmpi ne, %convert_element_type3A_263, %cond3A_264 : i32
      scf.if %cond3A_265 {
        %sub3A = arith.constant 2 : i32
        %sub3A_444 = arith.subi %add3A_249, %sub3A : i32
        %mul3A_445 = arith.constant 4 : i32
        %mul3A_446 = arith.muli %sub3A_444, %mul3A_445 : i32
        %add3A_447 = arith.addi %mul3A_2, %mul3A_446 : i32
        %dma_wait3A_448 = arith.constant 1 : i32
        %dma_wait3A_449 = arith.constant 0 : i32
        %dma_wait3A_450 = arith.constant 0 : i32
        %dma_wait3A_451 = tpu.memref_slice %arg9[%dma_wait3A_448, %dma_wait3A_449, %dma_wait3A_450] : memref<2x4x1024xi32, #tpu.memory_space<vmem>> -> memref<1x4x1024xi32, #tpu.memory_space<vmem>>
        %dma_wait3A_452 = tpu.memref_squeeze %dma_wait3A_451 : memref<1x4x1024xi32, #tpu.memory_space<vmem>> -> memref<4x1024xi32, #tpu.memory_space<vmem>>
        %dma_wait3A_453 = arith.constant 0 : i32
        %dma_wait3A_454 = tpu.memref_slice %arg5[%add3A_447, %dma_wait3A_453] : memref<4096x1024xi32, #tpu.memory_space<hbm>> -> memref<4x1024xi32, #tpu.memory_space<hbm>>
        %dma_wait3A_455 = arith.constant 0 : i32
        %dma_wait3A_456 = tpu.memref_slice %arg5[%add3A_447, %dma_wait3A_455] : memref<4096x1024xi32, #tpu.memory_space<hbm>> -> memref<4x1024xi32, #tpu.memory_space<hbm>>
        %dma_wait3A_457 = arith.constant 0 : i32
        %dma_wait3A_458 = arith.constant 0 : i32
        %dma_wait3A_459 = tpu.memref_slice %arg9[%dma_wait3A_448, %dma_wait3A_457, %dma_wait3A_458] : memref<2x4x1024xi32, #tpu.memory_space<vmem>> -> memref<1x4x1024xi32, #tpu.memory_space<vmem>>
        %dma_wait3A_460 = tpu.memref_squeeze %dma_wait3A_459 : memref<1x4x1024xi32, #tpu.memory_space<vmem>> -> memref<4x1024xi32, #tpu.memory_space<vmem>>
        tpu.wait_dma2 semaphore(%arg13 : memref<!tpu.dma_semaphore, #tpu.memory_space<semaphore_mem>>) src(%dma_wait3A_460 : memref<4x1024xi32, #tpu.memory_space<vmem>>) dst(%dma_wait3A_456 : memref<4x1024xi32, #tpu.memory_space<hbm>>)
      } else {
      }
      %mul3A_266 = arith.constant 4 : i32
      %mul3A_267 = arith.muli %add3A_249, %mul3A_266 : i32
      %add3A_268 = arith.constant 0 : i32
      %add3A_269 = arith.addi %mul3A_267, %add3A_268 : i32
      %mul3A_270 = arith.constant 16 : i32
      %mul3A_271 = arith.muli %add3A_269, %mul3A_270 : i32
      %get3A_272 = arith.index_cast %mul3A_271 : i32 to index
      %get3A_273 = tpu.vector_load %arg7[%get3A_272] {strides = array<i32>} : memref<2048xf32, #tpu.memory_space<vmem>>, vector<16xf32>,
      %slice3A_274 = vector.extract_strided_slice %get3A_273 {offsets = [0], sizes = [1], strides = [1]} : vector<16xf32> to vector<1xf32>
      %squeeze3A_275 = vector.extract %slice3A_274[0] : f32 from vector<1xf32>
      %broadcast_in_dim3A_276 = vector.broadcast %squeeze3A_275 : f32 to vector<16xf32>
      %slice3A_277 = vector.extract_strided_slice %get3A_273 {offsets = [1], sizes = [1], strides = [1]} : vector<16xf32> to vector<1xf32>
      %squeeze3A_278 = vector.extract %slice3A_277[0] : f32 from vector<1xf32>
      %broadcast_in_dim3A_279 = vector.broadcast %squeeze3A_278 : f32 to vector<16xf32>
      %slice3A_280 = vector.extract_strided_slice %get3A_273 {offsets = [2], sizes = [1], strides = [1]} : vector<16xf32> to vector<1xf32>
      %squeeze3A_281 = vector.extract %slice3A_280[0] : f32 from vector<1xf32>
      %broadcast_in_dim3A_282 = vector.broadcast %squeeze3A_281 : f32 to vector<16xf32>
      %slice3A_283 = vector.extract_strided_slice %get3A_273 {offsets = [3], sizes = [1], strides = [1]} : vector<16xf32> to vector<1xf32>
      %squeeze3A_284 = vector.extract %slice3A_283[0] : f32 from vector<1xf32>
      %broadcast_in_dim3A_285 = vector.broadcast %squeeze3A_284 : f32 to vector<16xf32>
      %slice3A_286 = vector.extract_strided_slice %get3A_273 {offsets = [4], sizes = [1], strides = [1]} : vector<16xf32> to vector<1xf32>
      %squeeze3A_287 = vector.extract %slice3A_286[0] : f32 from vector<1xf32>
      %broadcast_in_dim3A_288 = vector.broadcast %squeeze3A_287 : f32 to vector<16xf32>
      %slice3A_289 = vector.extract_strided_slice %get3A_273 {offsets = [5], sizes = [1], strides = [1]} : vector<16xf32> to vector<1xf32>
      %squeeze3A_290 = vector.extract %slice3A_289[0] : f32 from vector<1xf32>
      %broadcast_in_dim3A_291 = vector.broadcast %squeeze3A_290 : f32 to vector<16xf32>
      %slice3A_292 = vector.extract_strided_slice %get3A_273 {offsets = [6], sizes = [1], strides = [1]} : vector<16xf32> to vector<1xf32>
      %squeeze3A_293 = vector.extract %slice3A_292[0] : f32 from vector<1xf32>
      %broadcast_in_dim3A_294 = vector.broadcast %squeeze3A_293 : f32 to vector<16xf32>
      %slice3A_295 = vector.extract_strided_slice %get3A_273 {offsets = [7], sizes = [1], strides = [1]} : vector<16xf32> to vector<1xf32>
      %squeeze3A_296 = vector.extract %slice3A_295[0] : f32 from vector<1xf32>
      %broadcast_in_dim3A_297 = vector.broadcast %squeeze3A_296 : f32 to vector<16xf32>
      %slice3A_298 = vector.extract_strided_slice %get3A_273 {offsets = [8], sizes = [1], strides = [1]} : vector<16xf32> to vector<1xf32>
      %squeeze3A_299 = vector.extract %slice3A_298[0] : f32 from vector<1xf32>
      %broadcast_in_dim3A_300 = vector.broadcast %squeeze3A_299 : f32 to vector<16xf32>
      %slice3A_301 = vector.extract_strided_slice %get3A_273 {offsets = [9], sizes = [1], strides = [1]} : vector<16xf32> to vector<1xf32>
      %squeeze3A_302 = vector.extract %slice3A_301[0] : f32 from vector<1xf32>
      %broadcast_in_dim3A_303 = vector.broadcast %squeeze3A_302 : f32 to vector<16xf32>
      %mul3A_304 = arith.constant 4 : i32
      %mul3A_305 = arith.muli %add3A_249, %mul3A_304 : i32
      %add3A_306 = arith.constant 1 : i32
      %add3A_307 = arith.addi %mul3A_305, %add3A_306 : i32
      %mul3A_308 = arith.constant 16 : i32
      %mul3A_309 = arith.muli %add3A_307, %mul3A_308 : i32
      %get3A_310 = arith.index_cast %mul3A_309 : i32 to index
      %get3A_311 = tpu.vector_load %arg7[%get3A_310] {strides = array<i32>} : memref<2048xf32, #tpu.memory_space<vmem>>, vector<16xf32>,
      %slice3A_312 = vector.extract_strided_slice %get3A_311 {offsets = [0], sizes = [1], strides = [1]} : vector<16xf32> to vector<1xf32>
      %squeeze3A_313 = vector.extract %slice3A_312[0] : f32 from vector<1xf32>
      %broadcast_in_dim3A_314 = vector.broadcast %squeeze3A_313 : f32 to vector<16xf32>
      %slice3A_315 = vector.extract_strided_slice %get3A_311 {offsets = [1], sizes = [1], strides = [1]} : vector<16xf32> to vector<1xf32>
      %squeeze3A_316 = vector.extract %slice3A_315[0] : f32 from vector<1xf32>
      %broadcast_in_dim3A_317 = vector.broadcast %squeeze3A_316 : f32 to vector<16xf32>
      %slice3A_318 = vector.extract_strided_slice %get3A_311 {offsets = [2], sizes = [1], strides = [1]} : vector<16xf32> to vector<1xf32>
      %squeeze3A_319 = vector.extract %slice3A_318[0] : f32 from vector<1xf32>
      %broadcast_in_dim3A_320 = vector.broadcast %squeeze3A_319 : f32 to vector<16xf32>
      %slice3A_321 = vector.extract_strided_slice %get3A_311 {offsets = [3], sizes = [1], strides = [1]} : vector<16xf32> to vector<1xf32>
      %squeeze3A_322 = vector.extract %slice3A_321[0] : f32 from vector<1xf32>
      %broadcast_in_dim3A_323 = vector.broadcast %squeeze3A_322 : f32 to vector<16xf32>
      %slice3A_324 = vector.extract_strided_slice %get3A_311 {offsets = [4], sizes = [1], strides = [1]} : vector<16xf32> to vector<1xf32>
      %squeeze3A_325 = vector.extract %slice3A_324[0] : f32 from vector<1xf32>
      %broadcast_in_dim3A_326 = vector.broadcast %squeeze3A_325 : f32 to vector<16xf32>
      %slice3A_327 = vector.extract_strided_slice %get3A_311 {offsets = [5], sizes = [1], strides = [1]} : vector<16xf32> to vector<1xf32>
      %squeeze3A_328 = vector.extract %slice3A_327[0] : f32 from vector<1xf32>
      %broadcast_in_dim3A_329 = vector.broadcast %squeeze3A_328 : f32 to vector<16xf32>
      %slice3A_330 = vector.extract_strided_slice %get3A_311 {offsets = [6], sizes = [1], strides = [1]} : vector<16xf32> to vector<1xf32>
      %squeeze3A_331 = vector.extract %slice3A_330[0] : f32 from vector<1xf32>
      %broadcast_in_dim3A_332 = vector.broadcast %squeeze3A_331 : f32 to vector<16xf32>
      %slice3A_333 = vector.extract_strided_slice %get3A_311 {offsets = [7], sizes = [1], strides = [1]} : vector<16xf32> to vector<1xf32>
      %squeeze3A_334 = vector.extract %slice3A_333[0] : f32 from vector<1xf32>
      %broadcast_in_dim3A_335 = vector.broadcast %squeeze3A_334 : f32 to vector<16xf32>
      %slice3A_336 = vector.extract_strided_slice %get3A_311 {offsets = [8], sizes = [1], strides = [1]} : vector<16xf32> to vector<1xf32>
      %squeeze3A_337 = vector.extract %slice3A_336[0] : f32 from vector<1xf32>
      %broadcast_in_dim3A_338 = vector.broadcast %squeeze3A_337 : f32 to vector<16xf32>
      %slice3A_339 = vector.extract_strided_slice %get3A_311 {offsets = [9], sizes = [1], strides = [1]} : vector<16xf32> to vector<1xf32>
      %squeeze3A_340 = vector.extract %slice3A_339[0] : f32 from vector<1xf32>
      %broadcast_in_dim3A_341 = vector.broadcast %squeeze3A_340 : f32 to vector<16xf32>
      %mul3A_342 = arith.constant 4 : i32
      %mul3A_343 = arith.muli %add3A_249, %mul3A_342 : i32
      %add3A_344 = arith.constant 2 : i32
      %add3A_345 = arith.addi %mul3A_343, %add3A_344 : i32
      %mul3A_346 = arith.constant 16 : i32
      %mul3A_347 = arith.muli %add3A_345, %mul3A_346 : i32
      %get3A_348 = arith.index_cast %mul3A_347 : i32 to index
      %get3A_349 = tpu.vector_load %arg7[%get3A_348] {strides = array<i32>} : memref<2048xf32, #tpu.memory_space<vmem>>, vector<16xf32>,
      %slice3A_350 = vector.extract_strided_slice %get3A_349 {offsets = [0], sizes = [1], strides = [1]} : vector<16xf32> to vector<1xf32>
      %squeeze3A_351 = vector.extract %slice3A_350[0] : f32 from vector<1xf32>
      %broadcast_in_dim3A_352 = vector.broadcast %squeeze3A_351 : f32 to vector<16xf32>
      %slice3A_353 = vector.extract_strided_slice %get3A_349 {offsets = [1], sizes = [1], strides = [1]} : vector<16xf32> to vector<1xf32>
      %squeeze3A_354 = vector.extract %slice3A_353[0] : f32 from vector<1xf32>
      %broadcast_in_dim3A_355 = vector.broadcast %squeeze3A_354 : f32 to vector<16xf32>
      %slice3A_356 = vector.extract_strided_slice %get3A_349 {offsets = [2], sizes = [1], strides = [1]} : vector<16xf32> to vector<1xf32>
      %squeeze3A_357 = vector.extract %slice3A_356[0] : f32 from vector<1xf32>
      %broadcast_in_dim3A_358 = vector.broadcast %squeeze3A_357 : f32 to vector<16xf32>
      %slice3A_359 = vector.extract_strided_slice %get3A_349 {offsets = [3], sizes = [1], strides = [1]} : vector<16xf32> to vector<1xf32>
      %squeeze3A_360 = vector.extract %slice3A_359[0] : f32 from vector<1xf32>
      %broadcast_in_dim3A_361 = vector.broadcast %squeeze3A_360 : f32 to vector<16xf32>
      %slice3A_362 = vector.extract_strided_slice %get3A_349 {offsets = [4], sizes = [1], strides = [1]} : vector<16xf32> to vector<1xf32>
      %squeeze3A_363 = vector.extract %slice3A_362[0] : f32 from vector<1xf32>
      %broadcast_in_dim3A_364 = vector.broadcast %squeeze3A_363 : f32 to vector<16xf32>
      %slice3A_365 = vector.extract_strided_slice %get3A_349 {offsets = [5], sizes = [1], strides = [1]} : vector<16xf32> to vector<1xf32>
      %squeeze3A_366 = vector.extract %slice3A_365[0] : f32 from vector<1xf32>
      %broadcast_in_dim3A_367 = vector.broadcast %squeeze3A_366 : f32 to vector<16xf32>
      %slice3A_368 = vector.extract_strided_slice %get3A_349 {offsets = [6], sizes = [1], strides = [1]} : vector<16xf32> to vector<1xf32>
      %squeeze3A_369 = vector.extract %slice3A_368[0] : f32 from vector<1xf32>
      %broadcast_in_dim3A_370 = vector.broadcast %squeeze3A_369 : f32 to vector<16xf32>
      %slice3A_371 = vector.extract_strided_slice %get3A_349 {offsets = [7], sizes = [1], strides = [1]} : vector<16xf32> to vector<1xf32>
      %squeeze3A_372 = vector.extract %slice3A_371[0] : f32 from vector<1xf32>
      %broadcast_in_dim3A_373 = vector.broadcast %squeeze3A_372 : f32 to vector<16xf32>
      %slice3A_374 = vector.extract_strided_slice %get3A_349 {offsets = [8], sizes = [1], strides = [1]} : vector<16xf32> to vector<1xf32>
      %squeeze3A_375 = vector.extract %slice3A_374[0] : f32 from vector<1xf32>
      %broadcast_in_dim3A_376 = vector.broadcast %squeeze3A_375 : f32 to vector<16xf32>
      %slice3A_377 = vector.extract_strided_slice %get3A_349 {offsets = [9], sizes = [1], strides = [1]} : vector<16xf32> to vector<1xf32>
      %squeeze3A_378 = vector.extract %slice3A_377[0] : f32 from vector<1xf32>
      %broadcast_in_dim3A_379 = vector.broadcast %squeeze3A_378 : f32 to vector<16xf32>
      %mul3A_380 = arith.constant 4 : i32
      %mul3A_381 = arith.muli %add3A_249, %mul3A_380 : i32
      %add3A_382 = arith.constant 3 : i32
      %add3A_383 = arith.addi %mul3A_381, %add3A_382 : i32
      %mul3A_384 = arith.constant 16 : i32
      %mul3A_385 = arith.muli %add3A_383, %mul3A_384 : i32
      %get3A_386 = arith.index_cast %mul3A_385 : i32 to index
      %get3A_387 = tpu.vector_load %arg7[%get3A_386] {strides = array<i32>} : memref<2048xf32, #tpu.memory_space<vmem>>, vector<16xf32>,
      %slice3A_388 = vector.extract_strided_slice %get3A_387 {offsets = [0], sizes = [1], strides = [1]} : vector<16xf32> to vector<1xf32>
      %squeeze3A_389 = vector.extract %slice3A_388[0] : f32 from vector<1xf32>
      %broadcast_in_dim3A_390 = vector.broadcast %squeeze3A_389 : f32 to vector<16xf32>
      %slice3A_391 = vector.extract_strided_slice %get3A_387 {offsets = [1], sizes = [1], strides = [1]} : vector<16xf32> to vector<1xf32>
      %squeeze3A_392 = vector.extract %slice3A_391[0] : f32 from vector<1xf32>
      %broadcast_in_dim3A_393 = vector.broadcast %squeeze3A_392 : f32 to vector<16xf32>
      %slice3A_394 = vector.extract_strided_slice %get3A_387 {offsets = [2], sizes = [1], strides = [1]} : vector<16xf32> to vector<1xf32>
      %squeeze3A_395 = vector.extract %slice3A_394[0] : f32 from vector<1xf32>
      %broadcast_in_dim3A_396 = vector.broadcast %squeeze3A_395 : f32 to vector<16xf32>
      %slice3A_397 = vector.extract_strided_slice %get3A_387 {offsets = [3], sizes = [1], strides = [1]} : vector<16xf32> to vector<1xf32>
      %squeeze3A_398 = vector.extract %slice3A_397[0] : f32 from vector<1xf32>
      %broadcast_in_dim3A_399 = vector.broadcast %squeeze3A_398 : f32 to vector<16xf32>
      %slice3A_400 = vector.extract_strided_slice %get3A_387 {offsets = [4], sizes = [1], strides = [1]} : vector<16xf32> to vector<1xf32>
      %squeeze3A_401 = vector.extract %slice3A_400[0] : f32 from vector<1xf32>
      %broadcast_in_dim3A_402 = vector.broadcast %squeeze3A_401 : f32 to vector<16xf32>
      %slice3A_403 = vector.extract_strided_slice %get3A_387 {offsets = [5], sizes = [1], strides = [1]} : vector<16xf32> to vector<1xf32>
      %squeeze3A_404 = vector.extract %slice3A_403[0] : f32 from vector<1xf32>
      %broadcast_in_dim3A_405 = vector.broadcast %squeeze3A_404 : f32 to vector<16xf32>
      %slice3A_406 = vector.extract_strided_slice %get3A_387 {offsets = [6], sizes = [1], strides = [1]} : vector<16xf32> to vector<1xf32>
      %squeeze3A_407 = vector.extract %slice3A_406[0] : f32 from vector<1xf32>
      %broadcast_in_dim3A_408 = vector.broadcast %squeeze3A_407 : f32 to vector<16xf32>
      %slice3A_409 = vector.extract_strided_slice %get3A_387 {offsets = [7], sizes = [1], strides = [1]} : vector<16xf32> to vector<1xf32>
      %squeeze3A_410 = vector.extract %slice3A_409[0] : f32 from vector<1xf32>
      %broadcast_in_dim3A_411 = vector.broadcast %squeeze3A_410 : f32 to vector<16xf32>
      %slice3A_412 = vector.extract_strided_slice %get3A_387 {offsets = [8], sizes = [1], strides = [1]} : vector<16xf32> to vector<1xf32>
      %squeeze3A_413 = vector.extract %slice3A_412[0] : f32 from vector<1xf32>
      %broadcast_in_dim3A_414 = vector.broadcast %squeeze3A_413 : f32 to vector<16xf32>
      %slice3A_415 = vector.extract_strided_slice %get3A_387 {offsets = [9], sizes = [1], strides = [1]} : vector<16xf32> to vector<1xf32>
      %squeeze3A_416 = vector.extract %slice3A_415[0] : f32 from vector<1xf32>
      %broadcast_in_dim3A_417 = vector.broadcast %squeeze3A_416 : f32 to vector<16xf32>
      %parallel_loop3A_418 = arith.constant 0 : i32
      %parallel_loop3A_419 = arith.constant 64 : i32
      %parallel_loop3A_420 = arith.constant 1 : i32
      scf.for %parallel_loop3A_444 = %parallel_loop3A_418 to %parallel_loop3A_419 step %parallel_loop3A_420  : i32 {
        %parallel_loop3A_445 = arith.constant 16 : i32
        %parallel_loop3A_446 = arith.muli %parallel_loop3A_444, %parallel_loop3A_445 : i32
        %parallel_loop3A_447 = arith.constant 1 : i32
        %parallel_loop3A_448 = arith.constant 0 : i32
        %parallel_loop3A_449 = arith.index_cast %parallel_loop3A_447 : i32 to index
        %parallel_loop3A_450 = arith.index_cast %parallel_loop3A_448 : i32 to index
        %parallel_loop3A_451 = arith.index_cast %parallel_loop3A_446 : i32 to index
        %parallel_loop3A_452 = tpu.vector_load %arg8[%parallel_loop3A_449, %parallel_loop3A_450, %parallel_loop3A_451] {strides = array<i32>} : memref<2x40x1024xi32, #tpu.memory_space<vmem>>, vector<16xi32>,
        %parallel_loop3A_453 = vector.bitcast %parallel_loop3A_452 : vector<16xi32> to vector<32xbf16>
        %parallel_loop3A_454 = tpu.unpack_subelements %parallel_loop3A_453, 0 {pack_format = #tpu.pack_format<interleaved>} : vector<32xbf16> -> vector<16xf32>
        %parallel_loop3A_455 = tpu.unpack_subelements %parallel_loop3A_453, 1 {pack_format = #tpu.pack_format<interleaved>} : vector<32xbf16> -> vector<16xf32>
        %parallel_loop3A_456 = arith.mulf %broadcast_in_dim3A_276, %parallel_loop3A_454 : vector<16xf32>
        %parallel_loop3A_457 = arith.mulf %broadcast_in_dim3A_276, %parallel_loop3A_455 : vector<16xf32>
        %parallel_loop3A_458 = arith.constant 1 : i32
        %parallel_loop3A_459 = arith.constant 1 : i32
        %parallel_loop3A_460 = arith.index_cast %parallel_loop3A_458 : i32 to index
        %parallel_loop3A_461 = arith.index_cast %parallel_loop3A_459 : i32 to index
        %parallel_loop3A_462 = arith.index_cast %parallel_loop3A_446 : i32 to index
        %parallel_loop3A_463 = tpu.vector_load %arg8[%parallel_loop3A_460, %parallel_loop3A_461, %parallel_loop3A_462] {strides = array<i32>} : memref<2x40x1024xi32, #tpu.memory_space<vmem>>, vector<16xi32>,
        %parallel_loop3A_464 = vector.bitcast %parallel_loop3A_463 : vector<16xi32> to vector<32xbf16>
        %parallel_loop3A_465 = tpu.unpack_subelements %parallel_loop3A_464, 0 {pack_format = #tpu.pack_format<interleaved>} : vector<32xbf16> -> vector<16xf32>
        %parallel_loop3A_466 = tpu.unpack_subelements %parallel_loop3A_464, 1 {pack_format = #tpu.pack_format<interleaved>} : vector<32xbf16> -> vector<16xf32>
        %parallel_loop3A_467 = arith.mulf %broadcast_in_dim3A_279, %parallel_loop3A_465 : vector<16xf32>
        %parallel_loop3A_468 = arith.addf %parallel_loop3A_456, %parallel_loop3A_467 : vector<16xf32>
        %parallel_loop3A_469 = arith.mulf %broadcast_in_dim3A_279, %parallel_loop3A_466 : vector<16xf32>
        %parallel_loop3A_470 = arith.addf %parallel_loop3A_457, %parallel_loop3A_469 : vector<16xf32>
        %parallel_loop3A_471 = arith.constant 1 : i32
        %parallel_loop3A_472 = arith.constant 2 : i32
        %parallel_loop3A_473 = arith.index_cast %parallel_loop3A_471 : i32 to index
        %parallel_loop3A_474 = arith.index_cast %parallel_loop3A_472 : i32 to index
        %parallel_loop3A_475 = arith.index_cast %parallel_loop3A_446 : i32 to index
        %parallel_loop3A_476 = tpu.vector_load %arg8[%parallel_loop3A_473, %parallel_loop3A_474, %parallel_loop3A_475] {strides = array<i32>} : memref<2x40x1024xi32, #tpu.memory_space<vmem>>, vector<16xi32>,
        %parallel_loop3A_477 = vector.bitcast %parallel_loop3A_476 : vector<16xi32> to vector<32xbf16>
        %parallel_loop3A_478 = tpu.unpack_subelements %parallel_loop3A_477, 0 {pack_format = #tpu.pack_format<interleaved>} : vector<32xbf16> -> vector<16xf32>
        %parallel_loop3A_479 = tpu.unpack_subelements %parallel_loop3A_477, 1 {pack_format = #tpu.pack_format<interleaved>} : vector<32xbf16> -> vector<16xf32>
        %parallel_loop3A_480 = arith.mulf %broadcast_in_dim3A_282, %parallel_loop3A_478 : vector<16xf32>
        %parallel_loop3A_481 = arith.addf %parallel_loop3A_468, %parallel_loop3A_480 : vector<16xf32>
        %parallel_loop3A_482 = arith.mulf %broadcast_in_dim3A_282, %parallel_loop3A_479 : vector<16xf32>
        %parallel_loop3A_483 = arith.addf %parallel_loop3A_470, %parallel_loop3A_482 : vector<16xf32>
        %parallel_loop3A_484 = arith.constant 1 : i32
        %parallel_loop3A_485 = arith.constant 3 : i32
        %parallel_loop3A_486 = arith.index_cast %parallel_loop3A_484 : i32 to index
        %parallel_loop3A_487 = arith.index_cast %parallel_loop3A_485 : i32 to index
        %parallel_loop3A_488 = arith.index_cast %parallel_loop3A_446 : i32 to index
        %parallel_loop3A_489 = tpu.vector_load %arg8[%parallel_loop3A_486, %parallel_loop3A_487, %parallel_loop3A_488] {strides = array<i32>} : memref<2x40x1024xi32, #tpu.memory_space<vmem>>, vector<16xi32>,
        %parallel_loop3A_490 = vector.bitcast %parallel_loop3A_489 : vector<16xi32> to vector<32xbf16>
        %parallel_loop3A_491 = tpu.unpack_subelements %parallel_loop3A_490, 0 {pack_format = #tpu.pack_format<interleaved>} : vector<32xbf16> -> vector<16xf32>
        %parallel_loop3A_492 = tpu.unpack_subelements %parallel_loop3A_490, 1 {pack_format = #tpu.pack_format<interleaved>} : vector<32xbf16> -> vector<16xf32>
        %parallel_loop3A_493 = arith.mulf %broadcast_in_dim3A_285, %parallel_loop3A_491 : vector<16xf32>
        %parallel_loop3A_494 = arith.addf %parallel_loop3A_481, %parallel_loop3A_493 : vector<16xf32>
        %parallel_loop3A_495 = arith.mulf %broadcast_in_dim3A_285, %parallel_loop3A_492 : vector<16xf32>
        %parallel_loop3A_496 = arith.addf %parallel_loop3A_483, %parallel_loop3A_495 : vector<16xf32>
        %parallel_loop3A_497 = arith.constant 1 : i32
        %parallel_loop3A_498 = arith.constant 4 : i32
        %parallel_loop3A_499 = arith.index_cast %parallel_loop3A_497 : i32 to index
        %parallel_loop3A_500 = arith.index_cast %parallel_loop3A_498 : i32 to index
        %parallel_loop3A_501 = arith.index_cast %parallel_loop3A_446 : i32 to index
        %parallel_loop3A_502 = tpu.vector_load %arg8[%parallel_loop3A_499, %parallel_loop3A_500, %parallel_loop3A_501] {strides = array<i32>} : memref<2x40x1024xi32, #tpu.memory_space<vmem>>, vector<16xi32>,
        %parallel_loop3A_503 = vector.bitcast %parallel_loop3A_502 : vector<16xi32> to vector<32xbf16>
        %parallel_loop3A_504 = tpu.unpack_subelements %parallel_loop3A_503, 0 {pack_format = #tpu.pack_format<interleaved>} : vector<32xbf16> -> vector<16xf32>
        %parallel_loop3A_505 = tpu.unpack_subelements %parallel_loop3A_503, 1 {pack_format = #tpu.pack_format<interleaved>} : vector<32xbf16> -> vector<16xf32>
        %parallel_loop3A_506 = arith.mulf %broadcast_in_dim3A_288, %parallel_loop3A_504 : vector<16xf32>
        %parallel_loop3A_507 = arith.addf %parallel_loop3A_494, %parallel_loop3A_506 : vector<16xf32>
        %parallel_loop3A_508 = arith.mulf %broadcast_in_dim3A_288, %parallel_loop3A_505 : vector<16xf32>
        %parallel_loop3A_509 = arith.addf %parallel_loop3A_496, %parallel_loop3A_508 : vector<16xf32>
        %parallel_loop3A_510 = arith.constant 1 : i32
        %parallel_loop3A_511 = arith.constant 5 : i32
        %parallel_loop3A_512 = arith.index_cast %parallel_loop3A_510 : i32 to index
        %parallel_loop3A_513 = arith.index_cast %parallel_loop3A_511 : i32 to index
        %parallel_loop3A_514 = arith.index_cast %parallel_loop3A_446 : i32 to index
        %parallel_loop3A_515 = tpu.vector_load %arg8[%parallel_loop3A_512, %parallel_loop3A_513, %parallel_loop3A_514] {strides = array<i32>} : memref<2x40x1024xi32, #tpu.memory_space<vmem>>, vector<16xi32>,
        %parallel_loop3A_516 = vector.bitcast %parallel_loop3A_515 : vector<16xi32> to vector<32xbf16>
        %parallel_loop3A_517 = tpu.unpack_subelements %parallel_loop3A_516, 0 {pack_format = #tpu.pack_format<interleaved>} : vector<32xbf16> -> vector<16xf32>
        %parallel_loop3A_518 = tpu.unpack_subelements %parallel_loop3A_516, 1 {pack_format = #tpu.pack_format<interleaved>} : vector<32xbf16> -> vector<16xf32>
        %parallel_loop3A_519 = arith.mulf %broadcast_in_dim3A_291, %parallel_loop3A_517 : vector<16xf32>
        %parallel_loop3A_520 = arith.addf %parallel_loop3A_507, %parallel_loop3A_519 : vector<16xf32>
        %parallel_loop3A_521 = arith.mulf %broadcast_in_dim3A_291, %parallel_loop3A_518 : vector<16xf32>
        %parallel_loop3A_522 = arith.addf %parallel_loop3A_509, %parallel_loop3A_521 : vector<16xf32>
        %parallel_loop3A_523 = arith.constant 1 : i32
        %parallel_loop3A_524 = arith.constant 6 : i32
        %parallel_loop3A_525 = arith.index_cast %parallel_loop3A_523 : i32 to index
        %parallel_loop3A_526 = arith.index_cast %parallel_loop3A_524 : i32 to index
        %parallel_loop3A_527 = arith.index_cast %parallel_loop3A_446 : i32 to index
        %parallel_loop3A_528 = tpu.vector_load %arg8[%parallel_loop3A_525, %parallel_loop3A_526, %parallel_loop3A_527] {strides = array<i32>} : memref<2x40x1024xi32, #tpu.memory_space<vmem>>, vector<16xi32>,
        %parallel_loop3A_529 = vector.bitcast %parallel_loop3A_528 : vector<16xi32> to vector<32xbf16>
        %parallel_loop3A_530 = tpu.unpack_subelements %parallel_loop3A_529, 0 {pack_format = #tpu.pack_format<interleaved>} : vector<32xbf16> -> vector<16xf32>
        %parallel_loop3A_531 = tpu.unpack_subelements %parallel_loop3A_529, 1 {pack_format = #tpu.pack_format<interleaved>} : vector<32xbf16> -> vector<16xf32>
        %parallel_loop3A_532 = arith.mulf %broadcast_in_dim3A_294, %parallel_loop3A_530 : vector<16xf32>
        %parallel_loop3A_533 = arith.addf %parallel_loop3A_520, %parallel_loop3A_532 : vector<16xf32>
        %parallel_loop3A_534 = arith.mulf %broadcast_in_dim3A_294, %parallel_loop3A_531 : vector<16xf32>
        %parallel_loop3A_535 = arith.addf %parallel_loop3A_522, %parallel_loop3A_534 : vector<16xf32>
        %parallel_loop3A_536 = arith.constant 1 : i32
        %parallel_loop3A_537 = arith.constant 7 : i32
        %parallel_loop3A_538 = arith.index_cast %parallel_loop3A_536 : i32 to index
        %parallel_loop3A_539 = arith.index_cast %parallel_loop3A_537 : i32 to index
        %parallel_loop3A_540 = arith.index_cast %parallel_loop3A_446 : i32 to index
        %parallel_loop3A_541 = tpu.vector_load %arg8[%parallel_loop3A_538, %parallel_loop3A_539, %parallel_loop3A_540] {strides = array<i32>} : memref<2x40x1024xi32, #tpu.memory_space<vmem>>, vector<16xi32>,
        %parallel_loop3A_542 = vector.bitcast %parallel_loop3A_541 : vector<16xi32> to vector<32xbf16>
        %parallel_loop3A_543 = tpu.unpack_subelements %parallel_loop3A_542, 0 {pack_format = #tpu.pack_format<interleaved>} : vector<32xbf16> -> vector<16xf32>
        %parallel_loop3A_544 = tpu.unpack_subelements %parallel_loop3A_542, 1 {pack_format = #tpu.pack_format<interleaved>} : vector<32xbf16> -> vector<16xf32>
        %parallel_loop3A_545 = arith.mulf %broadcast_in_dim3A_297, %parallel_loop3A_543 : vector<16xf32>
        %parallel_loop3A_546 = arith.addf %parallel_loop3A_533, %parallel_loop3A_545 : vector<16xf32>
        %parallel_loop3A_547 = arith.mulf %broadcast_in_dim3A_297, %parallel_loop3A_544 : vector<16xf32>
        %parallel_loop3A_548 = arith.addf %parallel_loop3A_535, %parallel_loop3A_547 : vector<16xf32>
        %parallel_loop3A_549 = arith.constant 1 : i32
        %parallel_loop3A_550 = arith.constant 8 : i32
        %parallel_loop3A_551 = arith.index_cast %parallel_loop3A_549 : i32 to index
        %parallel_loop3A_552 = arith.index_cast %parallel_loop3A_550 : i32 to index
        %parallel_loop3A_553 = arith.index_cast %parallel_loop3A_446 : i32 to index
        %parallel_loop3A_554 = tpu.vector_load %arg8[%parallel_loop3A_551, %parallel_loop3A_552, %parallel_loop3A_553] {strides = array<i32>} : memref<2x40x1024xi32, #tpu.memory_space<vmem>>, vector<16xi32>,
        %parallel_loop3A_555 = vector.bitcast %parallel_loop3A_554 : vector<16xi32> to vector<32xbf16>
        %parallel_loop3A_556 = tpu.unpack_subelements %parallel_loop3A_555, 0 {pack_format = #tpu.pack_format<interleaved>} : vector<32xbf16> -> vector<16xf32>
        %parallel_loop3A_557 = tpu.unpack_subelements %parallel_loop3A_555, 1 {pack_format = #tpu.pack_format<interleaved>} : vector<32xbf16> -> vector<16xf32>
        %parallel_loop3A_558 = arith.mulf %broadcast_in_dim3A_300, %parallel_loop3A_556 : vector<16xf32>
        %parallel_loop3A_559 = arith.addf %parallel_loop3A_546, %parallel_loop3A_558 : vector<16xf32>
        %parallel_loop3A_560 = arith.mulf %broadcast_in_dim3A_300, %parallel_loop3A_557 : vector<16xf32>
        %parallel_loop3A_561 = arith.addf %parallel_loop3A_548, %parallel_loop3A_560 : vector<16xf32>
        %parallel_loop3A_562 = arith.constant 1 : i32
        %parallel_loop3A_563 = arith.constant 9 : i32
        %parallel_loop3A_564 = arith.index_cast %parallel_loop3A_562 : i32 to index
        %parallel_loop3A_565 = arith.index_cast %parallel_loop3A_563 : i32 to index
        %parallel_loop3A_566 = arith.index_cast %parallel_loop3A_446 : i32 to index
        %parallel_loop3A_567 = tpu.vector_load %arg8[%parallel_loop3A_564, %parallel_loop3A_565, %parallel_loop3A_566] {strides = array<i32>} : memref<2x40x1024xi32, #tpu.memory_space<vmem>>, vector<16xi32>,
        %parallel_loop3A_568 = vector.bitcast %parallel_loop3A_567 : vector<16xi32> to vector<32xbf16>
        %parallel_loop3A_569 = tpu.unpack_subelements %parallel_loop3A_568, 0 {pack_format = #tpu.pack_format<interleaved>} : vector<32xbf16> -> vector<16xf32>
        %parallel_loop3A_570 = tpu.unpack_subelements %parallel_loop3A_568, 1 {pack_format = #tpu.pack_format<interleaved>} : vector<32xbf16> -> vector<16xf32>
        %parallel_loop3A_571 = arith.mulf %broadcast_in_dim3A_303, %parallel_loop3A_569 : vector<16xf32>
        %parallel_loop3A_572 = arith.addf %parallel_loop3A_559, %parallel_loop3A_571 : vector<16xf32>
        %parallel_loop3A_573 = arith.mulf %broadcast_in_dim3A_303, %parallel_loop3A_570 : vector<16xf32>
        %parallel_loop3A_574 = arith.addf %parallel_loop3A_561, %parallel_loop3A_573 : vector<16xf32>
        %parallel_loop3A_575 = tpu.pack_subelements %parallel_loop3A_572, %parallel_loop3A_574 {pack_format = #tpu.pack_format<interleaved>, positions = array<i32: 0, 1>} : vector<16xf32>, vector<16xf32> -> vector<32xbf16>
        %parallel_loop3A_576 = vector.bitcast %parallel_loop3A_575 : vector<32xbf16> to vector<16xi32>
        %parallel_loop3A_577 = arith.constant 1 : i32
        %parallel_loop3A_578 = arith.constant 0 : i32
        %parallel_loop3A_579 = arith.index_cast %parallel_loop3A_577 : i32 to index
        %parallel_loop3A_580 = arith.index_cast %parallel_loop3A_578 : i32 to index
        %parallel_loop3A_581 = arith.index_cast %parallel_loop3A_446 : i32 to index
        %parallel_loop3A_582 = tpu.vector_load %arg9[%parallel_loop3A_579, %parallel_loop3A_580, %parallel_loop3A_581] {strides = array<i32>} : memref<2x4x1024xi32, #tpu.memory_space<vmem>>, vector<16xi32>,
        tpu.vector_store %arg9[%parallel_loop3A_579, %parallel_loop3A_580, %parallel_loop3A_581], %parallel_loop3A_576 {strides = array<i32>} : memref<2x4x1024xi32, #tpu.memory_space<vmem>>, vector<16xi32>,
        %parallel_loop3A_583 = arith.constant 1 : i32
        %parallel_loop3A_584 = arith.constant 10 : i32
        %parallel_loop3A_585 = arith.index_cast %parallel_loop3A_583 : i32 to index
        %parallel_loop3A_586 = arith.index_cast %parallel_loop3A_584 : i32 to index
        %parallel_loop3A_587 = arith.index_cast %parallel_loop3A_446 : i32 to index
        %parallel_loop3A_588 = tpu.vector_load %arg8[%parallel_loop3A_585, %parallel_loop3A_586, %parallel_loop3A_587] {strides = array<i32>} : memref<2x40x1024xi32, #tpu.memory_space<vmem>>, vector<16xi32>,
        %parallel_loop3A_589 = vector.bitcast %parallel_loop3A_588 : vector<16xi32> to vector<32xbf16>
        %parallel_loop3A_590 = tpu.unpack_subelements %parallel_loop3A_589, 0 {pack_format = #tpu.pack_format<interleaved>} : vector<32xbf16> -> vector<16xf32>
        %parallel_loop3A_591 = tpu.unpack_subelements %parallel_loop3A_589, 1 {pack_format = #tpu.pack_format<interleaved>} : vector<32xbf16> -> vector<16xf32>
        %parallel_loop3A_592 = arith.mulf %broadcast_in_dim3A_314, %parallel_loop3A_590 : vector<16xf32>
        %parallel_loop3A_593 = arith.mulf %broadcast_in_dim3A_314, %parallel_loop3A_591 : vector<16xf32>
        %parallel_loop3A_594 = arith.constant 1 : i32
        %parallel_loop3A_595 = arith.constant 11 : i32
        %parallel_loop3A_596 = arith.index_cast %parallel_loop3A_594 : i32 to index
        %parallel_loop3A_597 = arith.index_cast %parallel_loop3A_595 : i32 to index
        %parallel_loop3A_598 = arith.index_cast %parallel_loop3A_446 : i32 to index
        %parallel_loop3A_599 = tpu.vector_load %arg8[%parallel_loop3A_596, %parallel_loop3A_597, %parallel_loop3A_598] {strides = array<i32>} : memref<2x40x1024xi32, #tpu.memory_space<vmem>>, vector<16xi32>,
        %parallel_loop3A_600 = vector.bitcast %parallel_loop3A_599 : vector<16xi32> to vector<32xbf16>
        %parallel_loop3A_601 = tpu.unpack_subelements %parallel_loop3A_600, 0 {pack_format = #tpu.pack_format<interleaved>} : vector<32xbf16> -> vector<16xf32>
        %parallel_loop3A_602 = tpu.unpack_subelements %parallel_loop3A_600, 1 {pack_format = #tpu.pack_format<interleaved>} : vector<32xbf16> -> vector<16xf32>
        %parallel_loop3A_603 = arith.mulf %broadcast_in_dim3A_317, %parallel_loop3A_601 : vector<16xf32>
        %parallel_loop3A_604 = arith.addf %parallel_loop3A_592, %parallel_loop3A_603 : vector<16xf32>
        %parallel_loop3A_605 = arith.mulf %broadcast_in_dim3A_317, %parallel_loop3A_602 : vector<16xf32>
        %parallel_loop3A_606 = arith.addf %parallel_loop3A_593, %parallel_loop3A_605 : vector<16xf32>
        %parallel_loop3A_607 = arith.constant 1 : i32
        %parallel_loop3A_608 = arith.constant 12 : i32
        %parallel_loop3A_609 = arith.index_cast %parallel_loop3A_607 : i32 to index
        %parallel_loop3A_610 = arith.index_cast %parallel_loop3A_608 : i32 to index
        %parallel_loop3A_611 = arith.index_cast %parallel_loop3A_446 : i32 to index
        %parallel_loop3A_612 = tpu.vector_load %arg8[%parallel_loop3A_609, %parallel_loop3A_610, %parallel_loop3A_611] {strides = array<i32>} : memref<2x40x1024xi32, #tpu.memory_space<vmem>>, vector<16xi32>,
        %parallel_loop3A_613 = vector.bitcast %parallel_loop3A_612 : vector<16xi32> to vector<32xbf16>
        %parallel_loop3A_614 = tpu.unpack_subelements %parallel_loop3A_613, 0 {pack_format = #tpu.pack_format<interleaved>} : vector<32xbf16> -> vector<16xf32>
        %parallel_loop3A_615 = tpu.unpack_subelements %parallel_loop3A_613, 1 {pack_format = #tpu.pack_format<interleaved>} : vector<32xbf16> -> vector<16xf32>
        %parallel_loop3A_616 = arith.mulf %broadcast_in_dim3A_320, %parallel_loop3A_614 : vector<16xf32>
        %parallel_loop3A_617 = arith.addf %parallel_loop3A_604, %parallel_loop3A_616 : vector<16xf32>
        %parallel_loop3A_618 = arith.mulf %broadcast_in_dim3A_320, %parallel_loop3A_615 : vector<16xf32>
        %parallel_loop3A_619 = arith.addf %parallel_loop3A_606, %parallel_loop3A_618 : vector<16xf32>
        %parallel_loop3A_620 = arith.constant 1 : i32
        %parallel_loop3A_621 = arith.constant 13 : i32
        %parallel_loop3A_622 = arith.index_cast %parallel_loop3A_620 : i32 to index
        %parallel_loop3A_623 = arith.index_cast %parallel_loop3A_621 : i32 to index
        %parallel_loop3A_624 = arith.index_cast %parallel_loop3A_446 : i32 to index
        %parallel_loop3A_625 = tpu.vector_load %arg8[%parallel_loop3A_622, %parallel_loop3A_623, %parallel_loop3A_624] {strides = array<i32>} : memref<2x40x1024xi32, #tpu.memory_space<vmem>>, vector<16xi32>,
        %parallel_loop3A_626 = vector.bitcast %parallel_loop3A_625 : vector<16xi32> to vector<32xbf16>
        %parallel_loop3A_627 = tpu.unpack_subelements %parallel_loop3A_626, 0 {pack_format = #tpu.pack_format<interleaved>} : vector<32xbf16> -> vector<16xf32>
        %parallel_loop3A_628 = tpu.unpack_subelements %parallel_loop3A_626, 1 {pack_format = #tpu.pack_format<interleaved>} : vector<32xbf16> -> vector<16xf32>
        %parallel_loop3A_629 = arith.mulf %broadcast_in_dim3A_323, %parallel_loop3A_627 : vector<16xf32>
        %parallel_loop3A_630 = arith.addf %parallel_loop3A_617, %parallel_loop3A_629 : vector<16xf32>
        %parallel_loop3A_631 = arith.mulf %broadcast_in_dim3A_323, %parallel_loop3A_628 : vector<16xf32>
        %parallel_loop3A_632 = arith.addf %parallel_loop3A_619, %parallel_loop3A_631 : vector<16xf32>
        %parallel_loop3A_633 = arith.constant 1 : i32
        %parallel_loop3A_634 = arith.constant 14 : i32
        %parallel_loop3A_635 = arith.index_cast %parallel_loop3A_633 : i32 to index
        %parallel_loop3A_636 = arith.index_cast %parallel_loop3A_634 : i32 to index
        %parallel_loop3A_637 = arith.index_cast %parallel_loop3A_446 : i32 to index
        %parallel_loop3A_638 = tpu.vector_load %arg8[%parallel_loop3A_635, %parallel_loop3A_636, %parallel_loop3A_637] {strides = array<i32>} : memref<2x40x1024xi32, #tpu.memory_space<vmem>>, vector<16xi32>,
        %parallel_loop3A_639 = vector.bitcast %parallel_loop3A_638 : vector<16xi32> to vector<32xbf16>
        %parallel_loop3A_640 = tpu.unpack_subelements %parallel_loop3A_639, 0 {pack_format = #tpu.pack_format<interleaved>} : vector<32xbf16> -> vector<16xf32>
        %parallel_loop3A_641 = tpu.unpack_subelements %parallel_loop3A_639, 1 {pack_format = #tpu.pack_format<interleaved>} : vector<32xbf16> -> vector<16xf32>
        %parallel_loop3A_642 = arith.mulf %broadcast_in_dim3A_326, %parallel_loop3A_640 : vector<16xf32>
        %parallel_loop3A_643 = arith.addf %parallel_loop3A_630, %parallel_loop3A_642 : vector<16xf32>
        %parallel_loop3A_644 = arith.mulf %broadcast_in_dim3A_326, %parallel_loop3A_641 : vector<16xf32>
        %parallel_loop3A_645 = arith.addf %parallel_loop3A_632, %parallel_loop3A_644 : vector<16xf32>
        %parallel_loop3A_646 = arith.constant 1 : i32
        %parallel_loop3A_647 = arith.constant 15 : i32
        %parallel_loop3A_648 = arith.index_cast %parallel_loop3A_646 : i32 to index
        %parallel_loop3A_649 = arith.index_cast %parallel_loop3A_647 : i32 to index
        %parallel_loop3A_650 = arith.index_cast %parallel_loop3A_446 : i32 to index
        %parallel_loop3A_651 = tpu.vector_load %arg8[%parallel_loop3A_648, %parallel_loop3A_649, %parallel_loop3A_650] {strides = array<i32>} : memref<2x40x1024xi32, #tpu.memory_space<vmem>>, vector<16xi32>,
        %parallel_loop3A_652 = vector.bitcast %parallel_loop3A_651 : vector<16xi32> to vector<32xbf16>
        %parallel_loop3A_653 = tpu.unpack_subelements %parallel_loop3A_652, 0 {pack_format = #tpu.pack_format<interleaved>} : vector<32xbf16> -> vector<16xf32>
        %parallel_loop3A_654 = tpu.unpack_subelements %parallel_loop3A_652, 1 {pack_format = #tpu.pack_format<interleaved>} : vector<32xbf16> -> vector<16xf32>
        %parallel_loop3A_655 = arith.mulf %broadcast_in_dim3A_329, %parallel_loop3A_653 : vector<16xf32>
        %parallel_loop3A_656 = arith.addf %parallel_loop3A_643, %parallel_loop3A_655 : vector<16xf32>
        %parallel_loop3A_657 = arith.mulf %broadcast_in_dim3A_329, %parallel_loop3A_654 : vector<16xf32>
        %parallel_loop3A_658 = arith.addf %parallel_loop3A_645, %parallel_loop3A_657 : vector<16xf32>
        %parallel_loop3A_659 = arith.constant 1 : i32
        %parallel_loop3A_660 = arith.constant 16 : i32
        %parallel_loop3A_661 = arith.index_cast %parallel_loop3A_659 : i32 to index
        %parallel_loop3A_662 = arith.index_cast %parallel_loop3A_660 : i32 to index
        %parallel_loop3A_663 = arith.index_cast %parallel_loop3A_446 : i32 to index
        %parallel_loop3A_664 = tpu.vector_load %arg8[%parallel_loop3A_661, %parallel_loop3A_662, %parallel_loop3A_663] {strides = array<i32>} : memref<2x40x1024xi32, #tpu.memory_space<vmem>>, vector<16xi32>,
        %parallel_loop3A_665 = vector.bitcast %parallel_loop3A_664 : vector<16xi32> to vector<32xbf16>
        %parallel_loop3A_666 = tpu.unpack_subelements %parallel_loop3A_665, 0 {pack_format = #tpu.pack_format<interleaved>} : vector<32xbf16> -> vector<16xf32>
        %parallel_loop3A_667 = tpu.unpack_subelements %parallel_loop3A_665, 1 {pack_format = #tpu.pack_format<interleaved>} : vector<32xbf16> -> vector<16xf32>
        %parallel_loop3A_668 = arith.mulf %broadcast_in_dim3A_332, %parallel_loop3A_666 : vector<16xf32>
        %parallel_loop3A_669 = arith.addf %parallel_loop3A_656, %parallel_loop3A_668 : vector<16xf32>
        %parallel_loop3A_670 = arith.mulf %broadcast_in_dim3A_332, %parallel_loop3A_667 : vector<16xf32>
        %parallel_loop3A_671 = arith.addf %parallel_loop3A_658, %parallel_loop3A_670 : vector<16xf32>
        %parallel_loop3A_672 = arith.constant 1 : i32
        %parallel_loop3A_673 = arith.constant 17 : i32
        %parallel_loop3A_674 = arith.index_cast %parallel_loop3A_672 : i32 to index
        %parallel_loop3A_675 = arith.index_cast %parallel_loop3A_673 : i32 to index
        %parallel_loop3A_676 = arith.index_cast %parallel_loop3A_446 : i32 to index
        %parallel_loop3A_677 = tpu.vector_load %arg8[%parallel_loop3A_674, %parallel_loop3A_675, %parallel_loop3A_676] {strides = array<i32>} : memref<2x40x1024xi32, #tpu.memory_space<vmem>>, vector<16xi32>,
        %parallel_loop3A_678 = vector.bitcast %parallel_loop3A_677 : vector<16xi32> to vector<32xbf16>
        %parallel_loop3A_679 = tpu.unpack_subelements %parallel_loop3A_678, 0 {pack_format = #tpu.pack_format<interleaved>} : vector<32xbf16> -> vector<16xf32>
        %parallel_loop3A_680 = tpu.unpack_subelements %parallel_loop3A_678, 1 {pack_format = #tpu.pack_format<interleaved>} : vector<32xbf16> -> vector<16xf32>
        %parallel_loop3A_681 = arith.mulf %broadcast_in_dim3A_335, %parallel_loop3A_679 : vector<16xf32>
        %parallel_loop3A_682 = arith.addf %parallel_loop3A_669, %parallel_loop3A_681 : vector<16xf32>
        %parallel_loop3A_683 = arith.mulf %broadcast_in_dim3A_335, %parallel_loop3A_680 : vector<16xf32>
        %parallel_loop3A_684 = arith.addf %parallel_loop3A_671, %parallel_loop3A_683 : vector<16xf32>
        %parallel_loop3A_685 = arith.constant 1 : i32
        %parallel_loop3A_686 = arith.constant 18 : i32
        %parallel_loop3A_687 = arith.index_cast %parallel_loop3A_685 : i32 to index
        %parallel_loop3A_688 = arith.index_cast %parallel_loop3A_686 : i32 to index
        %parallel_loop3A_689 = arith.index_cast %parallel_loop3A_446 : i32 to index
        %parallel_loop3A_690 = tpu.vector_load %arg8[%parallel_loop3A_687, %parallel_loop3A_688, %parallel_loop3A_689] {strides = array<i32>} : memref<2x40x1024xi32, #tpu.memory_space<vmem>>, vector<16xi32>,
        %parallel_loop3A_691 = vector.bitcast %parallel_loop3A_690 : vector<16xi32> to vector<32xbf16>
        %parallel_loop3A_692 = tpu.unpack_subelements %parallel_loop3A_691, 0 {pack_format = #tpu.pack_format<interleaved>} : vector<32xbf16> -> vector<16xf32>
        %parallel_loop3A_693 = tpu.unpack_subelements %parallel_loop3A_691, 1 {pack_format = #tpu.pack_format<interleaved>} : vector<32xbf16> -> vector<16xf32>
        %parallel_loop3A_694 = arith.mulf %broadcast_in_dim3A_338, %parallel_loop3A_692 : vector<16xf32>
        %parallel_loop3A_695 = arith.addf %parallel_loop3A_682, %parallel_loop3A_694 : vector<16xf32>
        %parallel_loop3A_696 = arith.mulf %broadcast_in_dim3A_338, %parallel_loop3A_693 : vector<16xf32>
        %parallel_loop3A_697 = arith.addf %parallel_loop3A_684, %parallel_loop3A_696 : vector<16xf32>
        %parallel_loop3A_698 = arith.constant 1 : i32
        %parallel_loop3A_699 = arith.constant 19 : i32
        %parallel_loop3A_700 = arith.index_cast %parallel_loop3A_698 : i32 to index
        %parallel_loop3A_701 = arith.index_cast %parallel_loop3A_699 : i32 to index
        %parallel_loop3A_702 = arith.index_cast %parallel_loop3A_446 : i32 to index
        %parallel_loop3A_703 = tpu.vector_load %arg8[%parallel_loop3A_700, %parallel_loop3A_701, %parallel_loop3A_702] {strides = array<i32>} : memref<2x40x1024xi32, #tpu.memory_space<vmem>>, vector<16xi32>,
        %parallel_loop3A_704 = vector.bitcast %parallel_loop3A_703 : vector<16xi32> to vector<32xbf16>
        %parallel_loop3A_705 = tpu.unpack_subelements %parallel_loop3A_704, 0 {pack_format = #tpu.pack_format<interleaved>} : vector<32xbf16> -> vector<16xf32>
        %parallel_loop3A_706 = tpu.unpack_subelements %parallel_loop3A_704, 1 {pack_format = #tpu.pack_format<interleaved>} : vector<32xbf16> -> vector<16xf32>
        %parallel_loop3A_707 = arith.mulf %broadcast_in_dim3A_341, %parallel_loop3A_705 : vector<16xf32>
        %parallel_loop3A_708 = arith.addf %parallel_loop3A_695, %parallel_loop3A_707 : vector<16xf32>
        %parallel_loop3A_709 = arith.mulf %broadcast_in_dim3A_341, %parallel_loop3A_706 : vector<16xf32>
        %parallel_loop3A_710 = arith.addf %parallel_loop3A_697, %parallel_loop3A_709 : vector<16xf32>
        %parallel_loop3A_711 = tpu.pack_subelements %parallel_loop3A_708, %parallel_loop3A_710 {pack_format = #tpu.pack_format<interleaved>, positions = array<i32: 0, 1>} : vector<16xf32>, vector<16xf32> -> vector<32xbf16>
        %parallel_loop3A_712 = vector.bitcast %parallel_loop3A_711 : vector<32xbf16> to vector<16xi32>
        %parallel_loop3A_713 = arith.constant 1 : i32
        %parallel_loop3A_714 = arith.constant 1 : i32
        %parallel_loop3A_715 = arith.index_cast %parallel_loop3A_713 : i32 to index
        %parallel_loop3A_716 = arith.index_cast %parallel_loop3A_714 : i32 to index
        %parallel_loop3A_717 = arith.index_cast %parallel_loop3A_446 : i32 to index
        %parallel_loop3A_718 = tpu.vector_load %arg9[%parallel_loop3A_715, %parallel_loop3A_716, %parallel_loop3A_717] {strides = array<i32>} : memref<2x4x1024xi32, #tpu.memory_space<vmem>>, vector<16xi32>,
        tpu.vector_store %arg9[%parallel_loop3A_715, %parallel_loop3A_716, %parallel_loop3A_717], %parallel_loop3A_712 {strides = array<i32>} : memref<2x4x1024xi32, #tpu.memory_space<vmem>>, vector<16xi32>,
        %parallel_loop3A_719 = arith.constant 1 : i32
        %parallel_loop3A_720 = arith.constant 20 : i32
        %parallel_loop3A_721 = arith.index_cast %parallel_loop3A_719 : i32 to index
        %parallel_loop3A_722 = arith.index_cast %parallel_loop3A_720 : i32 to index
        %parallel_loop3A_723 = arith.index_cast %parallel_loop3A_446 : i32 to index
        %parallel_loop3A_724 = tpu.vector_load %arg8[%parallel_loop3A_721, %parallel_loop3A_722, %parallel_loop3A_723] {strides = array<i32>} : memref<2x40x1024xi32, #tpu.memory_space<vmem>>, vector<16xi32>,
        %parallel_loop3A_725 = vector.bitcast %parallel_loop3A_724 : vector<16xi32> to vector<32xbf16>
        %parallel_loop3A_726 = tpu.unpack_subelements %parallel_loop3A_725, 0 {pack_format = #tpu.pack_format<interleaved>} : vector<32xbf16> -> vector<16xf32>
        %parallel_loop3A_727 = tpu.unpack_subelements %parallel_loop3A_725, 1 {pack_format = #tpu.pack_format<interleaved>} : vector<32xbf16> -> vector<16xf32>
        %parallel_loop3A_728 = arith.mulf %broadcast_in_dim3A_352, %parallel_loop3A_726 : vector<16xf32>
        %parallel_loop3A_729 = arith.mulf %broadcast_in_dim3A_352, %parallel_loop3A_727 : vector<16xf32>
        %parallel_loop3A_730 = arith.constant 1 : i32
        %parallel_loop3A_731 = arith.constant 21 : i32
        %parallel_loop3A_732 = arith.index_cast %parallel_loop3A_730 : i32 to index
        %parallel_loop3A_733 = arith.index_cast %parallel_loop3A_731 : i32 to index
        %parallel_loop3A_734 = arith.index_cast %parallel_loop3A_446 : i32 to index
        %parallel_loop3A_735 = tpu.vector_load %arg8[%parallel_loop3A_732, %parallel_loop3A_733, %parallel_loop3A_734] {strides = array<i32>} : memref<2x40x1024xi32, #tpu.memory_space<vmem>>, vector<16xi32>,
        %parallel_loop3A_736 = vector.bitcast %parallel_loop3A_735 : vector<16xi32> to vector<32xbf16>
        %parallel_loop3A_737 = tpu.unpack_subelements %parallel_loop3A_736, 0 {pack_format = #tpu.pack_format<interleaved>} : vector<32xbf16> -> vector<16xf32>
        %parallel_loop3A_738 = tpu.unpack_subelements %parallel_loop3A_736, 1 {pack_format = #tpu.pack_format<interleaved>} : vector<32xbf16> -> vector<16xf32>
        %parallel_loop3A_739 = arith.mulf %broadcast_in_dim3A_355, %parallel_loop3A_737 : vector<16xf32>
        %parallel_loop3A_740 = arith.addf %parallel_loop3A_728, %parallel_loop3A_739 : vector<16xf32>
        %parallel_loop3A_741 = arith.mulf %broadcast_in_dim3A_355, %parallel_loop3A_738 : vector<16xf32>
        %parallel_loop3A_742 = arith.addf %parallel_loop3A_729, %parallel_loop3A_741 : vector<16xf32>
        %parallel_loop3A_743 = arith.constant 1 : i32
        %parallel_loop3A_744 = arith.constant 22 : i32
        %parallel_loop3A_745 = arith.index_cast %parallel_loop3A_743 : i32 to index
        %parallel_loop3A_746 = arith.index_cast %parallel_loop3A_744 : i32 to index
        %parallel_loop3A_747 = arith.index_cast %parallel_loop3A_446 : i32 to index
        %parallel_loop3A_748 = tpu.vector_load %arg8[%parallel_loop3A_745, %parallel_loop3A_746, %parallel_loop3A_747] {strides = array<i32>} : memref<2x40x1024xi32, #tpu.memory_space<vmem>>, vector<16xi32>,
        %parallel_loop3A_749 = vector.bitcast %parallel_loop3A_748 : vector<16xi32> to vector<32xbf16>
        %parallel_loop3A_750 = tpu.unpack_subelements %parallel_loop3A_749, 0 {pack_format = #tpu.pack_format<interleaved>} : vector<32xbf16> -> vector<16xf32>
        %parallel_loop3A_751 = tpu.unpack_subelements %parallel_loop3A_749, 1 {pack_format = #tpu.pack_format<interleaved>} : vector<32xbf16> -> vector<16xf32>
        %parallel_loop3A_752 = arith.mulf %broadcast_in_dim3A_358, %parallel_loop3A_750 : vector<16xf32>
        %parallel_loop3A_753 = arith.addf %parallel_loop3A_740, %parallel_loop3A_752 : vector<16xf32>
        %parallel_loop3A_754 = arith.mulf %broadcast_in_dim3A_358, %parallel_loop3A_751 : vector<16xf32>
        %parallel_loop3A_755 = arith.addf %parallel_loop3A_742, %parallel_loop3A_754 : vector<16xf32>
        %parallel_loop3A_756 = arith.constant 1 : i32
        %parallel_loop3A_757 = arith.constant 23 : i32
        %parallel_loop3A_758 = arith.index_cast %parallel_loop3A_756 : i32 to index
        %parallel_loop3A_759 = arith.index_cast %parallel_loop3A_757 : i32 to index
        %parallel_loop3A_760 = arith.index_cast %parallel_loop3A_446 : i32 to index
        %parallel_loop3A_761 = tpu.vector_load %arg8[%parallel_loop3A_758, %parallel_loop3A_759, %parallel_loop3A_760] {strides = array<i32>} : memref<2x40x1024xi32, #tpu.memory_space<vmem>>, vector<16xi32>,
        %parallel_loop3A_762 = vector.bitcast %parallel_loop3A_761 : vector<16xi32> to vector<32xbf16>
        %parallel_loop3A_763 = tpu.unpack_subelements %parallel_loop3A_762, 0 {pack_format = #tpu.pack_format<interleaved>} : vector<32xbf16> -> vector<16xf32>
        %parallel_loop3A_764 = tpu.unpack_subelements %parallel_loop3A_762, 1 {pack_format = #tpu.pack_format<interleaved>} : vector<32xbf16> -> vector<16xf32>
        %parallel_loop3A_765 = arith.mulf %broadcast_in_dim3A_361, %parallel_loop3A_763 : vector<16xf32>
        %parallel_loop3A_766 = arith.addf %parallel_loop3A_753, %parallel_loop3A_765 : vector<16xf32>
        %parallel_loop3A_767 = arith.mulf %broadcast_in_dim3A_361, %parallel_loop3A_764 : vector<16xf32>
        %parallel_loop3A_768 = arith.addf %parallel_loop3A_755, %parallel_loop3A_767 : vector<16xf32>
        %parallel_loop3A_769 = arith.constant 1 : i32
        %parallel_loop3A_770 = arith.constant 24 : i32
        %parallel_loop3A_771 = arith.index_cast %parallel_loop3A_769 : i32 to index
        %parallel_loop3A_772 = arith.index_cast %parallel_loop3A_770 : i32 to index
        %parallel_loop3A_773 = arith.index_cast %parallel_loop3A_446 : i32 to index
        %parallel_loop3A_774 = tpu.vector_load %arg8[%parallel_loop3A_771, %parallel_loop3A_772, %parallel_loop3A_773] {strides = array<i32>} : memref<2x40x1024xi32, #tpu.memory_space<vmem>>, vector<16xi32>,
        %parallel_loop3A_775 = vector.bitcast %parallel_loop3A_774 : vector<16xi32> to vector<32xbf16>
        %parallel_loop3A_776 = tpu.unpack_subelements %parallel_loop3A_775, 0 {pack_format = #tpu.pack_format<interleaved>} : vector<32xbf16> -> vector<16xf32>
        %parallel_loop3A_777 = tpu.unpack_subelements %parallel_loop3A_775, 1 {pack_format = #tpu.pack_format<interleaved>} : vector<32xbf16> -> vector<16xf32>
        %parallel_loop3A_778 = arith.mulf %broadcast_in_dim3A_364, %parallel_loop3A_776 : vector<16xf32>
        %parallel_loop3A_779 = arith.addf %parallel_loop3A_766, %parallel_loop3A_778 : vector<16xf32>
        %parallel_loop3A_780 = arith.mulf %broadcast_in_dim3A_364, %parallel_loop3A_777 : vector<16xf32>
        %parallel_loop3A_781 = arith.addf %parallel_loop3A_768, %parallel_loop3A_780 : vector<16xf32>
        %parallel_loop3A_782 = arith.constant 1 : i32
        %parallel_loop3A_783 = arith.constant 25 : i32
        %parallel_loop3A_784 = arith.index_cast %parallel_loop3A_782 : i32 to index
        %parallel_loop3A_785 = arith.index_cast %parallel_loop3A_783 : i32 to index
        %parallel_loop3A_786 = arith.index_cast %parallel_loop3A_446 : i32 to index
        %parallel_loop3A_787 = tpu.vector_load %arg8[%parallel_loop3A_784, %parallel_loop3A_785, %parallel_loop3A_786] {strides = array<i32>} : memref<2x40x1024xi32, #tpu.memory_space<vmem>>, vector<16xi32>,
        %parallel_loop3A_788 = vector.bitcast %parallel_loop3A_787 : vector<16xi32> to vector<32xbf16>
        %parallel_loop3A_789 = tpu.unpack_subelements %parallel_loop3A_788, 0 {pack_format = #tpu.pack_format<interleaved>} : vector<32xbf16> -> vector<16xf32>
        %parallel_loop3A_790 = tpu.unpack_subelements %parallel_loop3A_788, 1 {pack_format = #tpu.pack_format<interleaved>} : vector<32xbf16> -> vector<16xf32>
        %parallel_loop3A_791 = arith.mulf %broadcast_in_dim3A_367, %parallel_loop3A_789 : vector<16xf32>
        %parallel_loop3A_792 = arith.addf %parallel_loop3A_779, %parallel_loop3A_791 : vector<16xf32>
        %parallel_loop3A_793 = arith.mulf %broadcast_in_dim3A_367, %parallel_loop3A_790 : vector<16xf32>
        %parallel_loop3A_794 = arith.addf %parallel_loop3A_781, %parallel_loop3A_793 : vector<16xf32>
        %parallel_loop3A_795 = arith.constant 1 : i32
        %parallel_loop3A_796 = arith.constant 26 : i32
        %parallel_loop3A_797 = arith.index_cast %parallel_loop3A_795 : i32 to index
        %parallel_loop3A_798 = arith.index_cast %parallel_loop3A_796 : i32 to index
        %parallel_loop3A_799 = arith.index_cast %parallel_loop3A_446 : i32 to index
        %parallel_loop3A_800 = tpu.vector_load %arg8[%parallel_loop3A_797, %parallel_loop3A_798, %parallel_loop3A_799] {strides = array<i32>} : memref<2x40x1024xi32, #tpu.memory_space<vmem>>, vector<16xi32>,
        %parallel_loop3A_801 = vector.bitcast %parallel_loop3A_800 : vector<16xi32> to vector<32xbf16>
        %parallel_loop3A_802 = tpu.unpack_subelements %parallel_loop3A_801, 0 {pack_format = #tpu.pack_format<interleaved>} : vector<32xbf16> -> vector<16xf32>
        %parallel_loop3A_803 = tpu.unpack_subelements %parallel_loop3A_801, 1 {pack_format = #tpu.pack_format<interleaved>} : vector<32xbf16> -> vector<16xf32>
        %parallel_loop3A_804 = arith.mulf %broadcast_in_dim3A_370, %parallel_loop3A_802 : vector<16xf32>
        %parallel_loop3A_805 = arith.addf %parallel_loop3A_792, %parallel_loop3A_804 : vector<16xf32>
        %parallel_loop3A_806 = arith.mulf %broadcast_in_dim3A_370, %parallel_loop3A_803 : vector<16xf32>
        %parallel_loop3A_807 = arith.addf %parallel_loop3A_794, %parallel_loop3A_806 : vector<16xf32>
        %parallel_loop3A_808 = arith.constant 1 : i32
        %parallel_loop3A_809 = arith.constant 27 : i32
        %parallel_loop3A_810 = arith.index_cast %parallel_loop3A_808 : i32 to index
        %parallel_loop3A_811 = arith.index_cast %parallel_loop3A_809 : i32 to index
        %parallel_loop3A_812 = arith.index_cast %parallel_loop3A_446 : i32 to index
        %parallel_loop3A_813 = tpu.vector_load %arg8[%parallel_loop3A_810, %parallel_loop3A_811, %parallel_loop3A_812] {strides = array<i32>} : memref<2x40x1024xi32, #tpu.memory_space<vmem>>, vector<16xi32>,
        %parallel_loop3A_814 = vector.bitcast %parallel_loop3A_813 : vector<16xi32> to vector<32xbf16>
        %parallel_loop3A_815 = tpu.unpack_subelements %parallel_loop3A_814, 0 {pack_format = #tpu.pack_format<interleaved>} : vector<32xbf16> -> vector<16xf32>
        %parallel_loop3A_816 = tpu.unpack_subelements %parallel_loop3A_814, 1 {pack_format = #tpu.pack_format<interleaved>} : vector<32xbf16> -> vector<16xf32>
        %parallel_loop3A_817 = arith.mulf %broadcast_in_dim3A_373, %parallel_loop3A_815 : vector<16xf32>
        %parallel_loop3A_818 = arith.addf %parallel_loop3A_805, %parallel_loop3A_817 : vector<16xf32>
        %parallel_loop3A_819 = arith.mulf %broadcast_in_dim3A_373, %parallel_loop3A_816 : vector<16xf32>
        %parallel_loop3A_820 = arith.addf %parallel_loop3A_807, %parallel_loop3A_819 : vector<16xf32>
        %parallel_loop3A_821 = arith.constant 1 : i32
        %parallel_loop3A_822 = arith.constant 28 : i32
        %parallel_loop3A_823 = arith.index_cast %parallel_loop3A_821 : i32 to index
        %parallel_loop3A_824 = arith.index_cast %parallel_loop3A_822 : i32 to index
        %parallel_loop3A_825 = arith.index_cast %parallel_loop3A_446 : i32 to index
        %parallel_loop3A_826 = tpu.vector_load %arg8[%parallel_loop3A_823, %parallel_loop3A_824, %parallel_loop3A_825] {strides = array<i32>} : memref<2x40x1024xi32, #tpu.memory_space<vmem>>, vector<16xi32>,
        %parallel_loop3A_827 = vector.bitcast %parallel_loop3A_826 : vector<16xi32> to vector<32xbf16>
        %parallel_loop3A_828 = tpu.unpack_subelements %parallel_loop3A_827, 0 {pack_format = #tpu.pack_format<interleaved>} : vector<32xbf16> -> vector<16xf32>
        %parallel_loop3A_829 = tpu.unpack_subelements %parallel_loop3A_827, 1 {pack_format = #tpu.pack_format<interleaved>} : vector<32xbf16> -> vector<16xf32>
        %parallel_loop3A_830 = arith.mulf %broadcast_in_dim3A_376, %parallel_loop3A_828 : vector<16xf32>
        %parallel_loop3A_831 = arith.addf %parallel_loop3A_818, %parallel_loop3A_830 : vector<16xf32>
        %parallel_loop3A_832 = arith.mulf %broadcast_in_dim3A_376, %parallel_loop3A_829 : vector<16xf32>
        %parallel_loop3A_833 = arith.addf %parallel_loop3A_820, %parallel_loop3A_832 : vector<16xf32>
        %parallel_loop3A_834 = arith.constant 1 : i32
        %parallel_loop3A_835 = arith.constant 29 : i32
        %parallel_loop3A_836 = arith.index_cast %parallel_loop3A_834 : i32 to index
        %parallel_loop3A_837 = arith.index_cast %parallel_loop3A_835 : i32 to index
        %parallel_loop3A_838 = arith.index_cast %parallel_loop3A_446 : i32 to index
        %parallel_loop3A_839 = tpu.vector_load %arg8[%parallel_loop3A_836, %parallel_loop3A_837, %parallel_loop3A_838] {strides = array<i32>} : memref<2x40x1024xi32, #tpu.memory_space<vmem>>, vector<16xi32>,
        %parallel_loop3A_840 = vector.bitcast %parallel_loop3A_839 : vector<16xi32> to vector<32xbf16>
        %parallel_loop3A_841 = tpu.unpack_subelements %parallel_loop3A_840, 0 {pack_format = #tpu.pack_format<interleaved>} : vector<32xbf16> -> vector<16xf32>
        %parallel_loop3A_842 = tpu.unpack_subelements %parallel_loop3A_840, 1 {pack_format = #tpu.pack_format<interleaved>} : vector<32xbf16> -> vector<16xf32>
        %parallel_loop3A_843 = arith.mulf %broadcast_in_dim3A_379, %parallel_loop3A_841 : vector<16xf32>
        %parallel_loop3A_844 = arith.addf %parallel_loop3A_831, %parallel_loop3A_843 : vector<16xf32>
        %parallel_loop3A_845 = arith.mulf %broadcast_in_dim3A_379, %parallel_loop3A_842 : vector<16xf32>
        %parallel_loop3A_846 = arith.addf %parallel_loop3A_833, %parallel_loop3A_845 : vector<16xf32>
        %parallel_loop3A_847 = tpu.pack_subelements %parallel_loop3A_844, %parallel_loop3A_846 {pack_format = #tpu.pack_format<interleaved>, positions = array<i32: 0, 1>} : vector<16xf32>, vector<16xf32> -> vector<32xbf16>
        %parallel_loop3A_848 = vector.bitcast %parallel_loop3A_847 : vector<32xbf16> to vector<16xi32>
        %parallel_loop3A_849 = arith.constant 1 : i32
        %parallel_loop3A_850 = arith.constant 2 : i32
        %parallel_loop3A_851 = arith.index_cast %parallel_loop3A_849 : i32 to index
        %parallel_loop3A_852 = arith.index_cast %parallel_loop3A_850 : i32 to index
        %parallel_loop3A_853 = arith.index_cast %parallel_loop3A_446 : i32 to index
        %parallel_loop3A_854 = tpu.vector_load %arg9[%parallel_loop3A_851, %parallel_loop3A_852, %parallel_loop3A_853] {strides = array<i32>} : memref<2x4x1024xi32, #tpu.memory_space<vmem>>, vector<16xi32>,
        tpu.vector_store %arg9[%parallel_loop3A_851, %parallel_loop3A_852, %parallel_loop3A_853], %parallel_loop3A_848 {strides = array<i32>} : memref<2x4x1024xi32, #tpu.memory_space<vmem>>, vector<16xi32>,
        %parallel_loop3A_855 = arith.constant 1 : i32
        %parallel_loop3A_856 = arith.constant 30 : i32
        %parallel_loop3A_857 = arith.index_cast %parallel_loop3A_855 : i32 to index
        %parallel_loop3A_858 = arith.index_cast %parallel_loop3A_856 : i32 to index
        %parallel_loop3A_859 = arith.index_cast %parallel_loop3A_446 : i32 to index
        %parallel_loop3A_860 = tpu.vector_load %arg8[%parallel_loop3A_857, %parallel_loop3A_858, %parallel_loop3A_859] {strides = array<i32>} : memref<2x40x1024xi32, #tpu.memory_space<vmem>>, vector<16xi32>,
        %parallel_loop3A_861 = vector.bitcast %parallel_loop3A_860 : vector<16xi32> to vector<32xbf16>
        %parallel_loop3A_862 = tpu.unpack_subelements %parallel_loop3A_861, 0 {pack_format = #tpu.pack_format<interleaved>} : vector<32xbf16> -> vector<16xf32>
        %parallel_loop3A_863 = tpu.unpack_subelements %parallel_loop3A_861, 1 {pack_format = #tpu.pack_format<interleaved>} : vector<32xbf16> -> vector<16xf32>
        %parallel_loop3A_864 = arith.mulf %broadcast_in_dim3A_390, %parallel_loop3A_862 : vector<16xf32>
        %parallel_loop3A_865 = arith.mulf %broadcast_in_dim3A_390, %parallel_loop3A_863 : vector<16xf32>
        %parallel_loop3A_866 = arith.constant 1 : i32
        %parallel_loop3A_867 = arith.constant 31 : i32
        %parallel_loop3A_868 = arith.index_cast %parallel_loop3A_866 : i32 to index
        %parallel_loop3A_869 = arith.index_cast %parallel_loop3A_867 : i32 to index
        %parallel_loop3A_870 = arith.index_cast %parallel_loop3A_446 : i32 to index
        %parallel_loop3A_871 = tpu.vector_load %arg8[%parallel_loop3A_868, %parallel_loop3A_869, %parallel_loop3A_870] {strides = array<i32>} : memref<2x40x1024xi32, #tpu.memory_space<vmem>>, vector<16xi32>,
        %parallel_loop3A_872 = vector.bitcast %parallel_loop3A_871 : vector<16xi32> to vector<32xbf16>
        %parallel_loop3A_873 = tpu.unpack_subelements %parallel_loop3A_872, 0 {pack_format = #tpu.pack_format<interleaved>} : vector<32xbf16> -> vector<16xf32>
        %parallel_loop3A_874 = tpu.unpack_subelements %parallel_loop3A_872, 1 {pack_format = #tpu.pack_format<interleaved>} : vector<32xbf16> -> vector<16xf32>
        %parallel_loop3A_875 = arith.mulf %broadcast_in_dim3A_393, %parallel_loop3A_873 : vector<16xf32>
        %parallel_loop3A_876 = arith.addf %parallel_loop3A_864, %parallel_loop3A_875 : vector<16xf32>
        %parallel_loop3A_877 = arith.mulf %broadcast_in_dim3A_393, %parallel_loop3A_874 : vector<16xf32>
        %parallel_loop3A_878 = arith.addf %parallel_loop3A_865, %parallel_loop3A_877 : vector<16xf32>
        %parallel_loop3A_879 = arith.constant 1 : i32
        %parallel_loop3A_880 = arith.constant 32 : i32
        %parallel_loop3A_881 = arith.index_cast %parallel_loop3A_879 : i32 to index
        %parallel_loop3A_882 = arith.index_cast %parallel_loop3A_880 : i32 to index
        %parallel_loop3A_883 = arith.index_cast %parallel_loop3A_446 : i32 to index
        %parallel_loop3A_884 = tpu.vector_load %arg8[%parallel_loop3A_881, %parallel_loop3A_882, %parallel_loop3A_883] {strides = array<i32>} : memref<2x40x1024xi32, #tpu.memory_space<vmem>>, vector<16xi32>,
        %parallel_loop3A_885 = vector.bitcast %parallel_loop3A_884 : vector<16xi32> to vector<32xbf16>
        %parallel_loop3A_886 = tpu.unpack_subelements %parallel_loop3A_885, 0 {pack_format = #tpu.pack_format<interleaved>} : vector<32xbf16> -> vector<16xf32>
        %parallel_loop3A_887 = tpu.unpack_subelements %parallel_loop3A_885, 1 {pack_format = #tpu.pack_format<interleaved>} : vector<32xbf16> -> vector<16xf32>
        %parallel_loop3A_888 = arith.mulf %broadcast_in_dim3A_396, %parallel_loop3A_886 : vector<16xf32>
        %parallel_loop3A_889 = arith.addf %parallel_loop3A_876, %parallel_loop3A_888 : vector<16xf32>
        %parallel_loop3A_890 = arith.mulf %broadcast_in_dim3A_396, %parallel_loop3A_887 : vector<16xf32>
        %parallel_loop3A_891 = arith.addf %parallel_loop3A_878, %parallel_loop3A_890 : vector<16xf32>
        %parallel_loop3A_892 = arith.constant 1 : i32
        %parallel_loop3A_893 = arith.constant 33 : i32
        %parallel_loop3A_894 = arith.index_cast %parallel_loop3A_892 : i32 to index
        %parallel_loop3A_895 = arith.index_cast %parallel_loop3A_893 : i32 to index
        %parallel_loop3A_896 = arith.index_cast %parallel_loop3A_446 : i32 to index
        %parallel_loop3A_897 = tpu.vector_load %arg8[%parallel_loop3A_894, %parallel_loop3A_895, %parallel_loop3A_896] {strides = array<i32>} : memref<2x40x1024xi32, #tpu.memory_space<vmem>>, vector<16xi32>,
        %parallel_loop3A_898 = vector.bitcast %parallel_loop3A_897 : vector<16xi32> to vector<32xbf16>
        %parallel_loop3A_899 = tpu.unpack_subelements %parallel_loop3A_898, 0 {pack_format = #tpu.pack_format<interleaved>} : vector<32xbf16> -> vector<16xf32>
        %parallel_loop3A_900 = tpu.unpack_subelements %parallel_loop3A_898, 1 {pack_format = #tpu.pack_format<interleaved>} : vector<32xbf16> -> vector<16xf32>
        %parallel_loop3A_901 = arith.mulf %broadcast_in_dim3A_399, %parallel_loop3A_899 : vector<16xf32>
        %parallel_loop3A_902 = arith.addf %parallel_loop3A_889, %parallel_loop3A_901 : vector<16xf32>
        %parallel_loop3A_903 = arith.mulf %broadcast_in_dim3A_399, %parallel_loop3A_900 : vector<16xf32>
        %parallel_loop3A_904 = arith.addf %parallel_loop3A_891, %parallel_loop3A_903 : vector<16xf32>
        %parallel_loop3A_905 = arith.constant 1 : i32
        %parallel_loop3A_906 = arith.constant 34 : i32
        %parallel_loop3A_907 = arith.index_cast %parallel_loop3A_905 : i32 to index
        %parallel_loop3A_908 = arith.index_cast %parallel_loop3A_906 : i32 to index
        %parallel_loop3A_909 = arith.index_cast %parallel_loop3A_446 : i32 to index
        %parallel_loop3A_910 = tpu.vector_load %arg8[%parallel_loop3A_907, %parallel_loop3A_908, %parallel_loop3A_909] {strides = array<i32>} : memref<2x40x1024xi32, #tpu.memory_space<vmem>>, vector<16xi32>,
        %parallel_loop3A_911 = vector.bitcast %parallel_loop3A_910 : vector<16xi32> to vector<32xbf16>
        %parallel_loop3A_912 = tpu.unpack_subelements %parallel_loop3A_911, 0 {pack_format = #tpu.pack_format<interleaved>} : vector<32xbf16> -> vector<16xf32>
        %parallel_loop3A_913 = tpu.unpack_subelements %parallel_loop3A_911, 1 {pack_format = #tpu.pack_format<interleaved>} : vector<32xbf16> -> vector<16xf32>
        %parallel_loop3A_914 = arith.mulf %broadcast_in_dim3A_402, %parallel_loop3A_912 : vector<16xf32>
        %parallel_loop3A_915 = arith.addf %parallel_loop3A_902, %parallel_loop3A_914 : vector<16xf32>
        %parallel_loop3A_916 = arith.mulf %broadcast_in_dim3A_402, %parallel_loop3A_913 : vector<16xf32>
        %parallel_loop3A_917 = arith.addf %parallel_loop3A_904, %parallel_loop3A_916 : vector<16xf32>
        %parallel_loop3A_918 = arith.constant 1 : i32
        %parallel_loop3A_919 = arith.constant 35 : i32
        %parallel_loop3A_920 = arith.index_cast %parallel_loop3A_918 : i32 to index
        %parallel_loop3A_921 = arith.index_cast %parallel_loop3A_919 : i32 to index
        %parallel_loop3A_922 = arith.index_cast %parallel_loop3A_446 : i32 to index
        %parallel_loop3A_923 = tpu.vector_load %arg8[%parallel_loop3A_920, %parallel_loop3A_921, %parallel_loop3A_922] {strides = array<i32>} : memref<2x40x1024xi32, #tpu.memory_space<vmem>>, vector<16xi32>,
        %parallel_loop3A_924 = vector.bitcast %parallel_loop3A_923 : vector<16xi32> to vector<32xbf16>
        %parallel_loop3A_925 = tpu.unpack_subelements %parallel_loop3A_924, 0 {pack_format = #tpu.pack_format<interleaved>} : vector<32xbf16> -> vector<16xf32>
        %parallel_loop3A_926 = tpu.unpack_subelements %parallel_loop3A_924, 1 {pack_format = #tpu.pack_format<interleaved>} : vector<32xbf16> -> vector<16xf32>
        %parallel_loop3A_927 = arith.mulf %broadcast_in_dim3A_405, %parallel_loop3A_925 : vector<16xf32>
        %parallel_loop3A_928 = arith.addf %parallel_loop3A_915, %parallel_loop3A_927 : vector<16xf32>
        %parallel_loop3A_929 = arith.mulf %broadcast_in_dim3A_405, %parallel_loop3A_926 : vector<16xf32>
        %parallel_loop3A_930 = arith.addf %parallel_loop3A_917, %parallel_loop3A_929 : vector<16xf32>
        %parallel_loop3A_931 = arith.constant 1 : i32
        %parallel_loop3A_932 = arith.constant 36 : i32
        %parallel_loop3A_933 = arith.index_cast %parallel_loop3A_931 : i32 to index
        %parallel_loop3A_934 = arith.index_cast %parallel_loop3A_932 : i32 to index
        %parallel_loop3A_935 = arith.index_cast %parallel_loop3A_446 : i32 to index
        %parallel_loop3A_936 = tpu.vector_load %arg8[%parallel_loop3A_933, %parallel_loop3A_934, %parallel_loop3A_935] {strides = array<i32>} : memref<2x40x1024xi32, #tpu.memory_space<vmem>>, vector<16xi32>,
        %parallel_loop3A_937 = vector.bitcast %parallel_loop3A_936 : vector<16xi32> to vector<32xbf16>
        %parallel_loop3A_938 = tpu.unpack_subelements %parallel_loop3A_937, 0 {pack_format = #tpu.pack_format<interleaved>} : vector<32xbf16> -> vector<16xf32>
        %parallel_loop3A_939 = tpu.unpack_subelements %parallel_loop3A_937, 1 {pack_format = #tpu.pack_format<interleaved>} : vector<32xbf16> -> vector<16xf32>
        %parallel_loop3A_940 = arith.mulf %broadcast_in_dim3A_408, %parallel_loop3A_938 : vector<16xf32>
        %parallel_loop3A_941 = arith.addf %parallel_loop3A_928, %parallel_loop3A_940 : vector<16xf32>
        %parallel_loop3A_942 = arith.mulf %broadcast_in_dim3A_408, %parallel_loop3A_939 : vector<16xf32>
        %parallel_loop3A_943 = arith.addf %parallel_loop3A_930, %parallel_loop3A_942 : vector<16xf32>
        %parallel_loop3A_944 = arith.constant 1 : i32
        %parallel_loop3A_945 = arith.constant 37 : i32
        %parallel_loop3A_946 = arith.index_cast %parallel_loop3A_944 : i32 to index
        %parallel_loop3A_947 = arith.index_cast %parallel_loop3A_945 : i32 to index
        %parallel_loop3A_948 = arith.index_cast %parallel_loop3A_446 : i32 to index
        %parallel_loop3A_949 = tpu.vector_load %arg8[%parallel_loop3A_946, %parallel_loop3A_947, %parallel_loop3A_948] {strides = array<i32>} : memref<2x40x1024xi32, #tpu.memory_space<vmem>>, vector<16xi32>,
        %parallel_loop3A_950 = vector.bitcast %parallel_loop3A_949 : vector<16xi32> to vector<32xbf16>
        %parallel_loop3A_951 = tpu.unpack_subelements %parallel_loop3A_950, 0 {pack_format = #tpu.pack_format<interleaved>} : vector<32xbf16> -> vector<16xf32>
        %parallel_loop3A_952 = tpu.unpack_subelements %parallel_loop3A_950, 1 {pack_format = #tpu.pack_format<interleaved>} : vector<32xbf16> -> vector<16xf32>
        %parallel_loop3A_953 = arith.mulf %broadcast_in_dim3A_411, %parallel_loop3A_951 : vector<16xf32>
        %parallel_loop3A_954 = arith.addf %parallel_loop3A_941, %parallel_loop3A_953 : vector<16xf32>
        %parallel_loop3A_955 = arith.mulf %broadcast_in_dim3A_411, %parallel_loop3A_952 : vector<16xf32>
        %parallel_loop3A_956 = arith.addf %parallel_loop3A_943, %parallel_loop3A_955 : vector<16xf32>
        %parallel_loop3A_957 = arith.constant 1 : i32
        %parallel_loop3A_958 = arith.constant 38 : i32
        %parallel_loop3A_959 = arith.index_cast %parallel_loop3A_957 : i32 to index
        %parallel_loop3A_960 = arith.index_cast %parallel_loop3A_958 : i32 to index
        %parallel_loop3A_961 = arith.index_cast %parallel_loop3A_446 : i32 to index
        %parallel_loop3A_962 = tpu.vector_load %arg8[%parallel_loop3A_959, %parallel_loop3A_960, %parallel_loop3A_961] {strides = array<i32>} : memref<2x40x1024xi32, #tpu.memory_space<vmem>>, vector<16xi32>,
        %parallel_loop3A_963 = vector.bitcast %parallel_loop3A_962 : vector<16xi32> to vector<32xbf16>
        %parallel_loop3A_964 = tpu.unpack_subelements %parallel_loop3A_963, 0 {pack_format = #tpu.pack_format<interleaved>} : vector<32xbf16> -> vector<16xf32>
        %parallel_loop3A_965 = tpu.unpack_subelements %parallel_loop3A_963, 1 {pack_format = #tpu.pack_format<interleaved>} : vector<32xbf16> -> vector<16xf32>
        %parallel_loop3A_966 = arith.mulf %broadcast_in_dim3A_414, %parallel_loop3A_964 : vector<16xf32>
        %parallel_loop3A_967 = arith.addf %parallel_loop3A_954, %parallel_loop3A_966 : vector<16xf32>
        %parallel_loop3A_968 = arith.mulf %broadcast_in_dim3A_414, %parallel_loop3A_965 : vector<16xf32>
        %parallel_loop3A_969 = arith.addf %parallel_loop3A_956, %parallel_loop3A_968 : vector<16xf32>
        %parallel_loop3A_970 = arith.constant 1 : i32
        %parallel_loop3A_971 = arith.constant 39 : i32
        %parallel_loop3A_972 = arith.index_cast %parallel_loop3A_970 : i32 to index
        %parallel_loop3A_973 = arith.index_cast %parallel_loop3A_971 : i32 to index
        %parallel_loop3A_974 = arith.index_cast %parallel_loop3A_446 : i32 to index
        %parallel_loop3A_975 = tpu.vector_load %arg8[%parallel_loop3A_972, %parallel_loop3A_973, %parallel_loop3A_974] {strides = array<i32>} : memref<2x40x1024xi32, #tpu.memory_space<vmem>>, vector<16xi32>,
        %parallel_loop3A_976 = vector.bitcast %parallel_loop3A_975 : vector<16xi32> to vector<32xbf16>
        %parallel_loop3A_977 = tpu.unpack_subelements %parallel_loop3A_976, 0 {pack_format = #tpu.pack_format<interleaved>} : vector<32xbf16> -> vector<16xf32>
        %parallel_loop3A_978 = tpu.unpack_subelements %parallel_loop3A_976, 1 {pack_format = #tpu.pack_format<interleaved>} : vector<32xbf16> -> vector<16xf32>
        %parallel_loop3A_979 = arith.mulf %broadcast_in_dim3A_417, %parallel_loop3A_977 : vector<16xf32>
        %parallel_loop3A_980 = arith.addf %parallel_loop3A_967, %parallel_loop3A_979 : vector<16xf32>
        %parallel_loop3A_981 = arith.mulf %broadcast_in_dim3A_417, %parallel_loop3A_978 : vector<16xf32>
        %parallel_loop3A_982 = arith.addf %parallel_loop3A_969, %parallel_loop3A_981 : vector<16xf32>
        %parallel_loop3A_983 = tpu.pack_subelements %parallel_loop3A_980, %parallel_loop3A_982 {pack_format = #tpu.pack_format<interleaved>, positions = array<i32: 0, 1>} : vector<16xf32>, vector<16xf32> -> vector<32xbf16>
        %parallel_loop3A_984 = vector.bitcast %parallel_loop3A_983 : vector<32xbf16> to vector<16xi32>
        %parallel_loop3A_985 = arith.constant 1 : i32
        %parallel_loop3A_986 = arith.constant 3 : i32
        %parallel_loop3A_987 = arith.index_cast %parallel_loop3A_985 : i32 to index
        %parallel_loop3A_988 = arith.index_cast %parallel_loop3A_986 : i32 to index
        %parallel_loop3A_989 = arith.index_cast %parallel_loop3A_446 : i32 to index
        %parallel_loop3A_990 = tpu.vector_load %arg9[%parallel_loop3A_987, %parallel_loop3A_988, %parallel_loop3A_989] {strides = array<i32>} : memref<2x4x1024xi32, #tpu.memory_space<vmem>>, vector<16xi32>,
        tpu.vector_store %arg9[%parallel_loop3A_987, %parallel_loop3A_988, %parallel_loop3A_989], %parallel_loop3A_984 {strides = array<i32>} : memref<2x4x1024xi32, #tpu.memory_space<vmem>>, vector<16xi32>,
      } {sc.loop_unroll_factor = 2 : i64, sc.parallel_access}
      %mul3A_421 = arith.constant 4 : i32
      %mul3A_422 = arith.muli %add3A_249, %mul3A_421 : i32
      %add3A_423 = arith.addi %mul3A_2, %mul3A_422 : i32
      %dma_start3A_424 = arith.constant 1 : i32
      %dma_start3A_425 = arith.constant 0 : i32
      %dma_start3A_426 = arith.constant 0 : i32
      %dma_start3A_427 = tpu.memref_slice %arg9[%dma_start3A_424, %dma_start3A_425, %dma_start3A_426] : memref<2x4x1024xi32, #tpu.memory_space<vmem>> -> memref<1x4x1024xi32, #tpu.memory_space<vmem>>
      %dma_start3A_428 = tpu.memref_squeeze %dma_start3A_427 : memref<1x4x1024xi32, #tpu.memory_space<vmem>> -> memref<4x1024xi32, #tpu.memory_space<vmem>>
      %dma_start3A_429 = arith.constant 0 : i32
      %dma_start3A_430 = tpu.memref_slice %arg5[%add3A_423, %dma_start3A_429] : memref<4096x1024xi32, #tpu.memory_space<hbm>> -> memref<4x1024xi32, #tpu.memory_space<hbm>>
      %dma_start3A_431 = arith.constant 0 : i32
      %dma_start3A_432 = tpu.memref_slice %arg5[%add3A_423, %dma_start3A_431] : memref<4096x1024xi32, #tpu.memory_space<hbm>> -> memref<4x1024xi32, #tpu.memory_space<hbm>>
      %dma_start3A_433 = arith.constant 0 : i32
      %dma_start3A_434 = arith.constant 0 : i32
      %dma_start3A_435 = tpu.memref_slice %arg9[%dma_start3A_424, %dma_start3A_433, %dma_start3A_434] : memref<2x4x1024xi32, #tpu.memory_space<vmem>> -> memref<1x4x1024xi32, #tpu.memory_space<vmem>>
      %dma_start3A_436 = tpu.memref_squeeze %dma_start3A_435 : memref<1x4x1024xi32, #tpu.memory_space<vmem>> -> memref<4x1024xi32, #tpu.memory_space<vmem>>
      tpu.enqueue_dma source(%dma_start3A_436 : memref<4x1024xi32, #tpu.memory_space<vmem>>) target(%dma_start3A_432 : memref<4x1024xi32, #tpu.memory_space<hbm>>) target_semaphore(%arg13 : memref<!tpu.dma_semaphore, #tpu.memory_space<semaphore_mem>>)
      %add3A_437 = arith.constant 2 : i32
      %add3A_438 = arith.addi %add3A_249, %add3A_437 : i32
      %lt3A_439 = arith.constant 32 : i32
      %lt3A_440 = arith.cmpi slt, %add3A_438, %lt3A_439 : i32
      %convert_element_type3A_441 = arith.extui %lt3A_440 : i1 to i32
      %cond3A_442 = arith.constant 0 : i32
      %cond3A_443 = arith.cmpi ne, %convert_element_type3A_441, %cond3A_442 : i32
      scf.if %cond3A_443 {
        %add3A_444 = arith.constant 2 : i32
        %add3A_445 = arith.addi %add3A_249, %add3A_444 : i32
        %mul3A_446 = arith.constant 40 : i32
        %mul3A_447 = arith.muli %add3A_445, %mul3A_446 : i32
        %dma_start3A_448 = arith.constant 1 : i32
        %dma_start3A_449 = arith.constant 0 : i32
        %dma_start3A_450 = arith.constant 0 : i32
        %dma_start3A_451 = tpu.memref_slice %arg8[%dma_start3A_448, %dma_start3A_449, %dma_start3A_450] : memref<2x40x1024xi32, #tpu.memory_space<vmem>> -> memref<1x40x1024xi32, #tpu.memory_space<vmem>>
        %dma_start3A_452 = tpu.memref_squeeze %dma_start3A_451 : memref<1x40x1024xi32, #tpu.memory_space<vmem>> -> memref<40x1024xi32, #tpu.memory_space<vmem>>
        %dma_start3A_453 = tpu.memref_slice %arg6[%mul3A_447] : memref<1280xi32, #tpu.memory_space<vmem>> -> memref<40xi32, #tpu.memory_space<vmem>>
        %dma_start3A_454 = arith.constant 0 : i32
        %dma_start3A_455 = arith.constant 0 : i32
        %dma_start3A_456 = tpu.memref_slice %arg2[%dma_start3A_454, %dma_start3A_455] : memref<4096x1024xi32, #tpu.memory_space<hbm>> -> memref<4096x1024xi32, #tpu.memory_space<hbm>>
        tpu.enqueue_indirect_dma source(%dma_start3A_456 : memref<4096x1024xi32, #tpu.memory_space<hbm>>) target(%dma_start3A_452 : memref<40x1024xi32, #tpu.memory_space<vmem>>) offsets(%dma_start3A_453 : memref<40xi32, #tpu.memory_space<vmem>>) semaphore(%arg11 : memref<!tpu.dma_semaphore, #tpu.memory_space<semaphore_mem>>)
      } else {
      }
    }
    %scan3A_30 = arith.constant 16 : i32
    %add3A_31 = arith.constant 120 : i32
    %add3A_32 = arith.addi %mul3A_2, %add3A_31 : i32
    %dma_wait3A = arith.constant 0 : i32
    %dma_wait3A_33 = arith.constant 0 : i32
    %dma_wait3A_34 = arith.constant 0 : i32
    %dma_wait3A_35 = tpu.memref_slice %arg9[%dma_wait3A, %dma_wait3A_33, %dma_wait3A_34] : memref<2x4x1024xi32, #tpu.memory_space<vmem>> -> memref<1x4x1024xi32, #tpu.memory_space<vmem>>
    %dma_wait3A_36 = tpu.memref_squeeze %dma_wait3A_35 : memref<1x4x1024xi32, #tpu.memory_space<vmem>> -> memref<4x1024xi32, #tpu.memory_space<vmem>>
    %dma_wait3A_37 = arith.constant 0 : i32
    %dma_wait3A_38 = tpu.memref_slice %arg5[%add3A_32, %dma_wait3A_37] : memref<4096x1024xi32, #tpu.memory_space<hbm>> -> memref<4x1024xi32, #tpu.memory_space<hbm>>
    %dma_wait3A_39 = arith.constant 0 : i32
    %dma_wait3A_40 = tpu.memref_slice %arg5[%add3A_32, %dma_wait3A_39] : memref<4096x1024xi32, #tpu.memory_space<hbm>> -> memref<4x1024xi32, #tpu.memory_space<hbm>>
    %dma_wait3A_41 = arith.constant 0 : i32
    %dma_wait3A_42 = arith.constant 0 : i32
    %dma_wait3A_43 = tpu.memref_slice %arg9[%dma_wait3A, %dma_wait3A_41, %dma_wait3A_42] : memref<2x4x1024xi32, #tpu.memory_space<vmem>> -> memref<1x4x1024xi32, #tpu.memory_space<vmem>>
    %dma_wait3A_44 = tpu.memref_squeeze %dma_wait3A_43 : memref<1x4x1024xi32, #tpu.memory_space<vmem>> -> memref<4x1024xi32, #tpu.memory_space<vmem>>
    tpu.wait_dma2 semaphore(%arg12 : memref<!tpu.dma_semaphore, #tpu.memory_space<semaphore_mem>>) src(%dma_wait3A_44 : memref<4x1024xi32, #tpu.memory_space<vmem>>) dst(%dma_wait3A_40 : memref<4x1024xi32, #tpu.memory_space<hbm>>)
    %add3A_45 = arith.constant 124 : i32
    %add3A_46 = arith.addi %mul3A_2, %add3A_45 : i32
    %dma_wait3A_47 = arith.constant 1 : i32
    %dma_wait3A_48 = arith.constant 0 : i32
    %dma_wait3A_49 = arith.constant 0 : i32
    %dma_wait3A_50 = tpu.memref_slice %arg9[%dma_wait3A_47, %dma_wait3A_48, %dma_wait3A_49] : memref<2x4x1024xi32, #tpu.memory_space<vmem>> -> memref<1x4x1024xi32, #tpu.memory_space<vmem>>
    %dma_wait3A_51 = tpu.memref_squeeze %dma_wait3A_50 : memref<1x4x1024xi32, #tpu.memory_space<vmem>> -> memref<4x1024xi32, #tpu.memory_space<vmem>>
    %dma_wait3A_52 = arith.constant 0 : i32
    %dma_wait3A_53 = tpu.memref_slice %arg5[%add3A_46, %dma_wait3A_52] : memref<4096x1024xi32, #tpu.memory_space<hbm>> -> memref<4x1024xi32, #tpu.memory_space<hbm>>
    %dma_wait3A_54 = arith.constant 0 : i32
    %dma_wait3A_55 = tpu.memref_slice %arg5[%add3A_46, %dma_wait3A_54] : memref<4096x1024xi32, #tpu.memory_space<hbm>> -> memref<4x1024xi32, #tpu.memory_space<hbm>>
    %dma_wait3A_56 = arith.constant 0 : i32
    %dma_wait3A_57 = arith.constant 0 : i32
    %dma_wait3A_58 = tpu.memref_slice %arg9[%dma_wait3A_47, %dma_wait3A_56, %dma_wait3A_57] : memref<2x4x1024xi32, #tpu.memory_space<vmem>> -> memref<1x4x1024xi32, #tpu.memory_space<vmem>>
    %dma_wait3A_59 = tpu.memref_squeeze %dma_wait3A_58 : memref<1x4x1024xi32, #tpu.memory_space<vmem>> -> memref<4x1024xi32, #tpu.memory_space<vmem>>
    tpu.wait_dma2 semaphore(%arg13 : memref<!tpu.dma_semaphore, #tpu.memory_space<semaphore_mem>>) src(%dma_wait3A_59 : memref<4x1024xi32, #tpu.memory_space<vmem>>) dst(%dma_wait3A_55 : memref<4x1024xi32, #tpu.memory_space<hbm>>)
    return
  }
}

module attributes {stable_mosaic.version = 14 : i64} {
  func.func @_tp_body(%arg0: i32, %arg1: i32, %arg2: memref<512x512xf32, #tpu.memory_space<vmem>>, %arg3: memref<512x512xf32, #tpu.memory_space<vmem>>, %arg4: memref<512x512xi32, #tpu.memory_space<vmem>>, %arg5: memref<512x512xbf16, #tpu.memory_space<vmem>>, %arg6: memref<512x512xbf16, #tpu.memory_space<vmem>>) attributes {dimension_semantics = [#tpu.dimension_semantics<arbitrary>, #tpu.dimension_semantics<arbitrary>], iteration_bounds = array<i64: 8, 2>, scalar_prefetch = 0 : i64, scratch_operands = 0 : i64, tpu.core_type = #tpu.core_type<tc>, window_params = [{transform_indices = @transform_0, window_bounds = array<i64: 512, 512>}, {transform_indices = @transform_1, window_bounds = array<i64: 512, 512>}, {transform_indices = @transform_2, window_bounds = array<i64: 512, 512>}, {transform_indices = @transform_3, window_bounds = array<i64: 512, 512>}, {transform_indices = @transform_4, window_bounds = array<i64: 512, 512>}]} {
    %get3A = arith.constant 0 : index
    %get3A_0 = arith.constant 0 : index
    %get3A_1 = vector.load %arg2[%get3A, %get3A_0] : memref<512x512xf32, #tpu.memory_space<vmem>>, vector<512x512xf32>
    %convert_element_type3A = arith.truncf %get3A_1 : vector<512x512xf32> to vector<512x512xbf16>
    %get3A_2 = arith.constant 0 : index
    %get3A_3 = arith.constant 0 : index
    %get3A_4 = vector.load %arg3[%get3A_2, %get3A_3] : memref<512x512xf32, #tpu.memory_space<vmem>>, vector<512x512xf32>
    %convert_element_type3A_5 = arith.truncf %get3A_4 : vector<512x512xf32> to vector<512x512xbf16>
    %swap3A = arith.constant 0 : index
    %swap3A_6 = arith.constant 0 : index
    %swap3A_7 = vector.load %arg5[%swap3A, %swap3A_6] : memref<512x512xbf16, #tpu.memory_space<vmem>>, vector<512x512xbf16>
    tpu.vector_store %arg5[%swap3A, %swap3A_6], %convert_element_type3A {strides = array<i32>} : memref<512x512xbf16, #tpu.memory_space<vmem>>, vector<512x512xbf16>,
    %swap3A_8 = arith.constant 0 : index
    %swap3A_9 = arith.constant 0 : index
    %swap3A_10 = vector.load %arg6[%swap3A_8, %swap3A_9] : memref<512x512xbf16, #tpu.memory_space<vmem>>, vector<512x512xbf16>
    tpu.vector_store %arg6[%swap3A_8, %swap3A_9], %convert_element_type3A_5 {strides = array<i32>} : memref<512x512xbf16, #tpu.memory_space<vmem>>, vector<512x512xbf16>,
    %bitcast_convert_type3A = tpu.bitcast %convert_element_type3A : vector<512x512xbf16> -> vector<512x512xi16>
    %convert_element_type3A_11 = arith.extsi %bitcast_convert_type3A : vector<512x512xi16> to vector<512x512xi32>
    %bitcast_convert_type3A_12 = tpu.bitcast %convert_element_type3A_5 : vector<512x512xbf16> -> vector<512x512xi16>
    %convert_element_type3A_13 = arith.extsi %bitcast_convert_type3A_12 : vector<512x512xi16> to vector<512x512xi32>
    %shift_left3A = arith.constant 16 : i32
    %shift_left3A_14 = vector.broadcast %shift_left3A : i32 to vector<512x512xi32>
    %shift_left3A_15 = arith.shli %convert_element_type3A_13, %shift_left3A_14 : vector<512x512xi32>
    %and3A = arith.constant 65535 : i32
    %and3A_16 = vector.broadcast %and3A : i32 to vector<512x512xi32>
    %and3A_17 = arith.andi %convert_element_type3A_11, %and3A_16 : vector<512x512xi32>
    %or3A = arith.ori %shift_left3A_15, %and3A_17 : vector<512x512xi32>
    %transpose3A = tpu.transpose %or3A, [1, 0] : vector<512x512xi32> -> vector<512x512xi32>
    %swap3A_18 = arith.constant 0 : index
    %swap3A_19 = arith.constant 0 : index
    %swap3A_20 = vector.load %arg4[%swap3A_18, %swap3A_19] : memref<512x512xi32, #tpu.memory_space<vmem>>, vector<512x512xi32>
    tpu.vector_store %arg4[%swap3A_18, %swap3A_19], %transpose3A {strides = array<i32>} : memref<512x512xi32, #tpu.memory_space<vmem>>, vector<512x512xi32>,
    return
  }
  func.func @transform_0(%arg0: i32, %arg1: i32) -> (i32, i32) {
    %c0_i32 = arith.constant 0 : i32
    return %arg1, %arg0 : i32, i32
  }
  func.func @transform_1(%arg0: i32, %arg1: i32) -> (i32, i32) {
    %add3A = arith.constant 2 : i32
    %add3A_0 = arith.addi %arg1, %add3A : i32
    %c0_i32 = arith.constant 0 : i32
    return %add3A_0, %arg0 : i32, i32
  }
  func.func @transform_2(%arg0: i32, %arg1: i32) -> (i32, i32) {
    %c0_i32 = arith.constant 0 : i32
    return %arg0, %arg1 : i32, i32
  }
  func.func @transform_3(%arg0: i32, %arg1: i32) -> (i32, i32) {
    %c0_i32 = arith.constant 0 : i32
    return %arg1, %arg0 : i32, i32
  }
  func.func @transform_4(%arg0: i32, %arg1: i32) -> (i32, i32) {
    %c0_i32 = arith.constant 0 : i32
    return %arg1, %arg0 : i32, i32
  }
}

module attributes {stable_mosaic.version = 14 : i64} {
  func.func @_tc_body(%arg0: i32, %arg1: memref<256x4096xi32, #tpu.memory_space<vmem>>, %arg2: memref<256x4096xi32, #tpu.memory_space<vmem>>, %arg3: memref<256x8xf32, #tpu.memory_space<vmem>>, %arg4: memref<256x8xf32, #tpu.memory_space<vmem>>, %arg5: memref<1024x4096xbf16, #tpu.memory_space<vmem>>, %arg6: memref<1024x4096xbf16, #tpu.memory_space<vmem>>, %arg7: memref<256x1024xi32, #tpu.memory_space<vmem>>, %arg8: memref<2048x256xf32, #tpu.memory_space<vmem>>, %arg9: memref<256x4096xbf16, #tpu.memory_space<vmem>>, %arg10: memref<256x4096xbf16, #tpu.memory_space<vmem>>) attributes {dimension_semantics = [#tpu.dimension_semantics<arbitrary>], iteration_bounds = array<i64: 16>, scalar_prefetch = 0 : i64, scratch_operands = 2 : i64, tpu.core_type = #tpu.core_type<tc>, window_params = [{transform_indices = @transform_0, window_bounds = array<i64: 256, 4096>}, {transform_indices = @transform_1, window_bounds = array<i64: 256, 4096>}, {transform_indices = @transform_2, window_bounds = array<i64: 256, 8>}, {transform_indices = @transform_3, window_bounds = array<i64: 256, 8>}, {pipeline_mode = #tpu.pipeline_mode<synchronous>, transform_indices = @transform_4, window_bounds = array<i64: 1024, 4096>}, {pipeline_mode = #tpu.pipeline_mode<synchronous>, transform_indices = @transform_5, window_bounds = array<i64: 1024, 4096>}, {transform_indices = @transform_6, window_bounds = array<i64: 256, 1024>}, {transform_indices = @transform_7, window_bounds = array<i64: 2048, 256>}]} {
    %eq3A = arith.constant 0 : i32
    %eq3A_0 = arith.cmpi eq, %arg0, %eq3A : i32
    %convert_element_type3A = arith.extui %eq3A_0 : i1 to i32
    %cond3A = arith.constant 0 : i32
    %cond3A_1 = arith.cmpi ne, %convert_element_type3A, %cond3A : i32
    scf.if %cond3A_1 {
      %get3A = arith.constant 0 : index
      %get3A_37 = arith.constant 0 : index
      %get3A_38 = vector.load %arg1[%get3A, %get3A_37] : memref<256x4096xi32, #tpu.memory_space<vmem>>, vector<256x4096xi32>
      %get3A_39 = arith.constant 0 : index
      %get3A_40 = arith.constant 0 : index
      %get3A_41 = vector.load %arg3[%get3A_39, %get3A_40] : memref<256x8xf32, #tpu.memory_space<vmem>>, vector<256x8xf32>
      %eq3A_42 = arith.constant 1 : i32
      %eq3A_43 = vector.broadcast %eq3A_42 : i32 to vector<256x4096xi32>
      %eq3A_44 = arith.cmpi eq, %get3A_38, %eq3A_43 : vector<256x4096xi32>
      %slice3A = vector.extract_strided_slice %get3A_41 {offsets = [0, 1], sizes = [256, 1], strides = [1, 1]} : vector<256x8xf32> to vector<256x1xf32>
      %slice3A_45 = vector.extract_strided_slice %get3A_41 {offsets = [0, 0], sizes = [256, 1], strides = [1, 1]} : vector<256x8xf32> to vector<256x1xf32>
      %broadcast_in_dim3A = vector.shape_cast %slice3A : vector<256x1xf32> to vector<256x1xf32>
      %broadcast_in_dim3A_46 = vector.broadcast %broadcast_in_dim3A : vector<256x1xf32> to vector<256x4096xf32>
      %broadcast_in_dim3A_47 = vector.shape_cast %slice3A_45 : vector<256x1xf32> to vector<256x1xf32>
      %broadcast_in_dim3A_48 = vector.broadcast %broadcast_in_dim3A_47 : vector<256x1xf32> to vector<256x4096xf32>
      %select_n3A_49 = arith.select %eq3A_44, %broadcast_in_dim3A_46, %broadcast_in_dim3A_48 : vector<256x4096xi1>, vector<256x4096xf32>
      %eq3A_50 = arith.constant 2 : i32
      %eq3A_51 = vector.broadcast %eq3A_50 : i32 to vector<256x4096xi32>
      %eq3A_52 = arith.cmpi eq, %get3A_38, %eq3A_51 : vector<256x4096xi32>
      %slice3A_53 = vector.extract_strided_slice %get3A_41 {offsets = [0, 2], sizes = [256, 1], strides = [1, 1]} : vector<256x8xf32> to vector<256x1xf32>
      %broadcast_in_dim3A_54 = vector.shape_cast %slice3A_53 : vector<256x1xf32> to vector<256x1xf32>
      %broadcast_in_dim3A_55 = vector.broadcast %broadcast_in_dim3A_54 : vector<256x1xf32> to vector<256x4096xf32>
      %select_n3A_56 = arith.select %eq3A_52, %broadcast_in_dim3A_55, %select_n3A_49 : vector<256x4096xi1>, vector<256x4096xf32>
      %eq3A_57 = arith.constant 3 : i32
      %eq3A_58 = vector.broadcast %eq3A_57 : i32 to vector<256x4096xi32>
      %eq3A_59 = arith.cmpi eq, %get3A_38, %eq3A_58 : vector<256x4096xi32>
      %slice3A_60 = vector.extract_strided_slice %get3A_41 {offsets = [0, 3], sizes = [256, 1], strides = [1, 1]} : vector<256x8xf32> to vector<256x1xf32>
      %broadcast_in_dim3A_61 = vector.shape_cast %slice3A_60 : vector<256x1xf32> to vector<256x1xf32>
      %broadcast_in_dim3A_62 = vector.broadcast %broadcast_in_dim3A_61 : vector<256x1xf32> to vector<256x4096xf32>
      %select_n3A_63 = arith.select %eq3A_59, %broadcast_in_dim3A_62, %select_n3A_56 : vector<256x4096xi1>, vector<256x4096xf32>
      %eq3A_64 = arith.constant 4 : i32
      %eq3A_65 = vector.broadcast %eq3A_64 : i32 to vector<256x4096xi32>
      %eq3A_66 = arith.cmpi eq, %get3A_38, %eq3A_65 : vector<256x4096xi32>
      %slice3A_67 = vector.extract_strided_slice %get3A_41 {offsets = [0, 4], sizes = [256, 1], strides = [1, 1]} : vector<256x8xf32> to vector<256x1xf32>
      %broadcast_in_dim3A_68 = vector.shape_cast %slice3A_67 : vector<256x1xf32> to vector<256x1xf32>
      %broadcast_in_dim3A_69 = vector.broadcast %broadcast_in_dim3A_68 : vector<256x1xf32> to vector<256x4096xf32>
      %select_n3A_70 = arith.select %eq3A_66, %broadcast_in_dim3A_69, %select_n3A_63 : vector<256x4096xi1>, vector<256x4096xf32>
      %eq3A_71 = arith.constant 5 : i32
      %eq3A_72 = vector.broadcast %eq3A_71 : i32 to vector<256x4096xi32>
      %eq3A_73 = arith.cmpi eq, %get3A_38, %eq3A_72 : vector<256x4096xi32>
      %slice3A_74 = vector.extract_strided_slice %get3A_41 {offsets = [0, 5], sizes = [256, 1], strides = [1, 1]} : vector<256x8xf32> to vector<256x1xf32>
      %broadcast_in_dim3A_75 = vector.shape_cast %slice3A_74 : vector<256x1xf32> to vector<256x1xf32>
      %broadcast_in_dim3A_76 = vector.broadcast %broadcast_in_dim3A_75 : vector<256x1xf32> to vector<256x4096xf32>
      %select_n3A_77 = arith.select %eq3A_73, %broadcast_in_dim3A_76, %select_n3A_70 : vector<256x4096xi1>, vector<256x4096xf32>
      %eq3A_78 = arith.constant 6 : i32
      %eq3A_79 = vector.broadcast %eq3A_78 : i32 to vector<256x4096xi32>
      %eq3A_80 = arith.cmpi eq, %get3A_38, %eq3A_79 : vector<256x4096xi32>
      %slice3A_81 = vector.extract_strided_slice %get3A_41 {offsets = [0, 6], sizes = [256, 1], strides = [1, 1]} : vector<256x8xf32> to vector<256x1xf32>
      %broadcast_in_dim3A_82 = vector.shape_cast %slice3A_81 : vector<256x1xf32> to vector<256x1xf32>
      %broadcast_in_dim3A_83 = vector.broadcast %broadcast_in_dim3A_82 : vector<256x1xf32> to vector<256x4096xf32>
      %select_n3A_84 = arith.select %eq3A_80, %broadcast_in_dim3A_83, %select_n3A_77 : vector<256x4096xi1>, vector<256x4096xf32>
      %eq3A_85 = arith.constant 7 : i32
      %eq3A_86 = vector.broadcast %eq3A_85 : i32 to vector<256x4096xi32>
      %eq3A_87 = arith.cmpi eq, %get3A_38, %eq3A_86 : vector<256x4096xi32>
      %slice3A_88 = vector.extract_strided_slice %get3A_41 {offsets = [0, 7], sizes = [256, 1], strides = [1, 1]} : vector<256x8xf32> to vector<256x1xf32>
      %broadcast_in_dim3A_89 = vector.shape_cast %slice3A_88 : vector<256x1xf32> to vector<256x1xf32>
      %broadcast_in_dim3A_90 = vector.broadcast %broadcast_in_dim3A_89 : vector<256x1xf32> to vector<256x4096xf32>
      %select_n3A_91 = arith.select %eq3A_87, %broadcast_in_dim3A_90, %select_n3A_84 : vector<256x4096xi1>, vector<256x4096xf32>
      %convert_element_type3A_92 = arith.truncf %select_n3A_91 : vector<256x4096xf32> to vector<256x4096xbf16>
      %swap3A = arith.constant 0 : index
      %swap3A_93 = arith.constant 0 : index
      %swap3A_94 = vector.load %arg9[%swap3A, %swap3A_93] : memref<256x4096xbf16, #tpu.memory_space<vmem>>, vector<256x4096xbf16>
      tpu.vector_store %arg9[%swap3A, %swap3A_93], %convert_element_type3A_92 {strides = array<i32>} : memref<256x4096xbf16, #tpu.memory_space<vmem>>, vector<256x4096xbf16>,
    } else {
    }
    %jit3A = arith.constant 2 : i32
    %eq3A_2 = arith.constant 0 : i32
    %eq3A_3 = arith.cmpi eq, %jit3A, %eq3A_2 : i32
    %jit3A_4 = arith.constant 1 : i32
    %select_n3A = arith.select %eq3A_3, %jit3A_4, %jit3A : i32
    %rem3A = arith.remsi %arg0, %select_n3A : i32
    %ne3A = arith.constant 0 : i32
    %ne3A_5 = arith.cmpi ne, %rem3A, %ne3A : i32
    %lt3A = arith.constant 0 : i32
    %lt3A_6 = arith.cmpi slt, %rem3A, %lt3A : i32
    %lt3A_7 = arith.constant 0 : i32
    %lt3A_8 = arith.cmpi slt, %select_n3A, %lt3A_7 : i32
    %ne3A_9 = arith.xori %lt3A_6, %lt3A_8 : i1
    %and3A = arith.andi %ne3A_9, %ne3A_5 : i1
    %add3A = arith.addi %rem3A, %select_n3A : i32
    %select_n3A_10 = arith.select %and3A, %add3A, %rem3A : i32
    %eq3A_11 = arith.constant 0 : i32
    %eq3A_12 = arith.cmpi eq, %select_n3A_10, %eq3A_11 : i32
    %convert_element_type3A_13 = arith.extui %eq3A_12 : i1 to i32
    %cond3A_14 = arith.constant 0 : i32
    %cond3A_15 = arith.cmpi ne, %convert_element_type3A_13, %cond3A_14 : i32
    scf.if %cond3A_15 {
      %get3A = arith.constant 0 : index
      %get3A_37 = arith.constant 0 : index
      %get3A_38 = vector.load %arg7[%get3A, %get3A_37] : memref<256x1024xi32, #tpu.memory_space<vmem>>, vector<256x1024xi32>
      %shift_left3A = arith.constant 16 : i32
      %shift_left3A_39 = vector.broadcast %shift_left3A : i32 to vector<256x1024xi32>
      %shift_left3A_40 = arith.shli %get3A_38, %shift_left3A_39 : vector<256x1024xi32>
      %bitcast_convert_type3A = tpu.bitcast %shift_left3A_40 : vector<256x1024xi32> -> vector<256x1024xf32>
      %and3A_41 = arith.constant -65536 : i32
      %and3A_42 = vector.broadcast %and3A_41 : i32 to vector<256x1024xi32>
      %and3A_43 = arith.andi %get3A_38, %and3A_42 : vector<256x1024xi32>
      %bitcast_convert_type3A_44 = tpu.bitcast %and3A_43 : vector<256x1024xi32> -> vector<256x1024xf32>
      %get3A_45 = arith.constant 0 : index
      %get3A_46 = arith.constant 0 : index
      %get3A_47 = vector.load %arg5[%get3A_45, %get3A_46] : memref<1024x4096xbf16, #tpu.memory_space<vmem>>, vector<1024x4096xbf16>
      %get3A_48 = arith.constant 0 : index
      %get3A_49 = arith.constant 0 : index
      %get3A_50 = vector.load %arg9[%get3A_48, %get3A_49] : memref<256x4096xbf16, #tpu.memory_space<vmem>>, vector<256x4096xbf16>
      %dot_general3A = arith.constant dense<0.000000e+00> : vector<1024x256xf32>
      %dot_general3A_51 = tpu.matmul %get3A_47, %get3A_50, %dot_general3A {dimension_numbers = #tpu.dot_dimension_numbers<[1], [1], [0], [0], [0, 0, 1, 0], [], []>, transpose_lhs_hint = false} : vector<1024x4096xbf16>, vector<256x4096xbf16>, vector<1024x256xf32> -> vector<1024x256xf32>
      %transpose3A = tpu.transpose %bitcast_convert_type3A, [1, 0] : vector<256x1024xf32> -> vector<1024x256xf32>
      %add3A_52 = arith.addf %dot_general3A_51, %transpose3A : vector<1024x256xf32>
      %swap3A = arith.constant 0 : index
      %swap3A_53 = arith.constant 0 : index
      %swap3A_54 = vector.load %arg8[%swap3A, %swap3A_53] : memref<2048x256xf32, #tpu.memory_space<vmem>>, vector<1024x256xf32>
      tpu.vector_store %arg8[%swap3A, %swap3A_53], %add3A_52 {strides = array<i32>} : memref<2048x256xf32, #tpu.memory_space<vmem>>, vector<1024x256xf32>,
      %get3A_55 = arith.constant 0 : index
      %get3A_56 = arith.constant 0 : index
      %get3A_57 = vector.load %arg6[%get3A_55, %get3A_56] : memref<1024x4096xbf16, #tpu.memory_space<vmem>>, vector<1024x4096xbf16>
      %get3A_58 = arith.constant 0 : index
      %get3A_59 = arith.constant 0 : index
      %get3A_60 = vector.load %arg9[%get3A_58, %get3A_59] : memref<256x4096xbf16, #tpu.memory_space<vmem>>, vector<256x4096xbf16>
      %dot_general3A_61 = arith.constant dense<0.000000e+00> : vector<1024x256xf32>
      %dot_general3A_62 = tpu.matmul %get3A_57, %get3A_60, %dot_general3A_61 {dimension_numbers = #tpu.dot_dimension_numbers<[1], [1], [0], [0], [0, 0, 1, 0], [], []>, transpose_lhs_hint = false} : vector<1024x4096xbf16>, vector<256x4096xbf16>, vector<1024x256xf32> -> vector<1024x256xf32>
      %transpose3A_63 = tpu.transpose %bitcast_convert_type3A_44, [1, 0] : vector<256x1024xf32> -> vector<1024x256xf32>
      %add3A_64 = arith.addf %dot_general3A_62, %transpose3A_63 : vector<1024x256xf32>
      %swap3A_65 = arith.constant 1024 : index
      %swap3A_66 = arith.constant 0 : index
      %swap3A_67 = vector.load %arg8[%swap3A_65, %swap3A_66] : memref<2048x256xf32, #tpu.memory_space<vmem>>, vector<1024x256xf32>
      tpu.vector_store %arg8[%swap3A_65, %swap3A_66], %add3A_64 {strides = array<i32>} : memref<2048x256xf32, #tpu.memory_space<vmem>>, vector<1024x256xf32>,
      %get3A_68 = arith.constant 0 : index
      %get3A_69 = arith.constant 0 : index
      %get3A_70 = vector.load %arg2[%get3A_68, %get3A_69] : memref<256x4096xi32, #tpu.memory_space<vmem>>, vector<256x4096xi32>
      %get3A_71 = arith.constant 0 : index
      %get3A_72 = arith.constant 0 : index
      %get3A_73 = vector.load %arg4[%get3A_71, %get3A_72] : memref<256x8xf32, #tpu.memory_space<vmem>>, vector<256x8xf32>
      %eq3A_74 = arith.constant 1 : i32
      %eq3A_75 = vector.broadcast %eq3A_74 : i32 to vector<256x4096xi32>
      %eq3A_76 = arith.cmpi eq, %get3A_70, %eq3A_75 : vector<256x4096xi32>
      %slice3A = vector.extract_strided_slice %get3A_73 {offsets = [0, 1], sizes = [256, 1], strides = [1, 1]} : vector<256x8xf32> to vector<256x1xf32>
      %slice3A_77 = vector.extract_strided_slice %get3A_73 {offsets = [0, 0], sizes = [256, 1], strides = [1, 1]} : vector<256x8xf32> to vector<256x1xf32>
      %broadcast_in_dim3A = vector.shape_cast %slice3A : vector<256x1xf32> to vector<256x1xf32>
      %broadcast_in_dim3A_78 = vector.broadcast %broadcast_in_dim3A : vector<256x1xf32> to vector<256x4096xf32>
      %broadcast_in_dim3A_79 = vector.shape_cast %slice3A_77 : vector<256x1xf32> to vector<256x1xf32>
      %broadcast_in_dim3A_80 = vector.broadcast %broadcast_in_dim3A_79 : vector<256x1xf32> to vector<256x4096xf32>
      %select_n3A_81 = arith.select %eq3A_76, %broadcast_in_dim3A_78, %broadcast_in_dim3A_80 : vector<256x4096xi1>, vector<256x4096xf32>
      %eq3A_82 = arith.constant 2 : i32
      %eq3A_83 = vector.broadcast %eq3A_82 : i32 to vector<256x4096xi32>
      %eq3A_84 = arith.cmpi eq, %get3A_70, %eq3A_83 : vector<256x4096xi32>
      %slice3A_85 = vector.extract_strided_slice %get3A_73 {offsets = [0, 2], sizes = [256, 1], strides = [1, 1]} : vector<256x8xf32> to vector<256x1xf32>
      %broadcast_in_dim3A_86 = vector.shape_cast %slice3A_85 : vector<256x1xf32> to vector<256x1xf32>
      %broadcast_in_dim3A_87 = vector.broadcast %broadcast_in_dim3A_86 : vector<256x1xf32> to vector<256x4096xf32>
      %select_n3A_88 = arith.select %eq3A_84, %broadcast_in_dim3A_87, %select_n3A_81 : vector<256x4096xi1>, vector<256x4096xf32>
      %eq3A_89 = arith.constant 3 : i32
      %eq3A_90 = vector.broadcast %eq3A_89 : i32 to vector<256x4096xi32>
      %eq3A_91 = arith.cmpi eq, %get3A_70, %eq3A_90 : vector<256x4096xi32>
      %slice3A_92 = vector.extract_strided_slice %get3A_73 {offsets = [0, 3], sizes = [256, 1], strides = [1, 1]} : vector<256x8xf32> to vector<256x1xf32>
      %broadcast_in_dim3A_93 = vector.shape_cast %slice3A_92 : vector<256x1xf32> to vector<256x1xf32>
      %broadcast_in_dim3A_94 = vector.broadcast %broadcast_in_dim3A_93 : vector<256x1xf32> to vector<256x4096xf32>
      %select_n3A_95 = arith.select %eq3A_91, %broadcast_in_dim3A_94, %select_n3A_88 : vector<256x4096xi1>, vector<256x4096xf32>
      %eq3A_96 = arith.constant 4 : i32
      %eq3A_97 = vector.broadcast %eq3A_96 : i32 to vector<256x4096xi32>
      %eq3A_98 = arith.cmpi eq, %get3A_70, %eq3A_97 : vector<256x4096xi32>
      %slice3A_99 = vector.extract_strided_slice %get3A_73 {offsets = [0, 4], sizes = [256, 1], strides = [1, 1]} : vector<256x8xf32> to vector<256x1xf32>
      %broadcast_in_dim3A_100 = vector.shape_cast %slice3A_99 : vector<256x1xf32> to vector<256x1xf32>
      %broadcast_in_dim3A_101 = vector.broadcast %broadcast_in_dim3A_100 : vector<256x1xf32> to vector<256x4096xf32>
      %select_n3A_102 = arith.select %eq3A_98, %broadcast_in_dim3A_101, %select_n3A_95 : vector<256x4096xi1>, vector<256x4096xf32>
      %eq3A_103 = arith.constant 5 : i32
      %eq3A_104 = vector.broadcast %eq3A_103 : i32 to vector<256x4096xi32>
      %eq3A_105 = arith.cmpi eq, %get3A_70, %eq3A_104 : vector<256x4096xi32>
      %slice3A_106 = vector.extract_strided_slice %get3A_73 {offsets = [0, 5], sizes = [256, 1], strides = [1, 1]} : vector<256x8xf32> to vector<256x1xf32>
      %broadcast_in_dim3A_107 = vector.shape_cast %slice3A_106 : vector<256x1xf32> to vector<256x1xf32>
      %broadcast_in_dim3A_108 = vector.broadcast %broadcast_in_dim3A_107 : vector<256x1xf32> to vector<256x4096xf32>
      %select_n3A_109 = arith.select %eq3A_105, %broadcast_in_dim3A_108, %select_n3A_102 : vector<256x4096xi1>, vector<256x4096xf32>
      %eq3A_110 = arith.constant 6 : i32
      %eq3A_111 = vector.broadcast %eq3A_110 : i32 to vector<256x4096xi32>
      %eq3A_112 = arith.cmpi eq, %get3A_70, %eq3A_111 : vector<256x4096xi32>
      %slice3A_113 = vector.extract_strided_slice %get3A_73 {offsets = [0, 6], sizes = [256, 1], strides = [1, 1]} : vector<256x8xf32> to vector<256x1xf32>
      %broadcast_in_dim3A_114 = vector.shape_cast %slice3A_113 : vector<256x1xf32> to vector<256x1xf32>
      %broadcast_in_dim3A_115 = vector.broadcast %broadcast_in_dim3A_114 : vector<256x1xf32> to vector<256x4096xf32>
      %select_n3A_116 = arith.select %eq3A_112, %broadcast_in_dim3A_115, %select_n3A_109 : vector<256x4096xi1>, vector<256x4096xf32>
      %eq3A_117 = arith.constant 7 : i32
      %eq3A_118 = vector.broadcast %eq3A_117 : i32 to vector<256x4096xi32>
      %eq3A_119 = arith.cmpi eq, %get3A_70, %eq3A_118 : vector<256x4096xi32>
      %slice3A_120 = vector.extract_strided_slice %get3A_73 {offsets = [0, 7], sizes = [256, 1], strides = [1, 1]} : vector<256x8xf32> to vector<256x1xf32>
      %broadcast_in_dim3A_121 = vector.shape_cast %slice3A_120 : vector<256x1xf32> to vector<256x1xf32>
      %broadcast_in_dim3A_122 = vector.broadcast %broadcast_in_dim3A_121 : vector<256x1xf32> to vector<256x4096xf32>
      %select_n3A_123 = arith.select %eq3A_119, %broadcast_in_dim3A_122, %select_n3A_116 : vector<256x4096xi1>, vector<256x4096xf32>
      %convert_element_type3A_124 = arith.truncf %select_n3A_123 : vector<256x4096xf32> to vector<256x4096xbf16>
      %swap3A_125 = arith.constant 0 : index
      %swap3A_126 = arith.constant 0 : index
      %swap3A_127 = vector.load %arg10[%swap3A_125, %swap3A_126] : memref<256x4096xbf16, #tpu.memory_space<vmem>>, vector<256x4096xbf16>
      tpu.vector_store %arg10[%swap3A_125, %swap3A_126], %convert_element_type3A_124 {strides = array<i32>} : memref<256x4096xbf16, #tpu.memory_space<vmem>>, vector<256x4096xbf16>,
    } else {
    }
    %jit3A_16 = arith.constant 2 : i32
    %eq3A_17 = arith.constant 0 : i32
    %eq3A_18 = arith.cmpi eq, %jit3A_16, %eq3A_17 : i32
    %jit3A_19 = arith.constant 1 : i32
    %select_n3A_20 = arith.select %eq3A_18, %jit3A_19, %jit3A_16 : i32
    %rem3A_21 = arith.remsi %arg0, %select_n3A_20 : i32
    %ne3A_22 = arith.constant 0 : i32
    %ne3A_23 = arith.cmpi ne, %rem3A_21, %ne3A_22 : i32
    %lt3A_24 = arith.constant 0 : i32
    %lt3A_25 = arith.cmpi slt, %rem3A_21, %lt3A_24 : i32
    %lt3A_26 = arith.constant 0 : i32
    %lt3A_27 = arith.cmpi slt, %select_n3A_20, %lt3A_26 : i32
    %ne3A_28 = arith.xori %lt3A_25, %lt3A_27 : i1
    %and3A_29 = arith.andi %ne3A_28, %ne3A_23 : i1
    %add3A_30 = arith.addi %rem3A_21, %select_n3A_20 : i32
    %select_n3A_31 = arith.select %and3A_29, %add3A_30, %rem3A_21 : i32
    %eq3A_32 = arith.constant 1 : i32
    %eq3A_33 = arith.cmpi eq, %select_n3A_31, %eq3A_32 : i32
    %convert_element_type3A_34 = arith.extui %eq3A_33 : i1 to i32
    %cond3A_35 = arith.constant 0 : i32
    %cond3A_36 = arith.cmpi ne, %convert_element_type3A_34, %cond3A_35 : i32
    scf.if %cond3A_36 {
      %get3A = arith.constant 0 : index
      %get3A_37 = arith.constant 0 : index
      %get3A_38 = vector.load %arg7[%get3A, %get3A_37] : memref<256x1024xi32, #tpu.memory_space<vmem>>, vector<256x1024xi32>
      %shift_left3A = arith.constant 16 : i32
      %shift_left3A_39 = vector.broadcast %shift_left3A : i32 to vector<256x1024xi32>
      %shift_left3A_40 = arith.shli %get3A_38, %shift_left3A_39 : vector<256x1024xi32>
      %bitcast_convert_type3A = tpu.bitcast %shift_left3A_40 : vector<256x1024xi32> -> vector<256x1024xf32>
      %and3A_41 = arith.constant -65536 : i32
      %and3A_42 = vector.broadcast %and3A_41 : i32 to vector<256x1024xi32>
      %and3A_43 = arith.andi %get3A_38, %and3A_42 : vector<256x1024xi32>
      %bitcast_convert_type3A_44 = tpu.bitcast %and3A_43 : vector<256x1024xi32> -> vector<256x1024xf32>
      %get3A_45 = arith.constant 0 : index
      %get3A_46 = arith.constant 0 : index
      %get3A_47 = vector.load %arg5[%get3A_45, %get3A_46] : memref<1024x4096xbf16, #tpu.memory_space<vmem>>, vector<1024x4096xbf16>
      %get3A_48 = arith.constant 0 : index
      %get3A_49 = arith.constant 0 : index
      %get3A_50 = vector.load %arg10[%get3A_48, %get3A_49] : memref<256x4096xbf16, #tpu.memory_space<vmem>>, vector<256x4096xbf16>
      %dot_general3A = arith.constant dense<0.000000e+00> : vector<1024x256xf32>
      %dot_general3A_51 = tpu.matmul %get3A_47, %get3A_50, %dot_general3A {dimension_numbers = #tpu.dot_dimension_numbers<[1], [1], [0], [0], [0, 0, 1, 0], [], []>, transpose_lhs_hint = false} : vector<1024x4096xbf16>, vector<256x4096xbf16>, vector<1024x256xf32> -> vector<1024x256xf32>
      %transpose3A = tpu.transpose %bitcast_convert_type3A, [1, 0] : vector<256x1024xf32> -> vector<1024x256xf32>
      %add3A_52 = arith.addf %dot_general3A_51, %transpose3A : vector<1024x256xf32>
      %swap3A = arith.constant 0 : index
      %swap3A_53 = arith.constant 0 : index
      %swap3A_54 = vector.load %arg8[%swap3A, %swap3A_53] : memref<2048x256xf32, #tpu.memory_space<vmem>>, vector<1024x256xf32>
      tpu.vector_store %arg8[%swap3A, %swap3A_53], %add3A_52 {strides = array<i32>} : memref<2048x256xf32, #tpu.memory_space<vmem>>, vector<1024x256xf32>,
      %get3A_55 = arith.constant 0 : index
      %get3A_56 = arith.constant 0 : index
      %get3A_57 = vector.load %arg6[%get3A_55, %get3A_56] : memref<1024x4096xbf16, #tpu.memory_space<vmem>>, vector<1024x4096xbf16>
      %get3A_58 = arith.constant 0 : index
      %get3A_59 = arith.constant 0 : index
      %get3A_60 = vector.load %arg10[%get3A_58, %get3A_59] : memref<256x4096xbf16, #tpu.memory_space<vmem>>, vector<256x4096xbf16>
      %dot_general3A_61 = arith.constant dense<0.000000e+00> : vector<1024x256xf32>
      %dot_general3A_62 = tpu.matmul %get3A_57, %get3A_60, %dot_general3A_61 {dimension_numbers = #tpu.dot_dimension_numbers<[1], [1], [0], [0], [0, 0, 1, 0], [], []>, transpose_lhs_hint = false} : vector<1024x4096xbf16>, vector<256x4096xbf16>, vector<1024x256xf32> -> vector<1024x256xf32>
      %transpose3A_63 = tpu.transpose %bitcast_convert_type3A_44, [1, 0] : vector<256x1024xf32> -> vector<1024x256xf32>
      %add3A_64 = arith.addf %dot_general3A_62, %transpose3A_63 : vector<1024x256xf32>
      %swap3A_65 = arith.constant 1024 : index
      %swap3A_66 = arith.constant 0 : index
      %swap3A_67 = vector.load %arg8[%swap3A_65, %swap3A_66] : memref<2048x256xf32, #tpu.memory_space<vmem>>, vector<1024x256xf32>
      tpu.vector_store %arg8[%swap3A_65, %swap3A_66], %add3A_64 {strides = array<i32>} : memref<2048x256xf32, #tpu.memory_space<vmem>>, vector<1024x256xf32>,
      %get3A_68 = arith.constant 0 : index
      %get3A_69 = arith.constant 0 : index
      %get3A_70 = vector.load %arg2[%get3A_68, %get3A_69] : memref<256x4096xi32, #tpu.memory_space<vmem>>, vector<256x4096xi32>
      %get3A_71 = arith.constant 0 : index
      %get3A_72 = arith.constant 0 : index
      %get3A_73 = vector.load %arg4[%get3A_71, %get3A_72] : memref<256x8xf32, #tpu.memory_space<vmem>>, vector<256x8xf32>
      %eq3A_74 = arith.constant 1 : i32
      %eq3A_75 = vector.broadcast %eq3A_74 : i32 to vector<256x4096xi32>
      %eq3A_76 = arith.cmpi eq, %get3A_70, %eq3A_75 : vector<256x4096xi32>
      %slice3A = vector.extract_strided_slice %get3A_73 {offsets = [0, 1], sizes = [256, 1], strides = [1, 1]} : vector<256x8xf32> to vector<256x1xf32>
      %slice3A_77 = vector.extract_strided_slice %get3A_73 {offsets = [0, 0], sizes = [256, 1], strides = [1, 1]} : vector<256x8xf32> to vector<256x1xf32>
      %broadcast_in_dim3A = vector.shape_cast %slice3A : vector<256x1xf32> to vector<256x1xf32>
      %broadcast_in_dim3A_78 = vector.broadcast %broadcast_in_dim3A : vector<256x1xf32> to vector<256x4096xf32>
      %broadcast_in_dim3A_79 = vector.shape_cast %slice3A_77 : vector<256x1xf32> to vector<256x1xf32>
      %broadcast_in_dim3A_80 = vector.broadcast %broadcast_in_dim3A_79 : vector<256x1xf32> to vector<256x4096xf32>
      %select_n3A_81 = arith.select %eq3A_76, %broadcast_in_dim3A_78, %broadcast_in_dim3A_80 : vector<256x4096xi1>, vector<256x4096xf32>
      %eq3A_82 = arith.constant 2 : i32
      %eq3A_83 = vector.broadcast %eq3A_82 : i32 to vector<256x4096xi32>
      %eq3A_84 = arith.cmpi eq, %get3A_70, %eq3A_83 : vector<256x4096xi32>
      %slice3A_85 = vector.extract_strided_slice %get3A_73 {offsets = [0, 2], sizes = [256, 1], strides = [1, 1]} : vector<256x8xf32> to vector<256x1xf32>
      %broadcast_in_dim3A_86 = vector.shape_cast %slice3A_85 : vector<256x1xf32> to vector<256x1xf32>
      %broadcast_in_dim3A_87 = vector.broadcast %broadcast_in_dim3A_86 : vector<256x1xf32> to vector<256x4096xf32>
      %select_n3A_88 = arith.select %eq3A_84, %broadcast_in_dim3A_87, %select_n3A_81 : vector<256x4096xi1>, vector<256x4096xf32>
      %eq3A_89 = arith.constant 3 : i32
      %eq3A_90 = vector.broadcast %eq3A_89 : i32 to vector<256x4096xi32>
      %eq3A_91 = arith.cmpi eq, %get3A_70, %eq3A_90 : vector<256x4096xi32>
      %slice3A_92 = vector.extract_strided_slice %get3A_73 {offsets = [0, 3], sizes = [256, 1], strides = [1, 1]} : vector<256x8xf32> to vector<256x1xf32>
      %broadcast_in_dim3A_93 = vector.shape_cast %slice3A_92 : vector<256x1xf32> to vector<256x1xf32>
      %broadcast_in_dim3A_94 = vector.broadcast %broadcast_in_dim3A_93 : vector<256x1xf32> to vector<256x4096xf32>
      %select_n3A_95 = arith.select %eq3A_91, %broadcast_in_dim3A_94, %select_n3A_88 : vector<256x4096xi1>, vector<256x4096xf32>
      %eq3A_96 = arith.constant 4 : i32
      %eq3A_97 = vector.broadcast %eq3A_96 : i32 to vector<256x4096xi32>
      %eq3A_98 = arith.cmpi eq, %get3A_70, %eq3A_97 : vector<256x4096xi32>
      %slice3A_99 = vector.extract_strided_slice %get3A_73 {offsets = [0, 4], sizes = [256, 1], strides = [1, 1]} : vector<256x8xf32> to vector<256x1xf32>
      %broadcast_in_dim3A_100 = vector.shape_cast %slice3A_99 : vector<256x1xf32> to vector<256x1xf32>
      %broadcast_in_dim3A_101 = vector.broadcast %broadcast_in_dim3A_100 : vector<256x1xf32> to vector<256x4096xf32>
      %select_n3A_102 = arith.select %eq3A_98, %broadcast_in_dim3A_101, %select_n3A_95 : vector<256x4096xi1>, vector<256x4096xf32>
      %eq3A_103 = arith.constant 5 : i32
      %eq3A_104 = vector.broadcast %eq3A_103 : i32 to vector<256x4096xi32>
      %eq3A_105 = arith.cmpi eq, %get3A_70, %eq3A_104 : vector<256x4096xi32>
      %slice3A_106 = vector.extract_strided_slice %get3A_73 {offsets = [0, 5], sizes = [256, 1], strides = [1, 1]} : vector<256x8xf32> to vector<256x1xf32>
      %broadcast_in_dim3A_107 = vector.shape_cast %slice3A_106 : vector<256x1xf32> to vector<256x1xf32>
      %broadcast_in_dim3A_108 = vector.broadcast %broadcast_in_dim3A_107 : vector<256x1xf32> to vector<256x4096xf32>
      %select_n3A_109 = arith.select %eq3A_105, %broadcast_in_dim3A_108, %select_n3A_102 : vector<256x4096xi1>, vector<256x4096xf32>
      %eq3A_110 = arith.constant 6 : i32
      %eq3A_111 = vector.broadcast %eq3A_110 : i32 to vector<256x4096xi32>
      %eq3A_112 = arith.cmpi eq, %get3A_70, %eq3A_111 : vector<256x4096xi32>
      %slice3A_113 = vector.extract_strided_slice %get3A_73 {offsets = [0, 6], sizes = [256, 1], strides = [1, 1]} : vector<256x8xf32> to vector<256x1xf32>
      %broadcast_in_dim3A_114 = vector.shape_cast %slice3A_113 : vector<256x1xf32> to vector<256x1xf32>
      %broadcast_in_dim3A_115 = vector.broadcast %broadcast_in_dim3A_114 : vector<256x1xf32> to vector<256x4096xf32>
      %select_n3A_116 = arith.select %eq3A_112, %broadcast_in_dim3A_115, %select_n3A_109 : vector<256x4096xi1>, vector<256x4096xf32>
      %eq3A_117 = arith.constant 7 : i32
      %eq3A_118 = vector.broadcast %eq3A_117 : i32 to vector<256x4096xi32>
      %eq3A_119 = arith.cmpi eq, %get3A_70, %eq3A_118 : vector<256x4096xi32>
      %slice3A_120 = vector.extract_strided_slice %get3A_73 {offsets = [0, 7], sizes = [256, 1], strides = [1, 1]} : vector<256x8xf32> to vector<256x1xf32>
      %broadcast_in_dim3A_121 = vector.shape_cast %slice3A_120 : vector<256x1xf32> to vector<256x1xf32>
      %broadcast_in_dim3A_122 = vector.broadcast %broadcast_in_dim3A_121 : vector<256x1xf32> to vector<256x4096xf32>
      %select_n3A_123 = arith.select %eq3A_119, %broadcast_in_dim3A_122, %select_n3A_116 : vector<256x4096xi1>, vector<256x4096xf32>
      %convert_element_type3A_124 = arith.truncf %select_n3A_123 : vector<256x4096xf32> to vector<256x4096xbf16>
      %swap3A_125 = arith.constant 0 : index
      %swap3A_126 = arith.constant 0 : index
      %swap3A_127 = vector.load %arg9[%swap3A_125, %swap3A_126] : memref<256x4096xbf16, #tpu.memory_space<vmem>>, vector<256x4096xbf16>
      tpu.vector_store %arg9[%swap3A_125, %swap3A_126], %convert_element_type3A_124 {strides = array<i32>} : memref<256x4096xbf16, #tpu.memory_space<vmem>>, vector<256x4096xbf16>,
    } else {
    }
    return
  }
  func.func @transform_0(%arg0: i32) -> (i32, i32) {
    %c0_i32 = arith.constant 0 : i32
    %c0_i32_0 = arith.constant 0 : i32
    %c0_i32_1 = arith.constant 0 : i32
    return %c0_i32, %c0_i32_0 : i32, i32
  }
  func.func @transform_1(%arg0: i32) -> (i32, i32) {
    %add3A = arith.constant 1 : i32
    %add3A_0 = arith.addi %arg0, %add3A : i32
    %jit3A = arith.constant 16 : i32
    %eq3A = arith.constant 0 : i32
    %eq3A_1 = arith.cmpi eq, %jit3A, %eq3A : i32
    %jit3A_2 = arith.constant 1 : i32
    %select_n3A = arith.select %eq3A_1, %jit3A_2, %jit3A : i32
    %rem3A = arith.remsi %add3A_0, %select_n3A : i32
    %ne3A = arith.constant 0 : i32
    %ne3A_3 = arith.cmpi ne, %rem3A, %ne3A : i32
    %lt3A = arith.constant 0 : i32
    %lt3A_4 = arith.cmpi slt, %rem3A, %lt3A : i32
    %lt3A_5 = arith.constant 0 : i32
    %lt3A_6 = arith.cmpi slt, %select_n3A, %lt3A_5 : i32
    %ne3A_7 = arith.xori %lt3A_4, %lt3A_6 : i1
    %and3A = arith.andi %ne3A_7, %ne3A_3 : i1
    %add3A_8 = arith.addi %rem3A, %select_n3A : i32
    %select_n3A_9 = arith.select %and3A, %add3A_8, %rem3A : i32
    %c0_i32 = arith.constant 0 : i32
    %c0_i32_10 = arith.constant 0 : i32
    return %select_n3A_9, %c0_i32 : i32, i32
  }
  func.func @transform_2(%arg0: i32) -> (i32, i32) {
    %c0_i32 = arith.constant 0 : i32
    %c0_i32_0 = arith.constant 0 : i32
    %c0_i32_1 = arith.constant 0 : i32
    return %c0_i32, %c0_i32_0 : i32, i32
  }
  func.func @transform_3(%arg0: i32) -> (i32, i32) {
    %add3A = arith.constant 1 : i32
    %add3A_0 = arith.addi %arg0, %add3A : i32
    %jit3A = arith.constant 16 : i32
    %eq3A = arith.constant 0 : i32
    %eq3A_1 = arith.cmpi eq, %jit3A, %eq3A : i32
    %jit3A_2 = arith.constant 1 : i32
    %select_n3A = arith.select %eq3A_1, %jit3A_2, %jit3A : i32
    %rem3A = arith.remsi %add3A_0, %select_n3A : i32
    %ne3A = arith.constant 0 : i32
    %ne3A_3 = arith.cmpi ne, %rem3A, %ne3A : i32
    %lt3A = arith.constant 0 : i32
    %lt3A_4 = arith.cmpi slt, %rem3A, %lt3A : i32
    %lt3A_5 = arith.constant 0 : i32
    %lt3A_6 = arith.cmpi slt, %select_n3A, %lt3A_5 : i32
    %ne3A_7 = arith.xori %lt3A_4, %lt3A_6 : i1
    %and3A = arith.andi %ne3A_7, %ne3A_3 : i1
    %add3A_8 = arith.addi %rem3A, %select_n3A : i32
    %select_n3A_9 = arith.select %and3A, %add3A_8, %rem3A : i32
    %c0_i32 = arith.constant 0 : i32
    %c0_i32_10 = arith.constant 0 : i32
    return %select_n3A_9, %c0_i32 : i32, i32
  }
  func.func @transform_4(%arg0: i32) -> (i32, i32) {
    %c0_i32 = arith.constant 0 : i32
    %c0_i32_0 = arith.constant 0 : i32
    %c0_i32_1 = arith.constant 0 : i32
    return %c0_i32, %c0_i32_0 : i32, i32
  }
  func.func @transform_5(%arg0: i32) -> (i32, i32) {
    %c0_i32 = arith.constant 0 : i32
    %c0_i32_0 = arith.constant 0 : i32
    %c0_i32_1 = arith.constant 0 : i32
    return %c0_i32, %c0_i32_0 : i32, i32
  }
  func.func @transform_6(%arg0: i32) -> (i32, i32) {
    %c0_i32 = arith.constant 0 : i32
    %c0_i32_0 = arith.constant 0 : i32
    return %arg0, %c0_i32 : i32, i32
  }
  func.func @transform_7(%arg0: i32) -> (i32, i32) {
    %c0_i32 = arith.constant 0 : i32
    %c0_i32_0 = arith.constant 0 : i32
    return %c0_i32, %arg0 : i32, i32
  }
}

</mosaic_0001>

<sc_bundles>
// kernel: _run.5.cloned.1.call-start
scs
__scs_entry_jumppad:
0x0: {  	(pc) =	sbr.rel $0x88, $3  }
0x1: {  	(tag) =	ssettag $0x0;
	lr =	simm.s32 $0x1  }
0x2: {  	[smem:$0x3F9C] =	sst lr;
	_ =	strace $0xD0000000  }
0x3: {  	_ = 	snop  }
0x4: {  	_ = 	snop  }
0x5: {  	_ = 	snop  }
0x6: {  	_ = 	snop  }
0x7: {  	_ = 	snop  }
__scs_overlays_trampoline_lowered:
0x8: {  	[smem:$0x3FAB] =	sst s0  }
0x9: {  	[smem:$0x3FAC] =	sst s1  }
0xa: {  	[smem:$0x3FAD] =	sst s2  }
0xb: {  	[smem:$0x3FAE] =	sst s3  }
0xc: {  	[smem:$0x3FAF] =	sst s4  }
0xd: {  	[smem:$0x3FB0] =	sst s5  }
0xe: {  	[smem:$0x3FB1] =	sst s6  }
0xf: {  	[smem:$0x3FB2] =	sst s7  }
0x10: {  	[smem:$0x3FB3] =	sst s8  }
0x11: {  	[smem:$0x3FB4] =	sst s9;
	s0 =	simm.s32 @!p0 $0x0  }
0x12: {  	s1 =	sld [smem:$0x3F9A];
	s0 =	simm.s32 @p0 $0x1  }
0x13: {  	[smem:$0x3FB5] =	sst s0;
	s0 =	simm.s32 @!p1 $0x0  }
0x14: {  	s2 =	sld [smem:$0x3F99];
	s0 =	simm.s32 @p1 $0x1  }
0x15: {  	[smem:$0x3FB6] =	sst s0;
	s0 =	simm.s32 @!p2 $0x0  }
0x16: {  	s3 =	sld [smem:$0x3FDB];
	s0 =	simm.s32 @p2 $0x1  }
0x17: {  	s4 =	simm.s32 $0x1BF5;
	[smem:$0x3FB8] =	sst s0  }
0x18: {  	s0 =	sld [smem:$0x3F9B];
	_ =	swait.ge [sflag:s4], $0x0  }
0x19: {  	s7 =	sld [smem:$0x3F9C]  }
0x1a: {  	s8 =	sadd.s32 $0xFFFFE003, lr  }
0x1b: {  	s9 =	sadd.s32 $0xFFFFFEF7, lr;
	s5 =	simm.s32 $0xFFFFFFFF;
	p2 =	slt.u32 s8, $0xFFFFF086  }
0x1c: {  	p1 =	slt.u32 s9, $0xF7A;
	s5 =	simm.s32 @!p2 $0x0  }
0x1d: {  	s5 =	simm.s32 @p1 $0x1;
	p0 =	seq.s32 s7, s2  }
0x1e: {  	s7 =	smul.u32 @!p0 $0xF7A, s2;
	p2 =	seq.s32 @!p0 s5, $0x0  }
0x1f: {  	s9 =	smul.u32 $0xF7A, s1;
	s8 =	simm.s32 @!p0 $0x1BF5;
	p2 =	por !p2, p0  }
0x20: {  	[sflag:s8] =	ssyncset.s32 @!p0 $0xFFFFF086;
	s6 =	sadd.s32 @!p0 s3, s7;
	s7 =	simm.s32 @!p0 $0x108  }
0x21: {  	s3 =	sadd.s32 s3, s9;
	s6 =	sadd.s32 @!p0 $0x88, s6;
	s7 =	simm.s32 @p2 $0x1082  }
0x22: {  	[simem:s7], [sflag:s8] =	dma.local @!p0 [hbm:s6], $0xF7A  }
0x23: {  	s9 =	sor.u32 $0xD0000000, s2;
	s6 =	simm.s32 $0x108;
	_ =	swait.ge @!p0 [sflag:s8], $0x0  }
0x24: {  	s3 =	sadd.s32 $0x88, s3;
	s6 =	simm.s32 @!p1 $0x1082;
	[sflag:s4] =	ssyncset.s32 $0xFFFFF086  }
0x25: {  	[simem:s6], [sflag:s4] =	dma.local [hbm:s3], $0xF7A  }
0x26: {  	[smem:$0x3F9C] =	sst s1;
	(tag) =	ssettag s2;
	_ =	strace s9  }
0x27: {  	s1 =	sld [smem:$0x3FAC]  }
0x28: {  	s2 =	sld [smem:$0x3FAD]  }
0x29: {  	s4 =	sld [smem:$0x3FAF]  }
0x2a: {  	p0 =	seq.s32 s5, $0x0;
	s5 =	sld [smem:$0x3FB0]  }
0x2b: {  	s6 =	sld [smem:$0x3FB1]  }
0x2c: {  	s7 =	sld [smem:$0x3FB2]  }
0x2d: {  	s3 =	simm.s32 $0x108;
	s8 =	sld [smem:$0x3FB3]  }
0x2e: {  	s3 =	simm.s32 @!p0 $0x1082;
	s9 =	sld [smem:$0x3FB4]  }
0x2f: {  	lr =	sadd.s32 s0, s3;
	s0 =	sld [smem:$0x3FAB]  }
0x30: {  	s3 =	sld [smem:$0x3FAE]  }
0x31: {  	[smem:$0x3FB7] =	sst s10  }
0x32: {  	s10 =	sld [smem:$0x3FB5];
	_ =	sdelay $0x3  }
0x33: {  	p0 =	seq.s32 s10, $0x1;
	s10 =	sld [smem:$0x3FB7];
	_ =	sdelay $0x3  }
0x34: {  	[smem:$0x3FB7] =	sst s10  }
0x35: {  	s10 =	sld [smem:$0x3FB6];
	_ =	sdelay $0x3  }
0x36: {  	p1 =	seq.s32 s10, $0x1;
	s10 =	sld [smem:$0x3FB7];
	_ =	sdelay $0x3  }
0x37: {  	[smem:$0x3FB7] =	sst s10  }
0x38: {  	s10 =	sld [smem:$0x3FB8]  }
0x39: {  	_ = 	snop;
	(pc) =	sbr.ind lr, $3  }
0x3a: {  	_ = 	snop  }
0x3b: {  	_ = 	snop  }
0x3c: {  	p2 =	seq.s32 s10, $0x1;
	s10 =	sld [smem:$0x3FB7]  }
0x3d: {  	_ =	shalt  }
0x3e: {  	_ =	shalt  }
0x3f: {  	_ =	shalt  }
0x40: {  	_ =	shalt  }
0x41: {  	_ =	shalt  }
0x42: {  	_ =	shalt  }
0x43: {  	_ =	shalt  }
0x44: {  	_ =	shalt  }
0x45: {  	_ =	shalt  }
0x46: {  	_ =	shalt  }
0x47: {  	_ =	shalt  }
0x48: {  	_ =	shalt  }
0x49: {  	_ =	shalt  }
0x4a: {  	_ =	shalt  }
0x4b: {  	_ =	shalt  }
0x4c: {  	_ =	shalt  }
0x4d: {  	_ =	shalt  }
0x4e: {  	_ =	shalt  }
0x4f: {  	_ =	shalt  }
0x50: {  	_ =	shalt  }
0x51: {  	_ =	shalt  }
0x52: {  	_ =	shalt  }
0x53: {  	_ =	shalt  }
0x54: {  	_ =	shalt  }
0x55: {  	_ =	shalt  }
0x56: {  	_ =	shalt  }
0x57: {  	_ =	shalt  }
0x58: {  	_ =	shalt  }
0x59: {  	_ =	shalt  }
0x5a: {  	_ =	shalt  }
0x5b: {  	_ =	shalt  }
0x5c: {  	_ =	shalt  }
0x5d: {  	_ =	shalt  }
0x5e: {  	_ =	shalt  }
0x5f: {  	_ =	shalt  }
0x60: {  	_ =	shalt  }
0x61: {  	_ =	shalt  }
0x62: {  	_ =	shalt  }
0x63: {  	_ =	shalt  }
0x64: {  	_ =	shalt  }
0x65: {  	_ =	shalt  }
0x66: {  	_ =	shalt  }
0x67: {  	_ =	shalt  }
0x68: {  	_ =	shalt  }
0x69: {  	_ =	shalt  }
0x6a: {  	_ =	shalt  }
0x6b: {  	_ =	shalt  }
0x6c: {  	_ =	shalt  }
0x6d: {  	_ =	shalt  }
0x6e: {  	_ =	shalt  }
0x6f: {  	_ =	shalt  }
0x70: {  	_ =	shalt  }
0x71: {  	_ =	shalt  }
0x72: {  	_ =	shalt  }
0x73: {  	_ =	shalt  }
0x74: {  	_ =	shalt  }
0x75: {  	_ =	shalt  }
0x76: {  	_ =	shalt  }
0x77: {  	_ =	shalt  }
0x78: {  	_ =	shalt  }
0x79: {  	_ =	shalt  }
0x7a: {  	_ =	shalt  }
0x7b: {  	_ =	shalt  }
0x7c: {  	_ =	shalt  }
0x7d: {  	_ =	shalt  }
0x7e: {  	_ =	shalt  }
0x7f: {  	_ =	shalt  }
0x80: {  	_ =	shalt  }
0x81: {  	_ =	shalt  }
0x82: {  	_ =	shalt  }
0x83: {  	_ =	shalt  }
0x84: {  	_ =	shalt  }
0x85: {  	_ =	shalt  }
0x86: {  	_ =	shalt  }
0x87: {  	_ =	shalt  }
.Lfunc_end0:
.L_simem_size_0:
called_computation_lowered:
.L_overlay_start_0:
0x88: {  	s2 =	sld [smem:$0x3FD9]  }
0x89: {  	s3 =	sld [smem:$0x3FFE];
	_ =	sdelay $0x1  }
0x8a: {  	s1 =	srdreg.scid  }
0x8b: {  	s0 =	sand.u32 $0x1, s1  }
0x8c: {  	s17 =	sshll.u32 s0, $0xA;
	s2 =	sadd.s32 s3, s2  }
0x8d: {  	s2 =	sadd.s32 s2, s17  }
0x8e: {  	[smem:$0x3FC3] =	sst s2  }
0x8f: {  	_ = 	snop  }
0x90: {  	s2 =	sld [smem:$0x3FC6]  }
0x91: {  	s18 =	sld [smem:$0x3FD0];
	(tm) =	ssettm $0x1  }
0x92: {  	s4 =	sld [smem:$0x3FFB];
	_ =	sdelay $0x3  }
0x93: {  	_ =	strace s4  }
0x94: {  	s4 =	sld [smem:$0x3FFC];
	_ =	sdelay $0x3  }
0x95: {  	_ =	strace s4  }
0x96: {  	s4 =	sld [smem:$0x3FFD];
	_ =	sdelay $0x3  }
0x97: {  	_ =	strace s4  }
0x98: {  	_ =	strace $0x8FFFFFFF  }
0x99: {  	s19 =	sld [smem:$0x3FDB];
	_ =	sdelay $0x1  }
0x9a: {  	s5 =	simm.s32 $_scs_section_size  }
0x9b: {  	s6 =	simm.s32 $_size__tile_overlayer_lowered;
	s7 =	simm.s32 $_tile_overlayer_lowered  }
0x9c: {  	s22 =	simm.s32 $0x1BFF;
	s21 =	sshll.u32 s7, $0x1;
	s4 =	sadd.s32 s5, s19  }
0x9d: {  	s8 =	simm.s32 $0x0;
	s20 =	sshll.u32 s6, $0x1;
	s6 =	sadd.s32 s21, s4  }
0x9e: {  	[timem:s8], [sflag:s22] =	dma.local [hbm:s6], s20  }
0x9f: {  	_ =	swait.ge [sflag:s22], s20  }
0xa0: {  	s5 =	ssub.s32 $0x0, s20;
	[sflag:s22] =	ssyncset.done $0x0  }
0xa1: {  	[sflag:s22] =	ssyncadd.s32 s5;
	_ =	sdelay $0x1  }
0xa2: {  	s23 =	simm.s32 $0x1B8B  }
0xa3: {  	_ =	swait.ge [sflag:s23], $0x1  }
0xa4: {  	[sflag:s23] =	ssyncset.done $0x0  }
0xa5: {  	s25 =	simm.s32 $0x1B8E;
	s24 =	sld [smem:$0x3FFE];
	[sflag:s23] =	ssyncadd.s32 $0xFFFFFFFF  }
0xa6: {  	s26 =	simm.s32 $execute0_lowered;
	[smem:$0x3FD2] =	sst s25  }
0xa7: {  	s6 =	sshll.u32 s26, $0x1;
	_ =	strace $0x80000046;
	[dreg:$0x1] =	wrdreg $0xFFFFFFFF  }
0xa8: {  	s28 =	simm.s32 $_size_execute0_lowered;
	s4 =	sadd.s32 s4, s6;
	[dreg:$0x0] =	wrdreg $0x0  }
0xa9: {  	s6 =	sshll.u32 s28, $0x1;
	[dreg:$0x2] =	wrdreg s4  }
0xaa: {  	[dreg:$0x3] =	wrdreg s6  }
0xab: {  	[dreg:$0x4] =	wrdreg $0xC0  }
0xac: {  	_ =	task [dreg:s8], $0x5FFFF  }
0xad: {  	[dreg:$0x1] =	wrdreg $0xFFFFFFFF  }
0xae: {  	[dreg:$0x0] =	wrdreg $0x60  }
0xaf: {  	[dreg:$0x2] =	wrdreg s18  }
0xb0: {  	[dreg:$0x3] =	wrdreg s2  }
0xb1: {  	[dreg:$0x4] =	wrdreg s24  }
0xb2: {  	[dreg:$0x5] =	wrdreg $0x9  }
0xb3: {  	_ =	task.clear_ibuf [dreg:s8], $0x6FFFF;
	_ =	strace $0x90000046  }
0xb4: {  	s29 =	simm.s32 $0x9;
	_ =	strace $0x80000048  }
0xb5: {  	_ =	swait.ge [sflag:s29], $0x1  }
0xb6: {  	[sflag:s29] =	ssyncadd.s32 $0xFFFFFFFF  }
0xb7: {  	_ =	strace $0x90000048  }
0xb8: {  	_ =	sfence  }
0xb9: {  	s30 =	sld [smem:$0x0];
	_ =	sdelay $0x2  }
0xba: {  	s31 =	sshll.u32 s1, $0xD;
	s1 =	sshrl.u32 s1, $0x2  }
0xbb: {  	s3 =	sand.u32 $0x4000, s31;
	s1 =	sadd.s32 s1, s30  }
0xbc: {  	s0 =	sor.u32 s3, s0;
	s1 =	sshll.u32 s1, $0x11  }
0xbd: {  	s0 =	sor.u32 s1, s0  }
0xbe: {  	s0 =	sadd.s32 $0x8F2B, s0  }
0xbf: {  	[sflag:s0] =	ssyncadd.remote.s32 $0x1  }
0xc0: {  	_ =	sfence.sel $0xFFFF  }
0xc1: {  	[dreg:$0x0] =	wrdreg $0xFFFFFFFF;
	(pc) =	sbr.abs _section_cstart, $3  }
0xc2: {  	[dreg:$0x1] =	wrdreg $0xFFFFFFFF  }
0xc3: {  	_ =	task.clear_ibuf [dreg:s8], $0x2FFFF;
	_ =	strace $0x9FFFFFFF  }
0xc4: {  	(tm) =	ssettm $0x7FFFFFFF  }
0xc5: {  	_ =	shalt  }
tec
execute0_lowered:
.L_overlay_start_1:
0x0: {  	(tag) =	ssettag $0x1  }
0x1: {  	s7 =	rddreg [dreg:$0x0]  }
0x2: {  	s0 =	rddreg [dreg:$0x1]  }
0x3: {  	s1 =	rddreg [dreg:$0x2]  }
0x4: {  	s4 =	simm.s32 $0x0;
	s2 =	srdreg.scid;
	s3 =	stileid.u32  }
0x5: {  	[smem:$0x7FF] =	sst s4;
	s2 =	sand.u32 $0x1, s2;
	s6 =	sadd.s32 $0x2800, s1  }
0x6: {  	s26 =	sadd.s32 $0x100, s7;
	_ =	strace $0x80000047;
	[dreg:$0x16] =	wrdreg s6  }
0x7: {  	s3 =	sshll.u32 s3, $0x1;
	s28 =	sadd.s32 $0x200, s7;
	[dreg:$0x1a] =	wrdreg s26  }
0x8: {  	s29 =	sadd.s32 $0x300, s7;
	s30 =	sadd.s32 $0x2840, s1;
	[dreg:$0x1b] =	wrdreg s28  }
0x9: {  	s3 =	sor.u32 s2, s3;
	s2 =	ssub.s32 $0x2, s2;
	[dreg:$0x1c] =	wrdreg s29  }
0xa: {  	[dreg:$0x1d] =	wrdreg s30;
	s23 =	sshll.u32 s3, $0x8;
	s5 =	smul.u32 $0xA0, s3  }
.Ltmp0:
0xb: {  	v2 =	vlaneseq.u32;
	s24 =	sshrl.u32 s2, $0x1;
	s3 =	sshll.u32 s3, $0xE;
	(pc) =	sbr.rel .LBB2_1-.Ltmp0, $4  }
0xc: {  	v0 =	vand.u32 $0x7, v2;
	v1 =	vshrl.u32 v2, $0x3;
	s4 =	sadd.s32 s23, s1;
	[dreg:$0x17] =	wrdreg s3;
	s0 =	sadd.s32 s0, s5  }
0xd: {  	v63 =	vor.u32 $0x8, v2;
	[tilespmem:$0x1FFD0] =	vst v0;
	v62 =	vmul.u32 $0x8, v1;
	s2 =	ssub.s32 s2, s24;
	s25 =	sadd.s32 $0x800, s4;
	[dreg:$0x18] =	wrdreg s0  }
0xe: {  	[tilespmem:$0x1FFF0] =	vst v63;
	s31 =	smax.u32 s2, $0x1;
	[dreg:$0x19] =	wrdreg s25  }
0xf: {  	vm0 =	vmmov $0xffff;
	[tilespmem:$0x1FFE0] =	vst v62;
	s2 =	simm.s32 $0x0;
	[dreg:$0x1e] =	wrdreg s31  }
.LBB2_12:
0x10: {  	s0 =	simm.s32 $0x3  }
0x11: {  	_ =	swait.ge [sflag:s0], $0x1000  }
0x12: {  	[sflag:s0] =	ssyncset.done $0x0  }
0x13: {  	s1 =	simm.s32 $0x4;
	[sflag:s0] =	ssyncadd.s32 $0xFFFFF000  }
0x14: {  	_ =	swait.ge [sflag:s1], $0x1000  }
0x15: {  	s2 =	rddreg [dreg:$0x1f]  }
0x16: {  	s31 =	rddreg [dreg:$0x1e];
	s2 =	sadd.s32 $0x1, s2  }
0x17: {  	p0 =	sne.s32 s2, s31  }
.Ltmp1:
0x18: {  	_ = 	snop;
	(pc) =	sbr.rel @!p0 .LBB2_13-.Ltmp1, $3  }
0x19: {  	_ =	sdelay $0x1  }
0x1a: {  	[sflag:s1] =	ssyncset.done $0x0  }
0x1b: {  	[sflag:s1] =	ssyncadd.s32 $0xFFFFF000  }
.LBB2_1:
0x1c: {  	[dreg:$0x1f] =	wrdreg s2  }
0x1d: {  	s1 =	simm.s32 $0x0;
	s0 =	rddreg [dreg:$0x18];
	s16 =	simm.s32 $0x5  }
0x1e: {  	[tilespmem:s1], [sflag:$0x5] =	stream.linear.gather [hbm4b:s0+s1], $0x500, $0x38;
	[tilespmem:$0x16D00] =	vst v63  }
0x1f: {  	_ =	swait.ge [sflag:s16], $0x500  }
0x20: {  	[sflag:s16] =	ssyncset.done $0x0  }
0x21: {  	s3 =	simm.s32 $0x500;
	s17 =	rddreg [dreg:$0x19];
	[sflag:s16] =	ssyncadd.s32 $0xFFFFFB00  }
0x22: {  	[tilespmem:s3], [sflag:$0x5] =	stream.linear.gather [hbm4b:s17+s1], $0x800, $0x38;
	[tilespmem:$0x16D00] =	vst v63  }
0x23: {  	_ =	swait.ge [sflag:s16], $0x800  }
0x24: {  	[sflag:s16] =	ssyncset.done $0x0  }
0x25: {  	[sflag:s16] =	ssyncadd.s32 $0xFFFFF800  }
0x26: {  	v3 =	vld [tilespmem:$0x0];
	_ =	sdelay $0x2  }
0x27: {  	v0 =	vld [tilespmem:$0x1FFD0];
	_ =	sdelay $0x1  }
0x28: {  	v1 =	vld [tilespmem:$0x1FFE0];
	v4 =	vshll.u32 v3, $0x3  }
0x29: {  	v3 =	vand.u32 $0x7, v3;
	v4 =	vand.u32 $0xFFFFFFC0, v4  }
0x2a: {  	v3 =	vor.u32 v3, v4  }
0x2b: {  	v4 =	vperm.xlane v3, v0;
	_ =	sdelay $0x1  }
0x2c: {  	v4 =	vadd.s32 v1, v4  }
0x2d: {  	v2 =	vld [tilespmem:$0x1FFF0];
	_ =	sdelay $0x2  }
0x2e: {  	s18 =	simm.s32 $0xD00;
	s0 =	rddreg [dreg:$0x0]  }
0x2f: {  	[tilespmem:s18], [sflag:$0x1] =	stream.indirect_vreg.gather [hbm4b:s0+s1], $0x80, v4, vm0, $0xb8;
	[tilespmem:$0x16D00] =	vst v63  }
0x30: {  	s19 =	simm.s32 $0x1500;
	s2 =	rddreg [dreg:$0x1a];
	v3 =	vperm.xlane v3, v2  }
0x31: {  	[tilespmem:s19], [sflag:$0x1] =	stream.indirect_vreg.gather [hbm4b:s2+s1], $0x80, v4, vm0, $0xb8;
	[tilespmem:$0x16D00] =	vst v63  }
0x32: {  	s4 =	simm.s32 $0x1D00;
	s3 =	rddreg [dreg:$0x1b];
	v3 =	vadd.s32 v1, v3  }
0x33: {  	[tilespmem:s4], [sflag:$0x1] =	stream.indirect_vreg.gather [hbm4b:s3+s1], $0x80, v4, vm0, $0xb8;
	[tilespmem:$0x16D00] =	vst v63  }
0x34: {  	s5 =	simm.s32 $0x2500;
	s4 =	rddreg [dreg:$0x1c]  }
0x35: {  	[tilespmem:s5], [sflag:$0x1] =	stream.indirect_vreg.gather [hbm4b:s4+s1], $0x80, v4, vm0, $0xb8;
	[tilespmem:$0x16D00] =	vst v63  }
0x36: {  	s20 =	simm.s32 $0x2D00  }
0x37: {  	[tilespmem:s20], [sflag:$0x1] =	stream.indirect_vreg.gather [hbm4b:s0+s1], $0x80, v3, vm0, $0xb8;
	[tilespmem:$0x16D00] =	vst v63  }
0x38: {  	s21 =	simm.s32 $0x3500  }
0x39: {  	[tilespmem:s21], [sflag:$0x1] =	stream.indirect_vreg.gather [hbm4b:s2+s1], $0x80, v3, vm0, $0xb8;
	[tilespmem:$0x16D00] =	vst v63  }
0x3a: {  	s22 =	simm.s32 $0x3D00  }
0x3b: {  	[tilespmem:s22], [sflag:$0x1] =	stream.indirect_vreg.gather [hbm4b:s3+s1], $0x80, v3, vm0, $0xb8;
	[tilespmem:$0x16D00] =	vst v63  }
0x3c: {  	s23 =	simm.s32 $0x4500  }
0x3d: {  	[tilespmem:s23], [sflag:$0x1] =	stream.indirect_vreg.gather [hbm4b:s4+s1], $0x80, v3, vm0, $0xb8;
	[tilespmem:$0x16D00] =	vst v63  }
0x3e: {  	v3 =	vld [tilespmem:$0x10];
	_ =	sdelay $0x4  }
0x3f: {  	v59 =	vshll.u32 v3, $0x3  }
0x40: {  	v3 =	vand.u32 $0x7, v3;
	v4 =	vand.u32 $0xFFFFFFC0, v59  }
0x41: {  	v3 =	vor.u32 v3, v4  }
0x42: {  	v4 =	vperm.xlane v3, v0;
	_ =	sdelay $0x1  }
0x43: {  	v4 =	vadd.s32 v1, v4;
	_ =	sdelay $0x3  }
0x44: {  	s24 =	simm.s32 $0x4D00  }
0x45: {  	[tilespmem:s24], [sflag:$0x1] =	stream.indirect_vreg.gather [hbm4b:s0+s1], $0x80, v4, vm0, $0xb8;
	[tilespmem:$0x16D00] =	vst v63  }
0x46: {  	s25 =	simm.s32 $0x5500;
	v3 =	vperm.xlane v3, v2  }
0x47: {  	[tilespmem:s25], [sflag:$0x1] =	stream.indirect_vreg.gather [hbm4b:s2+s1], $0x80, v4, vm0, $0xb8;
	[tilespmem:$0x16D00] =	vst v63  }
0x48: {  	s26 =	simm.s32 $0x5D00;
	v3 =	vadd.s32 v1, v3  }
0x49: {  	[tilespmem:s26], [sflag:$0x1] =	stream.indirect_vreg.gather [hbm4b:s3+s1], $0x80, v4, vm0, $0xb8;
	[tilespmem:$0x16D00] =	vst v63  }
0x4a: {  	s28 =	simm.s32 $0x6500  }
0x4b: {  	[tilespmem:s28], [sflag:$0x1] =	stream.indirect_vreg.gather [hbm4b:s4+s1], $0x80, v4, vm0, $0xb8;
	[tilespmem:$0x16D00] =	vst v63  }
0x4c: {  	s29 =	simm.s32 $0x6D00  }
0x4d: {  	[tilespmem:s29], [sflag:$0x1] =	stream.indirect_vreg.gather [hbm4b:s0+s1], $0x80, v3, vm0, $0xb8;
	[tilespmem:$0x16D00] =	vst v63  }
0x4e: {  	s30 =	simm.s32 $0x7500  }
0x4f: {  	[tilespmem:s30], [sflag:$0x1] =	stream.indirect_vreg.gather [hbm4b:s2+s1], $0x80, v3, vm0, $0xb8;
	[tilespmem:$0x16D00] =	vst v63  }
0x50: {  	s31 =	simm.s32 $0x7D00  }
0x51: {  	[tilespmem:s31], [sflag:$0x1] =	stream.indirect_vreg.gather [hbm4b:s3+s1], $0x80, v3, vm0, $0xb8;
	[tilespmem:$0x16D00] =	vst v63  }
0x52: {  	s6 =	simm.s32 $0x8500  }
0x53: {  	[tilespmem:s6], [sflag:$0x1] =	stream.indirect_vreg.gather [hbm4b:s4+s1], $0x80, v3, vm0, $0xb8;
	[tilespmem:$0x16D00] =	vst v63  }
0x54: {  	v3 =	vld.msk [tilespmem:$0x20], $0xff;
	_ =	sdelay $0x4  }
0x55: {  	v60 =	vshll.u32 v3, $0x3  }
0x56: {  	v3 =	vand.u32 $0x7, v3;
	v4 =	vand.u32 $0xFFFFFFC0, v60  }
0x57: {  	v3 =	vor.u32 v3, v4  }
0x58: {  	v3 =	vperm.xlane v3, v0;
	_ =	sdelay $0x1  }
0x59: {  	v3 =	vadd.s32 v1, v3;
	_ =	sdelay $0x3  }
0x5a: {  	s7 =	simm.s32 $0x8D00  }
0x5b: {  	[tilespmem:s7], [sflag:$0x1] =	stream.indirect_vreg.gather [hbm4b:s0+s1], $0x80, v3, vm0, $0xb8;
	[tilespmem:$0x16D00] =	vst v63  }
0x5c: {  	s8 =	simm.s32 $0x9500  }
0x5d: {  	[tilespmem:s8], [sflag:$0x1] =	stream.indirect_vreg.gather [hbm4b:s2+s1], $0x80, v3, vm0, $0xb8;
	[tilespmem:$0x16D00] =	vst v63  }
0x5e: {  	s9 =	simm.s32 $0x9D00  }
0x5f: {  	[tilespmem:s9], [sflag:$0x1] =	stream.indirect_vreg.gather [hbm4b:s3+s1], $0x80, v3, vm0, $0xb8;
	[tilespmem:$0x16D00] =	vst v63  }
0x60: {  	s10 =	simm.s32 $0xA500  }
0x61: {  	[tilespmem:s10], [sflag:$0x1] =	stream.indirect_vreg.gather [hbm4b:s4+s1], $0x80, v3, vm0, $0xb8;
	[tilespmem:$0x16D00] =	vst v63  }
0x62: {  	v3 =	vld [tilespmem:$0x28];
	_ =	sdelay $0x4  }
0x63: {  	v61 =	vshll.u32 v3, $0x3  }
0x64: {  	v3 =	vand.u32 $0x7, v3;
	v4 =	vand.u32 $0xFFFFFFC0, v61  }
0x65: {  	v3 =	vor.u32 v3, v4  }
0x66: {  	v4 =	vperm.xlane v3, v0;
	_ =	sdelay $0x1  }
0x67: {  	v4 =	vadd.s32 v1, v4;
	_ =	sdelay $0x3  }
0x68: {  	s11 =	simm.s32 $0xAD00  }
0x69: {  	[tilespmem:s11], [sflag:$0x2] =	stream.indirect_vreg.gather [hbm4b:s0+s1], $0x80, v4, vm0, $0xb8;
	[tilespmem:$0x16D00] =	vst v63  }
0x6a: {  	s12 =	simm.s32 $0xB500;
	v3 =	vperm.xlane v3, v2  }
0x6b: {  	[tilespmem:s12], [sflag:$0x2] =	stream.indirect_vreg.gather [hbm4b:s2+s1], $0x80, v4, vm0, $0xb8;
	[tilespmem:$0x16D00] =	vst v63  }
0x6c: {  	s13 =	simm.s32 $0xBD00;
	v3 =	vadd.s32 v1, v3  }
0x6d: {  	[tilespmem:s13], [sflag:$0x2] =	stream.indirect_vreg.gather [hbm4b:s3+s1], $0x80, v4, vm0, $0xb8;
	[tilespmem:$0x16D00] =	vst v63  }
0x6e: {  	s14 =	simm.s32 $0xC500  }
0x6f: {  	[tilespmem:s14], [sflag:$0x2] =	stream.indirect_vreg.gather [hbm4b:s4+s1], $0x80, v4, vm0, $0xb8;
	[tilespmem:$0x16D00] =	vst v63  }
0x70: {  	s15 =	simm.s32 $0xCD00  }
0x71: {  	[tilespmem:s15], [sflag:$0x2] =	stream.indirect_vreg.gather [hbm4b:s0+s1], $0x80, v3, vm0, $0xb8;
	[tilespmem:$0x16D00] =	vst v63  }
0x72: {  	s16 =	simm.s32 $0xD500  }
0x73: {  	[tilespmem:s16], [sflag:$0x2] =	stream.indirect_vreg.gather [hbm4b:s2+s1], $0x80, v3, vm0, $0xb8;
	[tilespmem:$0x16D00] =	vst v63  }
0x74: {  	s17 =	simm.s32 $0xDD00  }
0x75: {  	[tilespmem:s17], [sflag:$0x2] =	stream.indirect_vreg.gather [hbm4b:s3+s1], $0x80, v3, vm0, $0xb8;
	[tilespmem:$0x16D00] =	vst v63  }
0x76: {  	s18 =	simm.s32 $0xE500  }
0x77: {  	[tilespmem:s18], [sflag:$0x2] =	stream.indirect_vreg.gather [hbm4b:s4+s1], $0x80, v3, vm0, $0xb8;
	[tilespmem:$0x16D00] =	vst v63  }
0x78: {  	v3 =	vld [tilespmem:$0x38];
	_ =	sdelay $0x4  }
0x79: {  	v62 =	vshll.u32 v3, $0x3  }
0x7a: {  	v3 =	vand.u32 $0x7, v3;
	v4 =	vand.u32 $0xFFFFFFC0, v62  }
0x7b: {  	v3 =	vor.u32 v3, v4  }
0x7c: {  	v4 =	vperm.xlane v3, v0;
	_ =	sdelay $0x1  }
0x7d: {  	v4 =	vadd.s32 v1, v4;
	_ =	sdelay $0x3  }
0x7e: {  	s19 =	simm.s32 $0xED00  }
0x7f: {  	[tilespmem:s19], [sflag:$0x2] =	stream.indirect_vreg.gather [hbm4b:s0+s1], $0x80, v4, vm0, $0xb8;
	[tilespmem:$0x16D00] =	vst v63  }
0x80: {  	s20 =	simm.s32 $0xF500;
	v3 =	vperm.xlane v3, v2  }
0x81: {  	[tilespmem:s20], [sflag:$0x2] =	stream.indirect_vreg.gather [hbm4b:s2+s1], $0x80, v4, vm0, $0xb8;
	[tilespmem:$0x16D00] =	vst v63  }
0x82: {  	s21 =	simm.s32 $0xFD00;
	v3 =	vadd.s32 v1, v3  }
0x83: {  	[tilespmem:s21], [sflag:$0x2] =	stream.indirect_vreg.gather [hbm4b:s3+s1], $0x80, v4, vm0, $0xb8;
	[tilespmem:$0x16D00] =	vst v63  }
0x84: {  	s22 =	simm.s32 $0x10500  }
0x85: {  	[tilespmem:s22], [sflag:$0x2] =	stream.indirect_vreg.gather [hbm4b:s4+s1], $0x80, v4, vm0, $0xb8;
	[tilespmem:$0x16D00] =	vst v63  }
0x86: {  	s23 =	simm.s32 $0x10D00  }
0x87: {  	[tilespmem:s23], [sflag:$0x2] =	stream.indirect_vreg.gather [hbm4b:s0+s1], $0x80, v3, vm0, $0xb8;
	[tilespmem:$0x16D00] =	vst v63  }
0x88: {  	s24 =	simm.s32 $0x11500  }
0x89: {  	[tilespmem:s24], [sflag:$0x2] =	stream.indirect_vreg.gather [hbm4b:s2+s1], $0x80, v3, vm0, $0xb8;
	[tilespmem:$0x16D00] =	vst v63  }
0x8a: {  	s25 =	simm.s32 $0x11D00  }
0x8b: {  	[tilespmem:s25], [sflag:$0x2] =	stream.indirect_vreg.gather [hbm4b:s3+s1], $0x80, v3, vm0, $0xb8;
	[tilespmem:$0x16D00] =	vst v63  }
0x8c: {  	s26 =	simm.s32 $0x12500  }
0x8d: {  	[tilespmem:s26], [sflag:$0x2] =	stream.indirect_vreg.gather [hbm4b:s4+s1], $0x80, v3, vm0, $0xb8;
	[tilespmem:$0x16D00] =	vst v63  }
0x8e: {  	v3 =	vld.msk [tilespmem:$0x48], $0xff;
	_ =	sdelay $0x4  }
0x8f: {  	v63 =	vshll.u32 v3, $0x3  }
0x90: {  	v3 =	vand.u32 $0x7, v3;
	v4 =	vand.u32 $0xFFFFFFC0, v63  }
0x91: {  	v3 =	vor.u32 v3, v4  }
0x92: {  	v3 =	vperm.xlane v3, v0;
	_ =	sdelay $0x1  }
0x93: {  	v3 =	vadd.s32 v1, v3;
	_ =	sdelay $0x3  }
0x94: {  	s28 =	simm.s32 $0x12D00  }
0x95: {  	[tilespmem:s28], [sflag:$0x2] =	stream.indirect_vreg.gather [hbm4b:s0+s1], $0x80, v3, vm0, $0xb8;
	[tilespmem:$0x16D00] =	vst v63  }
0x96: {  	s29 =	simm.s32 $0x13500  }
0x97: {  	[tilespmem:s29], [sflag:$0x2] =	stream.indirect_vreg.gather [hbm4b:s2+s1], $0x80, v3, vm0, $0xb8;
	[tilespmem:$0x16D00] =	vst v63  }
0x98: {  	s30 =	simm.s32 $0x13D00  }
0x99: {  	[tilespmem:s30], [sflag:$0x2] =	stream.indirect_vreg.gather [hbm4b:s3+s1], $0x80, v3, vm0, $0xb8;
	[tilespmem:$0x16D00] =	vst v63  }
0x9a: {  	s31 =	simm.s32 $0x14500;
	s7 =	simm.s32 $0x0  }
0x9b: {  	[tilespmem:s31], [sflag:$0x2] =	stream.indirect_vreg.gather [hbm4b:s4+s1], $0x80, v3, vm0, $0xb8;
	[tilespmem:$0x16D00] =	vst v63  }
.LBB2_2:
0x9c: {  	s0 =	simm.s32 $0x1  }
0x9d: {  	_ =	swait.ge [sflag:s0], $0xA000  }
0x9e: {  	p0 =	seq.s32 s7, $0x0;
	[sflag:s0] =	ssyncset.done $0x0  }
0x9f: {  	[sflag:s0] =	ssyncadd.s32 $0xFFFF6000;
	s0 =	simm.s32 @!p0 $0x3  }
0xa0: {  	_ =	swait.ge @!p0 [sflag:s0], $0x1000  }
0xa1: {  	s1 =	sshll.u32 s7, $0x7;
	[sflag:s0] =	ssyncset.done @!p0 $0x0  }
0xa2: {  	s4 =	sand.u32 $0x3FFFFF80, s1;
	[sflag:s0] =	ssyncadd.s32 @!p0 $0xFFFFF000  }
0xa3: {  	v12 =	vld [tilespmem:s4+$0x500];
	_ =	sdelay $0x4  }
0xa4: {  	v22 =	vld [tilespmem:s4+$0x510];
	v0 =	vbroadcast v12, $0x0  }
0xa5: {  	v1 =	vbroadcast v12, $0x1;
	v2 =	vbroadcast v12, $0x2  }
0xa6: {  	v3 =	vbroadcast v12, $0x3;
	v4 =	vbroadcast v12, $0x4  }
0xa7: {  	s6 =	simm.s32 $0x0;
	[smem:$0x7E8] =	sst s7;
	s7 =	simm.s32 $0x0;
	v5 =	vbroadcast v12, $0x5;
	v6 =	vbroadcast v12, $0x6  }
0xa8: {  	s21 =	sand.u32 $0x60, s6;
	s7 =	sand.u32 $0x3FFFFC00, s7;
	v7 =	vbroadcast v12, $0x7;
	v8 =	vbroadcast v12, $0x8  }
0xa9: {  	s6 =	sor.u32 $0x10, s21;
	v31 =	vld [tilespmem:s4+$0x520];
	s8 =	sadd.s32 $0xD00, s7;
	v9 =	vbroadcast v12, $0x9;
	v10 =	vbroadcast v22, $0x0  }
0xaa: {  	s9 =	sor.u32 s6, s8;
	v11 =	vbroadcast v22, $0x1;
	v15 =	vbroadcast v22, $0x2  }
0xab: {  	v28 =	vld [tilespmem:s9+$0x0];
	v16 =	vbroadcast v22, $0x3;
	v17 =	vbroadcast v22, $0x4  }
0xac: {  	v29 =	vld [tilespmem:s9+$0x80];
	v18 =	vbroadcast v22, $0x5;
	v19 =	vbroadcast v22, $0x6  }
0xad: {  	v30 =	vld [tilespmem:s9+$0x100];
	v20 =	vbroadcast v22, $0x7;
	v21 =	vbroadcast v22, $0x8  }
0xae: {  	v22 =	vbroadcast v22, $0x9;
	v23 =	vbroadcast v31, $0x0  }
0xaf: {  	v32 =	vld [tilespmem:s9+$0x180];
	v24 =	vbroadcast v31, $0x1;
	v25 =	vbroadcast v31, $0x2  }
0xb0: {  	v26 =	vbroadcast v31, $0x3;
	v27 =	vbroadcast v31, $0x4;
	v33 =	vunpack.i.u.bf16.f32 v28  }
0xb1: {  	v35 =	vld [tilespmem:s9+$0x200];
	v28 =	vunpack.i.l.bf16.f32 v28;
	v34 =	vunpack.i.u.bf16.f32 v29;
	v29 =	vunpack.i.l.bf16.f32 v29  }
0xb2: {  	v36 =	vunpack.i.l.bf16.f32 v30;
	v28 =	vmul.f32 v28, v0;
	v33 =	vmul.f32 v33, v0  }
0xb3: {  	v37 =	vld [tilespmem:s9+$0x280];
	v30 =	vunpack.i.u.bf16.f32 v30;
	v29 =	vmul.f32 v29, v1;
	v34 =	vmul.f32 v34, v1  }
0xb4: {  	v48 =	vld [tilespmem:s9+$0x300];
	v38 =	vunpack.i.l.bf16.f32 v32;
	v32 =	vunpack.i.u.bf16.f32 v32;
	v36 =	vmul.f32 v36, v2  }
0xb5: {  	s2 =	sadd.s32 $0x2D00, s7;
	v51 =	vld [tilespmem:s9+$0x380];
	v30 =	vmul.f32 v30, v2;
	v28 =	vadd.f32 v29, v28;
	v29 =	vadd.f32 v34, v33  }
0xb6: {  	s10 =	sor.u32 s6, s2;
	v50 =	vunpack.i.l.bf16.f32 v35;
	v35 =	vunpack.i.u.bf16.f32 v35;
	v49 =	vmul.f32 v38, v3  }
0xb7: {  	v54 =	vld [tilespmem:s10+$0x0];
	v28 =	vadd.f32 v36, v28;
	v29 =	vadd.f32 v30, v29;
	v30 =	vmul.f32 v32, v3  }
0xb8: {  	s3 =	sadd.s32 $0x2D80, s7;
	v53 =	vunpack.i.l.bf16.f32 v37;
	v55 =	vunpack.i.u.bf16.f32 v37;
	v52 =	vmul.f32 v50, v4  }
0xb9: {  	s11 =	sor.u32 s6, s3;
	v28 =	vadd.f32 v49, v28;
	v29 =	vadd.f32 v30, v29;
	v30 =	vmul.f32 v35, v4  }
0xba: {  	s8 =	sor.u32 s21, s8;
	v58 =	vld [tilespmem:s11+$0x0];
	v57 =	vunpack.i.l.bf16.f32 v48;
	v60 =	vunpack.i.l.bf16.f32 v51;
	v56 =	vmul.f32 v53, v5  }
0xbb: {  	v61 =	vld [tilespmem:s8+$0x0];
	v28 =	vadd.f32 v52, v28;
	v29 =	vadd.f32 v30, v29;
	v30 =	vmul.f32 v55, v5  }
0xbc: {  	v63 =	vunpack.i.l.bf16.f32 v54;
	v59 =	vmul.f32 v57, v6;
	v33 =	vunpack.i.u.bf16.f32 v48  }
0xbd: {  	v39 =	vld [tilespmem:s8+$0x80];
	v28 =	vadd.f32 v56, v28;
	v29 =	vadd.f32 v30, v29;
	v30 =	vmul.f32 v33, v6  }
0xbe: {  	v45 =	vld [tilespmem:s8+$0x100];
	v42 =	vunpack.i.u.bf16.f32 v54;
	v62 =	vmul.f32 v60, v7;
	v32 =	vunpack.i.u.bf16.f32 v51  }
0xbf: {  	v46 =	vld [tilespmem:s8+$0x180];
	v28 =	vadd.f32 v59, v28;
	v29 =	vadd.f32 v30, v29;
	v30 =	vmul.f32 v32, v7  }
0xc0: {  	v44 =	vunpack.i.l.bf16.f32 v58;
	v47 =	vunpack.i.u.bf16.f32 v61;
	v43 =	vmul.f32 v63, v8  }
0xc1: {  	v37 =	vadd.f32 v62, v28;
	v29 =	vadd.f32 v30, v29;
	v30 =	vmul.f32 v42, v8  }
0xc2: {  	v48 =	vunpack.i.l.bf16.f32 v39;
	v36 =	vmul.f32 v44, v9;
	v35 =	vunpack.i.u.bf16.f32 v58  }
0xc3: {  	v34 =	vadd.f32 v43, v37;
	v29 =	vadd.f32 v30, v29;
	v30 =	vmul.f32 v35, v9  }
0xc4: {  	s12 =	simm.s32 $0x0;
	v54 =	vunpack.i.l.bf16.f32 v46;
	v50 =	vunpack.i.l.bf16.f32 v45;
	v38 =	vmul.f32 v48, v1  }
0xc5: {  	s0 =	sand.u32 $0x3FFFFE00, s12;
	v33 =	vunpack.i.l.bf16.f32 v61;
	v34 =	vadd.f32 v36, v34;
	v29 =	vadd.f32 v30, v29  }
0xc6: {  	s5 =	sadd.s32 $0x14D00, s0;
	v49 =	vunpack.i.u.bf16.f32 v39;
	v52 =	vmul.f32 v50, v2;
	v33 =	vmul.f32 v33, v0;
	v30 =	vld [tilespmem:s8+$0x200]  }
0xc7: {  	s20 =	sadd.s32 $0x2E00, s7;
	s10 =	sor.u32 s6, s5;
	v42 =	vld [tilespmem:s4+$0x530];
	v37 =	vmul.f32 v47, v0;
	[smem:$0x7E9] =	sst s4;
	v36 =	vmul.f32 v49, v1;
	v29 =	vpack.i.f32.bf16 v29, v34  }
0xc8: {  	s22 =	sadd.s32 $0x2E80, s7;
	s13 =	sor.u32 s6, s20;
	v32 =	vunpack.i.u.bf16.f32 v45;
	v33 =	vadd.f32 v38, v33;
	v28 =	vbroadcast v31, $0x5;
	v51 =	vld [tilespmem:s8+$0x280];
	[tilespmem:s10+$0x0] =	vst v29  }
0xc9: {  	s23 =	sadd.s32 $0x2F00, s7;
	s14 =	sor.u32 s6, s22;
	v35 =	vunpack.i.u.bf16.f32 v46;
	v53 =	vadd.f32 v36, v37;
	v29 =	vmul.f32 v32, v2;
	v55 =	vld [tilespmem:s13+$0x0]  }
0xca: {  	s15 =	sor.u32 s6, s23;
	v33 =	vadd.f32 v52, v33;
	v35 =	vmul.f32 v35, v3;
	v36 =	vmul.f32 v54, v3;
	v56 =	vld [tilespmem:s14+$0x0]  }
0xcb: {  	s0 =	sadd.s32 $0x2F80, s7;
	v58 =	vld [tilespmem:s15+$0x0];
	v32 =	vadd.f32 v29, v53;
	v29 =	vunpack.i.l.bf16.f32 v30;
	v30 =	vunpack.i.u.bf16.f32 v30  }
0xcc: {  	s16 =	sor.u32 s6, s0;
	v33 =	vadd.f32 v36, v33;
	v57 =	vmul.f32 v29, v4;
	v30 =	vmul.f32 v30, v4  }
0xcd: {  	s4 =	sadd.s32 $0x3000, s7;
	v59 =	vld [tilespmem:s16+$0x0];
	v40 =	vunpack.i.u.bf16.f32 v51;
	v34 =	vunpack.i.l.bf16.f32 v51;
	v32 =	vadd.f32 v35, v32  }
0xce: {  	s9 =	sor.u32 s6, s4;
	v40 =	vmul.f32 v40, v5;
	v33 =	vadd.f32 v57, v33;
	v60 =	vunpack.i.u.bf16.f32 v55  }
0xcf: {  	s1 =	sadd.s32 $0x3080, s7;
	v43 =	vld [tilespmem:s9+$0x0];
	v37 =	vunpack.i.l.bf16.f32 v55;
	v41 =	vunpack.i.u.bf16.f32 v56;
	v38 =	vunpack.i.l.bf16.f32 v56  }
0xd0: {  	s17 =	sor.u32 s6, s1;
	v44 =	vunpack.i.l.bf16.f32 v58;
	v37 =	vmul.f32 v37, v10;
	v36 =	vmul.f32 v60, v10  }
0xd1: {  	s11 =	sadd.s32 $0x4D00, s7;
	v45 =	vld [tilespmem:s17+$0x0];
	v39 =	vunpack.i.u.bf16.f32 v58;
	v38 =	vmul.f32 v38, v11;
	v41 =	vmul.f32 v41, v11  }
0xd2: {  	s18 =	sor.u32 s6, s11;
	v46 =	vunpack.i.l.bf16.f32 v59;
	v35 =	vunpack.i.u.bf16.f32 v59;
	v44 =	vmul.f32 v44, v15  }
0xd3: {  	s17 =	sadd.s32 $0x4D80, s7;
	v62 =	vld [tilespmem:s18+$0x0];
	v61 =	vmul.f32 v39, v15;
	v37 =	vadd.f32 v38, v37;
	v36 =	vadd.f32 v41, v36  }
0xd4: {  	s19 =	sor.u32 s6, s17;
	v48 =	vunpack.i.l.bf16.f32 v43;
	v43 =	vunpack.i.u.bf16.f32 v43;
	v63 =	vmul.f32 v46, v16  }
0xd5: {  	v49 =	vld [tilespmem:s19+$0x0];
	v35 =	vmul.f32 v35, v16;
	v37 =	vadd.f32 v44, v37;
	v36 =	vadd.f32 v61, v36  }
0xd6: {  	s18 =	sadd.s32 $0x4E00, s7;
	v51 =	vunpack.i.l.bf16.f32 v45;
	v54 =	vunpack.i.u.bf16.f32 v45;
	v50 =	vmul.f32 v48, v17  }
0xd7: {  	s24 =	sor.u32 s6, s18;
	s19 =	sadd.s32 $0x4E80, s7;
	v52 =	vmul.f32 v43, v17;
	v37 =	vadd.f32 v63, v37;
	v35 =	vadd.f32 v35, v36  }
0xd8: {  	v53 =	vld [tilespmem:s24+$0x0];
	s25 =	sor.u32 s6, s19;
	v56 =	vunpack.i.l.bf16.f32 v62;
	v55 =	vmul.f32 v51, v18;
	v57 =	vmul.f32 v54, v18  }
0xd9: {  	v58 =	vld [tilespmem:s25+$0x0];
	v39 =	vunpack.i.u.bf16.f32 v62;
	v37 =	vadd.f32 v50, v37;
	v35 =	vadd.f32 v52, v35  }
0xda: {  	v59 =	vmul.f32 v56, v19;
	v60 =	vunpack.i.l.bf16.f32 v49;
	v38 =	vunpack.i.u.bf16.f32 v49  }
0xdb: {  	v61 =	vmul.f32 v39, v19;
	v37 =	vadd.f32 v55, v37;
	v35 =	vadd.f32 v57, v35  }
0xdc: {  	v62 =	vmul.f32 v60, v20;
	v48 =	vmul.f32 v38, v20  }
0xdd: {  	v63 =	vunpack.i.l.bf16.f32 v53;
	v37 =	vadd.f32 v59, v37;
	v35 =	vadd.f32 v61, v35  }
0xde: {  	v49 =	vld [tilespmem:s8+$0x300];
	v41 =	vunpack.i.u.bf16.f32 v53;
	v54 =	vunpack.i.u.bf16.f32 v58;
	v50 =	vmul.f32 v63, v21  }
0xdf: {  	v52 =	vmul.f32 v41, v21;
	v37 =	vadd.f32 v62, v37;
	v35 =	vadd.f32 v48, v35  }
0xe0: {  	v30 =	vadd.f32 v30, v32;
	v51 =	vunpack.i.l.bf16.f32 v58;
	v56 =	vmul.f32 v54, v22;
	v53 =	vld [tilespmem:s8+$0x380]  }
0xe1: {  	s2 =	sor.u32 s21, s2;
	v55 =	vmul.f32 v51, v22;
	v37 =	vadd.f32 v50, v37;
	v35 =	vadd.f32 v52, v35  }
0xe2: {  	v29 =	vbroadcast v31, $0x6;
	v34 =	vmul.f32 v34, v5;
	v30 =	vadd.f32 v40, v30;
	v57 =	vld [tilespmem:s2+$0x0]  }
0xe3: {  	s26 =	sor.u32 s21, s3;
	v59 =	vunpack.i.l.bf16.f32 v49;
	v60 =	vadd.f32 v55, v37;
	v35 =	vadd.f32 v56, v35  }
0xe4: {  	v58 =	vadd.f32 v34, v33;
	v61 =	vld [tilespmem:s26+$0x0];
	v33 =	vmul.f32 v59, v6;
	v62 =	vunpack.i.u.bf16.f32 v49  }
0xe5: {  	v63 =	vunpack.i.l.bf16.f32 v53;
	v37 =	vmul.f32 v62, v6;
	v34 =	vpack.i.f32.bf16 v35, v60  }
0xe6: {  	s12 =	sadd.s32 $0x4F00, s7;
	v40 =	vunpack.i.u.bf16.f32 v53;
	v43 =	vmul.f32 v63, v7;
	v32 =	vadd.f32 v33, v58;
	[tilespmem:s10+$0x80] =	vst v34  }
0xe7: {  	s31 =	sor.u32 s6, s12;
	s8 =	sadd.s32 $0x4F80, s7;
	v45 =	vunpack.i.l.bf16.f32 v57;
	v44 =	vadd.f32 v37, v30;
	v35 =	vmul.f32 v40, v7;
	[smem:$0x7FC] =	sst s10  }
0xe8: {  	s15 =	sadd.s32 $0x5000, s7;
	s3 =	sor.u32 s6, s8;
	v49 =	vunpack.i.u.bf16.f32 v57;
	v47 =	vmul.f32 v45, v8;
	v32 =	vadd.f32 v43, v32;
	v46 =	vld [tilespmem:s31+$0x0]  }
0xe9: {  	s9 =	sor.u32 s6, s15;
	v39 =	vmul.f32 v49, v8;
	v36 =	vunpack.i.u.bf16.f32 v61;
	v34 =	vadd.f32 v35, v44;
	v48 =	vld [tilespmem:s3+$0x0]  }
0xea: {  	s2 =	sadd.s32 $0x5080, s7;
	v50 =	vunpack.i.l.bf16.f32 v61;
	v36 =	vmul.f32 v36, v9;
	v33 =	vadd.f32 v47, v32;
	v51 =	vld [tilespmem:s9+$0x0]  }
0xeb: {  	s26 =	smov.u32 s10;
	v32 =	vbroadcast v31, $0x8;
	v35 =	vmul.f32 v50, v9;
	s10 =	sor.u32 s6, s2;
	v34 =	vadd.f32 v39, v34  }
0xec: {  	s13 =	sadd.s32 $0x6D00, s7;
	v30 =	vbroadcast v31, $0x7;
	v31 =	vbroadcast v31, $0x9;
	v52 =	vld [tilespmem:s10+$0x0]  }
0xed: {  	s14 =	sor.u32 s6, s13;
	v33 =	vadd.f32 v35, v33;
	v34 =	vadd.f32 v36, v34;
	v53 =	vunpack.i.u.bf16.f32 v46  }
0xee: {  	s3 =	sadd.s32 $0x6D80, s7;
	v55 =	vld [tilespmem:s14+$0x0];
	v38 =	vunpack.i.l.bf16.f32 v46;
	v54 =	vunpack.i.u.bf16.f32 v48;
	v37 =	vunpack.i.l.bf16.f32 v48  }
0xef: {  	s16 =	sor.u32 s6, s3;
	v56 =	vunpack.i.l.bf16.f32 v51;
	v38 =	vmul.f32 v38, v23;
	v35 =	vmul.f32 v53, v23  }
0xf0: {  	s9 =	sadd.s32 $0x6E00, s7;
	v57 =	vld [tilespmem:s16+$0x0];
	v40 =	vunpack.i.u.bf16.f32 v51;
	v37 =	vmul.f32 v37, v24;
	v39 =	vmul.f32 v54, v24  }
0xf1: {  	s24 =	sor.u32 s6, s9;
	v58 =	vunpack.i.l.bf16.f32 v52;
	v61 =	vunpack.i.u.bf16.f32 v52;
	v44 =	vmul.f32 v56, v25  }
0xf2: {  	s14 =	sadd.s32 $0x6E80, s7;
	v60 =	vld [tilespmem:s24+$0x0];
	v59 =	vmul.f32 v40, v25;
	v37 =	vadd.f32 v37, v38;
	v35 =	vadd.f32 v39, v35  }
0xf3: {  	s25 =	sor.u32 s6, s14;
	v63 =	vunpack.i.l.bf16.f32 v55;
	v43 =	vunpack.i.u.bf16.f32 v55;
	v62 =	vmul.f32 v58, v26  }
0xf4: {  	s16 =	sadd.s32 $0x6F00, s7;
	v49 =	vld [tilespmem:s25+$0x0];
	v48 =	vmul.f32 v61, v26;
	v37 =	vadd.f32 v44, v37;
	v35 =	vadd.f32 v59, v35  }
0xf5: {  	s31 =	sor.u32 s6, s16;
	v50 =	vmul.f32 v63, v27;
	v52 =	vmul.f32 v43, v27;
	v51 =	vunpack.i.l.bf16.f32 v57  }
0xf6: {  	v47 =	vld [tilespmem:s31+$0x0];
	v53 =	vunpack.i.u.bf16.f32 v57;
	v37 =	vadd.f32 v62, v37;
	v35 =	vadd.f32 v48, v35  }
0xf7: {  	s10 =	sadd.s32 $0x6F80, s7;
	v55 =	vunpack.i.l.bf16.f32 v60;
	v54 =	vmul.f32 v51, v28;
	v57 =	vmul.f32 v53, v28  }
0xf8: {  	s24 =	sor.u32 s6, s10;
	v39 =	vunpack.i.u.bf16.f32 v60;
	v37 =	vadd.f32 v50, v37;
	v35 =	vadd.f32 v52, v35  }
0xf9: {  	v56 =	vld [tilespmem:s24+$0x0];
	v61 =	vunpack.i.u.bf16.f32 v49;
	v58 =	vmul.f32 v55, v29;
	v60 =	vmul.f32 v39, v29  }
0xfa: {  	v59 =	vunpack.i.l.bf16.f32 v49;
	v37 =	vadd.f32 v54, v37;
	v35 =	vadd.f32 v57, v35  }
0xfb: {  	v45 =	vmul.f32 v61, v30;
	v63 =	vunpack.i.l.bf16.f32 v47;
	v62 =	vmul.f32 v59, v30  }
0xfc: {  	v48 =	vunpack.i.u.bf16.f32 v47;
	v37 =	vadd.f32 v58, v37;
	v35 =	vadd.f32 v60, v35  }
0xfd: {  	s25 =	sor.u32 s21, s5;
	v33 =	vpack.i.f32.bf16 v34, v33;
	v49 =	vmul.f32 v63, v32;
	v51 =	vmul.f32 v48, v32  }
0xfe: {  	s20 =	sor.u32 s21, s20;
	[tilespmem:s25+$0x0] =	vst v33;
	v50 =	vunpack.i.l.bf16.f32 v56;
	v37 =	vadd.f32 v62, v37;
	v35 =	vadd.f32 v45, v35  }
0xff: {  	s22 =	sor.u32 s21, s22;
	v52 =	vunpack.i.u.bf16.f32 v56;
	v56 =	vld [tilespmem:s20+$0x0];
	v53 =	vmul.f32 v50, v31  }
0x100: {  	v36 =	vmul.f32 v52, v31;
	v57 =	vld [tilespmem:s22+$0x0];
	v37 =	vadd.f32 v49, v37;
	v35 =	vadd.f32 v51, v35  }
0x101: {  	s23 =	sor.u32 s21, s23  }
0x102: {  	v58 =	vld [tilespmem:s23+$0x0];
	v54 =	vadd.f32 v53, v37;
	v55 =	vadd.f32 v36, v35  }
0x103: {  	v41 =	vbroadcast v42, $0x1;
	v40 =	vbroadcast v42, $0x0;
	s24 =	sadd.s32 $0x7080, s7  }
0x104: {  	s28 =	sadd.s32 $0x7000, s7;
	v38 =	vbroadcast v42, $0x3;
	v39 =	vbroadcast v42, $0x2;
	[smem:$0x7EA] =	sst s24;
	v33 =	vpack.i.f32.bf16 v55, v54  }
0x105: {  	s31 =	sor.u32 s6, s28;
	v48 =	vunpack.i.u.bf16.f32 v56;
	v43 =	vunpack.i.l.bf16.f32 v56;
	v44 =	vunpack.i.l.bf16.f32 v57;
	[tilespmem:s26+$0x100] =	vst v33  }
0x106: {  	s29 =	sadd.s32 $0x8D00, s7;
	s20 =	sor.u32 s6, s24;
	v43 =	vmul.f32 v43, v10;
	v50 =	vunpack.i.u.bf16.f32 v57;
	v44 =	vmul.f32 v44, v11;
	v59 =	vld [tilespmem:s31+$0x0]  }
0x107: {  	s22 =	sor.u32 s6, s29;
	v48 =	vmul.f32 v48, v10;
	v50 =	vmul.f32 v50, v11;
	v45 =	vunpack.i.l.bf16.f32 v58;
	v60 =	vld [tilespmem:s20+$0x0]  }
0x108: {  	v52 =	vunpack.i.u.bf16.f32 v58;
	v43 =	vadd.f32 v44, v43;
	v62 =	vmul.f32 v45, v15;
	s26 =	sadd.s32 $0x8D80, s7;
	v49 =	vld [tilespmem:s22+$0x0]  }
0x109: {  	s24 =	sadd.s32 $0x8E00, s7;
	v37 =	vbroadcast v42, $0x4;
	v52 =	vmul.f32 v52, v15;
	v48 =	vadd.f32 v50, v48;
	s23 =	sor.u32 s6, s26  }
0x10a: {  	s0 =	sor.u32 s21, s0;
	v36 =	vbroadcast v42, $0x5;
	v35 =	vbroadcast v42, $0x6;
	v43 =	vadd.f32 v62, v43;
	v51 =	vld [tilespmem:s23+$0x0];
	[smem:$0x7EB] =	sst s24  }
0x10b: {  	v48 =	vadd.f32 v52, v48;
	v56 =	vld [tilespmem:s0+$0x0];
	v54 =	vunpack.i.u.bf16.f32 v59;
	v46 =	vunpack.i.l.bf16.f32 v59  }
0x10c: {  	v55 =	vunpack.i.u.bf16.f32 v60;
	v47 =	vunpack.i.l.bf16.f32 v60;
	v46 =	vmul.f32 v46, v40  }
0x10d: {  	s31 =	sor.u32 s21, s4;
	v57 =	vunpack.i.l.bf16.f32 v49;
	v54 =	vmul.f32 v54, v40;
	v47 =	vmul.f32 v47, v41  }
0x10e: {  	s5 =	sor.u32 s6, s24;
	v49 =	vunpack.i.u.bf16.f32 v49;
	v59 =	vld [tilespmem:s31+$0x0];
	v55 =	vmul.f32 v55, v41;
	v57 =	vmul.f32 v57, v39  }
0x10f: {  	v53 =	vld [tilespmem:s5+$0x0];
	s5 =	sor.u32 s21, s11;
	v58 =	vunpack.i.l.bf16.f32 v51;
	v49 =	vmul.f32 v49, v39;
	v51 =	vunpack.i.u.bf16.f32 v51  }
0x110: {  	s4 =	sor.u32 s21, s1;
	v45 =	vld [tilespmem:s5+$0x0];
	v63 =	vunpack.i.l.bf16.f32 v56;
	v46 =	vadd.f32 v47, v46;
	v61 =	vadd.f32 v55, v54  }
0x111: {  	v56 =	vunpack.i.u.bf16.f32 v56;
	v51 =	vmul.f32 v51, v38;
	v54 =	vmul.f32 v58, v38;
	v58 =	vld [tilespmem:s4+$0x0]  }
0x112: {  	s11 =	sor.u32 s21, s17;
	v50 =	vmul.f32 v56, v16;
	v46 =	vadd.f32 v57, v46;
	v47 =	vadd.f32 v49, v61  }
0x113: {  	v57 =	vmul.f32 v63, v16;
	v49 =	vld [tilespmem:s11+$0x0];
	v60 =	vunpack.i.u.bf16.f32 v59;
	v61 =	vunpack.i.l.bf16.f32 v59  }
0x114: {  	s17 =	sor.u32 s21, s18;
	v48 =	vadd.f32 v50, v48;
	v52 =	vmul.f32 v60, v17;
	v44 =	vmul.f32 v61, v17  }
0x115: {  	v56 =	vld [tilespmem:s17+$0x0];
	v60 =	vunpack.i.u.bf16.f32 v45;
	v45 =	vunpack.i.l.bf16.f32 v45;
	v43 =	vadd.f32 v57, v43  }
0x116: {  	v62 =	vunpack.i.u.bf16.f32 v58;
	v63 =	vunpack.i.l.bf16.f32 v58;
	v61 =	vadd.f32 v52, v48  }
0x117: {  	s18 =	sor.u32 s21, s19;
	v50 =	vmul.f32 v62, v18;
	v43 =	vadd.f32 v44, v43;
	v62 =	vmul.f32 v63, v18  }
0x118: {  	v59 =	vld [tilespmem:s18+$0x0];
	v45 =	vmul.f32 v45, v19;
	v63 =	vmul.f32 v60, v19;
	v60 =	vunpack.i.u.bf16.f32 v49  }
0x119: {  	v43 =	vadd.f32 v62, v43;
	v44 =	vadd.f32 v50, v61;
	v61 =	vunpack.i.l.bf16.f32 v49  }
0x11a: {  	s19 =	sadd.s32 $0x8E80, s7;
	v49 =	vmul.f32 v60, v20;
	v62 =	vunpack.i.u.bf16.f32 v56;
	v60 =	vunpack.i.l.bf16.f32 v56  }
0x11b: {  	s20 =	sadd.s32 $0x8F00, s7;
	[smem:$0x7EC] =	sst s19;
	v43 =	vadd.f32 v45, v43;
	v44 =	vadd.f32 v63, v44;
	v63 =	vmul.f32 v61, v20  }
0x11c: {  	s0 =	sor.u32 s6, s19;
	v55 =	vunpack.i.l.bf16.f32 v53;
	[smem:$0x7ED] =	sst s20;
	v50 =	vmul.f32 v62, v21;
	v62 =	vmul.f32 v60, v21  }
0x11d: {  	s23 =	sadd.s32 $0x8F80, s7;
	v48 =	vld [tilespmem:s0+$0x0];
	v61 =	vunpack.i.u.bf16.f32 v59;
	v43 =	vadd.f32 v63, v43;
	v44 =	vadd.f32 v49, v44  }
0x11e: {  	s22 =	sor.u32 s6, s20;
	v46 =	vadd.f32 v54, v46;
	[smem:$0x7EE] =	sst s23;
	v56 =	vmul.f32 v61, v22;
	v63 =	vunpack.i.l.bf16.f32 v59  }
0x11f: {  	s31 =	sadd.s32 $0x9000, s7;
	v49 =	vld [tilespmem:s22+$0x0];
	v59 =	vmul.f32 v63, v22;
	v43 =	vadd.f32 v62, v43;
	v44 =	vadd.f32 v50, v44  }
0x120: {  	s24 =	sor.u32 s6, s23;
	v60 =	vunpack.i.u.bf16.f32 v53;
	v61 =	vmul.f32 v55, v37;
	[smem:$0x7EF] =	sst s31;
	v63 =	vadd.f32 v51, v47  }
0x121: {  	v57 =	vmul.f32 v60, v37;
	v50 =	vld [tilespmem:s24+$0x0];
	v43 =	vadd.f32 v59, v43;
	v44 =	vadd.f32 v56, v44  }
0x122: {  	s5 =	sadd.s32 $0x9080, s7;
	v60 =	vadd.f32 v61, v46;
	v62 =	vunpack.i.l.bf16.f32 v48;
	v48 =	vunpack.i.u.bf16.f32 v48  }
0x123: {  	s4 =	sor.u32 s6, s31;
	[smem:$0x7F0] =	sst s5;
	v45 =	vadd.f32 v57, v63;
	v61 =	vmul.f32 v48, v36;
	v43 =	vpack.i.f32.bf16 v44, v43  }
0x124: {  	v34 =	vbroadcast v42, $0x7;
	s11 =	sor.u32 s21, s12;
	v51 =	vld [tilespmem:s4+$0x0];
	v58 =	vmul.f32 v62, v36;
	v59 =	vunpack.i.l.bf16.f32 v49;
	[tilespmem:s25+$0x80] =	vst v43  }
0x125: {  	s12 =	sor.u32 s21, s8;
	v62 =	vunpack.i.u.bf16.f32 v49;
	v45 =	vadd.f32 v61, v45;
	v63 =	vmul.f32 v59, v35;
	v57 =	vld [tilespmem:s11+$0x0]  }
0x126: {  	s15 =	sor.u32 s21, s15;
	v44 =	vadd.f32 v58, v60;
	v56 =	vunpack.i.l.bf16.f32 v50;
	v43 =	vmul.f32 v62, v35;
	v58 =	vld [tilespmem:s12+$0x0]  }
0x127: {  	v33 =	vbroadcast v42, $0x8;
	v50 =	vunpack.i.u.bf16.f32 v50;
	v49 =	vmul.f32 v56, v34;
	v54 =	vld [tilespmem:s15+$0x0]  }
0x128: {  	v44 =	vadd.f32 v63, v44;
	v50 =	vmul.f32 v50, v34;
	v45 =	vadd.f32 v43, v45  }
0x129: {  	s17 =	sor.u32 s21, s2;
	v59 =	vunpack.i.l.bf16.f32 v51  }
0x12a: {  	v43 =	vmul.f32 v59, v33;
	v44 =	vadd.f32 v49, v44;
	v49 =	vld [tilespmem:s17+$0x0];
	v45 =	vadd.f32 v50, v45  }
0x12b: {  	s18 =	sor.u32 s21, s13;
	v60 =	vunpack.i.u.bf16.f32 v57;
	v61 =	vunpack.i.l.bf16.f32 v57;
	v62 =	vunpack.i.l.bf16.f32 v58  }
0x12c: {  	s19 =	sor.u32 s21, s3;
	v55 =	vld [tilespmem:s18+$0x0];
	v47 =	vunpack.i.u.bf16.f32 v58;
	v63 =	vunpack.i.u.bf16.f32 v54;
	v52 =	vmul.f32 v61, v23  }
0x12d: {  	v54 =	vunpack.i.l.bf16.f32 v54;
	v57 =	vld [tilespmem:s19+$0x0];
	v53 =	vmul.f32 v62, v24;
	v50 =	vmul.f32 v60, v23  }
0x12e: {  	v51 =	vunpack.i.u.bf16.f32 v51;
	v47 =	vmul.f32 v47, v24;
	v60 =	vmul.f32 v54, v25  }
0x12f: {  	s20 =	sor.u32 s21, s9;
	v62 =	vunpack.i.u.bf16.f32 v49;
	v49 =	vunpack.i.l.bf16.f32 v49;
	v52 =	vadd.f32 v53, v52  }
0x130: {  	v58 =	vld [tilespmem:s20+$0x0];
	v61 =	vmul.f32 v63, v25;
	v47 =	vadd.f32 v47, v50;
	v49 =	vmul.f32 v49, v26  }
0x131: {  	s22 =	sor.u32 s21, s14;
	v63 =	vadd.f32 v60, v52;
	v52 =	vmul.f32 v62, v26;
	v60 =	vunpack.i.u.bf16.f32 v55  }
0x132: {  	v56 =	vld [tilespmem:s22+$0x0];
	v55 =	vunpack.i.l.bf16.f32 v55;
	v47 =	vadd.f32 v61, v47;
	v62 =	vunpack.i.u.bf16.f32 v57  }
0x133: {  	s23 =	sor.u32 s21, s16;
	s31 =	simm.s32 $0x20;
	s24 =	simm.s32 $0x100;
	v61 =	vmul.f32 v55, v27;
	v53 =	vmul.f32 v60, v27;
	v49 =	vadd.f32 v49, v63  }
0x134: {  	s12 =	sand.u32 $0x3FFFFC00, s24;
	v63 =	vunpack.i.l.bf16.f32 v57;
	v57 =	vld [tilespmem:s23+$0x0];
	v47 =	vadd.f32 v52, v47;
	s23 =	sand.u32 $0x60, s31;
	v52 =	vmul.f32 v62, v28  }
0x135: {  	s3 =	sor.u32 s21, s10;
	s4 =	sadd.s32 $0xD00, s12;
	v62 =	vunpack.i.l.bf16.f32 v58;
	v60 =	vmul.f32 v63, v28;
	s14 =	sor.u32 $0x10, s23;
	v49 =	vadd.f32 v61, v49  }
0x136: {  	s7 =	sor.u32 s6, s5;
	v63 =	vmul.f32 v62, v29;
	v61 =	vunpack.i.u.bf16.f32 v58;
	v58 =	vld [tilespmem:s3+$0x0];
	v47 =	vadd.f32 v53, v47;
	s6 =	sor.u32 s14, s4  }
0x137: {  	v53 =	vmul.f32 v61, v29;
	v62 =	vld [tilespmem:s6+$0x0];
	v49 =	vadd.f32 v60, v49;
	v60 =	vunpack.i.u.bf16.f32 v56  }
0x138: {  	v61 =	vunpack.i.l.bf16.f32 v56;
	v59 =	vld [tilespmem:s6+$0x180];
	v47 =	vadd.f32 v52, v47;
	v54 =	vmul.f32 v60, v30  }
0x139: {  	v52 =	vld [tilespmem:s6+$0x80];
	v60 =	vunpack.i.u.bf16.f32 v57;
	v57 =	vunpack.i.l.bf16.f32 v57;
	v49 =	vadd.f32 v63, v49  }
0x13a: {  	v63 =	vmul.f32 v61, v30;
	v53 =	vadd.f32 v53, v47;
	v61 =	vmul.f32 v57, v32  }
0x13b: {  	v57 =	vld [tilespmem:s6+$0x100];
	v47 =	vmul.f32 v51, v33;
	v51 =	vmul.f32 v60, v32  }
0x13c: {  	v55 =	vunpack.i.u.bf16.f32 v58;
	v49 =	vadd.f32 v63, v49;
	v53 =	vadd.f32 v54, v53  }
0x13d: {  	v54 =	vunpack.i.l.bf16.f32 v58;
	v50 =	vunpack.i.u.bf16.f32 v62;
	v56 =	vunpack.i.l.bf16.f32 v62  }
0x13e: {  	v60 =	vld [tilespmem:s6+$0x200];
	v63 =	vunpack.i.l.bf16.f32 v59;
	v58 =	vunpack.i.u.bf16.f32 v52;
	v56 =	vmul.f32 v56, v0  }
0x13f: {  	v50 =	vmul.f32 v50, v0;
	v52 =	vunpack.i.l.bf16.f32 v52;
	v49 =	vadd.f32 v61, v49  }
0x140: {  	v62 =	vld [tilespmem:s6+$0x280];
	v52 =	vmul.f32 v52, v1;
	v58 =	vmul.f32 v58, v1;
	v61 =	vunpack.i.l.bf16.f32 v57  }
0x141: {  	v54 =	vmul.f32 v54, v31;
	v57 =	vunpack.i.u.bf16.f32 v57;
	v61 =	vmul.f32 v61, v2  }
0x142: {  	v52 =	vadd.f32 v52, v56;
	v50 =	vadd.f32 v58, v50;
	v56 =	vmul.f32 v57, v2;
	v57 =	vld [tilespmem:s6+$0x300]  }
0x143: {  	v58 =	vunpack.i.u.bf16.f32 v59;
	v59 =	vmul.f32 v63, v3;
	v63 =	vunpack.i.l.bf16.f32 v60  }
0x144: {  	s3 =	sadd.s32 $0x2D00, s12;
	v52 =	vadd.f32 v61, v52;
	v50 =	vadd.f32 v56, v50;
	v56 =	vmul.f32 v58, v3;
	v58 =	vld [tilespmem:s6+$0x380]  }
0x145: {  	v46 =	vld [tilespmem:s7+$0x0];
	s7 =	sor.u32 s14, s3;
	v60 =	vunpack.i.u.bf16.f32 v60;
	v61 =	vmul.f32 v63, v4;
	v63 =	vunpack.i.l.bf16.f32 v62  }
0x146: {  	s5 =	sadd.s32 $0x2D80, s12;
	v52 =	vadd.f32 v59, v52;
	v50 =	vadd.f32 v56, v50;
	v56 =	vmul.f32 v60, v4;
	v59 =	vld [tilespmem:s7+$0x0]  }
0x147: {  	s8 =	sor.u32 s14, s5;
	v60 =	vunpack.i.u.bf16.f32 v62;
	v62 =	vmul.f32 v63, v5;
	v63 =	vunpack.i.l.bf16.f32 v57  }
0x148: {  	v52 =	vadd.f32 v61, v52;
	v50 =	vadd.f32 v56, v50;
	v56 =	vmul.f32 v60, v5;
	v60 =	vld [tilespmem:s8+$0x0]  }
0x149: {  	v57 =	vunpack.i.u.bf16.f32 v57;
	v61 =	vmul.f32 v63, v6;
	v63 =	vunpack.i.l.bf16.f32 v58  }
0x14a: {  	v52 =	vadd.f32 v62, v52;
	v50 =	vadd.f32 v56, v50;
	v56 =	vmul.f32 v57, v6  }
0x14b: {  	s6 =	sor.u32 s23, s4;
	v57 =	vunpack.i.u.bf16.f32 v58;
	v58 =	vmul.f32 v63, v7;
	v62 =	vunpack.i.l.bf16.f32 v59  }
0x14c: {  	v52 =	vadd.f32 v61, v52;
	v50 =	vadd.f32 v56, v50;
	v56 =	vmul.f32 v57, v7;
	v57 =	vld [tilespmem:s6+$0x0]  }
0x14d: {  	v63 =	vld [tilespmem:s6+$0x80];
	v59 =	vunpack.i.u.bf16.f32 v59;
	v61 =	vmul.f32 v62, v8;
	v62 =	vunpack.i.l.bf16.f32 v60  }
0x14e: {  	v52 =	vadd.f32 v58, v52;
	v50 =	vadd.f32 v56, v50;
	v56 =	vmul.f32 v59, v8  }
0x14f: {  	v51 =	vadd.f32 v51, v53;
	v58 =	vunpack.i.u.bf16.f32 v60;
	v59 =	vmul.f32 v62, v9  }
0x150: {  	v60 =	vld [tilespmem:s6+$0x100];
	v62 =	vmul.f32 v58, v9;
	v52 =	vadd.f32 v61, v52;
	v50 =	vadd.f32 v56, v50  }
0x151: {  	v49 =	vadd.f32 v54, v49;
	v53 =	vld [tilespmem:s6+$0x180];
	v54 =	vunpack.i.u.bf16.f32 v57;
	v61 =	vunpack.i.l.bf16.f32 v57  }
0x152: {  	s9 =	simm.s32 $0x80;
	v52 =	vadd.f32 v59, v52;
	v50 =	vadd.f32 v62, v50;
	v62 =	vunpack.i.u.bf16.f32 v63  }
0x153: {  	s0 =	sand.u32 $0x3FFFFE00, s9;
	v63 =	vunpack.i.l.bf16.f32 v63;
	v56 =	vmul.f32 v61, v0;
	v54 =	vmul.f32 v54, v0  }
0x154: {  	s0 =	sadd.s32 $0x14D00, s0;
	v58 =	vmul.f32 v63, v1;
	v57 =	vmul.f32 v62, v1  }
0x155: {  	s30 =	sadd.s32 $0x2E00, s12;
	s1 =	sor.u32 s14, s0;
	v61 =	vunpack.i.l.bf16.f32 v60;
	v62 =	vunpack.i.u.bf16.f32 v60;
	v50 =	vpack.i.f32.bf16 v50, v52;
	v52 =	vld [tilespmem:s6+$0x200]  }
0x156: {  	s10 =	sor.u32 s14, s30;
	s4 =	sadd.s32 $0x2E80, s12;
	v63 =	vunpack.i.l.bf16.f32 v53;
	v53 =	vunpack.i.u.bf16.f32 v53;
	v60 =	vmul.f32 v62, v2;
	[tilespmem:s1+$0x0] =	vst v50  }
0x157: {  	s11 =	sor.u32 s14, s4;
	v56 =	vadd.f32 v58, v56;
	v58 =	vmul.f32 v61, v2;
	v54 =	vadd.f32 v57, v54;
	v59 =	vld [tilespmem:s10+$0x0]  }
0x158: {  	v55 =	vmul.f32 v55, v31;
	s7 =	sadd.s32 $0x2F00, s12;
	v62 =	vmul.f32 v53, v3;
	v57 =	vld [tilespmem:s11+$0x0]  }
0x159: {  	s13 =	sor.u32 s14, s7;
	v61 =	vmul.f32 v63, v3;
	v56 =	vadd.f32 v58, v56;
	v63 =	vadd.f32 v60, v54  }
0x15a: {  	v42 =	vbroadcast v42, $0x9;
	s24 =	sadd.s32 $0x2F80, s12;
	v50 =	vadd.f32 v55, v51;
	v54 =	vld [tilespmem:s13+$0x0];
	v60 =	vunpack.i.u.bf16.f32 v52  }
0x15b: {  	s15 =	sor.u32 s14, s24;
	v52 =	vunpack.i.l.bf16.f32 v52;
	v56 =	vadd.f32 v61, v56;
	v51 =	vadd.f32 v62, v63  }
0x15c: {  	s8 =	sadd.s32 $0x3000, s12;
	v58 =	vld [tilespmem:s15+$0x0];
	v52 =	vmul.f32 v52, v4;
	v53 =	vunpack.i.u.bf16.f32 v59;
	v59 =	vunpack.i.l.bf16.f32 v59  }
0x15d: {  	s16 =	sor.u32 s14, s8;
	v55 =	vmul.f32 v60, v4;
	v60 =	vunpack.i.l.bf16.f32 v57;
	v59 =	vmul.f32 v59, v10  }
0x15e: {  	s10 =	sadd.s32 $0x3080, s12;
	v61 =	vld [tilespmem:s16+$0x0];
	v57 =	vunpack.i.u.bf16.f32 v57;
	v60 =	vmul.f32 v60, v11;
	v53 =	vmul.f32 v53, v10  }
0x15f: {  	s17 =	sor.u32 s14, s10;
	v57 =	vmul.f32 v57, v11;
	v62 =	vunpack.i.l.bf16.f32 v54;
	v54 =	vunpack.i.u.bf16.f32 v54  }
0x160: {  	v63 =	vld [tilespmem:s17+$0x0];
	v62 =	vmul.f32 v62, v15;
	v54 =	vmul.f32 v54, v15;
	v59 =	vadd.f32 v60, v59  }
0x161: {  	s31 =	sadd.s32 $0x4D00, s12;
	v60 =	vunpack.i.l.bf16.f32 v58;
	v53 =	vadd.f32 v57, v53;
	v58 =	vunpack.i.u.bf16.f32 v58  }
0x162: {  	s18 =	sor.u32 s14, s31;
	v60 =	vmul.f32 v60, v16;
	v58 =	vmul.f32 v58, v16;
	v59 =	vadd.f32 v62, v59  }
0x163: {  	s2 =	sadd.s32 $0x4D80, s12;
	v62 =	vld [tilespmem:s18+$0x0];
	v53 =	vadd.f32 v54, v53;
	v54 =	vunpack.i.l.bf16.f32 v61;
	v61 =	vunpack.i.u.bf16.f32 v61  }
0x164: {  	s19 =	sor.u32 s14, s2;
	s15 =	sadd.s32 $0x4E00, s12;
	v54 =	vmul.f32 v54, v17;
	v61 =	vmul.f32 v61, v17  }
0x165: {  	s20 =	sor.u32 s14, s15;
	v59 =	vadd.f32 v60, v59;
	v60 =	vld [tilespmem:s19+$0x0];
	v53 =	vadd.f32 v58, v53;
	v58 =	vunpack.i.l.bf16.f32 v63  }
0x166: {  	v52 =	vadd.f32 v52, v56;
	v63 =	vunpack.i.u.bf16.f32 v63;
	v56 =	vmul.f32 v58, v18;
	v58 =	vld [tilespmem:s20+$0x0]  }
0x167: {  	s18 =	sadd.s32 $0x4E80, s12;
	v63 =	vmul.f32 v63, v18;
	v54 =	vadd.f32 v54, v59;
	v53 =	vadd.f32 v61, v53  }
0x168: {  	v48 =	vunpack.i.l.bf16.f32 v46;
	v57 =	vld [tilespmem:s6+$0x280];
	s22 =	sor.u32 s14, s18;
	v61 =	vunpack.i.l.bf16.f32 v62;
	v62 =	vunpack.i.u.bf16.f32 v62  }
0x169: {  	v54 =	vadd.f32 v56, v54;
	v56 =	vld [tilespmem:s22+$0x0];
	v61 =	vmul.f32 v61, v19;
	v53 =	vadd.f32 v63, v53  }
0x16a: {  	v62 =	vmul.f32 v62, v19;
	v63 =	vunpack.i.l.bf16.f32 v60;
	v60 =	vunpack.i.u.bf16.f32 v60  }
0x16b: {  	v63 =	vmul.f32 v63, v20;
	v54 =	vadd.f32 v61, v54;
	v61 =	vunpack.i.l.bf16.f32 v58  }
0x16c: {  	v53 =	vadd.f32 v62, v53;
	v60 =	vmul.f32 v60, v20;
	v58 =	vunpack.i.u.bf16.f32 v58  }
0x16d: {  	v59 =	vunpack.i.u.bf16.f32 v57;
	v61 =	vmul.f32 v61, v21;
	v58 =	vmul.f32 v58, v21  }
0x16e: {  	v62 =	vld [tilespmem:s6+$0x300];
	v54 =	vadd.f32 v63, v54;
	v53 =	vadd.f32 v60, v53;
	v63 =	vunpack.i.l.bf16.f32 v56  }
0x16f: {  	v57 =	vunpack.i.l.bf16.f32 v57;
	v56 =	vunpack.i.u.bf16.f32 v56;
	v63 =	vmul.f32 v63, v22  }
0x170: {  	v60 =	vld [tilespmem:s6+$0x380];
	v54 =	vadd.f32 v61, v54;
	v53 =	vadd.f32 v58, v53;
	v56 =	vmul.f32 v56, v22  }
0x171: {  	v46 =	vunpack.i.u.bf16.f32 v46;
	s3 =	sor.u32 s23, s3;
	v51 =	vadd.f32 v55, v51;
	v57 =	vmul.f32 v57, v5  }
0x172: {  	v48 =	vmul.f32 v48, v42;
	v58 =	vld [tilespmem:s3+$0x0];
	v54 =	vadd.f32 v63, v54;
	v53 =	vadd.f32 v56, v53  }
0x173: {  	s9 =	sor.u32 s23, s5;
	v59 =	vmul.f32 v59, v5;
	v52 =	vadd.f32 v57, v52;
	v61 =	vunpack.i.l.bf16.f32 v62  }
0x174: {  	v62 =	vunpack.i.u.bf16.f32 v62;
	v56 =	vld [tilespmem:s9+$0x0];
	v55 =	vmul.f32 v61, v6;
	v53 =	vpack.i.f32.bf16 v53, v54  }
0x175: {  	s13 =	sadd.s32 $0x4F00, s12;
	v51 =	vadd.f32 v59, v51;
	v57 =	vmul.f32 v62, v6;
	v63 =	vunpack.i.l.bf16.f32 v60;
	[tilespmem:s1+$0x80] =	vst v53  }
0x176: {  	s11 =	sor.u32 s14, s13;
	s9 =	sadd.s32 $0x4F80, s12;
	v60 =	vunpack.i.u.bf16.f32 v60;
	v52 =	vadd.f32 v55, v52;
	v61 =	vmul.f32 v63, v7;
	[smem:$0x7FD] =	sst s1  }
0x177: {  	s19 =	sadd.s32 $0x5000, s12;
	s16 =	sor.u32 s14, s9;
	v51 =	vadd.f32 v57, v51;
	v54 =	vmul.f32 v60, v7;
	v62 =	vunpack.i.l.bf16.f32 v58;
	v53 =	vld [tilespmem:s11+$0x0]  }
0x178: {  	s17 =	sor.u32 s14, s19;
	v58 =	vunpack.i.u.bf16.f32 v58;
	v52 =	vadd.f32 v61, v52;
	v63 =	vmul.f32 v62, v8;
	v59 =	vld [tilespmem:s16+$0x0]  }
0x179: {  	s6 =	sadd.s32 $0x5080, s12;
	v51 =	vadd.f32 v54, v51;
	v60 =	vunpack.i.u.bf16.f32 v56;
	v61 =	vunpack.i.l.bf16.f32 v56;
	v56 =	vld [tilespmem:s17+$0x0]  }
0x17a: {  	s20 =	sor.u32 s14, s6;
	v58 =	vmul.f32 v58, v8;
	v52 =	vadd.f32 v63, v52;
	v54 =	vmul.f32 v61, v9  }
0x17b: {  	v43 =	vadd.f32 v43, v44;
	v49 =	vpack.i.f32.bf16 v50, v49;
	v55 =	vld [tilespmem:s20+$0x0];
	s16 =	sadd.s32 $0x6D00, s12;
	v57 =	vmul.f32 v60, v9  }
0x17c: {  	v50 =	vadd.f32 v58, v51;
	s22 =	sor.u32 s14, s16;
	v51 =	vadd.f32 v54, v52;
	v62 =	vunpack.i.u.bf16.f32 v53  }
0x17d: {  	s20 =	sadd.s32 $0x6D80, s12;
	v52 =	vld [tilespmem:s22+$0x0];
	v53 =	vunpack.i.l.bf16.f32 v53;
	v58 =	vunpack.i.u.bf16.f32 v59;
	v59 =	vunpack.i.l.bf16.f32 v59  }
0x17e: {  	s5 =	sor.u32 s14, s20;
	v61 =	vunpack.i.l.bf16.f32 v56;
	v53 =	vmul.f32 v53, v23;
	v54 =	vmul.f32 v62, v23  }
0x17f: {  	v60 =	vld [tilespmem:s5+$0x0];
	s5 =	sadd.s32 $0x6E00, s12;
	v56 =	vunpack.i.u.bf16.f32 v56;
	v59 =	vmul.f32 v59, v24;
	v58 =	vmul.f32 v58, v24  }
0x180: {  	s11 =	sor.u32 s14, s5;
	v61 =	vmul.f32 v61, v25;
	v62 =	vunpack.i.l.bf16.f32 v55;
	v56 =	vmul.f32 v56, v25  }
0x181: {  	s3 =	sadd.s32 $0x6E80, s12;
	v63 =	vld [tilespmem:s11+$0x0];
	v55 =	vunpack.i.u.bf16.f32 v55;
	v53 =	vadd.f32 v59, v53;
	v54 =	vadd.f32 v58, v54  }
0x182: {  	s17 =	sor.u32 s14, s3;
	v55 =	vmul.f32 v55, v26;
	v58 =	vmul.f32 v62, v26;
	v59 =	vunpack.i.l.bf16.f32 v52  }
0x183: {  	v62 =	vld [tilespmem:s17+$0x0];
	s17 =	sadd.s32 $0x6F00, s12;
	v52 =	vunpack.i.u.bf16.f32 v52;
	v53 =	vadd.f32 v61, v53;
	v54 =	vadd.f32 v56, v54  }
0x184: {  	v50 =	vadd.f32 v57, v50;
	s22 =	sor.u32 s14, s17;
	v52 =	vmul.f32 v52, v27;
	v56 =	vmul.f32 v59, v27  }
0x185: {  	s11 =	sadd.s32 $0x6F80, s12;
	v59 =	vunpack.i.l.bf16.f32 v60;
	v61 =	vld [tilespmem:s22+$0x0];
	v53 =	vadd.f32 v58, v53;
	v54 =	vadd.f32 v55, v54  }
0x186: {  	s22 =	sor.u32 s14, s11;
	v55 =	vunpack.i.u.bf16.f32 v60;
	v58 =	vmul.f32 v59, v28;
	v59 =	vunpack.i.l.bf16.f32 v63  }
0x187: {  	v60 =	vld [tilespmem:s22+$0x0];
	v53 =	vadd.f32 v56, v53;
	v52 =	vadd.f32 v52, v54;
	v54 =	vmul.f32 v55, v28  }
0x188: {  	v63 =	vunpack.i.u.bf16.f32 v63;
	[dreg:$0x4] =	wrdreg s25;
	v56 =	vmul.f32 v59, v29;
	v59 =	vunpack.i.l.bf16.f32 v62  }
0x189: {  	[tilespmem:s25+$0x100] =	vst v49;
	v53 =	vadd.f32 v58, v53;
	v52 =	vadd.f32 v54, v52;
	v54 =	vmul.f32 v63, v29  }
0x18a: {  	s22 =	sor.u32 s21, s28;
	s25 =	sld [smem:$0x7EA];
	v63 =	vunpack.i.u.bf16.f32 v62;
	v58 =	vmul.f32 v59, v30;
	v62 =	vunpack.i.l.bf16.f32 v61  }
0x18b: {  	v59 =	vld [tilespmem:s22+$0x0];
	v53 =	vadd.f32 v56, v53;
	v52 =	vadd.f32 v54, v52;
	v54 =	vmul.f32 v63, v30  }
0x18c: {  	v63 =	vunpack.i.u.bf16.f32 v61;
	v61 =	vmul.f32 v62, v32;
	v62 =	vunpack.i.l.bf16.f32 v60  }
0x18d: {  	s22 =	sor.u32 s21, s25;
	v49 =	vmul.f32 v63, v32;
	v53 =	vadd.f32 v58, v53;
	v52 =	vadd.f32 v54, v52  }
0x18e: {  	s25 =	sor.u32 s21, s29;
	v63 =	vunpack.i.u.bf16.f32 v60;
	v56 =	vmul.f32 v62, v31;
	v62 =	vmul.f32 v46, v42;
	v54 =	vld [tilespmem:s22+$0x0]  }
0x18f: {  	s26 =	sor.u32 s21, s26;
	v55 =	vld [tilespmem:s25+$0x0];
	v60 =	vmul.f32 v63, v31;
	v53 =	vadd.f32 v61, v53;
	v49 =	vadd.f32 v49, v52  }
0x190: {  	v63 =	vpack.i.f32.bf16 v50, v51;
	v57 =	vunpack.i.u.bf16.f32 v59;
	v61 =	vadd.f32 v47, v45;
	v47 =	vld [tilespmem:s26+$0x0];
	s26 =	sor.u32 s23, s0  }
0x191: {  	s25 =	sor.u32 s23, s30;
	v58 =	vunpack.i.l.bf16.f32 v59;
	[tilespmem:s26+$0x0] =	vst v63;
	v56 =	vadd.f32 v56, v53;
	v49 =	vadd.f32 v60, v49  }
0x192: {  	v46 =	vmul.f32 v58, v40;
	v44 =	vadd.f32 v62, v61;
	v51 =	vld [tilespmem:s25+$0x0];
	s25 =	sadd.s32 $0x7000, s12;
	v61 =	vmul.f32 v57, v40  }
0x193: {  	s22 =	sor.u32 s23, s4;
	v59 =	vunpack.i.l.bf16.f32 v54;
	[smem:$0x7F1] =	sst s25;
	v60 =	vunpack.i.u.bf16.f32 v54;
	v49 =	vpack.i.f32.bf16 v49, v56  }
0x194: {  	v43 =	vadd.f32 v48, v43;
	s30 =	sadd.s32 $0x7080, s12;
	v52 =	vld [tilespmem:s22+$0x0];
	v48 =	vmul.f32 v59, v41;
	s22 =	sor.u32 s14, s25;
	v50 =	vmul.f32 v60, v41;
	[tilespmem:s1+$0x100] =	vst v49  }
0x195: {  	v62 =	vunpack.i.u.bf16.f32 v55;
	v55 =	vunpack.i.l.bf16.f32 v55;
	s25 =	sor.u32 s14, s30;
	v63 =	vunpack.i.u.bf16.f32 v47;
	v53 =	vld [tilespmem:s22+$0x0]  }
0x196: {  	s1 =	sadd.s32 $0x8D00, s12;
	v49 =	vmul.f32 v62, v39;
	v56 =	vld [tilespmem:s25+$0x0];
	v45 =	vadd.f32 v48, v46;
	v48 =	vadd.f32 v50, v61  }
0x197: {  	[smem:$0x7F2] =	sst s1;
	v46 =	vmul.f32 v55, v39;
	s0 =	sor.u32 s14, s1;
	v50 =	vunpack.i.l.bf16.f32 v47;
	v60 =	vunpack.i.l.bf16.f32 v51  }
0x198: {  	v47 =	vmul.f32 v63, v38;
	v54 =	vld [tilespmem:s0+$0x0];
	v51 =	vunpack.i.u.bf16.f32 v51;
	v55 =	vmul.f32 v60, v10  }
0x199: {  	s4 =	sadd.s32 $0x8D80, s12;
	v51 =	vmul.f32 v51, v10;
	v61 =	vunpack.i.l.bf16.f32 v52;
	v52 =	vunpack.i.u.bf16.f32 v52  }
0x19a: {  	[smem:$0x7F4] =	sst s4;
	s0 =	sor.u32 s14, s4;
	v57 =	vmul.f32 v61, v11;
	v52 =	vmul.f32 v52, v11  }
0x19b: {  	s22 =	sadd.s32 $0x8E00, s12;
	v58 =	vld [tilespmem:s0+$0x0];
	v59 =	vunpack.i.u.bf16.f32 v53;
	v53 =	vunpack.i.l.bf16.f32 v53;
	v60 =	vunpack.i.l.bf16.f32 v56  }
0x19c: {  	s25 =	sadd.s32 $0x8E80, s12;
	[smem:$0x7F5] =	sst s22;
	s0 =	sor.u32 s14, s22;
	v56 =	vunpack.i.u.bf16.f32 v56;
	v53 =	vmul.f32 v53, v40;
	v60 =	vmul.f32 v60, v41  }
0x19d: {  	v61 =	vld [tilespmem:s0+$0x0];
	[smem:$0x7F6] =	sst s25;
	s0 =	sor.u32 s14, s25;
	v59 =	vmul.f32 v59, v40;
	v56 =	vmul.f32 v56, v41;
	v62 =	vunpack.i.l.bf16.f32 v54  }
0x19e: {  	s1 =	sadd.s32 $0x8F00, s12;
	v63 =	vld [tilespmem:s0+$0x0];
	v54 =	vunpack.i.u.bf16.f32 v54;
	v55 =	vadd.f32 v57, v55;
	v51 =	vadd.f32 v52, v51  }
0x19f: {  	[smem:$0x7F7] =	sst s1;
	s0 =	sor.u32 s14, s1;
	v62 =	vmul.f32 v62, v39;
	v54 =	vmul.f32 v54, v39;
	v53 =	vadd.f32 v60, v53  }
0x1a0: {  	v60 =	vunpack.i.l.bf16.f32 v58;
	v56 =	vadd.f32 v56, v59;
	v59 =	vld [tilespmem:s0+$0x0];
	v58 =	vunpack.i.u.bf16.f32 v58  }
0x1a1: {  	v60 =	vmul.f32 v60, v38;
	v58 =	vmul.f32 v58, v38;
	v53 =	vadd.f32 v62, v53  }
0x1a2: {  	s4 =	sor.u32 s23, s7;
	v54 =	vadd.f32 v54, v56;
	v56 =	vunpack.i.l.bf16.f32 v61;
	v61 =	vunpack.i.u.bf16.f32 v61  }
0x1a3: {  	s7 =	sadd.s32 $0x8F80, s12;
	v62 =	vld [tilespmem:s4+$0x0];
	v56 =	vmul.f32 v56, v37;
	v53 =	vadd.f32 v60, v53;
	v60 =	vunpack.i.l.bf16.f32 v63  }
0x1a4: {  	s0 =	sor.u32 s14, s7;
	[smem:$0x7F8] =	sst s7;
	v54 =	vadd.f32 v58, v54;
	v58 =	vmul.f32 v61, v37;
	v63 =	vunpack.i.u.bf16.f32 v63  }
0x1a5: {  	s22 =	sor.u32 s23, s24;
	v61 =	vld [tilespmem:s0+$0x0];
	v60 =	vmul.f32 v60, v36;
	v53 =	vadd.f32 v56, v53;
	v56 =	vunpack.i.l.bf16.f32 v59  }
0x1a6: {  	v54 =	vadd.f32 v58, v54;
	v58 =	vmul.f32 v63, v36;
	v63 =	vld [tilespmem:s22+$0x0];
	v59 =	vunpack.i.u.bf16.f32 v59  }
0x1a7: {  	s24 =	sor.u32 s23, s8;
	v56 =	vmul.f32 v56, v35;
	v59 =	vmul.f32 v59, v35;
	v53 =	vadd.f32 v60, v53  }
0x1a8: {  	v60 =	vunpack.i.u.bf16.f32 v62;
	v62 =	vunpack.i.l.bf16.f32 v62;
	v54 =	vadd.f32 v58, v54;
	v58 =	vld [tilespmem:s24+$0x0]  }
0x1a9: {  	s25 =	sor.u32 s23, s10;
	v60 =	vmul.f32 v60, v15;
	v62 =	vmul.f32 v62, v15;
	v53 =	vadd.f32 v56, v53  }
0x1aa: {  	v57 =	vld [tilespmem:s25+$0x0];
	v56 =	vunpack.i.l.bf16.f32 v61;
	v61 =	vunpack.i.u.bf16.f32 v61;
	v54 =	vadd.f32 v59, v54  }
0x1ab: {  	s31 =	sor.u32 s23, s31;
	v56 =	vmul.f32 v56, v34;
	v52 =	vunpack.i.l.bf16.f32 v63;
	v63 =	vunpack.i.u.bf16.f32 v63  }
0x1ac: {  	s1 =	sor.u32 s23, s2;
	s2 =	sadd.s32 $0x9000, s12;
	v59 =	vld [tilespmem:s31+$0x0];
	v55 =	vadd.f32 v62, v55;
	v51 =	vadd.f32 v60, v51;
	v52 =	vmul.f32 v52, v16  }
0x1ad: {  	[smem:$0x7F9] =	sst s2;
	v61 =	vmul.f32 v61, v34;
	v60 =	vmul.f32 v63, v16;
	v62 =	vunpack.i.l.bf16.f32 v58  }
0x1ae: {  	v63 =	vld [tilespmem:s1+$0x0];
	v58 =	vunpack.i.u.bf16.f32 v58;
	v52 =	vadd.f32 v52, v55;
	v55 =	vmul.f32 v62, v17  }
0x1af: {  	v58 =	vmul.f32 v58, v17;
	v51 =	vadd.f32 v60, v51;
	v60 =	vunpack.i.l.bf16.f32 v57  }
0x1b0: {  	s4 =	sor.u32 s14, s2;
	v57 =	vunpack.i.u.bf16.f32 v57;
	v52 =	vadd.f32 v55, v52;
	v55 =	vmul.f32 v60, v18  }
0x1b1: {  	s7 =	sor.u32 s23, s15;
	v62 =	vld [tilespmem:s4+$0x0];
	v57 =	vmul.f32 v57, v18;
	v51 =	vadd.f32 v58, v51;
	v58 =	vunpack.i.l.bf16.f32 v59  }
0x1b2: {  	s8 =	sor.u32 s23, s18;
	v60 =	vld [tilespmem:s7+$0x0];
	v59 =	vunpack.i.u.bf16.f32 v59;
	v52 =	vadd.f32 v55, v52;
	v55 =	vmul.f32 v58, v19  }
0x1b3: {  	v59 =	vmul.f32 v59, v19;
	v58 =	vld [tilespmem:s8+$0x0];
	v51 =	vadd.f32 v57, v51;
	v57 =	vunpack.i.l.bf16.f32 v63  }
0x1b4: {  	v63 =	vunpack.i.u.bf16.f32 v63;
	v57 =	vmul.f32 v57, v20;
	v52 =	vadd.f32 v55, v52  }
0x1b5: {  	v53 =	vadd.f32 v56, v53;
	v63 =	vmul.f32 v63, v20;
	v51 =	vadd.f32 v59, v51  }
0x1b6: {  	s10 =	sadd.s32 $0x9080, s12;
	s12 =	sld [smem:$0x7EB];
	v55 =	vunpack.i.l.bf16.f32 v62;
	v62 =	vunpack.i.u.bf16.f32 v62;
	v52 =	vadd.f32 v57, v52  }
0x1b7: {  	s0 =	sor.u32 s14, s10;
	[smem:$0x7FB] =	sst s10;
	v57 =	vunpack.i.u.bf16.f32 v60;
	v60 =	vunpack.i.l.bf16.f32 v60;
	v51 =	vadd.f32 v63, v51  }
0x1b8: {  	v59 =	vld [tilespmem:s0+$0x0];
	v57 =	vmul.f32 v57, v21;
	v63 =	vunpack.i.u.bf16.f32 v58;
	v60 =	vmul.f32 v60, v21  }
0x1b9: {  	s14 =	sld [smem:$0x7EC];
	v55 =	vmul.f32 v55, v33;
	v58 =	vunpack.i.l.bf16.f32 v58;
	v63 =	vmul.f32 v63, v22  }
0x1ba: {  	s0 =	sor.u32 s21, s12;
	v52 =	vadd.f32 v60, v52;
	v51 =	vadd.f32 v57, v51;
	v57 =	vmul.f32 v58, v22  }
0x1bb: {  	s15 =	sld [smem:$0x7ED];
	v54 =	vadd.f32 v61, v54;
	v56 =	vmul.f32 v62, v33;
	v53 =	vadd.f32 v55, v53;
	v58 =	vld [tilespmem:s0+$0x0]  }
0x1bc: {  	s0 =	sor.u32 s21, s14;
	v52 =	vadd.f32 v57, v52;
	v51 =	vadd.f32 v63, v51  }
0x1bd: {  	v54 =	vadd.f32 v56, v54;
	v60 =	vunpack.i.l.bf16.f32 v59;
	v59 =	vunpack.i.u.bf16.f32 v59;
	v57 =	vld [tilespmem:s0+$0x0]  }
0x1be: {  	v60 =	vmul.f32 v60, v42;
	v62 =	vmul.f32 v59, v42;
	s0 =	sor.u32 s21, s15;
	v51 =	vpack.i.f32.bf16 v51, v52  }
0x1bf: {  	v50 =	vmul.f32 v50, v38;
	s18 =	sor.u32 s23, s13;
	v48 =	vadd.f32 v49, v48;
	v63 =	vadd.f32 v46, v45;
	v52 =	vld [tilespmem:s0+$0x0];
	[tilespmem:s26+$0x80] =	vst v51  }
0x1c0: {  	s22 =	sor.u32 s23, s9;
	v45 =	vadd.f32 v60, v53;
	v46 =	vadd.f32 v62, v54;
	v61 =	vunpack.i.l.bf16.f32 v58;
	v51 =	vld [tilespmem:s18+$0x0]  }
0x1c1: {  	s24 =	sor.u32 s23, s19;
	v50 =	vadd.f32 v50, v63;
	v62 =	vunpack.i.u.bf16.f32 v58;
	v53 =	vld [tilespmem:s22+$0x0];
	v49 =	vmul.f32 v61, v37  }
0x1c2: {  	v47 =	vadd.f32 v47, v48;
	v63 =	vmul.f32 v62, v37;
	v55 =	vld [tilespmem:s24+$0x0];
	v60 =	vunpack.i.l.bf16.f32 v57  }
0x1c3: {  	s31 =	sor.u32 s23, s16;
	v61 =	vunpack.i.u.bf16.f32 v57;
	v49 =	vadd.f32 v49, v50;
	v62 =	vmul.f32 v60, v36  }
0x1c4: {  	v58 =	vld [tilespmem:s31+$0x0];
	v54 =	vadd.f32 v63, v47;
	v56 =	vmul.f32 v61, v36;
	v63 =	vunpack.i.l.bf16.f32 v52  }
0x1c5: {  	s25 =	sor.u32 s23, s6;
	v52 =	vunpack.i.u.bf16.f32 v52;
	v47 =	vadd.f32 v62, v49;
	v48 =	vmul.f32 v63, v35  }
0x1c6: {  	v57 =	vld [tilespmem:s25+$0x0];
	v60 =	vunpack.i.u.bf16.f32 v51;
	v61 =	vunpack.i.l.bf16.f32 v51;
	v62 =	vunpack.i.l.bf16.f32 v53  }
0x1c7: {  	v53 =	vunpack.i.u.bf16.f32 v53;
	v59 =	vunpack.i.u.bf16.f32 v55;
	v50 =	vmul.f32 v61, v23  }
0x1c8: {  	s1 =	sor.u32 s23, s20;
	v55 =	vunpack.i.l.bf16.f32 v55;
	v51 =	vmul.f32 v62, v24;
	v49 =	vmul.f32 v60, v23  }
0x1c9: {  	s2 =	sor.u32 s23, s5;
	v60 =	vld [tilespmem:s1+$0x0];
	v53 =	vmul.f32 v53, v24;
	v62 =	vunpack.i.u.bf16.f32 v58;
	v58 =	vunpack.i.l.bf16.f32 v58  }
0x1ca: {  	v61 =	vld [tilespmem:s2+$0x0];
	v50 =	vadd.f32 v51, v50;
	v51 =	vmul.f32 v55, v25;
	v55 =	vmul.f32 v59, v25  }
0x1cb: {  	s3 =	sor.u32 s23, s3;
	v59 =	vunpack.i.u.bf16.f32 v57;
	v57 =	vunpack.i.l.bf16.f32 v57;
	v49 =	vadd.f32 v53, v49  }
0x1cc: {  	s6 =	simm.s32 $0x40;
	s5 =	simm.s32 $0x40;
	s4 =	simm.s32 $0x200;
	v63 =	vmul.f32 v57, v26;
	v53 =	vmul.f32 v59, v26;
	v50 =	vadd.f32 v51, v50  }
0x1cd: {  	s5 =	sand.u32 $0x60, s5;
	s7 =	sor.u32 s23, s17;
	s1 =	sand.u32 $0x3FFFFC00, s4;
	v49 =	vadd.f32 v55, v49;
	v51 =	vmul.f32 v58, v27;
	v55 =	vmul.f32 v62, v27  }
0x1ce: {  	s12 =	sor.u32 $0x10, s5;
	s8 =	sadd.s32 $0xD00, s1;
	v59 =	vld [tilespmem:s3+$0x0];
	[dreg:$0x7] =	wrdreg s6;
	v57 =	vunpack.i.u.bf16.f32 v60;
	v58 =	vunpack.i.l.bf16.f32 v60;
	v50 =	vadd.f32 v63, v50  }
0x1cf: {  	s9 =	sor.u32 s12, s8;
	v60 =	vld [tilespmem:s7+$0x0];
	v49 =	vadd.f32 v53, v49;
	v53 =	vmul.f32 v57, v28;
	v57 =	vunpack.i.u.bf16.f32 v61  }
0x1d0: {  	v50 =	vadd.f32 v51, v50;
	v51 =	vmul.f32 v58, v28;
	v58 =	vunpack.i.l.bf16.f32 v61;
	v61 =	vld [tilespmem:s9+$0x0]  }
0x1d1: {  	v52 =	vmul.f32 v52, v35;
	v54 =	vadd.f32 v56, v54;
	v49 =	vadd.f32 v55, v49;
	v55 =	vld [tilespmem:s9+$0x80]  }
0x1d2: {  	v57 =	vmul.f32 v57, v29;
	v63 =	vmul.f32 v58, v29;
	v50 =	vadd.f32 v51, v50  }
0x1d3: {  	v62 =	vunpack.i.u.bf16.f32 v59;
	v59 =	vunpack.i.l.bf16.f32 v59;
	v49 =	vadd.f32 v53, v49;
	v53 =	vld [tilespmem:s9+$0x100]  }
0x1d4: {  	v56 =	vmul.f32 v62, v30;
	v58 =	vunpack.i.u.bf16.f32 v60;
	v50 =	vadd.f32 v63, v50  }
0x1d5: {  	v51 =	vld [tilespmem:s9+$0x180];
	v63 =	vmul.f32 v59, v30;
	v49 =	vadd.f32 v57, v49;
	v57 =	vunpack.i.u.bf16.f32 v61  }
0x1d6: {  	v59 =	vunpack.i.l.bf16.f32 v61;
	v61 =	vunpack.i.l.bf16.f32 v55;
	v55 =	vunpack.i.u.bf16.f32 v55  }
0x1d7: {  	v62 =	vld [tilespmem:s9+$0x200];
	v50 =	vadd.f32 v63, v50;
	v59 =	vmul.f32 v59, v0;
	v61 =	vmul.f32 v61, v1  }
0x1d8: {  	v57 =	vmul.f32 v57, v0;
	v55 =	vmul.f32 v55, v1;
	v63 =	vunpack.i.l.bf16.f32 v53  }
0x1d9: {  	v53 =	vunpack.i.u.bf16.f32 v53;
	v59 =	vadd.f32 v61, v59;
	v61 =	vld [tilespmem:s9+$0x280];
	v63 =	vmul.f32 v63, v2  }
0x1da: {  	v55 =	vadd.f32 v55, v57;
	v57 =	vunpack.i.l.bf16.f32 v51;
	v53 =	vmul.f32 v53, v2  }
0x1db: {  	v51 =	vunpack.i.u.bf16.f32 v51;
	v57 =	vmul.f32 v57, v3;
	v59 =	vadd.f32 v63, v59;
	v63 =	vld [tilespmem:s9+$0x300]  }
0x1dc: {  	v51 =	vmul.f32 v51, v3;
	v53 =	vadd.f32 v53, v55;
	v55 =	vunpack.i.l.bf16.f32 v62  }
0x1dd: {  	v62 =	vunpack.i.u.bf16.f32 v62;
	v55 =	vmul.f32 v55, v4;
	v57 =	vadd.f32 v57, v59  }
0x1de: {  	s4 =	sadd.s32 $0x2D00, s1;
	v62 =	vmul.f32 v62, v4;
	v59 =	vld [tilespmem:s9+$0x380];
	v51 =	vadd.f32 v51, v53;
	v53 =	vunpack.i.l.bf16.f32 v61  }
0x1df: {  	s10 =	sor.u32 s12, s4;
	v61 =	vunpack.i.u.bf16.f32 v61;
	v53 =	vmul.f32 v53, v5;
	v55 =	vadd.f32 v55, v57  }
0x1e0: {  	v57 =	vld [tilespmem:s10+$0x0];
	v51 =	vadd.f32 v62, v51;
	v61 =	vmul.f32 v61, v5;
	v62 =	vunpack.i.l.bf16.f32 v63  }
0x1e1: {  	s3 =	sadd.s32 $0x2D80, s1;
	v60 =	vunpack.i.l.bf16.f32 v60;
	v62 =	vmul.f32 v62, v6;
	v53 =	vadd.f32 v53, v55  }
0x1e2: {  	s14 =	sor.u32 s12, s3;
	v58 =	vmul.f32 v58, v32;
	v63 =	vunpack.i.u.bf16.f32 v63;
	v51 =	vadd.f32 v61, v51  }
0x1e3: {  	v61 =	vld [tilespmem:s14+$0x0];
	v63 =	vmul.f32 v63, v6;
	v53 =	vadd.f32 v62, v53;
	v62 =	vunpack.i.l.bf16.f32 v59  }
0x1e4: {  	s13 =	sor.u32 s23, s11;
	v60 =	vmul.f32 v60, v32;
	v59 =	vunpack.i.u.bf16.f32 v59;
	v62 =	vmul.f32 v62, v7  }
0x1e5: {  	v55 =	vld [tilespmem:s13+$0x0];
	v51 =	vadd.f32 v63, v51;
	v63 =	vunpack.i.l.bf16.f32 v57;
	v59 =	vmul.f32 v59, v7  }
0x1e6: {  	v57 =	vunpack.i.u.bf16.f32 v57;
	v63 =	vmul.f32 v63, v8;
	v53 =	vadd.f32 v62, v53  }
0x1e7: {  	v56 =	vadd.f32 v56, v49;
	v57 =	vmul.f32 v57, v8;
	v51 =	vadd.f32 v59, v51  }
0x1e8: {  	s6 =	sor.u32 s5, s8;
	v53 =	vadd.f32 v63, v53;
	v63 =	vunpack.i.l.bf16.f32 v61;
	v61 =	vunpack.i.u.bf16.f32 v61  }
0x1e9: {  	v59 =	vld [tilespmem:s6+$0x0];
	v51 =	vadd.f32 v57, v51;
	v63 =	vmul.f32 v63, v9;
	v61 =	vmul.f32 v61, v9  }
0x1ea: {  	s15 =	simm.s32 $0x100;
	v49 =	vadd.f32 v52, v54;
	v50 =	vadd.f32 v60, v50;
	v62 =	vunpack.i.u.bf16.f32 v55;
	v57 =	vld [tilespmem:s6+$0x80]  }
0x1eb: {  	s0 =	sand.u32 $0x3FFFFE00, s15;
	v55 =	vunpack.i.l.bf16.f32 v55;
	v53 =	vadd.f32 v63, v53;
	v51 =	vadd.f32 v61, v51  }
0x1ec: {  	s0 =	sadd.s32 $0x14D00, s0;
	v60 =	vld [tilespmem:s6+$0x100];
	v54 =	vadd.f32 v58, v56;
	v55 =	vmul.f32 v55, v31;
	v52 =	vmul.f32 v62, v31  }
0x1ed: {  	s18 =	sor.u32 s12, s0;
	v48 =	vadd.f32 v48, v47;
	s2 =	sadd.s32 $0x2E00, s1;
	v63 =	vpack.i.f32.bf16 v51, v53  }
0x1ee: {  	s19 =	sadd.s32 $0x2E80, s1;
	s16 =	sor.u32 s12, s2;
	v47 =	vadd.f32 v55, v50;
	v50 =	vadd.f32 v52, v54;
	v61 =	vunpack.i.l.bf16.f32 v59;
	v51 =	vld [tilespmem:s6+$0x180];
	[tilespmem:s18+$0x0] =	vst v63  }
0x1ef: {  	s17 =	sor.u32 s12, s19;
	v55 =	vmul.f32 v61, v0;
	v53 =	vunpack.i.u.bf16.f32 v59;
	v62 =	vunpack.i.l.bf16.f32 v57;
	v58 =	vld [tilespmem:s16+$0x0]  }
0x1f0: {  	v63 =	vunpack.i.u.bf16.f32 v57;
	v56 =	vmul.f32 v62, v1;
	v53 =	vmul.f32 v53, v0;
	v57 =	vld [tilespmem:s17+$0x0]  }
0x1f1: {  	s8 =	sadd.s32 $0x2F00, s1;
	[tilespmem:$0x1FF10] =	vst v0;
	v59 =	vmul.f32 v63, v1;
	v0 =	vunpack.i.l.bf16.f32 v60;
	v60 =	vunpack.i.u.bf16.f32 v60  }
0x1f2: {  	s31 =	sadd.s32 $0x2F80, s1;
	s20 =	sor.u32 s12, s8;
	[tilespmem:$0x1FF20] =	vst v1;
	v55 =	vadd.f32 v56, v55;
	v1 =	vmul.f32 v0, v2;
	v62 =	vmul.f32 v60, v2  }
0x1f3: {  	s22 =	sor.u32 s12, s31;
	v61 =	vld [tilespmem:s20+$0x0];
	[tilespmem:$0x1FF30] =	vst v2;
	v53 =	vadd.f32 v59, v53;
	v63 =	vunpack.i.u.bf16.f32 v51;
	v51 =	vunpack.i.l.bf16.f32 v51  }
0x1f4: {  	v56 =	vld [tilespmem:s22+$0x0];
	v55 =	vadd.f32 v1, v55;
	v51 =	vmul.f32 v51, v3;
	v54 =	vmul.f32 v63, v3  }
0x1f5: {  	s14 =	sadd.s32 $0x3000, s1;
	[tilespmem:$0x1FF40] =	vst v3;
	v0 =	vunpack.i.u.bf16.f32 v58;
	v58 =	vunpack.i.l.bf16.f32 v58;
	v1 =	vunpack.i.l.bf16.f32 v57  }
0x1f6: {  	s24 =	sor.u32 s12, s14;
	v60 =	vld [tilespmem:s6+$0x200];
	v57 =	vunpack.i.u.bf16.f32 v57;
	v58 =	vmul.f32 v58, v10;
	v59 =	vmul.f32 v1, v11  }
0x1f7: {  	v52 =	vadd.f32 v62, v53;
	v62 =	vld [tilespmem:s24+$0x0];
	v53 =	vmul.f32 v0, v10;
	v57 =	vmul.f32 v57, v11  }
0x1f8: {  	s13 =	sadd.s32 $0x3080, s1;
	v2 =	vunpack.i.l.bf16.f32 v61;
	v61 =	vunpack.i.u.bf16.f32 v61;
	v51 =	vadd.f32 v51, v55  }
0x1f9: {  	s25 =	sor.u32 s12, s13;
	v63 =	vmul.f32 v2, v15;
	v3 =	vunpack.i.l.bf16.f32 v56;
	v61 =	vmul.f32 v61, v15  }
0x1fa: {  	v56 =	vunpack.i.u.bf16.f32 v56;
	v58 =	vadd.f32 v59, v58;
	v59 =	vld [tilespmem:s25+$0x0];
	v53 =	vadd.f32 v57, v53  }
0x1fb: {  	s10 =	sadd.s32 $0x4D00, s1;
	v0 =	vmul.f32 v3, v16;
	v2 =	vunpack.i.l.bf16.f32 v60;
	v56 =	vmul.f32 v56, v16  }
0x1fc: {  	s9 =	sor.u32 s12, s10;
	v60 =	vunpack.i.u.bf16.f32 v60;
	v3 =	vunpack.i.l.bf16.f32 v62;
	v62 =	vunpack.i.u.bf16.f32 v62  }
0x1fd: {  	s11 =	sadd.s32 $0x4D80, s1;
	v60 =	vmul.f32 v60, v4;
	v1 =	vadd.f32 v63, v58;
	v58 =	vld [tilespmem:s9+$0x0];
	v53 =	vadd.f32 v61, v53  }
0x1fe: {  	s7 =	sor.u32 s12, s11;
	v52 =	vadd.f32 v54, v52;
	[smem:$0x7F3] =	sst s11;
	v61 =	vmul.f32 v3, v17;
	v62 =	vmul.f32 v62, v17  }
0x1ff: {  	v57 =	vld [tilespmem:s7+$0x0];
	v55 =	vadd.f32 v0, v1;
	v53 =	vadd.f32 v56, v53;
	v0 =	vunpack.i.l.bf16.f32 v59  }
0x200: {  	s17 =	sadd.s32 $0x4E00, s1;
	s20 =	sld [smem:$0x7EE];
	v63 =	vmul.f32 v2, v4;
	v59 =	vunpack.i.u.bf16.f32 v59;
	v56 =	vmul.f32 v0, v18  }
0x201: {  	s15 =	sor.u32 s12, s17;
	s25 =	sadd.s32 $0x4E80, s1;
	v55 =	vadd.f32 v61, v55;
	v53 =	vadd.f32 v62, v53;
	v59 =	vmul.f32 v59, v18  }
0x202: {  	s16 =	sor.u32 s12, s25;
	v51 =	vadd.f32 v63, v51;
	v61 =	vld [tilespmem:s15+$0x0];
	v1 =	vunpack.i.l.bf16.f32 v58;
	v58 =	vunpack.i.u.bf16.f32 v58  }
0x203: {  	s7 =	sor.u32 s21, s20;
	v62 =	vmul.f32 v1, v19;
	v55 =	vadd.f32 v56, v55;
	v53 =	vadd.f32 v59, v53;
	v59 =	vld [tilespmem:s16+$0x0]  }
0x204: {  	v2 =	vunpack.i.l.bf16.f32 v57;
	v58 =	vmul.f32 v58, v19;
	v63 =	vunpack.i.u.bf16.f32 v57;
	v57 =	vld [tilespmem:s7+$0x0]  }
0x205: {  	v3 =	vadd.f32 v62, v55;
	v62 =	vmul.f32 v2, v20  }
0x206: {  	v52 =	vadd.f32 v60, v52;
	v56 =	vmul.f32 v63, v20;
	v53 =	vadd.f32 v58, v53  }
0x207: {  	v55 =	vld [tilespmem:s6+$0x280];
	v0 =	vunpack.i.l.bf16.f32 v61;
	v61 =	vunpack.i.u.bf16.f32 v61;
	v54 =	vadd.f32 v62, v3  }
0x208: {  	[tilespmem:$0x1FF50] =	vst v4;
	v58 =	vmul.f32 v0, v21;
	v53 =	vadd.f32 v56, v53;
	v1 =	vmul.f32 v61, v21  }
0x209: {  	v2 =	vld [tilespmem:s6+$0x300];
	v3 =	vunpack.i.l.bf16.f32 v59;
	v59 =	vunpack.i.u.bf16.f32 v59;
	v60 =	vunpack.i.u.bf16.f32 v57  }
0x20a: {  	s4 =	sor.u32 s5, s4;
	v57 =	vunpack.i.l.bf16.f32 v57;
	v54 =	vadd.f32 v58, v54;
	v58 =	vmul.f32 v3, v22  }
0x20b: {  	v56 =	vld [tilespmem:s4+$0x0];
	v53 =	vadd.f32 v1, v53;
	v4 =	vmul.f32 v59, v22;
	v57 =	vmul.f32 v57, v34  }
0x20c: {  	v59 =	vld [tilespmem:s6+$0x380];
	v60 =	vmul.f32 v60, v34;
	v0 =	vunpack.i.l.bf16.f32 v55;
	v55 =	vunpack.i.u.bf16.f32 v55  }
0x20d: {  	v54 =	vadd.f32 v58, v54;
	v53 =	vadd.f32 v4, v53;
	v58 =	vmul.f32 v0, v5  }
0x20e: {  	v55 =	vmul.f32 v55, v5;
	v1 =	vunpack.i.l.bf16.f32 v2;
	v2 =	vunpack.i.u.bf16.f32 v2  }
0x20f: {  	s24 =	sadd.s32 $0x4F00, s1;
	[tilespmem:$0x1FF60] =	vst v5;
	v53 =	vpack.i.f32.bf16 v53, v54;
	v51 =	vadd.f32 v58, v51;
	v54 =	vmul.f32 v1, v6  }
0x210: {  	s29 =	sadd.s32 $0x4F80, s1;
	s22 =	sor.u32 s12, s24;
	v3 =	vmul.f32 v2, v6;
	v63 =	vunpack.i.l.bf16.f32 v56;
	v52 =	vadd.f32 v55, v52;
	[tilespmem:s18+$0x80] =	vst v53  }
0x211: {  	s15 =	sadd.s32 $0x5000, s1;
	s6 =	sor.u32 s12, s29;
	v4 =	vunpack.i.l.bf16.f32 v59;
	v62 =	vunpack.i.u.bf16.f32 v59;
	v53 =	vld [tilespmem:s22+$0x0];
	[tilespmem:$0x1FF70] =	vst v6;
	v51 =	vadd.f32 v54, v51  }
0x212: {  	s7 =	sor.u32 s12, s15;
	v6 =	vmul.f32 v4, v7;
	v52 =	vadd.f32 v3, v52;
	v58 =	vmul.f32 v62, v7;
	v5 =	vld [tilespmem:s6+$0x0]  }
0x213: {  	s28 =	sadd.s32 $0x5080, s1;
	v1 =	vmul.f32 v63, v8;
	v55 =	vadd.f32 v57, v48;
	v48 =	vunpack.i.u.bf16.f32 v56;
	v0 =	vld [tilespmem:s7+$0x0]  }
0x214: {  	s9 =	sor.u32 s12, s28;
	s16 =	sadd.s32 $0x6D00, s1;
	v48 =	vmul.f32 v48, v8;
	[tilespmem:$0x1FF80] =	vst v7;
	v51 =	vadd.f32 v6, v51;
	v52 =	vadd.f32 v58, v52  }
0x215: {  	v46 =	vpack.i.f32.bf16 v46, v45;
	v47 =	vpack.i.f32.bf16 v50, v47;
	s20 =	sadd.s32 $0x6D80, s1;
	s11 =	sor.u32 s12, s16;
	v49 =	vadd.f32 v60, v49;
	v56 =	vld [tilespmem:s9+$0x0]  }
0x216: {  	s4 =	sor.u32 s12, s20;
	v4 =	vld [tilespmem:s11+$0x0];
	[smem:$0x7FA] =	sst s20;
	v51 =	vadd.f32 v1, v51;
	v48 =	vadd.f32 v48, v52;
	v2 =	vunpack.i.u.bf16.f32 v53  }
0x217: {  	s20 =	sadd.s32 $0x6E00, s1;
	v7 =	vld [tilespmem:s4+$0x0];
	v53 =	vunpack.i.l.bf16.f32 v53;
	v3 =	vunpack.i.l.bf16.f32 v5;
	v5 =	vunpack.i.u.bf16.f32 v5  }
0x218: {  	s22 =	sor.u32 s12, s20;
	v53 =	vmul.f32 v53, v23;
	v50 =	vmul.f32 v2, v23;
	v6 =	vunpack.i.l.bf16.f32 v0  }
0x219: {  	v1 =	vld [tilespmem:s22+$0x0];
	v59 =	vunpack.i.u.bf16.f32 v0;
	v54 =	vmul.f32 v3, v24;
	v58 =	vmul.f32 v5, v24  }
0x21a: {  	s11 =	sadd.s32 $0x6F00, s1;
	v60 =	vmul.f32 v6, v25;
	v63 =	vunpack.i.l.bf16.f32 v56;
	v0 =	vmul.f32 v59, v25  }
0x21b: {  	s7 =	sor.u32 s12, s11;
	v56 =	vunpack.i.u.bf16.f32 v56;
	v2 =	vunpack.i.l.bf16.f32 v4;
	v57 =	vunpack.i.u.bf16.f32 v4  }
0x21c: {  	s3 =	sor.u32 s5, s3;
	v3 =	vunpack.i.l.bf16.f32 v7;
	v61 =	vunpack.i.u.bf16.f32 v7;
	v7 =	vld [tilespmem:s7+$0x0];
	v53 =	vadd.f32 v54, v53  }
0x21d: {  	s9 =	sadd.s32 $0x6E80, s1;
	v56 =	vmul.f32 v56, v26;
	v4 =	vmul.f32 v57, v27;
	v50 =	vadd.f32 v58, v50;
	v58 =	vld [tilespmem:s3+$0x0]  }
0x21e: {  	s6 =	sor.u32 s12, s9;
	s22 =	sld [smem:$0x7EF];
	v54 =	vmul.f32 v63, v26;
	v5 =	vunpack.i.l.bf16.f32 v1;
	v53 =	vadd.f32 v60, v53  }
0x21f: {  	v57 =	vld [tilespmem:s6+$0x0];
	v6 =	vmul.f32 v61, v28;
	v59 =	vunpack.i.u.bf16.f32 v1;
	v50 =	vadd.f32 v0, v50  }
0x220: {  	v1 =	vmul.f32 v59, v29;
	v60 =	vmul.f32 v2, v27;
	v53 =	vadd.f32 v54, v53  }
0x221: {  	s3 =	sor.u32 s21, s22;
	v50 =	vadd.f32 v56, v50;
	v54 =	vmul.f32 v3, v28;
	v61 =	vunpack.i.u.bf16.f32 v7  }
0x222: {  	s22 =	sadd.s32 $0x6F80, s1;
	v2 =	vld [tilespmem:s3+$0x0];
	v0 =	vunpack.i.u.bf16.f32 v58;
	v58 =	vunpack.i.l.bf16.f32 v58;
	v61 =	vmul.f32 v61, v32  }
0x223: {  	s4 =	sor.u32 s12, s22;
	[tilespmem:$0x1FF90] =	vst v8;
	v53 =	vadd.f32 v60, v53;
	v50 =	vadd.f32 v4, v50;
	v60 =	vmul.f32 v5, v29  }
0x224: {  	s6 =	sld [smem:$0x7F0];
	v3 =	vld [tilespmem:s4+$0x0];
	v4 =	vunpack.i.l.bf16.f32 v57;
	v57 =	vunpack.i.u.bf16.f32 v57;
	v58 =	vmul.f32 v58, v9  }
0x225: {  	v5 =	vunpack.i.l.bf16.f32 v7;
	v56 =	vmul.f32 v4, v30;
	v57 =	vmul.f32 v57, v30  }
0x226: {  	s7 =	sld [smem:$0x7F1];
	v52 =	vmul.f32 v5, v32;
	v53 =	vadd.f32 v54, v53;
	v50 =	vadd.f32 v6, v50  }
0x227: {  	s3 =	sor.u32 s21, s6;
	v7 =	vunpack.i.u.bf16.f32 v2;
	v59 =	vunpack.i.l.bf16.f32 v2;
	v51 =	vadd.f32 v58, v51  }
0x228: {  	v54 =	vmul.f32 v0, v9;
	v6 =	vld [tilespmem:s3+$0x0];
	[tilespmem:$0x1FFA0] =	vst v9;
	[dreg:$0x5] =	wrdreg s26;
	v53 =	vadd.f32 v60, v53;
	v50 =	vadd.f32 v1, v50  }
0x229: {  	s3 =	sor.u32 s23, s7;
	v0 =	vmul.f32 v59, v33;
	[tilespmem:s26+$0x100] =	vst v47;
	v8 =	vunpack.i.l.bf16.f32 v3;
	v60 =	vunpack.i.u.bf16.f32 v3  }
0x22a: {  	v9 =	vld [tilespmem:s3+$0x0];
	v47 =	vmul.f32 v8, v31;
	s26 =	sld [smem:$0x7F2];
	v53 =	vadd.f32 v56, v53;
	v50 =	vadd.f32 v57, v50  }
0x22b: {  	s21 =	sor.u32 s23, s30;
	v48 =	vadd.f32 v54, v48;
	v1 =	vmul.f32 v7, v33;
	v54 =	vadd.f32 v0, v55  }
0x22c: {  	v60 =	vmul.f32 v60, v31;
	v52 =	vadd.f32 v52, v53;
	v50 =	vadd.f32 v61, v50;
	v61 =	vld [tilespmem:s21+$0x0]  }
0x22d: {  	v51 =	vpack.i.f32.bf16 v48, v51;
	v49 =	vadd.f32 v1, v49;
	s3 =	sor.u32 s23, s26;
	v2 =	vunpack.i.u.bf16.f32 v6  }
0x22e: {  	v56 =	vunpack.i.l.bf16.f32 v6;
	s21 =	sor.u32 s5, s0;
	v48 =	vld [tilespmem:s3+$0x0];
	v47 =	vadd.f32 v47, v52;
	v50 =	vadd.f32 v60, v50  }
0x22f: {  	s2 =	sor.u32 s5, s2;
	v3 =	vmul.f32 v56, v42;
	v4 =	vmul.f32 v2, v42;
	[tilespmem:s21+$0x0] =	vst v51;
	v53 =	vunpack.i.l.bf16.f32 v9  }
0x230: {  	s26 =	sadd.s32 $0x7000, s1;
	v6 =	vunpack.i.u.bf16.f32 v9;
	v53 =	vmul.f32 v53, v40;
	v47 =	vpack.i.f32.bf16 v50, v47;
	v50 =	vld [tilespmem:s2+$0x0]  }
0x231: {  	s7 =	sadd.s32 $0x7080, s1;
	s3 =	sor.u32 s12, s26;
	v9 =	vmul.f32 v6, v40;
	[tilespmem:s18+$0x100] =	vst v47;
	v7 =	vunpack.i.u.bf16.f32 v61;
	v63 =	vunpack.i.l.bf16.f32 v61  }
0x232: {  	s30 =	sadd.s32 $0x8D00, s1;
	s4 =	sor.u32 s12, s7;
	v47 =	vpack.i.f32.bf16 v44, v43;
	v43 =	vadd.f32 v3, v54;
	v5 =	vld [tilespmem:s3+$0x0];
	v59 =	vmul.f32 v63, v41  }
0x233: {  	s6 =	sor.u32 s12, s30;
	v44 =	vadd.f32 v4, v49;
	v1 =	vunpack.i.l.bf16.f32 v48;
	v48 =	vunpack.i.u.bf16.f32 v48;
	v8 =	vld [tilespmem:s4+$0x0]  }
0x234: {  	v56 =	vmul.f32 v7, v41;
	v0 =	vld [tilespmem:s6+$0x0];
	s6 =	sadd.s32 $0x8D80, s1;
	v49 =	vmul.f32 v1, v39;
	v2 =	vadd.f32 v59, v53  }
0x235: {  	s4 =	sadd.s32 $0x8E00, s1;
	v48 =	vmul.f32 v48, v39;
	s2 =	sor.u32 s12, s6;
	v53 =	vunpack.i.u.bf16.f32 v50;
	v50 =	vunpack.i.l.bf16.f32 v50  }
0x236: {  	s3 =	sor.u32 s12, s4;
	v45 =	vadd.f32 v56, v9;
	v3 =	vld [tilespmem:s2+$0x0];
	v49 =	vadd.f32 v49, v2;
	v50 =	vmul.f32 v50, v10  }
0x237: {  	v6 =	vld [tilespmem:s3+$0x0];
	v53 =	vmul.f32 v53, v10;
	v4 =	vunpack.i.u.bf16.f32 v5;
	v55 =	vunpack.i.l.bf16.f32 v5  }
0x238: {  	s3 =	sadd.s32 $0x8E80, s1;
	v5 =	vunpack.i.l.bf16.f32 v8;
	v57 =	vunpack.i.u.bf16.f32 v8;
	v55 =	vmul.f32 v55, v40  }
0x239: {  	s2 =	sor.u32 s12, s3;
	v7 =	vunpack.i.l.bf16.f32 v0;
	v56 =	vmul.f32 v5, v41;
	v54 =	vmul.f32 v4, v40  }
0x23a: {  	v8 =	vld [tilespmem:s2+$0x0];
	v60 =	vunpack.i.u.bf16.f32 v0;
	s2 =	sadd.s32 $0x8F00, s1;
	v57 =	vmul.f32 v57, v41;
	v59 =	vmul.f32 v7, v39  }
0x23b: {  	v0 =	vmul.f32 v60, v39;
	s0 =	sor.u32 s12, s2;
	v9 =	vunpack.i.l.bf16.f32 v3;
	v52 =	vunpack.i.u.bf16.f32 v3  }
0x23c: {  	v60 =	vld [tilespmem:s0+$0x0];
	s0 =	sor.u32 s5, s19;
	v1 =	vunpack.i.l.bf16.f32 v6;
	v58 =	vunpack.i.u.bf16.f32 v6;
	v55 =	vadd.f32 v56, v55  }
0x23d: {  	v54 =	vadd.f32 v57, v54;
	v56 =	vmul.f32 v9, v38;
	v52 =	vmul.f32 v52, v38;
	v57 =	vld [tilespmem:s0+$0x0]  }
0x23e: {  	s8 =	sor.u32 s5, s8;
	v2 =	vmul.f32 v1, v37;
	v4 =	vmul.f32 v58, v37;
	v55 =	vadd.f32 v59, v55  }
0x23f: {  	v54 =	vadd.f32 v0, v54;
	v3 =	vunpack.i.l.bf16.f32 v8;
	v6 =	vunpack.i.u.bf16.f32 v8;
	v8 =	vld [tilespmem:s8+$0x0]  }
0x240: {  	s31 =	sor.u32 s5, s31;
	s19 =	sadd.s32 $0x8F80, s1;
	v5 =	vmul.f32 v3, v36;
	v9 =	vmul.f32 v6, v36;
	v55 =	vadd.f32 v56, v55  }
0x241: {  	s0 =	sor.u32 s12, s19;
	v3 =	vld [tilespmem:s31+$0x0];
	v52 =	vadd.f32 v52, v54;
	v7 =	vunpack.i.l.bf16.f32 v60;
	v60 =	vunpack.i.u.bf16.f32 v60  }
0x242: {  	v56 =	vld [tilespmem:s0+$0x0];
	v1 =	vunpack.i.u.bf16.f32 v57;
	v59 =	vmul.f32 v7, v35;
	v60 =	vmul.f32 v60, v35  }
0x243: {  	s0 =	sadd.s32 $0x9000, s1;
	v57 =	vunpack.i.l.bf16.f32 v57;
	v51 =	vadd.f32 v2, v55;
	v52 =	vadd.f32 v4, v52  }
0x244: {  	s8 =	sor.u32 s12, s0;
	v57 =	vmul.f32 v57, v11;
	v58 =	vmul.f32 v1, v11;
	v4 =	vunpack.i.u.bf16.f32 v8  }
0x245: {  	v0 =	vld [tilespmem:s8+$0x0];
	v61 =	vunpack.i.l.bf16.f32 v8;
	v51 =	vadd.f32 v5, v51;
	v52 =	vadd.f32 v9, v52  }
0x246: {  	s14 =	sor.u32 s5, s14;
	[tilespmem:$0x1FFB0] =	vst v10;
	v50 =	vadd.f32 v57, v50;
	v8 =	vmul.f32 v4, v15;
	v9 =	vmul.f32 v61, v15  }
0x247: {  	v6 =	vld [tilespmem:s14+$0x0];
	v53 =	vadd.f32 v58, v53;
	v10 =	vunpack.i.l.bf16.f32 v3;
	v2 =	vunpack.i.l.bf16.f32 v56  }
0x248: {  	s31 =	sor.u32 s5, s13;
	[tilespmem:$0x1FFC0] =	vst v11;
	v56 =	vunpack.i.u.bf16.f32 v56;
	v54 =	vmul.f32 v2, v34;
	v51 =	vadd.f32 v59, v51  }
0x249: {  	v7 =	vld [tilespmem:s31+$0x0];
	v52 =	vadd.f32 v60, v52;
	v56 =	vmul.f32 v56, v34;
	v59 =	vunpack.i.u.bf16.f32 v3  }
0x24a: {  	s10 =	sor.u32 s5, s10;
	v50 =	vadd.f32 v9, v50;
	v53 =	vadd.f32 v8, v53;
	v5 =	vunpack.i.l.bf16.f32 v0  }
0x24b: {  	v11 =	vld [tilespmem:s10+$0x0];
	v55 =	vunpack.i.u.bf16.f32 v0;
	v0 =	vmul.f32 v59, v16;
	v51 =	vadd.f32 v54, v51  }
0x24c: {  	s1 =	sadd.s32 $0x9080, s1;
	s14 =	sld [smem:$0x7F3];
	v52 =	vadd.f32 v56, v52;
	v54 =	vmul.f32 v5, v33;
	v1 =	vunpack.i.l.bf16.f32 v6  }
0x24d: {  	s13 =	sor.u32 s12, s1;
	v55 =	vmul.f32 v55, v33;
	v56 =	vunpack.i.u.bf16.f32 v6;
	v3 =	vmul.f32 v1, v17  }
0x24e: {  	s17 =	sor.u32 s5, s17;
	v2 =	vld [tilespmem:s13+$0x0];
	v56 =	vmul.f32 v56, v17;
	v53 =	vadd.f32 v0, v53;
	v4 =	vunpack.i.l.bf16.f32 v7  }
0x24f: {  	s8 =	sor.u32 s5, s14;
	v8 =	vld [tilespmem:s17+$0x0];
	v57 =	vunpack.i.u.bf16.f32 v7;
	v52 =	vadd.f32 v55, v52;
	v55 =	vmul.f32 v10, v16  }
0x250: {  	v5 =	vld [tilespmem:s8+$0x0];
	v7 =	vunpack.i.l.bf16.f32 v11;
	v58 =	vunpack.i.u.bf16.f32 v11;
	v51 =	vadd.f32 v54, v51  }
0x251: {  	s31 =	sld [smem:$0x7F4];
	v54 =	vmul.f32 v4, v18;
	v6 =	vmul.f32 v57, v18;
	v50 =	vadd.f32 v55, v50  }
0x252: {  	v9 =	vmul.f32 v7, v19;
	v58 =	vmul.f32 v58, v19;
	v53 =	vadd.f32 v56, v53  }
0x253: {  	s10 =	sor.u32 s5, s25;
	v10 =	vunpack.i.l.bf16.f32 v2;
	v60 =	vunpack.i.u.bf16.f32 v2;
	v50 =	vadd.f32 v3, v50  }
0x254: {  	s8 =	sor.u32 s23, s31;
	v0 =	vld [tilespmem:s10+$0x0];
	v2 =	vunpack.i.u.bf16.f32 v8;
	v57 =	vunpack.i.l.bf16.f32 v8;
	v56 =	vmul.f32 v10, v42  }
0x255: {  	s12 =	sld [smem:$0x7F5];
	v11 =	vld [tilespmem:s8+$0x0];
	v53 =	vadd.f32 v6, v53;
	v59 =	vunpack.i.l.bf16.f32 v5;
	v50 =	vadd.f32 v54, v50  }
0x256: {  	v57 =	vmul.f32 v57, v21;
	v1 =	vunpack.i.u.bf16.f32 v5;
	v59 =	vmul.f32 v59, v20  }
0x257: {  	s13 =	sld [smem:$0x7F6];
	v53 =	vadd.f32 v58, v53;
	v58 =	vmul.f32 v1, v20;
	v50 =	vadd.f32 v9, v50  }
0x258: {  	s8 =	sor.u32 s23, s12;
	v60 =	vmul.f32 v60, v42;
	v51 =	vadd.f32 v56, v51;
	v56 =	vmul.f32 v2, v21  }
0x259: {  	s14 =	sld [smem:$0x7F7];
	v3 =	vld [tilespmem:s8+$0x0];
	v54 =	vunpack.i.l.bf16.f32 v0;
	v53 =	vadd.f32 v58, v53;
	v50 =	vadd.f32 v59, v50  }
0x25a: {  	v5 =	vunpack.i.u.bf16.f32 v0;
	s8 =	sor.u32 s23, s13;
	v55 =	vunpack.i.l.bf16.f32 v11;
	v54 =	vmul.f32 v54, v22  }
0x25b: {  	s17 =	sld [smem:$0x7F8];
	v6 =	vld [tilespmem:s8+$0x0];
	v53 =	vadd.f32 v56, v53;
	v50 =	vadd.f32 v57, v50;
	v57 =	vmul.f32 v5, v22  }
0x25c: {  	v45 =	vadd.f32 v48, v45;
	v52 =	vadd.f32 v60, v52;
	s8 =	sor.u32 s23, s14;
	v8 =	vmul.f32 v55, v38  }
0x25d: {  	v7 =	vld [tilespmem:s8+$0x0];
	v50 =	vadd.f32 v54, v50;
	v53 =	vadd.f32 v57, v53  }
0x25e: {  	v4 =	vunpack.i.u.bf16.f32 v11;
	s8 =	sor.u32 s23, s17;
	v48 =	vadd.f32 v8, v49;
	v9 =	vunpack.i.l.bf16.f32 v3  }
0x25f: {  	v11 =	vld [tilespmem:s8+$0x0];
	v58 =	vpack.i.f32.bf16 v52, v51;
	v55 =	vmul.f32 v9, v37;
	v50 =	vpack.i.f32.bf16 v53, v50  }
0x260: {  	s25 =	sor.u32 s5, s24;
	v10 =	vunpack.i.u.bf16.f32 v3;
	v59 =	vmul.f32 v4, v38;
	v62 =	vunpack.i.l.bf16.f32 v6;
	[tilespmem:s21+$0x80] =	vst v50  }
0x261: {  	s31 =	sor.u32 s5, s29;
	v60 =	vmul.f32 v10, v37;
	v0 =	vmul.f32 v62, v36;
	v48 =	vadd.f32 v55, v48;
	v50 =	vld [tilespmem:s25+$0x0]  }
0x262: {  	s10 =	sor.u32 s5, s15;
	v61 =	vunpack.i.u.bf16.f32 v6;
	v45 =	vadd.f32 v59, v45;
	v54 =	vunpack.i.l.bf16.f32 v7;
	v63 =	vld [tilespmem:s31+$0x0]  }
0x263: {  	v51 =	vmul.f32 v61, v36;
	v48 =	vadd.f32 v0, v48;
	v3 =	vmul.f32 v54, v35;
	v2 =	vld [tilespmem:s10+$0x0]  }
0x264: {  	s12 =	sor.u32 s5, s28;
	v1 =	vunpack.i.u.bf16.f32 v7;
	v45 =	vadd.f32 v60, v45;
	v53 =	vunpack.i.l.bf16.f32 v11  }
0x265: {  	v4 =	vunpack.i.u.bf16.f32 v11;
	v49 =	vadd.f32 v3, v48;
	v53 =	vmul.f32 v53, v34;
	v5 =	vld [tilespmem:s12+$0x0]  }
0x266: {  	s13 =	sor.u32 s5, s16;
	s16 =	sor.u32 s5, s20;
	v52 =	vmul.f32 v1, v35;
	v45 =	vadd.f32 v51, v45;
	v48 =	vmul.f32 v4, v34;
	s14 =	sld [smem:$0x7F9]  }
0x267: {  	s15 =	sld [smem:$0x7FA];
	v4 =	vld [tilespmem:s16+$0x0];
	v49 =	vadd.f32 v53, v49;
	v6 =	vunpack.i.u.bf16.f32 v50;
	v50 =	vunpack.i.l.bf16.f32 v50  }
0x268: {  	v8 =	vld [tilespmem:s13+$0x0];
	v7 =	vunpack.i.l.bf16.f32 v63;
	v56 =	vunpack.i.u.bf16.f32 v63;
	v9 =	vunpack.i.l.bf16.f32 v2  }
0x269: {  	s8 =	sor.u32 s23, s14;
	v55 =	vunpack.i.u.bf16.f32 v2;
	v50 =	vmul.f32 v50, v23;
	v57 =	vmul.f32 v7, v24  }
0x26a: {  	v10 =	vld [tilespmem:s8+$0x0];
	s8 =	sor.u32 s5, s15;
	v2 =	vunpack.i.u.bf16.f32 v5;
	v54 =	vmul.f32 v6, v23;
	v56 =	vmul.f32 v56, v24  }
0x26b: {  	s25 =	sld [smem:$0x7FC];
	v1 =	vld [tilespmem:s8+$0x0];
	v51 =	vunpack.i.l.bf16.f32 v5;
	v60 =	vmul.f32 v9, v25;
	v11 =	vmul.f32 v55, v25  }
0x26c: {  	v59 =	vunpack.i.l.bf16.f32 v4;
	v5 =	vmul.f32 v2, v26;
	v51 =	vmul.f32 v51, v26  }
0x26d: {  	v7 =	vunpack.i.l.bf16.f32 v8;
	v57 =	vadd.f32 v57, v50;
	v0 =	vadd.f32 v56, v54  }
0x26e: {  	s9 =	sor.u32 s5, s9;
	s17 =	sld [smem:$0x7FB];
	[tilespmem:s25+$0x180] =	vst v47;
	v6 =	vunpack.i.u.bf16.f32 v8;
	v55 =	vmul.f32 v7, v27;
	v50 =	vadd.f32 v52, v45  }
0x26f: {  	s22 =	sor.u32 s5, s22;
	s24 =	sor.u32 s5, s0;
	s31 =	sld [smem:$0x7FD];
	v9 =	vmul.f32 v6, v27;
	v3 =	vadd.f32 v60, v57;
	v45 =	vadd.f32 v11, v0  }
0x270: {  	s29 =	sor.u32 s5, s26;
	s26 =	sor.u32 s5, s7;
	s20 =	sor.u32 s5, s11;
	v53 =	vld [tilespmem:s9+$0x0];
	v52 =	vunpack.i.l.bf16.f32 v10;
	v54 =	vunpack.i.l.bf16.f32 v1;
	v11 =	vunpack.i.u.bf16.f32 v4  }
0x271: {  	s7 =	sor.u32 s5, s3;
	s28 =	sor.u32 s5, s30;
	s30 =	sor.u32 s5, s2;
	v47 =	vld [tilespmem:s20+$0x0];
	[tilespmem:s18+$0x180] =	vst v58;
	v58 =	vmul.f32 v54, v28;
	v56 =	vadd.f32 v51, v3;
	v8 =	vadd.f32 v5, v45  }
0x272: {  	s25 =	sor.u32 s5, s6;
	s20 =	simm.s32 $0x4;
	s8 =	sor.u32 s23, s17;
	[tilespmem:s31+$0x180] =	vst v46;
	v46 =	vld [tilespmem:s22+$0x0];
	v54 =	vmul.f32 v11, v29;
	v51 =	vunpack.i.u.bf16.f32 v10;
	v10 =	vunpack.i.u.bf16.f32 v1  }
0x273: {  	s15 =	sor.u32 s5, s1;
	s23 =	sor.u32 s5, s4;
	s4 =	sor.u32 s5, s19;
	v45 =	vld [tilespmem:s8+$0x0];
	v56 =	vadd.f32 v55, v56;
	v55 =	vmul.f32 v10, v28;
	v57 =	vadd.f32 v9, v8  }
.LBB2_3:
0x274: {  	s20 =	sadd.s32 $0x2, s20;
	s1 =	rddreg [dreg:$0x7]  }
0x275: {  	s0 =	sshll.u32 s20, $0x7;
	s1 =	sadd.s32 $0x20, s1  }
0x276: {  	s2 =	sand.u32 $0x60, s1;
	s6 =	sand.u32 $0x3FFFFC00, s0  }
0x277: {  	v62 =	vmul.f32 v59, v29;
	v9 =	vadd.f32 v48, v50;
	s9 =	sadd.s32 $0xD00, s6;
	s5 =	sor.u32 $0x10, s2  }
0x278: {  	v52 =	vmul.f32 v52, v33;
	v51 =	vmul.f32 v51, v33;
	v56 =	vadd.f32 v58, v56;
	[dreg:$0x7] =	wrdreg s1;
	s1 =	sor.u32 s5, s9  }
0x279: {  	v61 =	vunpack.i.u.bf16.f32 v45;
	v43 =	vpack.i.f32.bf16 v44, v43;
	v55 =	vadd.f32 v55, v57;
	v6 =	vld [tilespmem:s1+$0x0]  }
0x27a: {  	v48 =	vadd.f32 v52, v49;
	v56 =	vadd.f32 v62, v56;
	v63 =	vunpack.i.u.bf16.f32 v53;
	v8 =	vld [tilespmem:s1+$0x80]  }
0x27b: {  	v54 =	vadd.f32 v54, v55;
	v0 =	vunpack.i.l.bf16.f32 v53;
	v1 =	vmul.f32 v63, v30;
	v11 =	vld [tilespmem:s1+$0x100]  }
0x27c: {  	v62 =	vunpack.i.l.bf16.f32 v45;
	v2 =	vunpack.i.u.bf16.f32 v47;
	v53 =	vmul.f32 v0, v30;
	v55 =	vld [tilespmem:s1+$0x180]  }
0x27d: {  	v5 =	vunpack.i.u.bf16.f32 v46;
	v4 =	vmul.f32 v2, v32;
	v60 =	vld [tilespmem:s1+$0x280];
	v54 =	vadd.f32 v1, v54  }
0x27e: {  	v3 =	vunpack.i.l.bf16.f32 v47;
	v53 =	vadd.f32 v53, v56;
	v56 =	vmul.f32 v5, v31;
	v5 =	vld [tilespmem:$0x1FF20]  }
0x27f: {  	s10 =	sor.u32 s2, s9;
	v7 =	vunpack.i.l.bf16.f32 v46;
	v47 =	vmul.f32 v3, v32;
	v10 =	vadd.f32 v4, v54;
	v4 =	vld [tilespmem:$0x1FF10]  }
0x280: {  	v45 =	vadd.f32 v51, v9;
	v49 =	vmul.f32 v62, v42;
	v46 =	vmul.f32 v7, v31;
	v59 =	vld [tilespmem:s10+$0x0]  }
0x281: {  	v47 =	vadd.f32 v47, v53;
	v63 =	vunpack.i.u.bf16.f32 v6;
	v0 =	vunpack.i.l.bf16.f32 v6;
	v6 =	vld [tilespmem:$0x1FF30]  }
0x282: {  	v7 =	vld [tilespmem:$0x1FF40];
	v1 =	vunpack.i.u.bf16.f32 v8;
	v9 =	vunpack.i.l.bf16.f32 v8;
	v54 =	vunpack.i.u.bf16.f32 v11  }
0x283: {  	v53 =	vld [tilespmem:s1+$0x200];
	v62 =	vunpack.i.l.bf16.f32 v55;
	v3 =	vunpack.i.l.bf16.f32 v60;
	v60 =	vunpack.i.u.bf16.f32 v60  }
0x284: {  	v8 =	vld [tilespmem:$0x1FF50];
	v50 =	vadd.f32 v56, v10;
	v51 =	vmul.f32 v9, v5;
	v2 =	vmul.f32 v0, v4  }
0x285: {  	s3 =	rddreg [dreg:$0x4];
	v56 =	vld [tilespmem:s10+$0x80];
	v10 =	vunpack.i.l.bf16.f32 v11;
	v52 =	vmul.f32 v1, v5;
	v44 =	vmul.f32 v63, v4  }
0x286: {  	v47 =	vadd.f32 v46, v47;
	[tilespmem:s3+$0x180] =	vst v43;
	v9 =	vld [tilespmem:$0x1FF60];
	v57 =	vmul.f32 v10, v6;
	v43 =	vadd.f32 v51, v2  }
0x287: {  	v46 =	vmul.f32 v61, v42;
	v11 =	vmul.f32 v54, v6;
	v54 =	vld [tilespmem:s1+$0x300];
	v44 =	vadd.f32 v52, v44  }
0x288: {  	v0 =	vunpack.i.u.bf16.f32 v55;
	v55 =	vmul.f32 v62, v7;
	v10 =	vld [tilespmem:$0x1FF70];
	v43 =	vadd.f32 v57, v43  }
0x289: {  	s12 =	sadd.s32 $0x2D00, s6;
	v62 =	vunpack.i.l.bf16.f32 v53;
	v51 =	vmul.f32 v0, v7;
	v44 =	vadd.f32 v11, v44;
	v57 =	vld [tilespmem:s1+$0x380]  }
0x28a: {  	s3 =	sor.u32 s5, s12;
	v1 =	vunpack.i.u.bf16.f32 v53;
	v53 =	vmul.f32 v62, v8;
	v11 =	vld [tilespmem:$0x1FF80];
	v43 =	vadd.f32 v55, v43  }
0x28b: {  	s8 =	rddreg [dreg:$0x5];
	s14 =	sadd.s32 $0x2D80, s6;
	v52 =	vmul.f32 v1, v8;
	v62 =	vmul.f32 v3, v9;
	v44 =	vadd.f32 v51, v44;
	v55 =	vld [tilespmem:s3+$0x0]  }
0x28c: {  	v12 =	vld [tilespmem:$0x1FF90];
	s11 =	smov.u32 s8;
	s8 =	sor.u32 s5, s14;
	v60 =	vmul.f32 v60, v9;
	v0 =	vunpack.i.l.bf16.f32 v54;
	v43 =	vadd.f32 v53, v43  }
0x28d: {  	v1 =	vld [tilespmem:s8+$0x0];
	v54 =	vunpack.i.u.bf16.f32 v54;
	v0 =	vmul.f32 v0, v10;
	v53 =	vadd.f32 v52, v44  }
0x28e: {  	v13 =	vld [tilespmem:$0x1FFA0];
	v54 =	vmul.f32 v54, v10;
	v3 =	vunpack.i.l.bf16.f32 v57;
	v62 =	vadd.f32 v62, v43  }
0x28f: {  	v57 =	vunpack.i.u.bf16.f32 v57;
	v53 =	vadd.f32 v60, v53;
	v3 =	vmul.f32 v3, v11  }
0x290: {  	v60 =	vunpack.i.l.bf16.f32 v55;
	v55 =	vunpack.i.u.bf16.f32 v55;
	v0 =	vadd.f32 v0, v62  }
0x291: {  	v53 =	vadd.f32 v54, v53;
	v54 =	vmul.f32 v57, v11;
	v57 =	vmul.f32 v60, v12  }
0x292: {  	v60 =	vunpack.i.l.bf16.f32 v1;
	v62 =	vmul.f32 v55, v12;
	v1 =	vunpack.i.u.bf16.f32 v1  }
0x293: {  	v58 =	vld [tilespmem:s10+$0x100];
	v55 =	vmul.f32 v60, v13;
	v0 =	vadd.f32 v3, v0;
	v3 =	vadd.f32 v54, v53  }
0x294: {  	v1 =	vmul.f32 v1, v13;
	v60 =	vunpack.i.u.bf16.f32 v56;
	v56 =	vunpack.i.l.bf16.f32 v56  }
0x295: {  	v61 =	vld [tilespmem:s10+$0x180];
	v0 =	vadd.f32 v57, v0;
	v3 =	vadd.f32 v62, v3;
	v62 =	vunpack.i.l.bf16.f32 v59  }
0x296: {  	s17 =	sshll.u32 s20, $0x6;
	v63 =	vld [tilespmem:s10+$0x200];
	v54 =	vunpack.i.u.bf16.f32 v59;
	v53 =	vmul.f32 v62, v4;
	v62 =	vmul.f32 v56, v5  }
0x297: {  	s0 =	sand.u32 $0x3FFFFE00, s17;
	v5 =	vmul.f32 v60, v5;
	v0 =	vadd.f32 v55, v0;
	v1 =	vadd.f32 v1, v3  }
0x298: {  	s0 =	sadd.s32 $0x14D00, s0;
	v2 =	vld [tilespmem:s10+$0x280];
	v60 =	vunpack.i.l.bf16.f32 v58;
	v3 =	vmul.f32 v54, v4;
	v4 =	vunpack.i.u.bf16.f32 v58  }
0x299: {  	s18 =	sadd.s32 $0x2E00, s6;
	s1 =	sor.u32 s5, s0;
	v52 =	vld [tilespmem:s10+$0x380];
	v54 =	vmul.f32 v4, v6;
	v0 =	vpack.i.f32.bf16 v1, v0;
	v1 =	vadd.f32 v62, v53  }
0x29a: {  	s19 =	sadd.s32 $0x2E80, s6;
	s22 =	sadd.s32 $0x2F00, s6;
	s3 =	sor.u32 s5, s18;
	v4 =	vld [tilespmem:$0x1FFB0];
	v62 =	vmul.f32 v60, v6;
	v6 =	vunpack.i.u.bf16.f32 v61;
	v60 =	vunpack.i.l.bf16.f32 v61;
	[tilespmem:s1+$0x0] =	vst v0  }
0x29b: {  	s9 =	smov.u32 s21;
	s21 =	sor.u32 s2, s0;
	s0 =	sor.u32 s5, s19;
	v0 =	vadd.f32 v5, v3;
	v3 =	vmul.f32 v6, v7;
	v5 =	vunpack.i.u.bf16.f32 v63;
	v61 =	vld [tilespmem:s3+$0x0]  }
0x29c: {  	v6 =	vunpack.i.l.bf16.f32 v63;
	v1 =	vadd.f32 v62, v1;
	v62 =	vmul.f32 v60, v7;
	v55 =	vld [tilespmem:s0+$0x0];
	s3 =	sor.u32 s5, s22  }
0x29d: {  	s31 =	sadd.s32 $0x2F80, s6;
	v7 =	vmul.f32 v6, v8;
	v0 =	vadd.f32 v54, v0;
	v54 =	vmul.f32 v5, v8;
	v57 =	vld [tilespmem:s3+$0x0]  }
0x29e: {  	s0 =	sor.u32 s5, s31;
	v8 =	vunpack.i.u.bf16.f32 v2;
	v2 =	vunpack.i.l.bf16.f32 v2;
	v5 =	vld [tilespmem:$0x1FFC0];
	v1 =	vadd.f32 v62, v1  }
0x29f: {  	s8 =	sadd.s32 $0x3000, s6;
	v63 =	vunpack.i.u.bf16.f32 v52;
	v58 =	vld [tilespmem:s0+$0x0];
	v2 =	vmul.f32 v2, v9  }
0x2a0: {  	s3 =	sor.u32 s5, s8;
	v0 =	vadd.f32 v3, v0;
	v3 =	vmul.f32 v8, v9;
	v1 =	vadd.f32 v7, v1  }
0x2a1: {  	v60 =	vld [tilespmem:s3+$0x0];
	v9 =	vunpack.i.u.bf16.f32 v61;
	v56 =	vunpack.i.l.bf16.f32 v61;
	v8 =	vunpack.i.u.bf16.f32 v55  }
0x2a2: {  	v55 =	vunpack.i.l.bf16.f32 v55;
	v56 =	vmul.f32 v56, v4;
	v53 =	vmul.f32 v9, v4  }
0x2a3: {  	s16 =	sor.u32 s2, s14;
	v51 =	vld [tilespmem:s10+$0x300];
	s10 =	sadd.s32 $0x3080, s6;
	v0 =	vadd.f32 v54, v0;
	v55 =	vmul.f32 v55, v5;
	v59 =	vmul.f32 v8, v5  }
0x2a4: {  	v43 =	vld [tilespmem:s16+$0x0];
	s16 =	sor.u32 s5, s10;
	v9 =	vunpack.i.l.bf16.f32 v57;
	v57 =	vunpack.i.u.bf16.f32 v57;
	v6 =	vunpack.i.l.bf16.f32 v58  }
0x2a5: {  	s17 =	sadd.s32 $0x4D00, s6;
	v62 =	vld [tilespmem:s16+$0x0];
	v58 =	vunpack.i.u.bf16.f32 v58;
	v1 =	vadd.f32 v2, v1;
	v61 =	vmul.f32 v9, v15  }
0x2a6: {  	s13 =	sor.u32 s2, s12;
	s12 =	sor.u32 s2, s18;
	s18 =	sor.u32 s5, s17;
	v7 =	vmul.f32 v57, v15;
	v8 =	vmul.f32 v6, v16;
	v9 =	vunpack.i.l.bf16.f32 v60  }
0x2a7: {  	[dreg:$0x4] =	wrdreg s11;
	s11 =	sor.u32 s2, s31;
	s31 =	sadd.s32 $0x4D80, s6;
	v57 =	vld [tilespmem:s18+$0x0];
	v6 =	vmul.f32 v58, v16;
	v55 =	vadd.f32 v55, v56;
	v53 =	vadd.f32 v59, v53  }
0x2a8: {  	s0 =	sor.u32 s2, s8;
	s8 =	sor.u32 s5, s31;
	v60 =	vunpack.i.u.bf16.f32 v60;
	v0 =	vadd.f32 v3, v0;
	v3 =	vmul.f32 v63, v11  }
0x2a9: {  	v58 =	vld [tilespmem:s8+$0x0];
	v55 =	vadd.f32 v61, v55;
	v53 =	vadd.f32 v7, v53;
	v61 =	vmul.f32 v9, v17  }
0x2aa: {  	s14 =	sor.u32 s2, s22;
	s22 =	sor.u32 s2, s10;
	s10 =	sadd.s32 $0x4E00, s6;
	v7 =	vunpack.i.l.bf16.f32 v62;
	v9 =	vunpack.i.u.bf16.f32 v62;
	v62 =	vunpack.i.u.bf16.f32 v51  }
0x2ab: {  	s16 =	sor.u32 s5, s10;
	s18 =	sor.u32 s2, s31;
	s31 =	sadd.s32 $0x4E80, s6;
	v55 =	vadd.f32 v8, v55;
	v53 =	vadd.f32 v6, v53;
	v8 =	vmul.f32 v60, v17  }
0x2ac: {  	v59 =	vld [tilespmem:s16+$0x0];
	s8 =	sor.u32 s5, s31;
	v6 =	vmul.f32 v7, v18;
	v7 =	vunpack.i.l.bf16.f32 v57;
	v57 =	vunpack.i.u.bf16.f32 v57  }
0x2ad: {  	v60 =	vld [tilespmem:s8+$0x0];
	v55 =	vadd.f32 v61, v55;
	v53 =	vadd.f32 v8, v53;
	v8 =	vmul.f32 v9, v18  }
0x2ae: {  	v61 =	vmul.f32 v7, v19;
	v9 =	vunpack.i.l.bf16.f32 v58;
	v7 =	vunpack.i.u.bf16.f32 v58  }
0x2af: {  	v55 =	vadd.f32 v6, v55;
	v53 =	vadd.f32 v8, v53;
	v6 =	vmul.f32 v57, v19  }
0x2b0: {  	v51 =	vunpack.i.l.bf16.f32 v51;
	v58 =	vmul.f32 v9, v20;
	v9 =	vmul.f32 v7, v20  }
0x2b1: {  	v8 =	vunpack.i.l.bf16.f32 v59;
	v55 =	vadd.f32 v61, v55;
	v53 =	vadd.f32 v6, v53  }
0x2b2: {  	v7 =	vmul.f32 v8, v21;
	v8 =	vunpack.i.l.bf16.f32 v60;
	v6 =	vunpack.i.u.bf16.f32 v59  }
0x2b3: {  	v55 =	vadd.f32 v58, v55;
	v53 =	vadd.f32 v9, v53;
	v9 =	vmul.f32 v6, v21  }
0x2b4: {  	v44 =	vld [tilespmem:s13+$0x0];
	v2 =	vmul.f32 v62, v10;
	v60 =	vunpack.i.u.bf16.f32 v60;
	v61 =	vmul.f32 v8, v22  }
0x2b5: {  	v54 =	vmul.f32 v60, v22;
	v55 =	vadd.f32 v7, v55;
	v53 =	vadd.f32 v9, v53  }
0x2b6: {  	v51 =	vmul.f32 v51, v10;
	v10 =	vunpack.i.u.bf16.f32 v43;
	v0 =	vadd.f32 v2, v0  }
0x2b7: {  	s13 =	sor.u32 s2, s19;
	v6 =	vunpack.i.l.bf16.f32 v52;
	v55 =	vadd.f32 v61, v55;
	v53 =	vadd.f32 v54, v53  }
0x2b8: {  	s19 =	sor.u32 s2, s17;
	s17 =	sor.u32 s2, s10;
	s3 =	sadd.s32 $0x4F00, s6;
	v1 =	vadd.f32 v51, v1;
	v0 =	vadd.f32 v3, v0;
	v8 =	vmul.f32 v6, v11  }
0x2b9: {  	s10 =	sor.u32 s2, s3;
	s16 =	sor.u32 s2, s31;
	s31 =	sadd.s32 $0x4F80, s6;
	v9 =	vunpack.i.u.bf16.f32 v44;
	v44 =	vunpack.i.l.bf16.f32 v44;
	v7 =	vpack.i.f32.bf16 v53, v55  }
0x2ba: {  	s3 =	sor.u32 s5, s3;
	[dreg:$0xd] =	wrdreg s10;
	s10 =	sor.u32 s2, s31;
	v1 =	vadd.f32 v8, v1;
	v56 =	vmul.f32 v44, v12;
	v58 =	vmul.f32 v9, v12;
	[tilespmem:s1+$0x80] =	vst v7  }
0x2bb: {  	[dreg:$0xe] =	wrdreg s10;
	s10 =	sor.u32 s5, s31;
	s31 =	sadd.s32 $0x5000, s6;
	v43 =	vunpack.i.l.bf16.f32 v43;
	v51 =	vmul.f32 v10, v13;
	v11 =	vld [tilespmem:s3+$0x0]  }
0x2bc: {  	s8 =	sor.u32 s5, s31;
	v59 =	vmul.f32 v43, v13;
	v1 =	vadd.f32 v56, v1;
	v0 =	vadd.f32 v58, v0;
	v57 =	vld [tilespmem:s10+$0x0]  }
0x2bd: {  	s3 =	sadd.s32 $0x5080, s6;
	v60 =	vld [tilespmem:s8+$0x0]  }
0x2be: {  	v1 =	vadd.f32 v59, v1;
	v0 =	vadd.f32 v51, v0;
	s10 =	sor.u32 s2, s31;
	s31 =	sor.u32 s2, s3;
	s3 =	sor.u32 s5, s3  }
0x2bf: {  	v43 =	vadd.f32 v49, v48;
	v44 =	vadd.f32 v46, v45;
	[dreg:$0x11] =	wrdreg s10;
	s10 =	sadd.s32 $0x6D00, s6;
	v62 =	vld [tilespmem:s3+$0x0]  }
0x2c0: {  	v61 =	vpack.i.f32.bf16 v50, v47;
	v0 =	vpack.i.f32.bf16 v0, v1;
	s8 =	sor.u32 s5, s10;
	v63 =	vunpack.i.u.bf16.f32 v11  }
0x2c1: {  	[dreg:$0x5] =	wrdreg s9;
	[tilespmem:s9+$0x100] =	vst v61;
	s9 =	sadd.s32 $0x6D80, s6;
	v8 =	vld [tilespmem:s8+$0x0];
	v6 =	vunpack.i.l.bf16.f32 v11;
	v7 =	vunpack.i.u.bf16.f32 v57;
	v3 =	vunpack.i.l.bf16.f32 v57  }
0x2c2: {  	v53 =	vld [tilespmem:s26+$0x0];
	[dreg:$0x12] =	wrdreg s31;
	s31 =	sor.u32 s2, s10;
	s10 =	sor.u32 s5, s9;
	v9 =	vunpack.i.l.bf16.f32 v60;
	v46 =	vmul.f32 v6, v23;
	v45 =	vmul.f32 v63, v23  }
0x2c3: {  	s26 =	sadd.s32 $0x6E00, s6;
	[dreg:$0x15] =	wrdreg s31;
	s31 =	sor.u32 s2, s9;
	v10 =	vld [tilespmem:s10+$0x0];
	v52 =	vunpack.i.u.bf16.f32 v60;
	v3 =	vmul.f32 v3, v24;
	v48 =	vmul.f32 v7, v24  }
0x2c4: {  	s8 =	sor.u32 s2, s26;
	s10 =	sor.u32 s5, s26;
	s26 =	sadd.s32 $0x6E80, s6;
	v57 =	vld [tilespmem:s25+$0x0];
	v50 =	vmul.f32 v9, v25;
	v60 =	vmul.f32 v52, v25;
	v11 =	vunpack.i.l.bf16.f32 v62  }
0x2c5: {  	s9 =	sor.u32 s2, s26;
	v52 =	vld [tilespmem:s10+$0x0];
	s10 =	sor.u32 s5, s26;
	s26 =	sadd.s32 $0x6F00, s6;
	v47 =	vunpack.i.u.bf16.f32 v62;
	v3 =	vadd.f32 v3, v46;
	v45 =	vadd.f32 v48, v45  }
0x2c6: {  	v58 =	vld [tilespmem:s10+$0x0];
	s10 =	sor.u32 s2, s26;
	s25 =	sor.u32 s5, s26;
	s26 =	sadd.s32 $0x6F80, s6;
	v55 =	vmul.f32 v11, v26;
	v61 =	vunpack.i.l.bf16.f32 v8;
	v62 =	vmul.f32 v47, v26  }
0x2c7: {  	v63 =	vunpack.i.u.bf16.f32 v8;
	v48 =	vld [tilespmem:s23+$0x0];
	s23 =	sor.u32 s5, s26;
	v3 =	vadd.f32 v50, v3;
	v45 =	vadd.f32 v60, v45  }
0x2c8: {  	v7 =	vunpack.i.l.bf16.f32 v10;
	v9 =	vunpack.i.u.bf16.f32 v10;
	v6 =	vmul.f32 v61, v27;
	v60 =	vld [tilespmem:s23+$0x0]  }
0x2c9: {  	v8 =	vmul.f32 v63, v27;
	v3 =	vadd.f32 v55, v3;
	v45 =	vadd.f32 v62, v45  }
0x2ca: {  	v10 =	vmul.f32 v7, v28;
	v11 =	vunpack.i.l.bf16.f32 v52;
	v7 =	vunpack.i.u.bf16.f32 v52;
	v55 =	vld [tilespmem:s25+$0x0]  }
0x2cb: {  	v3 =	vadd.f32 v6, v3;
	v45 =	vadd.f32 v8, v45;
	v6 =	vmul.f32 v9, v28  }
0x2cc: {  	v2 =	vld [tilespmem:s29+$0x0];
	v8 =	vmul.f32 v11, v29;
	v9 =	vunpack.i.l.bf16.f32 v58;
	v58 =	vunpack.i.u.bf16.f32 v58  }
0x2cd: {  	v56 =	vld [tilespmem:s28+$0x0];
	v59 =	vmul.f32 v9, v30;
	v9 =	vunpack.i.l.bf16.f32 v60;
	v3 =	vadd.f32 v10, v3  }
0x2ce: {  	v49 =	vld [tilespmem:s7+$0x0];
	v45 =	vadd.f32 v6, v45;
	v10 =	vmul.f32 v7, v29;
	v7 =	vmul.f32 v58, v30  }
0x2cf: {  	v47 =	vld [tilespmem:s4+$0x0];
	v11 =	vunpack.i.l.bf16.f32 v55;
	v55 =	vunpack.i.u.bf16.f32 v55;
	v3 =	vadd.f32 v8, v3  }
0x2d0: {  	v46 =	vld [tilespmem:s24+$0x0];
	v6 =	vadd.f32 v10, v45;
	v8 =	vmul.f32 v11, v32;
	v10 =	vmul.f32 v55, v32  }
0x2d1: {  	v50 =	vld [tilespmem:s30+$0x0];
	v11 =	vunpack.i.u.bf16.f32 v60;
	v60 =	vunpack.i.u.bf16.f32 v2;
	v2 =	vunpack.i.l.bf16.f32 v2  }
0x2d2: {  	v45 =	vld [tilespmem:s15+$0x0];
	[tilespmem:s21+$0x0] =	vst v0;
	v51 =	vmul.f32 v11, v31;
	v3 =	vadd.f32 v59, v3;
	v52 =	vadd.f32 v7, v6  }
0x2d3: {  	v63 =	vunpack.i.u.bf16.f32 v53;
	v54 =	vld [tilespmem:s12+$0x0];
	v2 =	vmul.f32 v2, v40;
	v1 =	vmul.f32 v60, v40  }
0x2d4: {  	v59 =	vmul.f32 v9, v31;
	v3 =	vadd.f32 v8, v3;
	v52 =	vadd.f32 v10, v52  }
0x2d5: {  	v58 =	vld [tilespmem:s13+$0x0];
	v6 =	vunpack.i.l.bf16.f32 v53;
	v9 =	vunpack.i.l.bf16.f32 v56;
	v53 =	vunpack.i.l.bf16.f32 v57  }
0x2d6: {  	v8 =	vunpack.i.u.bf16.f32 v56;
	v61 =	vadd.f32 v59, v3;
	v62 =	vadd.f32 v51, v52  }
0x2d7: {  	v7 =	vmul.f32 v6, v41;
	v10 =	vunpack.i.u.bf16.f32 v57;
	v55 =	vmul.f32 v8, v39;
	v59 =	vld [tilespmem:s14+$0x0]  }
0x2d8: {  	s13 =	sadd.s32 $0x7000, s6;
	v51 =	vmul.f32 v63, v41;
	v63 =	vunpack.i.u.bf16.f32 v54;
	v0 =	vpack.i.f32.bf16 v62, v61  }
0x2d9: {  	s4 =	sor.u32 s5, s13;
	v2 =	vadd.f32 v7, v2;
	s14 =	sadd.s32 $0x7080, s6;
	v62 =	vmul.f32 v9, v39;
	[tilespmem:s1+$0x100] =	vst v0;
	v0 =	vmul.f32 v63, v4;
	v63 =	vld [tilespmem:s0+$0x0]  }
0x2da: {  	v6 =	vunpack.i.l.bf16.f32 v54;
	v7 =	vunpack.i.u.bf16.f32 v58;
	v8 =	vunpack.i.l.bf16.f32 v58;
	s15 =	sor.u32 s5, s14;
	v11 =	vld [tilespmem:s4+$0x0]  }
0x2db: {  	s23 =	sadd.s32 $0x8D00, s6;
	v57 =	vmul.f32 v8, v5;
	v3 =	vld [tilespmem:s15+$0x0];
	v54 =	vadd.f32 v62, v2;
	v2 =	vmul.f32 v7, v5  }
0x2dc: {  	s24 =	sadd.s32 $0x8D80, s6;
	s7 =	sor.u32 s5, s23;
	v56 =	vld [tilespmem:s11+$0x0];
	v52 =	vadd.f32 v51, v1;
	v1 =	vmul.f32 v6, v4;
	v9 =	vunpack.i.u.bf16.f32 v59  }
0x2dd: {  	v58 =	vld [tilespmem:s7+$0x0];
	s4 =	sor.u32 s5, s24;
	v61 =	vmul.f32 v9, v15;
	v0 =	vadd.f32 v2, v0  }
0x2de: {  	s11 =	sadd.s32 $0x8E00, s6;
	v51 =	vmul.f32 v10, v38;
	v1 =	vadd.f32 v57, v1;
	v62 =	vld [tilespmem:s4+$0x0]  }
0x2df: {  	s12 =	sor.u32 s5, s11;
	v59 =	vunpack.i.l.bf16.f32 v59;
	v0 =	vadd.f32 v61, v0;
	v61 =	vunpack.i.l.bf16.f32 v63  }
0x2e0: {  	s29 =	sor.u32 s2, s13;
	s13 =	sadd.s32 $0x8E80, s6;
	v6 =	vld [tilespmem:s12+$0x0];
	v10 =	vunpack.i.u.bf16.f32 v11;
	v60 =	vunpack.i.l.bf16.f32 v11;
	v11 =	vunpack.i.u.bf16.f32 v3  }
0x2e1: {  	s3 =	sor.u32 s2, s26;
	s26 =	sor.u32 s2, s14;
	s14 =	sor.u32 s5, s13;
	v3 =	vunpack.i.l.bf16.f32 v3;
	v60 =	vmul.f32 v60, v40;
	v4 =	vmul.f32 v10, v40  }
0x2e2: {  	v9 =	vld [tilespmem:s14+$0x0];
	v8 =	vunpack.i.l.bf16.f32 v58;
	v3 =	vmul.f32 v3, v41;
	v5 =	vmul.f32 v11, v41  }
0x2e3: {  	s15 =	sadd.s32 $0x8F00, s6;
	v58 =	vunpack.i.u.bf16.f32 v58;
	v8 =	vmul.f32 v8, v39;
	v11 =	vunpack.i.l.bf16.f32 v62  }
0x2e4: {  	v7 =	vld [tilespmem:s22+$0x0];
	s22 =	sor.u32 s5, s15;
	v3 =	vadd.f32 v3, v60;
	v4 =	vadd.f32 v5, v4;
	v5 =	vmul.f32 v58, v39  }
0x2e5: {  	s25 =	sor.u32 s2, s24;
	s24 =	sadd.s32 $0x8F80, s6;
	v12 =	vunpack.i.l.bf16.f32 v6;
	v62 =	vunpack.i.u.bf16.f32 v62;
	v11 =	vmul.f32 v11, v38;
	v58 =	vld [tilespmem:s22+$0x0]  }
0x2e6: {  	s28 =	sor.u32 s2, s23;
	s23 =	sor.u32 s2, s11;
	s11 =	sor.u32 s5, s24;
	v3 =	vadd.f32 v8, v3;
	v4 =	vadd.f32 v5, v4;
	v5 =	vmul.f32 v62, v38  }
0x2e7: {  	s12 =	sadd.s32 $0x9000, s6;
	v6 =	vunpack.i.u.bf16.f32 v6;
	v12 =	vmul.f32 v12, v37;
	v13 =	vunpack.i.l.bf16.f32 v9;
	v8 =	vld [tilespmem:s11+$0x0]  }
0x2e8: {  	s7 =	sor.u32 s2, s13;
	s13 =	sor.u32 s5, s12;
	v3 =	vadd.f32 v11, v3;
	v4 =	vadd.f32 v5, v4;
	v5 =	vmul.f32 v6, v37  }
0x2e9: {  	s6 =	sadd.s32 $0x9080, s6;
	v2 =	vmul.f32 v61, v17;
	v9 =	vunpack.i.u.bf16.f32 v9;
	v13 =	vmul.f32 v13, v36;
	v6 =	vld [tilespmem:s13+$0x0]  }
0x2ea: {  	s14 =	sor.u32 s5, s6;
	v14 =	vunpack.i.l.bf16.f32 v58;
	v3 =	vadd.f32 v12, v3;
	v4 =	vadd.f32 v5, v4  }
0x2eb: {  	v5 =	vmul.f32 v9, v36;
	v9 =	vld [tilespmem:s14+$0x0];
	v12 =	vunpack.i.u.bf16.f32 v58;
	v14 =	vmul.f32 v14, v35  }
0x2ec: {  	v58 =	vunpack.i.l.bf16.f32 v8;
	v8 =	vunpack.i.u.bf16.f32 v8;
	v3 =	vadd.f32 v13, v3  }
0x2ed: {  	v4 =	vadd.f32 v5, v4;
	v5 =	vmul.f32 v12, v35;
	v12 =	vmul.f32 v58, v34  }
0x2ee: {  	v58 =	vmul.f32 v8, v34;
	v13 =	vunpack.i.l.bf16.f32 v6;
	v3 =	vadd.f32 v14, v3  }
0x2ef: {  	v6 =	vunpack.i.u.bf16.f32 v6;
	v4 =	vadd.f32 v5, v4;
	v8 =	vmul.f32 v13, v33  }
0x2f0: {  	v5 =	vmul.f32 v6, v33;
	v13 =	vunpack.i.l.bf16.f32 v9;
	v3 =	vadd.f32 v12, v3  }
0x2f1: {  	v4 =	vadd.f32 v58, v4;
	v58 =	vunpack.i.u.bf16.f32 v9;
	v9 =	vmul.f32 v13, v42  }
0x2f2: {  	v10 =	vld [tilespmem:s19+$0x0];
	v57 =	vmul.f32 v58, v42;
	v58 =	vmul.f32 v59, v15;
	v59 =	vunpack.i.u.bf16.f32 v56  }
0x2f3: {  	v56 =	vunpack.i.l.bf16.f32 v56;
	v3 =	vadd.f32 v8, v3;
	v4 =	vadd.f32 v5, v4  }
0x2f4: {  	v1 =	vadd.f32 v58, v1;
	v58 =	vmul.f32 v59, v16;
	v59 =	vunpack.i.u.bf16.f32 v63  }
0x2f5: {  	v60 =	vld [tilespmem:s18+$0x0];
	v3 =	vadd.f32 v9, v3;
	v4 =	vadd.f32 v57, v4;
	v57 =	vmul.f32 v56, v16  }
0x2f6: {  	v63 =	vmul.f32 v59, v17;
	v9 =	vunpack.i.u.bf16.f32 v7;
	v56 =	vunpack.i.l.bf16.f32 v7  }
0x2f7: {  	v62 =	vld [tilespmem:s17+$0x0];
	v59 =	vunpack.i.l.bf16.f32 v10;
	v0 =	vadd.f32 v58, v0;
	v1 =	vadd.f32 v57, v1  }
0x2f8: {  	v58 =	vmul.f32 v56, v18;
	v3 =	vpack.i.f32.bf16 v4, v3;
	v57 =	vunpack.i.u.bf16.f32 v10  }
0x2f9: {  	[tilespmem:s1+$0x180] =	vst v3;
	v3 =	vmul.f32 v9, v18;
	v0 =	vadd.f32 v63, v0;
	v1 =	vadd.f32 v2, v1  }
0x2fa: {  	v11 =	vld [tilespmem:s16+$0x0];
	v10 =	vunpack.i.l.bf16.f32 v60;
	v61 =	vmul.f32 v57, v19;
	v63 =	vunpack.i.u.bf16.f32 v60  }
0x2fb: {  	v9 =	vmul.f32 v59, v19;
	v0 =	vadd.f32 v3, v0;
	v1 =	vadd.f32 v58, v1  }
0x2fc: {  	v57 =	vunpack.i.u.bf16.f32 v62;
	v59 =	vunpack.i.l.bf16.f32 v62;
	v56 =	vmul.f32 v63, v20  }
0x2fd: {  	v58 =	vmul.f32 v10, v20;
	v0 =	vadd.f32 v61, v0;
	v1 =	vadd.f32 v9, v1  }
0x2fe: {  	v60 =	vmul.f32 v57, v21;
	v62 =	vmul.f32 v59, v21  }
0x2ff: {  	v63 =	vunpack.i.l.bf16.f32 v11;
	v0 =	vadd.f32 v56, v0;
	v1 =	vadd.f32 v58, v1  }
0x300: {  	v61 =	vunpack.i.u.bf16.f32 v11;
	v11 =	vmul.f32 v63, v22  }
0x301: {  	v9 =	vmul.f32 v61, v22;
	v0 =	vadd.f32 v60, v0;
	v1 =	vadd.f32 v62, v1  }
0x302: {  	v10 =	vadd.f32 v55, v52  }
0x303: {  	v52 =	vmul.f32 v53, v38;
	v0 =	vadd.f32 v9, v0;
	v1 =	vadd.f32 v11, v1  }
0x304: {  	v59 =	vunpack.i.l.bf16.f32 v49;
	v53 =	vunpack.i.u.bf16.f32 v48;
	v55 =	vunpack.i.l.bf16.f32 v48  }
0x305: {  	v3 =	vadd.f32 v52, v54;
	v56 =	vmul.f32 v55, v37;
	v0 =	vpack.i.f32.bf16 v0, v1  }
0x306: {  	s16 =	rddreg [dreg:$0xd];
	v5 =	vmul.f32 v53, v37;
	v57 =	vadd.f32 v51, v10;
	v54 =	vunpack.i.u.bf16.f32 v50;
	[tilespmem:s21+$0x80] =	vst v0  }
0x307: {  	s17 =	rddreg [dreg:$0xe];
	v58 =	vunpack.i.u.bf16.f32 v49;
	v60 =	vadd.f32 v56, v3;
	v62 =	vmul.f32 v59, v36;
	v63 =	vld [tilespmem:s16+$0x0]  }
0x308: {  	s18 =	rddreg [dreg:$0x11];
	v55 =	vunpack.i.l.bf16.f32 v50;
	v61 =	vadd.f32 v5, v57;
	v1 =	vmul.f32 v58, v36;
	v56 =	vld [tilespmem:s17+$0x0]  }
0x309: {  	v51 =	vunpack.i.u.bf16.f32 v46;
	v57 =	vmul.f32 v55, v35;
	v0 =	vadd.f32 v62, v60;
	v6 =	vld [tilespmem:s18+$0x0]  }
0x30a: {  	s19 =	rddreg [dreg:$0x12];
	v5 =	vmul.f32 v54, v35;
	v59 =	vunpack.i.l.bf16.f32 v47;
	v1 =	vadd.f32 v1, v61  }
0x30b: {  	s22 =	rddreg [dreg:$0x15];
	v58 =	vunpack.i.u.bf16.f32 v47;
	v60 =	vld [tilespmem:s19+$0x0];
	v61 =	vmul.f32 v59, v34;
	v0 =	vadd.f32 v57, v0  }
0x30c: {  	v52 =	vunpack.i.l.bf16.f32 v46;
	v48 =	vmul.f32 v58, v34;
	v2 =	vld [tilespmem:s22+$0x0];
	v50 =	vadd.f32 v5, v1  }
0x30d: {  	v49 =	vadd.f32 v61, v0;
	v62 =	vunpack.i.u.bf16.f32 v63;
	v4 =	vunpack.i.l.bf16.f32 v63  }
0x30e: {  	v47 =	vunpack.i.u.bf16.f32 v56;
	v56 =	vunpack.i.l.bf16.f32 v56;
	v57 =	vunpack.i.u.bf16.f32 v6  }
0x30f: {  	v7 =	vld [tilespmem:s8+$0x0];
	v6 =	vunpack.i.l.bf16.f32 v6;
	v63 =	vmul.f32 v4, v23;
	v1 =	vmul.f32 v62, v23  }
0x310: {  	v5 =	vld [tilespmem:s31+$0x0];
	v59 =	vunpack.i.u.bf16.f32 v60;
	v4 =	vmul.f32 v56, v24;
	v3 =	vmul.f32 v47, v24  }
0x311: {  	v61 =	vunpack.i.u.bf16.f32 v2;
	v2 =	vunpack.i.l.bf16.f32 v2;
	v8 =	vmul.f32 v57, v25  }
0x312: {  	v58 =	vmul.f32 v6, v25;
	v0 =	vadd.f32 v4, v63;
	v1 =	vadd.f32 v3, v1  }
0x313: {  	p1 =	slt.u32 s20, $0x3E;
	v60 =	vunpack.i.l.bf16.f32 v60;
	v6 =	vmul.f32 v59, v26;
	v2 =	vmul.f32 v2, v27  }
.Ltmp2:
0x314: {  	v3 =	vmul.f32 v60, v26;
	v0 =	vadd.f32 v58, v0;
	v1 =	vadd.f32 v8, v1;
	(pc) =	sbr.rel @p1 .LBB2_3-.Ltmp2, $4  }
0x315: {  	v59 =	vunpack.i.l.bf16.f32 v7;
	v62 =	vunpack.i.u.bf16.f32 v5;
	v4 =	vmul.f32 v61, v27  }
0x316: {  	v53 =	vld [tilespmem:s9+$0x0];
	v63 =	vunpack.i.u.bf16.f32 v7;
	v0 =	vadd.f32 v3, v0;
	v1 =	vadd.f32 v6, v1  }
0x317: {  	s30 =	sor.u32 s2, s15;
	v46 =	vld [tilespmem:s3+$0x0];
	v5 =	vunpack.i.l.bf16.f32 v5;
	v55 =	vmul.f32 v62, v28;
	v54 =	vmul.f32 v63, v29  }
0x318: {  	s4 =	sor.u32 s2, s24;
	s24 =	sor.u32 s2, s12;
	s15 =	sor.u32 s2, s6;
	v47 =	vld [tilespmem:s10+$0x0];
	v58 =	vmul.f32 v5, v28;
	v56 =	vadd.f32 v2, v0;
	v57 =	vadd.f32 v4, v1  }
0x319: {  	_ = 	snop  }
0x31a: {  	v1 =	vmul.f32 v59, v29;
	v0 =	vadd.f32 v58, v56  }
0x31b: {  	v2 =	vadd.f32 v55, v57;
	v3 =	vunpack.i.l.bf16.f32 v53  }
0x31c: {  	v4 =	vunpack.i.u.bf16.f32 v53;
	v0 =	vadd.f32 v1, v0;
	v18 =	vmul.f32 v3, v30  }
0x31d: {  	v19 =	vmul.f32 v4, v30;
	v2 =	vadd.f32 v54, v2;
	v20 =	vunpack.i.u.bf16.f32 v47  }
0x31e: {  	v23 =	vunpack.i.l.bf16.f32 v46;
	v5 =	vunpack.i.l.bf16.f32 v47;
	v4 =	vmul.f32 v20, v32  }
0x31f: {  	v0 =	vadd.f32 v18, v0;
	v21 =	vmul.f32 v5, v32;
	v2 =	vadd.f32 v19, v2  }
0x320: {  	v22 =	vunpack.i.u.bf16.f32 v46;
	v24 =	vmul.f32 v23, v31  }
0x321: {  	v5 =	vmul.f32 v22, v31;
	v0 =	vadd.f32 v21, v0;
	v2 =	vadd.f32 v4, v2;
	_ =	sdelay $0x1  }
0x322: {  	v0 =	vadd.f32 v24, v0;
	v25 =	vadd.f32 v5, v2;
	_ =	sdelay $0x1  }
0x323: {  	v0 =	vpack.i.f32.bf16 v25, v0  }
0x324: {  	[tilespmem:s21+$0x100] =	vst v0  }
0x325: {  	v0 =	vld [tilespmem:s29+$0x0]  }
0x326: {  	v26 =	vld [tilespmem:s26+$0x0]  }
0x327: {  	v30 =	vld [tilespmem:s28+$0x0]  }
0x328: {  	v27 =	vadd.f32 v48, v50;
	v28 =	vmul.f32 v52, v33;
	v7 =	vunpack.i.l.bf16.f32 v45;
	v31 =	vld [tilespmem:s25+$0x0]  }
0x329: {  	v29 =	vmul.f32 v51, v33;
	v6 =	vunpack.i.u.bf16.f32 v45;
	v7 =	vmul.f32 v7, v42;
	v10 =	vld [tilespmem:s23+$0x0]  }
0x32a: {  	v6 =	vmul.f32 v6, v42;
	v3 =	vadd.f32 v28, v49;
	v8 =	vunpack.i.u.bf16.f32 v0  }
0x32b: {  	v0 =	vunpack.i.l.bf16.f32 v0;
	v9 =	vunpack.i.l.bf16.f32 v26;
	v1 =	vunpack.i.u.bf16.f32 v26  }
0x32c: {  	v11 =	vunpack.i.l.bf16.f32 v30;
	v0 =	vmul.f32 v0, v40;
	v9 =	vmul.f32 v9, v41  }
0x32d: {  	v12 =	vld [tilespmem:s7+$0x0];
	v5 =	vunpack.i.u.bf16.f32 v30;
	v8 =	vmul.f32 v8, v40;
	v1 =	vmul.f32 v1, v41  }
0x32e: {  	v4 =	vunpack.i.u.bf16.f32 v31;
	v45 =	vunpack.i.l.bf16.f32 v10;
	v32 =	vmul.f32 v11, v39  }
0x32f: {  	v5 =	vmul.f32 v5, v39;
	v0 =	vadd.f32 v9, v0;
	v1 =	vadd.f32 v1, v8  }
0x330: {  	v10 =	vunpack.i.u.bf16.f32 v10;
	v40 =	vunpack.i.l.bf16.f32 v31;
	v41 =	vld [tilespmem:s30+$0x0];
	v4 =	vmul.f32 v4, v38  }
0x331: {  	v46 =	vld [tilespmem:s4+$0x0];
	v8 =	vmul.f32 v40, v38;
	v0 =	vadd.f32 v32, v0;
	v1 =	vadd.f32 v5, v1  }
0x332: {  	v48 =	vunpack.i.l.bf16.f32 v12;
	v12 =	vunpack.i.u.bf16.f32 v12;
	v47 =	vmul.f32 v10, v37  }
0x333: {  	v49 =	vld [tilespmem:s24+$0x0];
	v5 =	vmul.f32 v45, v37;
	v0 =	vadd.f32 v8, v0;
	v1 =	vadd.f32 v4, v1  }
0x334: {  	v63 =	vpack.i.f32.bf16 v44, v43;
	v50 =	vmul.f32 v48, v36;
	v51 =	vmul.f32 v12, v36  }
0x335: {  	v54 =	vld [tilespmem:s15+$0x0];
	v52 =	vunpack.i.l.bf16.f32 v41;
	v0 =	vadd.f32 v5, v0;
	v1 =	vadd.f32 v47, v1  }
0x336: {  	v9 =	vunpack.i.u.bf16.f32 v46;
	v11 =	vunpack.i.u.bf16.f32 v41;
	v53 =	vmul.f32 v52, v35  }
0x337: {  	v11 =	vmul.f32 v11, v35;
	v0 =	vadd.f32 v50, v0;
	v1 =	vadd.f32 v51, v1  }
0x338: {  	v55 =	vunpack.i.l.bf16.f32 v46;
	v57 =	vunpack.i.l.bf16.f32 v49;
	v56 =	vmul.f32 v9, v34  }
0x339: {  	v4 =	vmul.f32 v55, v34;
	v0 =	vadd.f32 v53, v0;
	v1 =	vadd.f32 v11, v1  }
0x33a: {  	v60 =	vunpack.i.u.bf16.f32 v54;
	v10 =	vunpack.i.u.bf16.f32 v49;
	v58 =	vmul.f32 v57, v33  }
0x33b: {  	s0 =	rddreg [dreg:$0x4];
	v59 =	vmul.f32 v10, v33;
	v0 =	vadd.f32 v4, v0;
	v1 =	vadd.f32 v56, v1  }
0x33c: {  	v2 =	vadd.f32 v29, v27;
	[tilespmem:s0+$0x180] =	vst v63;
	v62 =	vmul.f32 v60, v42;
	v8 =	vunpack.i.l.bf16.f32 v54  }
0x33d: {  	s4 =	sld [smem:$0x7E8];
	v61 =	vmul.f32 v8, v42;
	v0 =	vadd.f32 v58, v0;
	v1 =	vadd.f32 v59, v1  }
0x33e: {  	v3 =	vadd.f32 v7, v3;
	v2 =	vadd.f32 v6, v2  }
0x33f: {  	v0 =	vadd.f32 v61, v0;
	v1 =	vadd.f32 v62, v1  }
0x340: {  	v2 =	vpack.i.f32.bf16 v2, v3;
	s1 =	rddreg [dreg:$0x5];
	p1 =	sne.s32 s4, $0xF  }
.Ltmp3:
0x341: {  	[tilespmem:s1+$0x180] =	vst v2;
	v0 =	vpack.i.f32.bf16 v1, v0;
	(pc) =	sbr.rel @p1 .LBB2_6-.Ltmp3, $4  }
0x342: {  	s31 =	simm.s32 $0x200;
	s1 =	rddreg [dreg:$0x17];
	s29 =	sshll.u32 s4, $0xA;
	[tilespmem:s21+$0x180] =	vst v0  }
0x343: {  	s2 =	simm.s32 $0x400;
	s1 =	sadd.s32 s1, s29;
	s30 =	rddreg [dreg:$0x16]  }
0x344: {  	s3 =	simm.s32 $0x14D00;
	[smem:$0x7E7] =	sst s1;
	s0 =	sadd.s32 s30, s1  }
0x345: {  	[hbm4b:s0+s31] =	stream.strided.scatter [tilespmem:s3], [sflag:$0x3], $0x1000, s2, s31, $0x38;
	[tilespmem:$0x16D00] =	vst v63  }
.Ltmp4:
0x346: {  	(pc) =	sbr.rel .LBB2_7-.Ltmp4, $4  }
0x347: {  	s0 =	simm.s32 $0x2  }
0x348: {  	_ =	swait.ge [sflag:s0], $0xA000  }
0x349: {  	[sflag:s0] =	ssyncset.done $0x0  }
0x34a: {  	[sflag:s0] =	ssyncadd.s32 $0xFFFF6000  }
.LBB2_6:
0x34b: {  	s0 =	smul.u32 $0x140, s4;
	_ =	sdelay $0x1  }
0x34c: {  	s0 =	sshra.s32 s0, $0x2  }
0x34d: {  	v0 =	vld [tilespmem:s0+$0x50];
	_ =	sdelay $0x2  }
0x34e: {  	v2 =	vld [tilespmem:$0x1FFD0];
	_ =	sdelay $0x1  }
0x34f: {  	v3 =	vld [tilespmem:$0x1FFE0];
	v1 =	vshll.u32 v0, $0x3  }
0x350: {  	v0 =	vand.u32 $0x7, v0;
	v1 =	vand.u32 $0xFFFFFFC0, v1  }
0x351: {  	v0 =	vor.u32 v0, v1  }
0x352: {  	v1 =	vperm.xlane v0, v2;
	_ =	sdelay $0x1  }
0x353: {  	v1 =	vadd.s32 v3, v1  }
0x354: {  	v4 =	vld [tilespmem:$0x1FFF0];
	_ =	sdelay $0x2  }
0x355: {  	s1 =	rddreg [dreg:$0x0];
	s2 =	simm.s32 $0x0;
	s3 =	simm.s32 $0xD00  }
0x356: {  	[tilespmem:s3], [sflag:$0x1] =	stream.indirect_vreg.gather [hbm4b:s1+s2], $0x80, v1, vm0, $0xb8;
	[tilespmem:$0x16D00] =	vst v63  }
0x357: {  	s10 =	rddreg [dreg:$0x1a];
	s11 =	simm.s32 $0x1500;
	v0 =	vperm.xlane v0, v4  }
0x358: {  	[tilespmem:s11], [sflag:$0x1] =	stream.indirect_vreg.gather [hbm4b:s10+s2], $0x80, v1, vm0, $0xb8;
	[tilespmem:$0x16D00] =	vst v63  }
0x359: {  	s12 =	rddreg [dreg:$0x1b];
	s5 =	simm.s32 $0x1D00;
	v0 =	vadd.s32 v3, v0  }
0x35a: {  	[tilespmem:s5], [sflag:$0x1] =	stream.indirect_vreg.gather [hbm4b:s12+s2], $0x80, v1, vm0, $0xb8;
	[tilespmem:$0x16D00] =	vst v63  }
0x35b: {  	s13 =	rddreg [dreg:$0x1c];
	s6 =	simm.s32 $0x2500  }
0x35c: {  	[tilespmem:s6], [sflag:$0x1] =	stream.indirect_vreg.gather [hbm4b:s13+s2], $0x80, v1, vm0, $0xb8;
	[tilespmem:$0x16D00] =	vst v63  }
0x35d: {  	s14 =	simm.s32 $0x2D00  }
0x35e: {  	[tilespmem:s14], [sflag:$0x1] =	stream.indirect_vreg.gather [hbm4b:s1+s2], $0x80, v0, vm0, $0xb8;
	[tilespmem:$0x16D00] =	vst v63  }
0x35f: {  	s15 =	simm.s32 $0x3500  }
0x360: {  	[tilespmem:s15], [sflag:$0x1] =	stream.indirect_vreg.gather [hbm4b:s10+s2], $0x80, v0, vm0, $0xb8;
	[tilespmem:$0x16D00] =	vst v63  }
0x361: {  	s16 =	simm.s32 $0x3D00  }
0x362: {  	[tilespmem:s16], [sflag:$0x1] =	stream.indirect_vreg.gather [hbm4b:s12+s2], $0x80, v0, vm0, $0xb8;
	[tilespmem:$0x16D00] =	vst v63  }
0x363: {  	s17 =	simm.s32 $0x4500  }
0x364: {  	[tilespmem:s17], [sflag:$0x1] =	stream.indirect_vreg.gather [hbm4b:s13+s2], $0x80, v0, vm0, $0xb8;
	[tilespmem:$0x16D00] =	vst v63  }
0x365: {  	v0 =	vld [tilespmem:s0+$0x60];
	_ =	sdelay $0x4  }
0x366: {  	v62 =	vshll.u32 v0, $0x3  }
0x367: {  	v0 =	vand.u32 $0x7, v0;
	v1 =	vand.u32 $0xFFFFFFC0, v62  }
0x368: {  	v0 =	vor.u32 v0, v1  }
0x369: {  	v1 =	vperm.xlane v0, v2;
	_ =	sdelay $0x1  }
0x36a: {  	v1 =	vadd.s32 v3, v1;
	_ =	sdelay $0x3  }
0x36b: {  	s18 =	simm.s32 $0x4D00  }
0x36c: {  	[tilespmem:s18], [sflag:$0x1] =	stream.indirect_vreg.gather [hbm4b:s1+s2], $0x80, v1, vm0, $0xb8;
	[tilespmem:$0x16D00] =	vst v63  }
0x36d: {  	s19 =	simm.s32 $0x5500;
	v0 =	vperm.xlane v0, v4  }
0x36e: {  	[tilespmem:s19], [sflag:$0x1] =	stream.indirect_vreg.gather [hbm4b:s10+s2], $0x80, v1, vm0, $0xb8;
	[tilespmem:$0x16D00] =	vst v63  }
0x36f: {  	s20 =	simm.s32 $0x5D00;
	v0 =	vadd.s32 v3, v0  }
0x370: {  	[tilespmem:s20], [sflag:$0x1] =	stream.indirect_vreg.gather [hbm4b:s12+s2], $0x80, v1, vm0, $0xb8;
	[tilespmem:$0x16D00] =	vst v63  }
0x371: {  	s21 =	simm.s32 $0x6500  }
0x372: {  	[tilespmem:s21], [sflag:$0x1] =	stream.indirect_vreg.gather [hbm4b:s13+s2], $0x80, v1, vm0, $0xb8;
	[tilespmem:$0x16D00] =	vst v63  }
0x373: {  	s22 =	simm.s32 $0x6D00  }
0x374: {  	[tilespmem:s22], [sflag:$0x1] =	stream.indirect_vreg.gather [hbm4b:s1+s2], $0x80, v0, vm0, $0xb8;
	[tilespmem:$0x16D00] =	vst v63  }
0x375: {  	s23 =	simm.s32 $0x7500  }
0x376: {  	[tilespmem:s23], [sflag:$0x1] =	stream.indirect_vreg.gather [hbm4b:s10+s2], $0x80, v0, vm0, $0xb8;
	[tilespmem:$0x16D00] =	vst v63  }
0x377: {  	s24 =	simm.s32 $0x7D00  }
0x378: {  	[tilespmem:s24], [sflag:$0x1] =	stream.indirect_vreg.gather [hbm4b:s12+s2], $0x80, v0, vm0, $0xb8;
	[tilespmem:$0x16D00] =	vst v63  }
0x379: {  	s25 =	simm.s32 $0x8500  }
0x37a: {  	[tilespmem:s25], [sflag:$0x1] =	stream.indirect_vreg.gather [hbm4b:s13+s2], $0x80, v0, vm0, $0xb8;
	[tilespmem:$0x16D00] =	vst v63  }
0x37b: {  	v0 =	vld.msk [tilespmem:s0+$0x70], $0xff;
	_ =	sdelay $0x4  }
0x37c: {  	v63 =	vshll.u32 v0, $0x3  }
0x37d: {  	v0 =	vand.u32 $0x7, v0;
	v1 =	vand.u32 $0xFFFFFFC0, v63  }
0x37e: {  	v0 =	vor.u32 v0, v1  }
0x37f: {  	v0 =	vperm.xlane v0, v2;
	_ =	sdelay $0x1  }
0x380: {  	v0 =	vadd.s32 v3, v0;
	_ =	sdelay $0x3  }
0x381: {  	s26 =	simm.s32 $0x8D00  }
0x382: {  	[tilespmem:s26], [sflag:$0x1] =	stream.indirect_vreg.gather [hbm4b:s1+s2], $0x80, v0, vm0, $0xb8;
	[tilespmem:$0x16D00] =	vst v63  }
0x383: {  	s28 =	simm.s32 $0x9500  }
0x384: {  	[tilespmem:s28], [sflag:$0x1] =	stream.indirect_vreg.gather [hbm4b:s10+s2], $0x80, v0, vm0, $0xb8;
	[tilespmem:$0x16D00] =	vst v63  }
0x385: {  	s29 =	simm.s32 $0x9D00  }
0x386: {  	[tilespmem:s29], [sflag:$0x1] =	stream.indirect_vreg.gather [hbm4b:s12+s2], $0x80, v0, vm0, $0xb8;
	[tilespmem:$0x16D00] =	vst v63  }
.Ltmp5:
0x387: {  	s30 =	simm.s32 $0xA500;
	s31 =	simm.s32 $0x2;
	(pc) =	sbr.rel @p0 .LBB2_8-.Ltmp5, $4  }
0x388: {  	[tilespmem:s30], [sflag:$0x1] =	stream.indirect_vreg.gather [hbm4b:s13+s2], $0x80, v0, vm0, $0xb8;
	[tilespmem:$0x16D00] =	vst v63  }
0x389: {  	_ =	swait.ge [sflag:s31], $0xA000  }
0x38a: {  	[sflag:s31] =	ssyncset.done $0x0  }
0x38b: {  	[sflag:s31] =	ssyncadd.s32 $0xFFFF6000  }
.LBB2_7:
0x38c: {  	s0 =	simm.s32 $0x4  }
0x38d: {  	_ =	swait.ge [sflag:s0], $0x1000  }
0x38e: {  	[sflag:s0] =	ssyncset.done $0x0  }
0x38f: {  	[sflag:s0] =	ssyncadd.s32 $0xFFFFF000  }
.LBB2_8:
0x390: {  	s12 =	sld [smem:$0x7E9];
	_ =	sdelay $0x2  }
0x391: {  	v0 =	vld [tilespmem:s12+$0x540];
	_ =	sdelay $0x4  }
0x392: {  	v1 =	vld [tilespmem:s12+$0x550];
	v3 =	vbroadcast v0, $0x0  }
0x393: {  	v4 =	vbroadcast v0, $0x1;
	v5 =	vbroadcast v0, $0x2  }
0x394: {  	s0 =	simm.s32 $0x0;
	s1 =	simm.s32 $0x0;
	v6 =	vbroadcast v0, $0x3;
	v7 =	vbroadcast v0, $0x4  }
0x395: {  	s19 =	sand.u32 $0x60, s0;
	s1 =	sand.u32 $0x3FFFFC00, s1;
	v8 =	vbroadcast v0, $0x5;
	v9 =	vbroadcast v0, $0x6  }
0x396: {  	s7 =	sadd.s32 $0xAD00, s1;
	s20 =	sor.u32 $0x10, s19;
	v10 =	vbroadcast v0, $0x7;
	v11 =	vbroadcast v0, $0x8  }
0x397: {  	s8 =	sadd.s32 $0xAD80, s1;
	v31 =	vld [tilespmem:s12+$0x560];
	s22 =	sor.u32 s20, s7;
	v12 =	vbroadcast v0, $0x9;
	v13 =	vbroadcast v1, $0x0  }
0x398: {  	s6 =	sadd.s32 $0xAE00, s1;
	s23 =	sor.u32 s20, s8;
	v38 =	vld [tilespmem:s22+$0x0];
	v14 =	vbroadcast v1, $0x1;
	v15 =	vbroadcast v1, $0x2  }
0x399: {  	s3 =	sadd.s32 $0xAE80, s1;
	s24 =	sor.u32 s20, s6;
	v2 =	vld [tilespmem:s23+$0x0];
	v16 =	vbroadcast v1, $0x3;
	v17 =	vbroadcast v1, $0x4  }
0x39a: {  	s25 =	sor.u32 s20, s3;
	v39 =	vld [tilespmem:s24+$0x0];
	v18 =	vbroadcast v1, $0x5;
	v19 =	vbroadcast v1, $0x6  }
0x39b: {  	s2 =	sadd.s32 $0xAF00, s1;
	v28 =	vld [tilespmem:s25+$0x0];
	v20 =	vbroadcast v1, $0x7;
	v21 =	vbroadcast v1, $0x8  }
0x39c: {  	s4 =	sor.u32 s20, s2;
	v22 =	vbroadcast v1, $0x9;
	v23 =	vbroadcast v31, $0x0  }
0x39d: {  	s26 =	sadd.s32 $0xAF80, s1;
	v32 =	vld [tilespmem:s4+$0x0];
	v24 =	vbroadcast v31, $0x1;
	v25 =	vbroadcast v31, $0x2  }
0x39e: {  	s5 =	sor.u32 s20, s26;
	v26 =	vbroadcast v31, $0x3;
	v27 =	vbroadcast v31, $0x4;
	v29 =	vunpack.i.u.bf16.f32 v38  }
0x39f: {  	s8 =	sor.u32 s19, s8;
	v34 =	vld [tilespmem:s5+$0x0];
	v0 =	vunpack.i.l.bf16.f32 v38;
	v30 =	vunpack.i.u.bf16.f32 v2;
	v2 =	vunpack.i.l.bf16.f32 v2  }
0x3a0: {  	v36 =	vld [tilespmem:s8+$0x0];
	v33 =	vunpack.i.l.bf16.f32 v39;
	v1 =	vunpack.i.u.bf16.f32 v39;
	v35 =	vunpack.i.l.bf16.f32 v28  }
0x3a1: {  	s6 =	sor.u32 s19, s6;
	v28 =	vunpack.i.u.bf16.f32 v28;
	v0 =	vmul.f32 v0, v3;
	v29 =	vmul.f32 v29, v3  }
0x3a2: {  	s5 =	sadd.s32 $0xB080, s1;
	v59 =	vld [tilespmem:s6+$0x0];
	v41 =	vunpack.i.l.bf16.f32 v32;
	v2 =	vmul.f32 v2, v4;
	v30 =	vmul.f32 v30, v4  }
0x3a3: {  	s4 =	sadd.s32 $0xB000, s1;
	s10 =	sor.u32 s20, s5;
	v32 =	vunpack.i.u.bf16.f32 v32;
	v33 =	vmul.f32 v33, v5;
	v1 =	vmul.f32 v1, v5  }
0x3a4: {  	s9 =	sor.u32 s20, s4;
	v42 =	vmul.f32 v28, v6;
	v28 =	vld [tilespmem:s10+$0x0];
	v0 =	vadd.f32 v2, v0;
	v40 =	vadd.f32 v30, v29  }
0x3a5: {  	v44 =	vunpack.i.l.bf16.f32 v34;
	v46 =	vunpack.i.u.bf16.f32 v34;
	v62 =	vunpack.i.l.bf16.f32 v36;
	v29 =	vld [tilespmem:s9+$0x0]  }
0x3a6: {  	v30 =	vmul.f32 v35, v6;
	v0 =	vadd.f32 v33, v0;
	v1 =	vadd.f32 v1, v40  }
0x3a7: {  	v34 =	vunpack.i.u.bf16.f32 v59;
	v43 =	vmul.f32 v41, v7;
	v45 =	vmul.f32 v32, v7;
	s9 =	sadd.s32 $0xCD00, s1  }
0x3a8: {  	s10 =	sadd.s32 $0xCD80, s1;
	v47 =	vmul.f32 v44, v8;
	s11 =	sor.u32 s20, s9;
	v0 =	vadd.f32 v30, v0;
	v1 =	vadd.f32 v42, v1  }
0x3a9: {  	v49 =	vmul.f32 v46, v8;
	s31 =	sor.u32 s20, s10;
	v35 =	vmul.f32 v62, v4;
	v52 =	vunpack.i.l.bf16.f32 v28;
	v30 =	vld [tilespmem:s11+$0x0]  }
0x3aa: {  	v50 =	vld [tilespmem:s31+$0x0];
	v48 =	vunpack.i.l.bf16.f32 v29;
	v0 =	vadd.f32 v43, v0;
	v1 =	vadd.f32 v45, v1  }
0x3ab: {  	s2 =	sor.u32 s19, s2;
	v28 =	vunpack.i.u.bf16.f32 v28;
	v29 =	vunpack.i.u.bf16.f32 v29;
	v51 =	vmul.f32 v48, v9  }
0x3ac: {  	v63 =	vld [tilespmem:s2+$0x0];
	v53 =	vmul.f32 v29, v9;
	v0 =	vadd.f32 v47, v0;
	v1 =	vadd.f32 v49, v1  }
0x3ad: {  	s7 =	sor.u32 s19, s7;
	v46 =	vunpack.i.l.bf16.f32 v59;
	v54 =	vmul.f32 v52, v10;
	v56 =	vmul.f32 v28, v10  }
0x3ae: {  	v29 =	vld [tilespmem:s7+$0x0];
	v55 =	vunpack.i.l.bf16.f32 v30;
	v0 =	vadd.f32 v51, v0;
	v1 =	vadd.f32 v53, v1  }
0x3af: {  	v57 =	vunpack.i.l.bf16.f32 v50;
	v28 =	vunpack.i.u.bf16.f32 v30;
	v30 =	vmul.f32 v55, v11  }
0x3b0: {  	v58 =	vmul.f32 v28, v11;
	v0 =	vadd.f32 v54, v0;
	v1 =	vadd.f32 v56, v1  }
0x3b1: {  	v2 =	vunpack.i.u.bf16.f32 v63;
	v32 =	vunpack.i.u.bf16.f32 v50;
	v33 =	vmul.f32 v57, v12  }
0x3b2: {  	s3 =	sor.u32 s19, s3;
	v60 =	vmul.f32 v32, v12;
	v0 =	vadd.f32 v30, v0;
	v1 =	vadd.f32 v58, v1  }
0x3b3: {  	v2 =	vmul.f32 v2, v7;
	s7 =	simm.s32 $0x0;
	v61 =	vunpack.i.u.bf16.f32 v29;
	v29 =	vunpack.i.l.bf16.f32 v29;
	v30 =	vld [tilespmem:s3+$0x0]  }
0x3b4: {  	s0 =	sor.u32 s19, s26;
	s13 =	sand.u32 $0x3FFFFE00, s7;
	v29 =	vmul.f32 v29, v3;
	v0 =	vadd.f32 v33, v0;
	v1 =	vadd.f32 v60, v1  }
0x3b5: {  	v45 =	vunpack.i.u.bf16.f32 v36;
	v48 =	vmul.f32 v46, v5;
	s11 =	sadd.s32 $0x15D00, s13;
	v47 =	vld [tilespmem:s0+$0x0];
	v49 =	vmul.f32 v34, v5  }
0x3b6: {  	s17 =	sadd.s32 $0xCE00, s1;
	s8 =	sor.u32 s20, s11;
	v28 =	vbroadcast v31, $0x5;
	v29 =	vadd.f32 v35, v29;
	v0 =	vpack.i.f32.bf16 v1, v0  }
0x3b7: {  	s23 =	sadd.s32 $0xCE80, s1;
	v42 =	vld [tilespmem:s12+$0x570];
	s12 =	sor.u32 s20, s17;
	v32 =	vmul.f32 v61, v3;
	v33 =	vmul.f32 v45, v4;
	[tilespmem:s8+$0x0] =	vst v0  }
0x3b8: {  	s24 =	sadd.s32 $0xCF00, s1;
	s14 =	sor.u32 s20, s23;
	v53 =	vunpack.i.l.bf16.f32 v63;
	v29 =	vadd.f32 v48, v29;
	v50 =	vunpack.i.l.bf16.f32 v30;
	v51 =	vld [tilespmem:s12+$0x0]  }
0x3b9: {  	s15 =	sor.u32 s20, s24;
	v32 =	vadd.f32 v33, v32;
	v30 =	vunpack.i.u.bf16.f32 v30;
	v33 =	vmul.f32 v50, v6;
	v52 =	vld [tilespmem:s14+$0x0]  }
0x3ba: {  	v37 =	vunpack.i.u.bf16.f32 v47;
	v1 =	vunpack.i.l.bf16.f32 v47;
	v30 =	vmul.f32 v30, v6;
	v54 =	vld [tilespmem:s15+$0x0]  }
0x3bb: {  	s0 =	sadd.s32 $0xCF80, s1;
	v0 =	vadd.f32 v49, v32;
	v32 =	vmul.f32 v53, v7;
	v33 =	vadd.f32 v33, v29  }
0x3bc: {  	s16 =	sor.u32 s20, s0;
	s3 =	sadd.s32 $0xD000, s1;
	v37 =	vmul.f32 v37, v8;
	v1 =	vmul.f32 v1, v8  }
0x3bd: {  	s18 =	sor.u32 s20, s3;
	v0 =	vadd.f32 v30, v0;
	v30 =	vld [tilespmem:s16+$0x0];
	v32 =	vadd.f32 v32, v33;
	v55 =	vunpack.i.u.bf16.f32 v51  }
0x3be: {  	s2 =	sadd.s32 $0xD080, s1;
	v39 =	vld [tilespmem:s18+$0x0];
	v34 =	vunpack.i.l.bf16.f32 v51;
	v38 =	vunpack.i.u.bf16.f32 v52;
	v35 =	vunpack.i.l.bf16.f32 v52  }
0x3bf: {  	s21 =	sor.u32 s20, s2;
	v40 =	vunpack.i.l.bf16.f32 v54;
	v34 =	vmul.f32 v34, v13;
	v33 =	vmul.f32 v55, v13  }
0x3c0: {  	s6 =	sadd.s32 $0xED00, s1;
	v41 =	vld [tilespmem:s21+$0x0];
	v36 =	vunpack.i.u.bf16.f32 v54;
	v35 =	vmul.f32 v35, v14;
	v38 =	vmul.f32 v38, v14  }
0x3c1: {  	s22 =	sor.u32 s20, s6;
	v0 =	vadd.f32 v2, v0;
	v40 =	vmul.f32 v40, v15;
	v56 =	vmul.f32 v36, v15  }
0x3c2: {  	s8 =	sadd.s32 $0xED80, s1;
	v57 =	vld [tilespmem:s22+$0x0];
	v43 =	vunpack.i.l.bf16.f32 v30;
	v34 =	vadd.f32 v35, v34;
	v33 =	vadd.f32 v38, v33  }
0x3c3: {  	s25 =	sor.u32 s20, s8;
	v59 =	vunpack.i.l.bf16.f32 v39;
	v30 =	vunpack.i.u.bf16.f32 v30;
	v58 =	vmul.f32 v43, v16  }
0x3c4: {  	s7 =	sadd.s32 $0xEE00, s1;
	v60 =	vld [tilespmem:s25+$0x0];
	v30 =	vmul.f32 v30, v16;
	v34 =	vadd.f32 v40, v34;
	v33 =	vadd.f32 v56, v33  }
0x3c5: {  	s26 =	sor.u32 s20, s7;
	v39 =	vunpack.i.u.bf16.f32 v39;
	v62 =	vunpack.i.l.bf16.f32 v41;
	v61 =	vmul.f32 v59, v17  }
0x3c6: {  	v45 =	vld [tilespmem:s26+$0x0];
	s16 =	sadd.s32 $0xEE80, s1;
	v63 =	vmul.f32 v39, v17;
	v34 =	vadd.f32 v58, v34;
	v30 =	vadd.f32 v30, v33  }
0x3c7: {  	s31 =	sor.u32 s20, s16;
	v46 =	vunpack.i.u.bf16.f32 v41;
	v48 =	vunpack.i.l.bf16.f32 v57;
	v47 =	vmul.f32 v62, v18  }
0x3c8: {  	v50 =	vld [tilespmem:s31+$0x0];
	v49 =	vmul.f32 v46, v18;
	v34 =	vadd.f32 v61, v34;
	v30 =	vadd.f32 v63, v30  }
0x3c9: {  	s4 =	sor.u32 s19, s4;
	v36 =	vunpack.i.u.bf16.f32 v57;
	v51 =	vmul.f32 v48, v19;
	v52 =	vunpack.i.l.bf16.f32 v60  }
0x3ca: {  	v57 =	vld [tilespmem:s4+$0x0];
	v53 =	vmul.f32 v36, v19;
	v34 =	vadd.f32 v47, v34;
	v30 =	vadd.f32 v49, v30  }
0x3cb: {  	v54 =	vmul.f32 v52, v20;
	v35 =	vunpack.i.u.bf16.f32 v60;
	v38 =	vunpack.i.u.bf16.f32 v45  }
0x3cc: {  	v56 =	vmul.f32 v35, v20;
	v34 =	vadd.f32 v51, v34;
	v30 =	vadd.f32 v53, v30  }
0x3cd: {  	s14 =	sor.u32 s19, s5;
	v55 =	vunpack.i.l.bf16.f32 v45;
	v60 =	vmul.f32 v38, v21;
	v62 =	vunpack.i.u.bf16.f32 v50  }
0x3ce: {  	v58 =	vmul.f32 v55, v21;
	v61 =	vld [tilespmem:s14+$0x0];
	v34 =	vadd.f32 v54, v34;
	v30 =	vadd.f32 v56, v30  }
0x3cf: {  	s15 =	sor.u32 s19, s9;
	v59 =	vunpack.i.l.bf16.f32 v50;
	v40 =	vmul.f32 v62, v22;
	v43 =	vunpack.i.l.bf16.f32 v57  }
0x3d0: {  	v41 =	vld [tilespmem:s15+$0x0];
	v63 =	vmul.f32 v59, v22;
	v34 =	vadd.f32 v58, v34;
	v30 =	vadd.f32 v60, v30  }
0x3d1: {  	s18 =	sor.u32 s19, s10;
	v1 =	vadd.f32 v1, v32;
	v0 =	vadd.f32 v37, v0;
	v2 =	vmul.f32 v43, v9  }
0x3d2: {  	v45 =	vld [tilespmem:s18+$0x0];
	v46 =	vunpack.i.u.bf16.f32 v57;
	v44 =	vadd.f32 v63, v34;
	v30 =	vadd.f32 v40, v30  }
0x3d3: {  	s18 =	sadd.s32 $0x15D80, s13;
	v1 =	vadd.f32 v2, v1;
	v47 =	vunpack.i.l.bf16.f32 v61;
	v34 =	vmul.f32 v46, v9  }
0x3d4: {  	s9 =	sadd.s32 $0xEF00, s1;
	s21 =	sor.u32 s20, s18;
	[smem:$0x7E1] =	sst s13;
	v48 =	vunpack.i.u.bf16.f32 v61;
	v49 =	vmul.f32 v47, v10;
	v30 =	vpack.i.f32.bf16 v30, v44  }
0x3d5: {  	s10 =	sadd.s32 $0xEF80, s1;
	s22 =	sor.u32 s20, s9;
	v50 =	vunpack.i.l.bf16.f32 v41;
	v32 =	vmul.f32 v48, v10;
	v0 =	vadd.f32 v34, v0;
	[tilespmem:s21+$0x0] =	vst v30  }
0x3d6: {  	s25 =	sor.u32 s20, s10;
	s4 =	sadd.s32 $0xF080, s1;
	v52 =	vmul.f32 v50, v11;
	v54 =	vunpack.i.u.bf16.f32 v41;
	v1 =	vadd.f32 v49, v1;
	v51 =	vld [tilespmem:s22+$0x0]  }
0x3d7: {  	s12 =	sor.u32 s20, s4;
	v55 =	vunpack.i.l.bf16.f32 v45;
	v36 =	vmul.f32 v54, v11;
	s21 =	sadd.s32 $0xF000, s1;
	v53 =	vld [tilespmem:s25+$0x0];
	v0 =	vadd.f32 v32, v0  }
0x3d8: {  	v33 =	vunpack.i.u.bf16.f32 v45;
	v56 =	vmul.f32 v55, v12;
	v1 =	vadd.f32 v52, v1;
	s31 =	sor.u32 s20, s21;
	v58 =	vld [tilespmem:s12+$0x0]  }
0x3d9: {  	v29 =	vbroadcast v31, $0x6;
	v33 =	vmul.f32 v33, v12;
	v57 =	vld [tilespmem:s31+$0x0];
	v0 =	vadd.f32 v36, v0  }
0x3da: {  	s14 =	sadd.s32 $0x10D00, s1;
	v1 =	vadd.f32 v56, v1;
	v30 =	vbroadcast v31, $0x7;
	v32 =	vbroadcast v31, $0x8  }
0x3db: {  	s26 =	smov.u32 s13;
	s13 =	sor.u32 s20, s14;
	v31 =	vbroadcast v31, $0x9;
	v0 =	vadd.f32 v33, v0;
	v59 =	vunpack.i.u.bf16.f32 v51  }
0x3dc: {  	s5 =	sadd.s32 $0x10D80, s1;
	v61 =	vld [tilespmem:s13+$0x0];
	v35 =	vunpack.i.l.bf16.f32 v51;
	v60 =	vunpack.i.u.bf16.f32 v53;
	v34 =	vunpack.i.l.bf16.f32 v53  }
0x3dd: {  	s15 =	sor.u32 s20, s5;
	v46 =	vunpack.i.l.bf16.f32 v58;
	v35 =	vmul.f32 v35, v23;
	v2 =	vmul.f32 v59, v23  }
0x3de: {  	s12 =	sadd.s32 $0x10E00, s1;
	v63 =	vld [tilespmem:s15+$0x0];
	v34 =	vmul.f32 v34, v24;
	v36 =	vmul.f32 v60, v24;
	v62 =	vunpack.i.l.bf16.f32 v57  }
0x3df: {  	s22 =	sor.u32 s20, s12;
	v49 =	vunpack.i.u.bf16.f32 v58;
	v37 =	vunpack.i.u.bf16.f32 v57;
	v40 =	vmul.f32 v62, v25  }
0x3e0: {  	v48 =	vld [tilespmem:s22+$0x0];
	v47 =	vmul.f32 v37, v25;
	v34 =	vadd.f32 v34, v35;
	v2 =	vadd.f32 v36, v2  }
0x3e1: {  	s15 =	sadd.s32 $0x10E80, s1;
	v51 =	vunpack.i.l.bf16.f32 v61;
	v39 =	vunpack.i.u.bf16.f32 v61;
	v50 =	vmul.f32 v46, v26  }
0x3e2: {  	s25 =	sor.u32 s20, s15;
	s22 =	sadd.s32 $0x10F00, s1;
	v52 =	vmul.f32 v49, v26;
	v34 =	vadd.f32 v40, v34;
	v2 =	vadd.f32 v47, v2  }
0x3e3: {  	s31 =	sor.u32 s20, s22;
	v53 =	vld [tilespmem:s25+$0x0];
	v55 =	vunpack.i.l.bf16.f32 v63;
	v54 =	vmul.f32 v51, v27;
	v56 =	vmul.f32 v39, v27  }
0x3e4: {  	s13 =	sadd.s32 $0x10F80, s1;
	v44 =	vld [tilespmem:s31+$0x0];
	v57 =	vunpack.i.u.bf16.f32 v63;
	v34 =	vadd.f32 v50, v34;
	v2 =	vadd.f32 v52, v2  }
0x3e5: {  	s25 =	sor.u32 s20, s13;
	v58 =	vmul.f32 v55, v28;
	v59 =	vunpack.i.l.bf16.f32 v48;
	v61 =	vmul.f32 v57, v28  }
0x3e6: {  	v60 =	vld [tilespmem:s25+$0x0];
	v36 =	vunpack.i.u.bf16.f32 v48;
	v34 =	vadd.f32 v54, v34;
	v2 =	vadd.f32 v56, v2  }
0x3e7: {  	v0 =	vpack.i.f32.bf16 v0, v1;
	v62 =	vmul.f32 v59, v29;
	v45 =	vmul.f32 v36, v29  }
0x3e8: {  	v63 =	vunpack.i.l.bf16.f32 v53;
	v34 =	vadd.f32 v58, v34;
	v2 =	vadd.f32 v61, v2  }
0x3e9: {  	v48 =	vunpack.i.l.bf16.f32 v44;
	v46 =	vunpack.i.u.bf16.f32 v53;
	v47 =	vmul.f32 v63, v30  }
0x3ea: {  	v49 =	vmul.f32 v46, v30;
	v34 =	vadd.f32 v62, v34;
	v2 =	vadd.f32 v45, v2  }
0x3eb: {  	v51 =	vmul.f32 v48, v32;
	v50 =	vunpack.i.u.bf16.f32 v44;
	v52 =	vunpack.i.l.bf16.f32 v60  }
0x3ec: {  	s11 =	sor.u32 s19, s11;
	v53 =	vmul.f32 v50, v32;
	v34 =	vadd.f32 v47, v34;
	v2 =	vadd.f32 v49, v2  }
0x3ed: {  	s17 =	sor.u32 s19, s17;
	s25 =	sadd.s32 $0x15E00, s26;
	[tilespmem:s11+$0x0] =	vst v0;
	v55 =	vmul.f32 v52, v31;
	v54 =	vunpack.i.u.bf16.f32 v60  }
0x3ee: {  	s23 =	sor.u32 s19, s23;
	v33 =	vmul.f32 v54, v31;
	v58 =	vld [tilespmem:s17+$0x0];
	[smem:$0x7CC] =	sst s25;
	v34 =	vadd.f32 v51, v34;
	v2 =	vadd.f32 v53, v2  }
0x3ef: {  	s31 =	sadd.s32 $0x11000, s1;
	v59 =	vld [tilespmem:s23+$0x0]  }
0x3f0: {  	v38 =	vbroadcast v42, $0x3;
	s26 =	sor.u32 s19, s24;
	[smem:$0x7CD] =	sst s31;
	v56 =	vadd.f32 v55, v34;
	v57 =	vadd.f32 v33, v2  }
0x3f1: {  	v41 =	vbroadcast v42, $0x1;
	v39 =	vbroadcast v42, $0x2;
	v60 =	vld [tilespmem:s26+$0x0];
	s26 =	sadd.s32 $0x11080, s1  }
0x3f2: {  	v37 =	vbroadcast v42, $0x4;
	v35 =	vbroadcast v42, $0x6;
	s25 =	sor.u32 s20, s25;
	[smem:$0x7CE] =	sst s26;
	v0 =	vpack.i.f32.bf16 v57, v56  }
0x3f3: {  	v36 =	vbroadcast v42, $0x5;
	v40 =	vbroadcast v42, $0x0;
	s31 =	sor.u32 s20, s31;
	v45 =	vunpack.i.u.bf16.f32 v58;
	[tilespmem:s25+$0x0] =	vst v0  }
0x3f4: {  	s11 =	sadd.s32 $0x12D00, s1;
	s17 =	sor.u32 s20, s26;
	v47 =	vunpack.i.u.bf16.f32 v59;
	v43 =	vunpack.i.l.bf16.f32 v59;
	v45 =	vmul.f32 v45, v13;
	v0 =	vld [tilespmem:s31+$0x0]  }
0x3f5: {  	s23 =	sor.u32 s20, s11;
	v43 =	vmul.f32 v43, v14;
	v47 =	vmul.f32 v47, v14;
	v61 =	vld [tilespmem:s17+$0x0]  }
0x3f6: {  	v49 =	vunpack.i.u.bf16.f32 v60;
	v1 =	vunpack.i.l.bf16.f32 v60;
	v2 =	vunpack.i.l.bf16.f32 v58;
	s31 =	sadd.s32 $0x12D80, s1;
	v46 =	vld [tilespmem:s23+$0x0]  }
0x3f7: {  	v49 =	vmul.f32 v49, v15;
	v2 =	vmul.f32 v2, v13;
	v45 =	vadd.f32 v47, v45;
	s25 =	sadd.s32 $0x12E00, s1;
	s24 =	sor.u32 s20, s31  }
0x3f8: {  	s0 =	sor.u32 s19, s0;
	v34 =	vbroadcast v42, $0x7;
	v1 =	vmul.f32 v1, v15;
	v48 =	vld [tilespmem:s24+$0x0];
	[smem:$0x7CF] =	sst s25  }
0x3f9: {  	s26 =	sor.u32 s19, s3;
	v2 =	vadd.f32 v43, v2;
	v45 =	vadd.f32 v49, v45;
	v53 =	vld [tilespmem:s0+$0x0];
	v51 =	vunpack.i.u.bf16.f32 v0  }
0x3fa: {  	v56 =	vld [tilespmem:s26+$0x0];
	v0 =	vunpack.i.l.bf16.f32 v0;
	v52 =	vunpack.i.u.bf16.f32 v61;
	v44 =	vunpack.i.l.bf16.f32 v61  }
0x3fb: {  	s2 =	sor.u32 s19, s2;
	v54 =	vunpack.i.l.bf16.f32 v46;
	v0 =	vmul.f32 v0, v40;
	v51 =	vmul.f32 v51, v40  }
0x3fc: {  	v63 =	vld [tilespmem:s2+$0x0];
	v46 =	vunpack.i.u.bf16.f32 v46;
	v44 =	vmul.f32 v44, v41;
	v52 =	vmul.f32 v52, v41  }
0x3fd: {  	v1 =	vadd.f32 v1, v2;
	v54 =	vmul.f32 v54, v39;
	v46 =	vmul.f32 v46, v39  }
0x3fe: {  	s3 =	sor.u32 s19, s6;
	v55 =	vunpack.i.l.bf16.f32 v48;
	v0 =	vadd.f32 v44, v0;
	v62 =	vadd.f32 v52, v51  }
0x3ff: {  	v43 =	vld [tilespmem:s3+$0x0];
	v51 =	vmul.f32 v55, v38;
	v57 =	vunpack.i.u.bf16.f32 v53;
	v59 =	vunpack.i.u.bf16.f32 v56  }
0x400: {  	v60 =	vunpack.i.l.bf16.f32 v56;
	v0 =	vadd.f32 v54, v0;
	v54 =	vunpack.i.l.bf16.f32 v53  }
0x401: {  	s6 =	sor.u32 s19, s8;
	v61 =	vunpack.i.u.bf16.f32 v63;
	v47 =	vmul.f32 v57, v16;
	v58 =	vmul.f32 v54, v16  }
0x402: {  	s8 =	sor.u32 s19, s7;
	v49 =	vmul.f32 v59, v17;
	v2 =	vmul.f32 v60, v17;
	v44 =	vadd.f32 v46, v62;
	v46 =	vld [tilespmem:s6+$0x0]  }
0x403: {  	s17 =	sor.u32 s20, s25;
	v53 =	vld [tilespmem:s8+$0x0];
	v62 =	vunpack.i.l.bf16.f32 v63;
	v45 =	vadd.f32 v47, v45;
	v1 =	vadd.f32 v58, v1  }
0x404: {  	v50 =	vld [tilespmem:s17+$0x0];
	s17 =	sor.u32 s19, s16;
	v63 =	vunpack.i.u.bf16.f32 v43;
	v43 =	vunpack.i.l.bf16.f32 v43;
	v47 =	vmul.f32 v61, v18  }
0x405: {  	v56 =	vld [tilespmem:s17+$0x0];
	v61 =	vmul.f32 v62, v18;
	v60 =	vadd.f32 v49, v45;
	v1 =	vadd.f32 v2, v1  }
0x406: {  	v62 =	vmul.f32 v63, v19;
	v43 =	vmul.f32 v43, v19  }
0x407: {  	v63 =	vunpack.i.u.bf16.f32 v46;
	v2 =	vadd.f32 v47, v60;
	v1 =	vadd.f32 v61, v1  }
0x408: {  	s23 =	sadd.s32 $0x12E80, s1;
	v55 =	vunpack.i.l.bf16.f32 v46;
	v58 =	vunpack.i.u.bf16.f32 v53;
	v57 =	vmul.f32 v63, v20  }
0x409: {  	s24 =	sadd.s32 $0x12F00, s1;
	[smem:$0x7D0] =	sst s23;
	v59 =	vmul.f32 v55, v20;
	v2 =	vadd.f32 v62, v2;
	v1 =	vadd.f32 v43, v1  }
0x40a: {  	s0 =	sor.u32 s20, s23;
	[smem:$0x7D1] =	sst s24;
	v60 =	vunpack.i.l.bf16.f32 v53;
	v47 =	vmul.f32 v58, v21;
	v61 =	vunpack.i.u.bf16.f32 v56  }
0x40b: {  	v45 =	vld [tilespmem:s0+$0x0];
	v62 =	vmul.f32 v60, v21;
	v2 =	vadd.f32 v57, v2;
	v1 =	vadd.f32 v59, v1  }
0x40c: {  	v33 =	vbroadcast v42, $0x8;
	s26 =	sadd.s32 $0x12F80, s1;
	v56 =	vunpack.i.l.bf16.f32 v56;
	v53 =	vmul.f32 v61, v22  }
0x40d: {  	s25 =	sor.u32 s20, s24;
	[smem:$0x7D2] =	sst s26;
	v57 =	vmul.f32 v56, v22;
	v2 =	vadd.f32 v47, v2;
	v1 =	vadd.f32 v62, v1  }
0x40e: {  	s3 =	sadd.s32 $0x13000, s1;
	v48 =	vunpack.i.u.bf16.f32 v48;
	v52 =	vunpack.i.l.bf16.f32 v50;
	v0 =	vadd.f32 v51, v0;
	v49 =	vld [tilespmem:s25+$0x0]  }
0x40f: {  	s2 =	sor.u32 s20, s26;
	[smem:$0x7D3] =	sst s3;
	v63 =	vmul.f32 v48, v38;
	v2 =	vadd.f32 v53, v2;
	v1 =	vadd.f32 v57, v1  }
0x410: {  	s1 =	sadd.s32 $0x13080, s1;
	v58 =	vunpack.i.u.bf16.f32 v50;
	v60 =	vunpack.i.l.bf16.f32 v45;
	v47 =	vld [tilespmem:s2+$0x0];
	v59 =	vmul.f32 v52, v37  }
0x411: {  	s7 =	sor.u32 s19, s18;
	s6 =	sor.u32 s20, s3;
	v61 =	vadd.f32 v63, v44;
	[smem:$0x7D4] =	sst s1;
	v62 =	vmul.f32 v58, v37;
	v1 =	vpack.i.f32.bf16 v2, v1  }
0x412: {  	s8 =	sor.u32 s19, s9;
	v45 =	vunpack.i.u.bf16.f32 v45;
	v51 =	vmul.f32 v60, v36;
	v48 =	vld [tilespmem:s6+$0x0];
	v0 =	vadd.f32 v59, v0;
	[tilespmem:s7+$0x0] =	vst v1  }
0x413: {  	s9 =	sor.u32 s19, s10;
	v63 =	vunpack.i.l.bf16.f32 v49;
	v54 =	vmul.f32 v45, v36;
	v53 =	vadd.f32 v62, v61;
	v58 =	vld [tilespmem:s8+$0x0]  }
0x414: {  	s10 =	sor.u32 s19, s21;
	v55 =	vunpack.i.u.bf16.f32 v49;
	v56 =	vmul.f32 v63, v35;
	v0 =	vadd.f32 v51, v0;
	v50 =	vld [tilespmem:s9+$0x0]  }
0x415: {  	v57 =	vunpack.i.l.bf16.f32 v47;
	v2 =	vadd.f32 v54, v53;
	v1 =	vmul.f32 v55, v35;
	v62 =	vld [tilespmem:s10+$0x0]  }
0x416: {  	s16 =	sor.u32 s19, s4;
	v59 =	vunpack.i.u.bf16.f32 v47;
	v45 =	vmul.f32 v57, v34;
	v0 =	vadd.f32 v56, v0  }
0x417: {  	v60 =	vunpack.i.l.bf16.f32 v48;
	v61 =	vmul.f32 v59, v34;
	v63 =	vld [tilespmem:s16+$0x0];
	v1 =	vadd.f32 v1, v2  }
0x418: {  	v52 =	vunpack.i.u.bf16.f32 v48;
	v43 =	vmul.f32 v60, v33;
	v44 =	vadd.f32 v45, v0  }
0x419: {  	v45 =	vadd.f32 v61, v1;
	v55 =	vunpack.i.u.bf16.f32 v58;
	v56 =	vunpack.i.l.bf16.f32 v58  }
0x41a: {  	s17 =	sor.u32 s19, s14;
	v57 =	vunpack.i.l.bf16.f32 v50;
	v50 =	vunpack.i.u.bf16.f32 v50;
	v59 =	vunpack.i.u.bf16.f32 v62  }
0x41b: {  	s18 =	sor.u32 s19, s5;
	v58 =	vld [tilespmem:s17+$0x0];
	v51 =	vunpack.i.l.bf16.f32 v62;
	v2 =	vmul.f32 v56, v23;
	v47 =	vmul.f32 v57, v24  }
0x41c: {  	v54 =	vld [tilespmem:s18+$0x0];
	v62 =	vunpack.i.u.bf16.f32 v63;
	v1 =	vmul.f32 v55, v23;
	v50 =	vmul.f32 v50, v24  }
0x41d: {  	s23 =	sor.u32 s19, s15;
	v0 =	vunpack.i.l.bf16.f32 v63;
	v60 =	vmul.f32 v51, v25;
	v2 =	vadd.f32 v47, v2  }
0x41e: {  	s21 =	sor.u32 s19, s12;
	v53 =	vld [tilespmem:s23+$0x0];
	v61 =	vmul.f32 v59, v25;
	v0 =	vmul.f32 v0, v26;
	v1 =	vadd.f32 v50, v1  }
0x41f: {  	s26 =	simm.s32 $0x20;
	s25 =	simm.s32 $0x100;
	s1 =	sor.u32 s20, s1;
	v55 =	vld [tilespmem:s21+$0x0];
	v63 =	vmul.f32 v62, v26;
	v47 =	vmul.f32 v52, v33;
	v2 =	vadd.f32 v60, v2  }
0x420: {  	s24 =	sor.u32 s19, s22;
	s22 =	sand.u32 $0x60, s26;
	v46 =	vld [tilespmem:s1+$0x0];
	s1 =	sand.u32 $0x3FFFFC00, s25;
	v57 =	vunpack.i.u.bf16.f32 v58;
	v49 =	vunpack.i.l.bf16.f32 v58;
	v1 =	vadd.f32 v61, v1  }
0x421: {  	s23 =	sor.u32 $0x10, s22;
	s9 =	sadd.s32 $0xAD80, s1;
	v60 =	vunpack.i.u.bf16.f32 v54;
	v61 =	vunpack.i.l.bf16.f32 v54;
	v54 =	vld [tilespmem:s24+$0x0];
	v58 =	vmul.f32 v49, v27  }
0x422: {  	s17 =	sor.u32 s23, s9;
	v59 =	vmul.f32 v57, v27;
	v62 =	vmul.f32 v61, v28;
	v0 =	vadd.f32 v0, v2  }
0x423: {  	s18 =	sadd.s32 $0xAE00, s1;
	v51 =	vld [tilespmem:s17+$0x0];
	v1 =	vadd.f32 v63, v1;
	v63 =	vmul.f32 v60, v28;
	v60 =	vunpack.i.u.bf16.f32 v53  }
0x424: {  	s21 =	sor.u32 s23, s18;
	v57 =	vunpack.i.u.bf16.f32 v55;
	v61 =	vunpack.i.l.bf16.f32 v53;
	v50 =	vmul.f32 v60, v30  }
0x425: {  	s3 =	sor.u32 s19, s13;
	v60 =	vld [tilespmem:s21+$0x0];
	v0 =	vadd.f32 v58, v0;
	v58 =	vunpack.i.l.bf16.f32 v55;
	v1 =	vadd.f32 v59, v1  }
0x426: {  	s4 =	sadd.s32 $0xAD00, s1;
	v49 =	vmul.f32 v57, v29;
	v55 =	vld [tilespmem:s3+$0x0];
	v59 =	vmul.f32 v58, v29;
	v58 =	vunpack.i.l.bf16.f32 v54  }
0x427: {  	s16 =	sor.u32 s23, s4;
	v0 =	vadd.f32 v62, v0;
	v1 =	vadd.f32 v63, v1;
	v63 =	vunpack.i.u.bf16.f32 v54  }
0x428: {  	s24 =	sadd.s32 $0xAE80, s1;
	v53 =	vld [tilespmem:s16+$0x0];
	v62 =	vmul.f32 v61, v30;
	v52 =	vmul.f32 v63, v32;
	v63 =	vunpack.i.l.bf16.f32 v51  }
0x429: {  	s25 =	sor.u32 s23, s24;
	v51 =	vunpack.i.u.bf16.f32 v51;
	v0 =	vadd.f32 v59, v0;
	v59 =	vmul.f32 v58, v32  }
0x42a: {  	s26 =	sadd.s32 $0xAF00, s1;
	v61 =	vld [tilespmem:s25+$0x0];
	v1 =	vadd.f32 v49, v1;
	v56 =	vmul.f32 v63, v4;
	v51 =	vmul.f32 v51, v4  }
0x42b: {  	s10 =	sor.u32 s23, s26;
	v58 =	vunpack.i.l.bf16.f32 v60;
	v49 =	vunpack.i.u.bf16.f32 v60;
	v54 =	vunpack.i.u.bf16.f32 v55  }
0x42c: {  	v57 =	vld [tilespmem:s10+$0x0];
	v58 =	vmul.f32 v58, v5;
	v49 =	vmul.f32 v49, v5;
	v0 =	vadd.f32 v62, v0  }
0x42d: {  	s5 =	sadd.s32 $0xAF80, s1;
	v1 =	vadd.f32 v50, v1;
	v62 =	vunpack.i.u.bf16.f32 v53;
	v53 =	vunpack.i.l.bf16.f32 v53  }
0x42e: {  	s7 =	sadd.s32 $0xB000, s1;
	s12 =	sor.u32 s23, s5;
	v50 =	vunpack.i.l.bf16.f32 v55;
	v53 =	vmul.f32 v53, v3;
	v55 =	vmul.f32 v62, v3  }
0x42f: {  	s13 =	sor.u32 s23, s7;
	v54 =	vmul.f32 v54, v31;
	v60 =	vunpack.i.l.bf16.f32 v61;
	v0 =	vadd.f32 v59, v0;
	v59 =	vld [tilespmem:s12+$0x0]  }
0x430: {  	s6 =	sadd.s32 $0xB080, s1;
	v2 =	vunpack.i.u.bf16.f32 v61;
	v53 =	vadd.f32 v56, v53;
	v51 =	vadd.f32 v51, v55;
	v55 =	vld [tilespmem:s13+$0x0]  }
0x431: {  	s14 =	sor.u32 s23, s6;
	v61 =	vunpack.i.u.bf16.f32 v57;
	v2 =	vmul.f32 v2, v6;
	v56 =	vmul.f32 v60, v6  }
0x432: {  	s8 =	sadd.s32 $0xCD00, s1;
	v60 =	vld [tilespmem:s14+$0x0];
	v53 =	vadd.f32 v58, v53;
	v58 =	vunpack.i.l.bf16.f32 v57;
	v49 =	vadd.f32 v49, v51  }
0x433: {  	s15 =	sor.u32 s23, s8;
	v63 =	vmul.f32 v61, v7;
	v57 =	vmul.f32 v58, v7  }
0x434: {  	s12 =	sadd.s32 $0xCD80, s1;
	v53 =	vadd.f32 v56, v53;
	v56 =	vld [tilespmem:s15+$0x0];
	v62 =	vunpack.i.l.bf16.f32 v59;
	v2 =	vadd.f32 v2, v49  }
0x435: {  	s16 =	sor.u32 s23, s12;
	v61 =	vunpack.i.u.bf16.f32 v59;
	v58 =	vmul.f32 v62, v8;
	v62 =	vunpack.i.l.bf16.f32 v55  }
0x436: {  	v53 =	vadd.f32 v57, v53;
	v57 =	vld [tilespmem:s16+$0x0];
	v2 =	vadd.f32 v63, v2;
	v63 =	vmul.f32 v61, v8  }
0x437: {  	v61 =	vunpack.i.u.bf16.f32 v55;
	v55 =	vmul.f32 v62, v9;
	v62 =	vunpack.i.l.bf16.f32 v60  }
0x438: {  	v53 =	vadd.f32 v58, v53;
	v2 =	vadd.f32 v63, v2;
	v63 =	vmul.f32 v61, v9  }
0x439: {  	s2 =	sor.u32 s22, s4;
	v61 =	vunpack.i.u.bf16.f32 v60;
	v58 =	vmul.f32 v62, v10;
	v62 =	vunpack.i.l.bf16.f32 v56  }
0x43a: {  	v51 =	vld [tilespmem:s2+$0x0];
	v49 =	vmul.f32 v61, v10;
	v53 =	vadd.f32 v55, v53;
	v2 =	vadd.f32 v63, v2  }
0x43b: {  	s17 =	sor.u32 s22, s9;
	v55 =	vunpack.i.u.bf16.f32 v56;
	v56 =	vmul.f32 v62, v11;
	v59 =	vunpack.i.l.bf16.f32 v57  }
0x43c: {  	v60 =	vld [tilespmem:s17+$0x0];
	v63 =	vmul.f32 v55, v11;
	v53 =	vadd.f32 v58, v53;
	v2 =	vadd.f32 v49, v2  }
0x43d: {  	s18 =	sor.u32 s22, s18;
	v50 =	vmul.f32 v50, v31;
	v61 =	vunpack.i.u.bf16.f32 v57;
	v62 =	vmul.f32 v59, v12  }
0x43e: {  	s21 =	sor.u32 s22, s24;
	v58 =	vld [tilespmem:s18+$0x0];
	v55 =	vmul.f32 v61, v12;
	v53 =	vadd.f32 v56, v53;
	v2 =	vadd.f32 v63, v2  }
0x43f: {  	s24 =	simm.s32 $0x80;
	v1 =	vadd.f32 v52, v1;
	v49 =	vadd.f32 v50, v0;
	v0 =	vld [tilespmem:s21+$0x0];
	v63 =	vunpack.i.u.bf16.f32 v51  }
0x440: {  	s0 =	sor.u32 s22, s26;
	s16 =	sand.u32 $0x3FFFFE00, s24;
	v51 =	vunpack.i.l.bf16.f32 v51;
	v59 =	vadd.f32 v62, v53;
	v2 =	vadd.f32 v55, v2  }
0x441: {  	v52 =	vld [tilespmem:s0+$0x0];
	s2 =	sadd.s32 $0x15D00, s16;
	v61 =	vunpack.i.u.bf16.f32 v60;
	v51 =	vmul.f32 v51, v3;
	v50 =	vmul.f32 v63, v3  }
0x442: {  	s3 =	sadd.s32 $0xCE00, s1;
	s25 =	sor.u32 s23, s2;
	v62 =	vunpack.i.l.bf16.f32 v60;
	v53 =	vmul.f32 v61, v4;
	v2 =	vpack.i.f32.bf16 v2, v59  }
0x443: {  	s26 =	sor.u32 s23, s3;
	s0 =	sadd.s32 $0xCE80, s1;
	v55 =	vmul.f32 v62, v4;
	v63 =	vunpack.i.l.bf16.f32 v58;
	v60 =	vunpack.i.u.bf16.f32 v58;
	[tilespmem:s25+$0x0] =	vst v2  }
0x444: {  	s4 =	sadd.s32 $0xCF00, s1;
	s9 =	sor.u32 s23, s0;
	v62 =	vunpack.i.l.bf16.f32 v0;
	v0 =	vunpack.i.u.bf16.f32 v0;
	v61 =	vmul.f32 v63, v5;
	v2 =	vld [tilespmem:s26+$0x0]  }
0x445: {  	s10 =	sor.u32 s23, s4;
	v57 =	vmul.f32 v60, v5;
	v53 =	vadd.f32 v53, v50;
	v51 =	vadd.f32 v55, v51;
	v56 =	vld [tilespmem:s9+$0x0]  }
0x446: {  	s29 =	sadd.s32 $0xCF80, s1;
	v63 =	vmul.f32 v62, v6;
	v0 =	vmul.f32 v0, v6;
	v59 =	vunpack.i.u.bf16.f32 v52;
	v58 =	vld [tilespmem:s10+$0x0]  }
0x447: {  	s13 =	sor.u32 s23, s29;
	v52 =	vunpack.i.l.bf16.f32 v52;
	v57 =	vadd.f32 v57, v53;
	v51 =	vadd.f32 v61, v51  }
0x448: {  	v50 =	vadd.f32 v54, v1;
	v52 =	vmul.f32 v52, v7;
	v54 =	vld [tilespmem:s13+$0x0];
	v53 =	vmul.f32 v59, v7;
	s10 =	sadd.s32 $0xD000, s1  }
0x449: {  	s14 =	sor.u32 s23, s10;
	v0 =	vadd.f32 v0, v57;
	v51 =	vadd.f32 v63, v51;
	v60 =	vunpack.i.u.bf16.f32 v2  }
0x44a: {  	v57 =	vld [tilespmem:s14+$0x0];
	v2 =	vunpack.i.l.bf16.f32 v2;
	v61 =	vunpack.i.l.bf16.f32 v56;
	v56 =	vunpack.i.u.bf16.f32 v56  }
0x44b: {  	s13 =	sadd.s32 $0xD080, s1;
	v59 =	vunpack.i.l.bf16.f32 v58;
	v2 =	vmul.f32 v2, v13;
	v55 =	vmul.f32 v61, v14  }
0x44c: {  	s15 =	sor.u32 s23, s13;
	v58 =	vunpack.i.u.bf16.f32 v58;
	v1 =	vmul.f32 v60, v13;
	v56 =	vmul.f32 v56, v14  }
0x44d: {  	v62 =	vunpack.i.l.bf16.f32 v54;
	v54 =	vunpack.i.u.bf16.f32 v54;
	v60 =	vld [tilespmem:s15+$0x0];
	v59 =	vmul.f32 v59, v15  }
0x44e: {  	s5 =	sor.u32 s22, s5;
	s26 =	sadd.s32 $0xED00, s1;
	v63 =	vmul.f32 v58, v15;
	v2 =	vadd.f32 v55, v2;
	v1 =	vadd.f32 v56, v1  }
0x44f: {  	s17 =	sor.u32 s23, s26;
	v58 =	vld [tilespmem:s5+$0x0];
	v54 =	vmul.f32 v54, v16;
	v61 =	vunpack.i.l.bf16.f32 v57;
	v57 =	vunpack.i.u.bf16.f32 v57  }
0x450: {  	s5 =	sadd.s32 $0xED80, s1;
	v55 =	vmul.f32 v62, v16;
	v2 =	vadd.f32 v59, v2;
	v59 =	vld [tilespmem:s17+$0x0];
	v1 =	vadd.f32 v63, v1  }
0x451: {  	s15 =	sadd.s32 $0xEE00, s1;
	s18 =	sor.u32 s23, s5;
	v56 =	vmul.f32 v61, v17;
	v57 =	vmul.f32 v57, v17  }
0x452: {  	s21 =	sor.u32 s23, s15;
	v62 =	vunpack.i.l.bf16.f32 v60;
	v2 =	vadd.f32 v55, v2;
	v55 =	vld [tilespmem:s18+$0x0];
	v1 =	vadd.f32 v54, v1  }
0x453: {  	v51 =	vadd.f32 v52, v51;
	v60 =	vunpack.i.u.bf16.f32 v60;
	v52 =	vmul.f32 v62, v18;
	v54 =	vld [tilespmem:s21+$0x0]  }
0x454: {  	s21 =	sadd.s32 $0xEE80, s1;
	v60 =	vmul.f32 v60, v18;
	v2 =	vadd.f32 v56, v2;
	v1 =	vadd.f32 v57, v1  }
0x455: {  	s24 =	sor.u32 s23, s21;
	v57 =	vunpack.i.l.bf16.f32 v59;
	v59 =	vunpack.i.u.bf16.f32 v59  }
0x456: {  	v2 =	vadd.f32 v52, v2;
	v52 =	vld [tilespmem:s24+$0x0];
	v57 =	vmul.f32 v57, v19;
	v1 =	vadd.f32 v60, v1  }
0x457: {  	v59 =	vmul.f32 v59, v19;
	v60 =	vunpack.i.l.bf16.f32 v55;
	v55 =	vunpack.i.u.bf16.f32 v55  }
0x458: {  	v63 =	vunpack.i.l.bf16.f32 v54;
	v54 =	vunpack.i.u.bf16.f32 v54;
	v60 =	vmul.f32 v60, v20  }
0x459: {  	v2 =	vadd.f32 v57, v2;
	v1 =	vadd.f32 v59, v1;
	v55 =	vmul.f32 v55, v20  }
0x45a: {  	s7 =	sor.u32 s22, s7;
	v56 =	vunpack.i.u.bf16.f32 v58;
	v57 =	vmul.f32 v63, v21;
	v54 =	vmul.f32 v54, v21  }
0x45b: {  	v59 =	vld [tilespmem:s7+$0x0];
	v2 =	vadd.f32 v60, v2;
	v1 =	vadd.f32 v55, v1;
	v60 =	vunpack.i.l.bf16.f32 v52  }
0x45c: {  	s6 =	sor.u32 s22, s6;
	v58 =	vunpack.i.l.bf16.f32 v58;
	v52 =	vunpack.i.u.bf16.f32 v52;
	v60 =	vmul.f32 v60, v22  }
0x45d: {  	v55 =	vld [tilespmem:s6+$0x0];
	v2 =	vadd.f32 v57, v2;
	v1 =	vadd.f32 v54, v1;
	v52 =	vmul.f32 v52, v22  }
0x45e: {  	s25 =	sor.u32 s22, s8;
	v0 =	vadd.f32 v53, v0;
	v58 =	vmul.f32 v58, v8  }
0x45f: {  	v54 =	vld [tilespmem:s25+$0x0];
	v2 =	vadd.f32 v60, v2;
	v1 =	vadd.f32 v52, v1  }
0x460: {  	v56 =	vmul.f32 v56, v8;
	v51 =	vadd.f32 v58, v51;
	s7 =	sor.u32 s22, s12;
	s25 =	sadd.s32 $0x15D80, s16;
	v61 =	vunpack.i.l.bf16.f32 v59  }
0x461: {  	s9 =	sadd.s32 $0xEF00, s1;
	v62 =	vunpack.i.u.bf16.f32 v59;
	s8 =	sor.u32 s23, s25;
	v52 =	vld [tilespmem:s7+$0x0];
	v53 =	vmul.f32 v61, v9;
	[smem:$0x7E4] =	sst s16;
	v1 =	vpack.i.f32.bf16 v1, v2  }
0x462: {  	s24 =	sadd.s32 $0xEF80, s1;
	v0 =	vadd.f32 v56, v0;
	s12 =	sor.u32 s23, s9;
	v56 =	vmul.f32 v62, v9;
	v63 =	vunpack.i.l.bf16.f32 v55;
	[tilespmem:s8+$0x0] =	vst v1  }
0x463: {  	s14 =	sor.u32 s23, s24;
	s7 =	sadd.s32 $0xF000, s1;
	v60 =	vunpack.i.u.bf16.f32 v55;
	v61 =	vadd.f32 v53, v51;
	v62 =	vmul.f32 v63, v10;
	v53 =	vld [tilespmem:s12+$0x0]  }
0x464: {  	s17 =	sor.u32 s23, s7;
	v0 =	vadd.f32 v56, v0;
	v1 =	vmul.f32 v60, v10;
	v63 =	vunpack.i.l.bf16.f32 v54;
	v56 =	vld [tilespmem:s14+$0x0]  }
0x465: {  	s18 =	sadd.s32 $0xF080, s1;
	v54 =	vunpack.i.u.bf16.f32 v54;
	v2 =	vadd.f32 v62, v61;
	v60 =	vmul.f32 v63, v11;
	v63 =	vld [tilespmem:s17+$0x0]  }
0x466: {  	s8 =	sor.u32 s23, s18;
	v54 =	vmul.f32 v54, v11;
	v0 =	vadd.f32 v1, v0;
	v62 =	vunpack.i.l.bf16.f32 v52  }
0x467: {  	v51 =	vld [tilespmem:s8+$0x0];
	v61 =	vunpack.i.u.bf16.f32 v52;
	v2 =	vadd.f32 v60, v2;
	v1 =	vmul.f32 v62, v12  }
0x468: {  	v49 =	vpack.i.f32.bf16 v50, v49;
	s6 =	sadd.s32 $0x10D80, s1;
	v55 =	vmul.f32 v61, v12;
	v0 =	vadd.f32 v54, v0  }
0x469: {  	s8 =	sadd.s32 $0x10D00, s1;
	s14 =	sor.u32 s23, s6;
	v1 =	vadd.f32 v1, v2;
	v60 =	vunpack.i.u.bf16.f32 v53;
	v53 =	vunpack.i.l.bf16.f32 v53  }
0x46a: {  	s12 =	sor.u32 s23, s8;
	v57 =	vld [tilespmem:s14+$0x0];
	s14 =	sadd.s32 $0x10E00, s1;
	v61 =	vunpack.i.u.bf16.f32 v56;
	v56 =	vunpack.i.l.bf16.f32 v56;
	v62 =	vunpack.i.l.bf16.f32 v63  }
0x46b: {  	s17 =	sor.u32 s23, s14;
	v2 =	vld [tilespmem:s12+$0x0];
	s12 =	sadd.s32 $0x10E80, s1;
	v52 =	vunpack.i.u.bf16.f32 v63;
	v53 =	vmul.f32 v53, v23;
	v56 =	vmul.f32 v56, v24  }
0x46c: {  	v59 =	vunpack.i.l.bf16.f32 v51;
	v50 =	vmul.f32 v60, v23;
	v54 =	vmul.f32 v61, v24;
	v60 =	vld [tilespmem:s17+$0x0];
	s17 =	sor.u32 s23, s12  }
0x46d: {  	v58 =	vmul.f32 v62, v25;
	v63 =	vmul.f32 v59, v26;
	v59 =	vld [tilespmem:s17+$0x0];
	s17 =	sadd.s32 $0x10F00, s1;
	v53 =	vadd.f32 v56, v53  }
0x46e: {  	v51 =	vunpack.i.u.bf16.f32 v51;
	v52 =	vmul.f32 v52, v25;
	v50 =	vadd.f32 v54, v50;
	s28 =	sor.u32 s23, s17  }
0x46f: {  	v51 =	vmul.f32 v51, v26;
	v53 =	vadd.f32 v58, v53;
	v58 =	vld [tilespmem:s28+$0x0];
	s28 =	sadd.s32 $0x10F80, s1  }
0x470: {  	v62 =	vunpack.i.l.bf16.f32 v57;
	v61 =	vunpack.i.l.bf16.f32 v2;
	v50 =	vadd.f32 v52, v50;
	s30 =	sor.u32 s23, s28  }
0x471: {  	v2 =	vunpack.i.u.bf16.f32 v2;
	v53 =	vadd.f32 v63, v53;
	v63 =	vunpack.i.u.bf16.f32 v57;
	v57 =	vld [tilespmem:s30+$0x0];
	s30 =	sld [smem:$0x7CC]  }
0x472: {  	v52 =	vmul.f32 v61, v27;
	v2 =	vmul.f32 v2, v27;
	v50 =	vadd.f32 v51, v50  }
0x473: {  	v54 =	vmul.f32 v62, v28;
	v61 =	vunpack.i.l.bf16.f32 v60;
	v62 =	vmul.f32 v63, v28  }
0x474: {  	v63 =	vunpack.i.u.bf16.f32 v60;
	v52 =	vadd.f32 v52, v53;
	v2 =	vadd.f32 v2, v50;
	s30 =	sor.u32 s19, s30  }
0x475: {  	v60 =	vunpack.i.l.bf16.f32 v59;
	v53 =	vmul.f32 v61, v29;
	v61 =	vmul.f32 v63, v29;
	[tilespmem:s30+$0x0] =	vst v49  }
0x476: {  	v52 =	vadd.f32 v54, v52;
	v2 =	vadd.f32 v62, v2;
	v62 =	vunpack.i.u.bf16.f32 v59;
	s30 =	sld [smem:$0x7CD]  }
0x477: {  	v63 =	vunpack.i.l.bf16.f32 v58;
	v54 =	vmul.f32 v60, v30;
	v60 =	vmul.f32 v62, v30  }
0x478: {  	s31 =	sor.u32 s19, s31;
	v62 =	vmul.f32 v63, v32;
	v63 =	vunpack.i.l.bf16.f32 v57;
	v52 =	vadd.f32 v53, v52  }
0x479: {  	v2 =	vadd.f32 v61, v2;
	v53 =	vmul.f32 v63, v31;
	v63 =	vadd.f32 v47, v45;
	v47 =	vld [tilespmem:s31+$0x0];
	s30 =	sor.u32 s19, s30  }
0x47a: {  	v42 =	vbroadcast v42, $0x9;
	v0 =	vadd.f32 v55, v0;
	v61 =	vunpack.i.u.bf16.f32 v58;
	v56 =	vld [tilespmem:s30+$0x0];
	s30 =	sld [smem:$0x7CE]  }
0x47b: {  	v49 =	vmul.f32 v61, v32;
	v52 =	vadd.f32 v54, v52;
	v2 =	vadd.f32 v60, v2  }
0x47c: {  	s11 =	sor.u32 s19, s11;
	v48 =	vunpack.i.l.bf16.f32 v46;
	v0 =	vpack.i.f32.bf16 v0, v1;
	v61 =	vunpack.i.u.bf16.f32 v57  }
0x47d: {  	s2 =	sor.u32 s22, s2;
	v51 =	vadd.f32 v62, v52;
	v2 =	vadd.f32 v49, v2;
	v62 =	vmul.f32 v61, v31;
	v52 =	vld [tilespmem:s11+$0x0];
	s30 =	sor.u32 s19, s30  }
0x47e: {  	v46 =	vunpack.i.u.bf16.f32 v46;
	v48 =	vmul.f32 v48, v42;
	v43 =	vadd.f32 v43, v44;
	s31 =	sadd.s32 $0x15E00, s16;
	[tilespmem:s2+$0x0] =	vst v0;
	v60 =	vld [tilespmem:s30+$0x0]  }
0x47f: {  	s11 =	sor.u32 s22, s3;
	v50 =	vunpack.i.l.bf16.f32 v47;
	v55 =	vadd.f32 v53, v51;
	v2 =	vadd.f32 v62, v2;
	[smem:$0x7D5] =	sst s31  }
0x480: {  	v43 =	vadd.f32 v48, v43;
	v54 =	vmul.f32 v46, v42;
	v50 =	vmul.f32 v50, v38;
	v51 =	vld [tilespmem:s11+$0x0];
	s11 =	sadd.s32 $0x11000, s1  }
0x481: {  	s16 =	sor.u32 s23, s31;
	v57 =	vunpack.i.u.bf16.f32 v56;
	v58 =	vunpack.i.l.bf16.f32 v56;
	v1 =	vpack.i.f32.bf16 v2, v55;
	[smem:$0x7D6] =	sst s11  }
0x482: {  	s0 =	sor.u32 s22, s0;
	v44 =	vadd.f32 v54, v63;
	s31 =	sadd.s32 $0x11080, s1;
	v45 =	vmul.f32 v58, v40;
	v0 =	vmul.f32 v57, v40;
	[tilespmem:s16+$0x0] =	vst v1  }
0x483: {  	s3 =	sor.u32 s23, s11;
	v62 =	vunpack.i.u.bf16.f32 v52;
	v57 =	vunpack.i.u.bf16.f32 v47;
	v2 =	vld [tilespmem:s0+$0x0];
	[smem:$0x7D7] =	sst s31;
	v59 =	vunpack.i.l.bf16.f32 v60  }
0x484: {  	s11 =	sor.u32 s23, s31;
	v49 =	vmul.f32 v62, v39;
	v60 =	vunpack.i.u.bf16.f32 v60;
	v61 =	vld [tilespmem:s3+$0x0];
	v46 =	vmul.f32 v59, v41  }
0x485: {  	s31 =	sadd.s32 $0x12D00, s1;
	v63 =	vld [tilespmem:s11+$0x0];
	v1 =	vmul.f32 v60, v41;
	v58 =	vunpack.i.l.bf16.f32 v51;
	v51 =	vunpack.i.u.bf16.f32 v51  }
0x486: {  	v56 =	vunpack.i.l.bf16.f32 v52;
	v47 =	vmul.f32 v57, v38;
	s16 =	sor.u32 s23, s31;
	v51 =	vmul.f32 v51, v13  }
0x487: {  	s2 =	sadd.s32 $0x12D80, s1;
	v45 =	vadd.f32 v46, v45;
	v48 =	vadd.f32 v1, v0;
	v46 =	vmul.f32 v56, v39;
	v0 =	vld [tilespmem:s16+$0x0]  }
0x488: {  	s0 =	sor.u32 s23, s2;
	[smem:$0x7DB] =	sst s2;
	v1 =	vmul.f32 v58, v13;
	v59 =	vunpack.i.l.bf16.f32 v2;
	v2 =	vunpack.i.u.bf16.f32 v2  }
0x489: {  	s3 =	sadd.s32 $0x12E00, s1;
	v55 =	vld [tilespmem:s0+$0x0];
	v52 =	vmul.f32 v59, v14;
	v2 =	vmul.f32 v2, v14;
	v53 =	vunpack.i.l.bf16.f32 v61  }
0x48a: {  	[smem:$0x7DD] =	sst s3;
	s0 =	sor.u32 s23, s3;
	v60 =	vunpack.i.u.bf16.f32 v61;
	v61 =	vunpack.i.l.bf16.f32 v63;
	v53 =	vmul.f32 v53, v40  }
0x48b: {  	s11 =	sadd.s32 $0x12E80, s1;
	v58 =	vld [tilespmem:s0+$0x0];
	v54 =	vunpack.i.u.bf16.f32 v63;
	v57 =	vmul.f32 v61, v41;
	v56 =	vmul.f32 v60, v40  }
0x48c: {  	[smem:$0x7DE] =	sst s11;
	s0 =	sor.u32 s23, s11;
	v54 =	vmul.f32 v54, v41;
	v1 =	vadd.f32 v52, v1;
	v59 =	vunpack.i.l.bf16.f32 v0  }
0x48d: {  	s16 =	sadd.s32 $0x12F00, s1;
	v60 =	vld [tilespmem:s0+$0x0];
	v0 =	vunpack.i.u.bf16.f32 v0;
	v53 =	vadd.f32 v57, v53;
	v59 =	vmul.f32 v59, v39  }
0x48e: {  	[smem:$0x7DF] =	sst s16;
	s0 =	sor.u32 s23, s16;
	v54 =	vadd.f32 v54, v56;
	v62 =	vunpack.i.l.bf16.f32 v55;
	v0 =	vmul.f32 v0, v39  }
0x48f: {  	s2 =	sor.u32 s22, s4;
	v56 =	vld [tilespmem:s0+$0x0];
	v55 =	vunpack.i.u.bf16.f32 v55;
	v57 =	vmul.f32 v62, v38;
	v53 =	vadd.f32 v59, v53  }
0x490: {  	v63 =	vunpack.i.l.bf16.f32 v58;
	v55 =	vmul.f32 v55, v38;
	v59 =	vld [tilespmem:s2+$0x0];
	v0 =	vadd.f32 v0, v54  }
0x491: {  	s3 =	sadd.s32 $0x12F80, s1;
	v58 =	vunpack.i.u.bf16.f32 v58;
	v54 =	vmul.f32 v63, v37;
	v53 =	vadd.f32 v57, v53  }
0x492: {  	s16 =	sor.u32 s22, s13;
	[smem:$0x7E0] =	sst s3;
	v57 =	vunpack.i.l.bf16.f32 v60;
	v0 =	vadd.f32 v55, v0;
	v55 =	vmul.f32 v58, v37  }
0x493: {  	v2 =	vadd.f32 v2, v51;
	s0 =	sor.u32 s23, s3;
	v52 =	vld [tilespmem:s16+$0x0];
	v60 =	vunpack.i.u.bf16.f32 v60;
	v57 =	vmul.f32 v57, v36  }
0x494: {  	s4 =	sor.u32 s22, s29;
	v58 =	vld [tilespmem:s0+$0x0];
	v53 =	vadd.f32 v54, v53;
	v54 =	vunpack.i.l.bf16.f32 v56;
	v0 =	vadd.f32 v55, v0  }
0x495: {  	v55 =	vmul.f32 v60, v36;
	v60 =	vld [tilespmem:s4+$0x0];
	v56 =	vunpack.i.u.bf16.f32 v56;
	v61 =	vunpack.i.u.bf16.f32 v59  }
0x496: {  	v54 =	vmul.f32 v54, v35;
	v59 =	vunpack.i.l.bf16.f32 v59;
	v56 =	vmul.f32 v56, v35  }
0x497: {  	s11 =	sor.u32 s22, s10;
	v53 =	vadd.f32 v57, v53;
	v0 =	vadd.f32 v55, v0;
	v57 =	vmul.f32 v61, v15  }
0x498: {  	v55 =	vld [tilespmem:s11+$0x0];
	v59 =	vmul.f32 v59, v15;
	v61 =	vunpack.i.l.bf16.f32 v52;
	v52 =	vunpack.i.u.bf16.f32 v52  }
0x499: {  	v62 =	vunpack.i.l.bf16.f32 v58;
	v58 =	vunpack.i.u.bf16.f32 v58;
	v52 =	vmul.f32 v52, v18  }
0x49a: {  	s2 =	sor.u32 s22, s26;
	v53 =	vadd.f32 v54, v53;
	v0 =	vadd.f32 v56, v0;
	v51 =	vunpack.i.l.bf16.f32 v60  }
0x49b: {  	s4 =	sadd.s32 $0x13000, s1;
	v56 =	vld [tilespmem:s2+$0x0];
	v1 =	vadd.f32 v59, v1;
	v60 =	vunpack.i.u.bf16.f32 v60;
	v51 =	vmul.f32 v51, v16  }
0x49c: {  	s3 =	sor.u32 s22, s5;
	v54 =	vmul.f32 v62, v34;
	v2 =	vadd.f32 v57, v2;
	[smem:$0x7E2] =	sst s4;
	v57 =	vmul.f32 v60, v16  }
0x49d: {  	s5 =	sor.u32 s23, s4;
	v60 =	vld [tilespmem:s3+$0x0];
	v59 =	vunpack.i.l.bf16.f32 v55;
	v55 =	vunpack.i.u.bf16.f32 v55;
	v1 =	vadd.f32 v51, v1  }
0x49e: {  	v63 =	vmul.f32 v59, v17;
	v59 =	vld [tilespmem:s5+$0x0];
	v55 =	vmul.f32 v55, v17;
	v2 =	vadd.f32 v57, v2  }
0x49f: {  	s10 =	sor.u32 s22, s15;
	v62 =	vmul.f32 v61, v18;
	v58 =	vmul.f32 v58, v34;
	v53 =	vadd.f32 v54, v53  }
0x4a0: {  	v57 =	vld [tilespmem:s10+$0x0];
	v1 =	vadd.f32 v63, v1;
	v2 =	vadd.f32 v55, v2;
	v63 =	vunpack.i.l.bf16.f32 v56  }
0x4a1: {  	s11 =	sor.u32 s22, s21;
	v0 =	vadd.f32 v58, v0;
	v56 =	vunpack.i.u.bf16.f32 v56;
	v61 =	vmul.f32 v63, v19  }
0x4a2: {  	v55 =	vld [tilespmem:s11+$0x0];
	v56 =	vmul.f32 v56, v19;
	v1 =	vadd.f32 v62, v1;
	v2 =	vadd.f32 v52, v2  }
0x4a3: {  	s13 =	sadd.s32 $0x13080, s1;
	v62 =	vunpack.i.l.bf16.f32 v60;
	v60 =	vunpack.i.u.bf16.f32 v60;
	v51 =	vunpack.i.l.bf16.f32 v59  }
0x4a4: {  	s0 =	sor.u32 s23, s13;
	[smem:$0x7E6] =	sst s13;
	v52 =	vmul.f32 v62, v20;
	v60 =	vmul.f32 v60, v20;
	v1 =	vadd.f32 v61, v1  }
0x4a5: {  	s15 =	sld [smem:$0x7CF];
	v63 =	vunpack.i.u.bf16.f32 v57;
	v57 =	vunpack.i.l.bf16.f32 v57;
	v2 =	vadd.f32 v56, v2;
	v56 =	vld [tilespmem:s0+$0x0]  }
0x4a6: {  	v59 =	vunpack.i.u.bf16.f32 v59;
	v57 =	vmul.f32 v57, v21;
	v1 =	vadd.f32 v52, v1  }
0x4a7: {  	s16 =	sld [smem:$0x7D0];
	v52 =	vmul.f32 v63, v21;
	v2 =	vadd.f32 v60, v2;
	v60 =	vunpack.i.u.bf16.f32 v55  }
0x4a8: {  	v51 =	vmul.f32 v51, v33;
	s0 =	sor.u32 s19, s15;
	v55 =	vunpack.i.l.bf16.f32 v55;
	v60 =	vmul.f32 v60, v22  }
0x4a9: {  	v61 =	vmul.f32 v55, v22;
	v55 =	vld [tilespmem:s0+$0x0];
	v1 =	vadd.f32 v57, v1;
	v2 =	vadd.f32 v52, v2  }
0x4aa: {  	s21 =	sld [smem:$0x7D1];
	v63 =	vmul.f32 v59, v33;
	v51 =	vadd.f32 v51, v53;
	s0 =	sor.u32 s19, s16;
	v62 =	vunpack.i.l.bf16.f32 v56  }
0x4ab: {  	v52 =	vld [tilespmem:s0+$0x0];
	v56 =	vunpack.i.u.bf16.f32 v56;
	v1 =	vadd.f32 v61, v1;
	v2 =	vadd.f32 v60, v2  }
0x4ac: {  	v0 =	vadd.f32 v63, v0;
	v57 =	vmul.f32 v62, v42;
	v59 =	vmul.f32 v56, v42  }
0x4ad: {  	s0 =	sor.u32 s19, s21;
	v60 =	vadd.f32 v46, v45;
	v61 =	vadd.f32 v49, v48;
	v1 =	vpack.i.f32.bf16 v2, v1  }
0x4ae: {  	s25 =	sor.u32 s22, s25;
	v2 =	vld [tilespmem:s0+$0x0];
	v45 =	vadd.f32 v57, v51;
	v46 =	vadd.f32 v59, v0;
	v62 =	vunpack.i.l.bf16.f32 v55  }
0x4af: {  	s26 =	sor.u32 s22, s9;
	v56 =	vunpack.i.u.bf16.f32 v55;
	v0 =	vadd.f32 v47, v61;
	[tilespmem:s25+$0x0] =	vst v1;
	v48 =	vmul.f32 v62, v37  }
0x4b0: {  	s1 =	sor.u32 s22, s24;
	v1 =	vadd.f32 v50, v60;
	v57 =	vmul.f32 v56, v37;
	v58 =	vunpack.i.l.bf16.f32 v52;
	v51 =	vld [tilespmem:s26+$0x0]  }
0x4b1: {  	s2 =	sor.u32 s22, s7;
	v52 =	vunpack.i.u.bf16.f32 v52;
	v63 =	vld [tilespmem:s1+$0x0];
	v59 =	vmul.f32 v58, v36  }
0x4b2: {  	v53 =	vld [tilespmem:s2+$0x0];
	v50 =	vmul.f32 v52, v36;
	v1 =	vadd.f32 v48, v1;
	v0 =	vadd.f32 v57, v0  }
0x4b3: {  	s3 =	sor.u32 s22, s18;
	v60 =	vunpack.i.l.bf16.f32 v2  }
0x4b4: {  	s4 =	sor.u32 s22, s8;
	v54 =	vld [tilespmem:s3+$0x0];
	v2 =	vunpack.i.u.bf16.f32 v2;
	v47 =	vadd.f32 v59, v1;
	v0 =	vadd.f32 v50, v0  }
0x4b5: {  	s7 =	simm.s32 $0x40;
	s5 =	sor.u32 s22, s6;
	s6 =	simm.s32 $0x200;
	v55 =	vld [tilespmem:s4+$0x0];
	v48 =	vmul.f32 v60, v35;
	v2 =	vmul.f32 v2, v35;
	v61 =	vunpack.i.u.bf16.f32 v51  }
0x4b6: {  	s1 =	sand.u32 $0x3FFFFC00, s6;
	v57 =	vld [tilespmem:s5+$0x0];
	s5 =	sand.u32 $0x60, s7;
	v51 =	vunpack.i.l.bf16.f32 v51;
	v62 =	vunpack.i.l.bf16.f32 v63;
	v49 =	vunpack.i.u.bf16.f32 v63  }
0x4b7: {  	s8 =	simm.s32 $0x40;
	s26 =	sadd.s32 $0xAE00, s1;
	s11 =	sor.u32 $0x10, s5;
	v63 =	vunpack.i.l.bf16.f32 v53;
	v51 =	vmul.f32 v51, v23;
	v52 =	vmul.f32 v62, v24  }
0x4b8: {  	[dreg:$0x6] =	wrdreg s8;
	s4 =	sor.u32 s11, s26;
	v53 =	vunpack.i.u.bf16.f32 v53;
	v1 =	vmul.f32 v61, v23;
	v49 =	vmul.f32 v49, v24  }
0x4b9: {  	v58 =	vld [tilespmem:s4+$0x0];
	v60 =	vmul.f32 v63, v25;
	v53 =	vmul.f32 v53, v25;
	v61 =	vunpack.i.l.bf16.f32 v54  }
0x4ba: {  	v54 =	vunpack.i.u.bf16.f32 v54;
	v62 =	vunpack.i.u.bf16.f32 v55;
	v55 =	vunpack.i.l.bf16.f32 v55  }
0x4bb: {  	s9 =	sor.u32 s22, s14;
	v63 =	vunpack.i.u.bf16.f32 v57;
	v48 =	vadd.f32 v48, v47;
	v51 =	vadd.f32 v52, v51  }
0x4bc: {  	s10 =	sadd.s32 $0xAD00, s1;
	v54 =	vmul.f32 v54, v26;
	v56 =	vmul.f32 v62, v27;
	v1 =	vadd.f32 v49, v1;
	v52 =	vld [tilespmem:s9+$0x0]  }
0x4bd: {  	s24 =	sor.u32 s11, s10;
	v55 =	vmul.f32 v55, v27;
	v49 =	vmul.f32 v61, v26;
	v51 =	vadd.f32 v60, v51  }
0x4be: {  	s13 =	sadd.s32 $0xAD80, s1;
	v61 =	vmul.f32 v63, v28;
	v59 =	vunpack.i.l.bf16.f32 v58;
	v1 =	vadd.f32 v53, v1;
	v53 =	vld [tilespmem:s24+$0x0]  }
0x4bf: {  	s25 =	sor.u32 s11, s13;
	s9 =	sadd.s32 $0xAF00, s1;
	v58 =	vunpack.i.u.bf16.f32 v58;
	v60 =	vunpack.i.l.bf16.f32 v57;
	v49 =	vadd.f32 v49, v51  }
0x4c0: {  	s2 =	sadd.s32 $0xAE80, s1;
	s7 =	sor.u32 s11, s9;
	v59 =	vmul.f32 v59, v5;
	v51 =	vld [tilespmem:s25+$0x0];
	v1 =	vadd.f32 v54, v1;
	v54 =	vmul.f32 v60, v28  }
0x4c1: {  	s6 =	sor.u32 s11, s2;
	v57 =	vld [tilespmem:s7+$0x0];
	v62 =	vunpack.i.u.bf16.f32 v52;
	v52 =	vunpack.i.l.bf16.f32 v52;
	v49 =	vadd.f32 v55, v49  }
0x4c2: {  	v1 =	vadd.f32 v56, v1;
	v55 =	vld [tilespmem:s6+$0x0];
	v50 =	vmul.f32 v62, v29;
	v62 =	vmul.f32 v58, v5  }
0x4c3: {  	v52 =	vmul.f32 v52, v29;
	v63 =	vunpack.i.u.bf16.f32 v53;
	v53 =	vunpack.i.l.bf16.f32 v53  }
0x4c4: {  	v49 =	vadd.f32 v54, v49;
	v1 =	vadd.f32 v61, v1;
	v53 =	vmul.f32 v53, v3  }
0x4c5: {  	s12 =	sor.u32 s22, s12;
	s4 =	sadd.s32 $0xAF80, s1;
	v54 =	vmul.f32 v63, v3;
	v60 =	vunpack.i.l.bf16.f32 v51;
	v51 =	vunpack.i.u.bf16.f32 v51  }
0x4c6: {  	s8 =	sor.u32 s11, s4;
	v58 =	vld [tilespmem:s12+$0x0];
	v63 =	vunpack.i.l.bf16.f32 v57;
	v56 =	vmul.f32 v60, v4;
	v51 =	vmul.f32 v51, v4  }
0x4c7: {  	v60 =	vld [tilespmem:s8+$0x0];
	v49 =	vadd.f32 v52, v49;
	v1 =	vadd.f32 v50, v1;
	v61 =	vunpack.i.l.bf16.f32 v55  }
0x4c8: {  	s6 =	sadd.s32 $0xB000, s1;
	v55 =	vunpack.i.u.bf16.f32 v55;
	v53 =	vadd.f32 v56, v53;
	v51 =	vadd.f32 v51, v54  }
0x4c9: {  	s14 =	sor.u32 s11, s6;
	v56 =	vmul.f32 v61, v6;
	v55 =	vmul.f32 v55, v6;
	v61 =	vunpack.i.u.bf16.f32 v57  }
0x4ca: {  	v54 =	vld [tilespmem:s14+$0x0];
	v52 =	vmul.f32 v61, v7;
	v53 =	vadd.f32 v59, v53;
	v51 =	vadd.f32 v62, v51  }
0x4cb: {  	s15 =	sor.u32 s22, s17;
	s7 =	sadd.s32 $0xB080, s1;
	v59 =	vmul.f32 v63, v7;
	v63 =	vunpack.i.u.bf16.f32 v58;
	v58 =	vunpack.i.l.bf16.f32 v58  }
0x4cc: {  	s16 =	sor.u32 s11, s7;
	v57 =	vld [tilespmem:s15+$0x0];
	v62 =	vunpack.i.l.bf16.f32 v60;
	v58 =	vmul.f32 v58, v30;
	v53 =	vadd.f32 v56, v53  }
0x4cd: {  	v60 =	vunpack.i.u.bf16.f32 v60;
	v51 =	vadd.f32 v55, v51;
	v55 =	vld [tilespmem:s16+$0x0];
	v56 =	vmul.f32 v62, v8  }
0x4ce: {  	s8 =	sadd.s32 $0xCD00, s1;
	v60 =	vmul.f32 v60, v8;
	v49 =	vadd.f32 v58, v49;
	v53 =	vadd.f32 v59, v53  }
0x4cf: {  	s3 =	sadd.s32 $0xCD80, s1;
	s17 =	sor.u32 s11, s8;
	v59 =	vmul.f32 v63, v30;
	v51 =	vadd.f32 v52, v51;
	v52 =	vunpack.i.l.bf16.f32 v54  }
0x4d0: {  	s18 =	sor.u32 s11, s3;
	v54 =	vunpack.i.u.bf16.f32 v54;
	v52 =	vmul.f32 v52, v9;
	v53 =	vadd.f32 v56, v53;
	v56 =	vld [tilespmem:s17+$0x0]  }
0x4d1: {  	v50 =	vadd.f32 v60, v51;
	v51 =	vmul.f32 v54, v9;
	v54 =	vld [tilespmem:s18+$0x0];
	v60 =	vunpack.i.u.bf16.f32 v57  }
0x4d2: {  	v61 =	vunpack.i.l.bf16.f32 v55;
	v55 =	vunpack.i.u.bf16.f32 v55;
	v52 =	vadd.f32 v52, v53  }
0x4d3: {  	s21 =	sor.u32 s22, s28;
	v53 =	vmul.f32 v61, v10;
	v50 =	vadd.f32 v51, v50;
	v55 =	vmul.f32 v55, v10  }
0x4d4: {  	v57 =	vunpack.i.l.bf16.f32 v57;
	v1 =	vadd.f32 v59, v1;
	v60 =	vmul.f32 v60, v32;
	v51 =	vld [tilespmem:s21+$0x0]  }
0x4d5: {  	v52 =	vadd.f32 v53, v52;
	v50 =	vadd.f32 v55, v50;
	v62 =	vunpack.i.l.bf16.f32 v56  }
0x4d6: {  	v56 =	vunpack.i.u.bf16.f32 v56;
	v61 =	vunpack.i.l.bf16.f32 v54;
	v53 =	vmul.f32 v62, v11  }
0x4d7: {  	s0 =	sor.u32 s5, s10;
	v54 =	vunpack.i.u.bf16.f32 v54;
	v63 =	vmul.f32 v56, v11;
	v56 =	vmul.f32 v57, v32  }
0x4d8: {  	s24 =	sor.u32 s5, s13;
	v62 =	vld [tilespmem:s0+$0x0];
	v57 =	vmul.f32 v61, v12;
	v54 =	vmul.f32 v54, v12;
	v52 =	vadd.f32 v53, v52  }
0x4d9: {  	v50 =	vadd.f32 v63, v50;
	v53 =	vld [tilespmem:s24+$0x0];
	v63 =	vunpack.i.u.bf16.f32 v51;
	v51 =	vunpack.i.l.bf16.f32 v51  }
0x4da: {  	s25 =	sor.u32 s5, s26;
	s26 =	simm.s32 $0x100;
	v1 =	vadd.f32 v60, v1;
	v56 =	vadd.f32 v56, v49;
	v51 =	vmul.f32 v51, v31  }
0x4db: {  	v59 =	vld [tilespmem:s25+$0x0];
	s24 =	sand.u32 $0x3FFFFE00, s26;
	v52 =	vadd.f32 v57, v52;
	v50 =	vadd.f32 v54, v50  }
0x4dc: {  	s12 =	sor.u32 s5, s2;
	v49 =	vadd.f32 v2, v0;
	s0 =	sadd.s32 $0x15D00, s24;
	v47 =	vadd.f32 v51, v56  }
0x4dd: {  	s2 =	sadd.s32 $0xCE00, s1;
	s13 =	sor.u32 s11, s0;
	v51 =	vld [tilespmem:s12+$0x0];
	v61 =	vunpack.i.u.bf16.f32 v62;
	v62 =	vunpack.i.l.bf16.f32 v62;
	v60 =	vpack.i.f32.bf16 v50, v52  }
0x4de: {  	s14 =	sor.u32 s11, s2;
	s17 =	sadd.s32 $0xCE80, s1;
	v0 =	vmul.f32 v63, v31;
	v50 =	vmul.f32 v62, v3;
	[tilespmem:s13+$0x0] =	vst v60;
	v63 =	vunpack.i.l.bf16.f32 v53  }
0x4df: {  	s15 =	sor.u32 s11, s17;
	v2 =	vmul.f32 v61, v3;
	v53 =	vunpack.i.u.bf16.f32 v53;
	v54 =	vld [tilespmem:s14+$0x0];
	v52 =	vmul.f32 v63, v4  }
0x4e0: {  	s12 =	sadd.s32 $0xCF00, s1;
	v60 =	vunpack.i.u.bf16.f32 v59;
	v55 =	vld [tilespmem:s15+$0x0];
	[tilespmem:$0x1FE60] =	vst v4;
	v53 =	vmul.f32 v53, v4;
	v4 =	vunpack.i.l.bf16.f32 v59  }
0x4e1: {  	s16 =	sor.u32 s11, s12;
	[tilespmem:$0x1FE50] =	vst v3;
	v61 =	vmul.f32 v60, v5;
	v56 =	vmul.f32 v4, v5;
	v52 =	vadd.f32 v52, v50  }
0x4e2: {  	s18 =	sadd.s32 $0xCF80, s1;
	v58 =	vld [tilespmem:s16+$0x0];
	v62 =	vadd.f32 v53, v2;
	v63 =	vunpack.i.u.bf16.f32 v51;
	v51 =	vunpack.i.l.bf16.f32 v51  }
0x4e3: {  	s10 =	sor.u32 s11, s18;
	[tilespmem:$0x1FE70] =	vst v5;
	[smem:$0x7D8] =	sst s18;
	v50 =	vadd.f32 v0, v1;
	v51 =	vmul.f32 v51, v6  }
0x4e4: {  	s30 =	sadd.s32 $0xD000, s1;
	s9 =	sor.u32 s5, s9;
	v53 =	vld [tilespmem:s10+$0x0];
	[tilespmem:$0x1FE80] =	vst v6;
	v2 =	vmul.f32 v63, v6;
	v52 =	vadd.f32 v56, v52;
	v0 =	vadd.f32 v61, v62  }
0x4e5: {  	s21 =	sor.u32 s11, s30;
	v57 =	vld [tilespmem:s9+$0x0];
	v4 =	vunpack.i.u.bf16.f32 v54;
	v54 =	vunpack.i.l.bf16.f32 v54;
	v5 =	vunpack.i.l.bf16.f32 v55  }
0x4e6: {  	v59 =	vld [tilespmem:s21+$0x0];
	v55 =	vunpack.i.u.bf16.f32 v55;
	v54 =	vmul.f32 v54, v13;
	v56 =	vmul.f32 v5, v14  }
0x4e7: {  	v1 =	vmul.f32 v4, v13;
	v55 =	vmul.f32 v55, v14;
	v6 =	vunpack.i.l.bf16.f32 v58  }
0x4e8: {  	s21 =	sadd.s32 $0xD080, s1;
	v58 =	vunpack.i.u.bf16.f32 v58;
	v51 =	vadd.f32 v51, v52;
	v0 =	vadd.f32 v2, v0  }
0x4e9: {  	s25 =	sor.u32 s11, s21;
	v60 =	vmul.f32 v6, v15;
	v3 =	vunpack.i.l.bf16.f32 v53;
	v58 =	vmul.f32 v58, v15  }
0x4ea: {  	s15 =	sadd.s32 $0xED00, s1;
	v53 =	vunpack.i.u.bf16.f32 v53;
	v54 =	vadd.f32 v56, v54;
	v56 =	vld [tilespmem:s25+$0x0];
	v1 =	vadd.f32 v55, v1  }
0x4eb: {  	s26 =	sor.u32 s11, s15;
	v52 =	vmul.f32 v3, v16;
	v5 =	vunpack.i.l.bf16.f32 v57;
	v6 =	vunpack.i.l.bf16.f32 v59  }
0x4ec: {  	v4 =	vld [tilespmem:s26+$0x0];
	v53 =	vmul.f32 v53, v16;
	v59 =	vunpack.i.u.bf16.f32 v59;
	v54 =	vadd.f32 v60, v54  }
0x4ed: {  	s10 =	sadd.s32 $0xED80, s1;
	v57 =	vunpack.i.u.bf16.f32 v57;
	v59 =	vmul.f32 v59, v17;
	v1 =	vadd.f32 v58, v1  }
0x4ee: {  	s9 =	sor.u32 s11, s10;
	[smem:$0x7D9] =	sst s10;
	v57 =	vmul.f32 v57, v7;
	v58 =	vmul.f32 v6, v17;
	v52 =	vadd.f32 v52, v54  }
0x4ef: {  	s13 =	sadd.s32 $0xEE00, s1;
	v60 =	vmul.f32 v5, v7;
	v54 =	vld [tilespmem:s9+$0x0];
	v1 =	vadd.f32 v53, v1;
	v62 =	vunpack.i.l.bf16.f32 v56  }
0x4f0: {  	[smem:$0x7DA] =	sst s13;
	s9 =	sor.u32 s11, s13;
	v56 =	vunpack.i.u.bf16.f32 v56;
	v53 =	vmul.f32 v62, v18;
	v52 =	vadd.f32 v58, v52  }
0x4f1: {  	s14 =	sadd.s32 $0xEE80, s1;
	s16 =	sld [smem:$0x7D2];
	v3 =	vunpack.i.l.bf16.f32 v4;
	v63 =	vld [tilespmem:s9+$0x0];
	v1 =	vadd.f32 v59, v1;
	v56 =	vmul.f32 v56, v18  }
0x4f2: {  	s4 =	sor.u32 s5, s4;
	v55 =	vunpack.i.u.bf16.f32 v4;
	[smem:$0x7DC] =	sst s14;
	v59 =	vmul.f32 v3, v19;
	v52 =	vadd.f32 v53, v52  }
0x4f3: {  	v0 =	vadd.f32 v57, v0;
	v55 =	vmul.f32 v55, v19;
	s9 =	sor.u32 s11, s14;
	v62 =	vld [tilespmem:s4+$0x0];
	v1 =	vadd.f32 v56, v1  }
0x4f4: {  	v51 =	vadd.f32 v60, v51;
	v56 =	vld [tilespmem:s9+$0x0];
	v4 =	vunpack.i.l.bf16.f32 v54;
	v5 =	vadd.f32 v59, v52  }
0x4f5: {  	s9 =	sor.u32 s19, s16;
	v6 =	vmul.f32 v4, v20;
	v59 =	vunpack.i.u.bf16.f32 v54;
	v1 =	vadd.f32 v55, v1  }
0x4f6: {  	v60 =	vld [tilespmem:s9+$0x0];
	v61 =	vunpack.i.l.bf16.f32 v63;
	v58 =	vunpack.i.u.bf16.f32 v63;
	v53 =	vmul.f32 v59, v20  }
0x4f7: {  	v55 =	vmul.f32 v61, v21;
	v63 =	vmul.f32 v58, v21;
	v2 =	vadd.f32 v6, v5  }
0x4f8: {  	s18 =	sor.u32 s5, s6;
	[tilespmem:$0x1FE90] =	vst v7;
	v59 =	vunpack.i.l.bf16.f32 v62;
	v52 =	vunpack.i.u.bf16.f32 v62;
	v1 =	vadd.f32 v53, v1  }
0x4f9: {  	v4 =	vld [tilespmem:s18+$0x0];
	v5 =	vunpack.i.l.bf16.f32 v56;
	v56 =	vunpack.i.u.bf16.f32 v56;
	v2 =	vadd.f32 v55, v2  }
0x4fa: {  	s25 =	sor.u32 s5, s7;
	v55 =	vmul.f32 v5, v22;
	v6 =	vmul.f32 v56, v22;
	v1 =	vadd.f32 v63, v1  }
0x4fb: {  	v52 =	vmul.f32 v52, v8;
	v56 =	vld [tilespmem:s25+$0x0];
	v7 =	vunpack.i.u.bf16.f32 v60;
	v54 =	vunpack.i.l.bf16.f32 v60  }
0x4fc: {  	s26 =	sor.u32 s5, s8;
	v54 =	vmul.f32 v54, v34;
	v2 =	vadd.f32 v55, v2;
	v1 =	vadd.f32 v6, v1  }
0x4fd: {  	v53 =	vld [tilespmem:s26+$0x0];
	s25 =	sadd.s32 $0x15D80, s24;
	v0 =	vadd.f32 v52, v0;
	v57 =	vmul.f32 v7, v34;
	v55 =	vmul.f32 v59, v8  }
0x4fe: {  	s28 =	sadd.s32 $0xEF00, s1;
	[tilespmem:$0x1FEA0] =	vst v8;
	v60 =	vunpack.i.l.bf16.f32 v4;
	s6 =	sor.u32 s11, s25;
	v62 =	vunpack.i.u.bf16.f32 v4;
	v1 =	vpack.i.f32.bf16 v1, v2  }
0x4ff: {  	s7 =	sor.u32 s11, s28;
	s26 =	sadd.s32 $0xEF80, s1;
	v49 =	vadd.f32 v57, v49;
	v61 =	vadd.f32 v55, v51;
	v51 =	vmul.f32 v62, v9;
	[tilespmem:s6+$0x0] =	vst v1  }
0x500: {  	s14 =	sadd.s32 $0xF000, s1;
	s8 =	sor.u32 s11, s26;
	v2 =	vmul.f32 v60, v9;
	v4 =	vunpack.i.l.bf16.f32 v56;
	v7 =	vunpack.i.u.bf16.f32 v56;
	v63 =	vld [tilespmem:s7+$0x0];
	[tilespmem:$0x1FEB0] =	vst v9  }
0x501: {  	s9 =	sor.u32 s11, s14;
	v6 =	vmul.f32 v4, v10;
	v0 =	vadd.f32 v51, v0;
	v52 =	vmul.f32 v7, v10;
	v5 =	vld [tilespmem:s8+$0x0]  }
0x502: {  	s18 =	sadd.s32 $0xF080, s1;
	v51 =	vadd.f32 v54, v48;
	v48 =	vunpack.i.u.bf16.f32 v53;
	v1 =	vadd.f32 v2, v61;
	v9 =	vld [tilespmem:s9+$0x0]  }
0x503: {  	s16 =	sadd.s32 $0x10D00, s1;
	s10 =	sor.u32 s11, s18;
	v8 =	vunpack.i.l.bf16.f32 v53;
	v48 =	vmul.f32 v48, v11;
	[tilespmem:$0x1FEC0] =	vst v10;
	v0 =	vadd.f32 v52, v0  }
0x504: {  	s13 =	sor.u32 s11, s16;
	v59 =	vmul.f32 v8, v11;
	s6 =	sadd.s32 $0x10D80, s1;
	v2 =	vpack.i.f32.bf16 v50, v47;
	v1 =	vadd.f32 v6, v1;
	v60 =	vld [tilespmem:s10+$0x0]  }
0x505: {  	s4 =	sor.u32 s11, s6;
	v3 =	vld [tilespmem:s13+$0x0];
	[smem:$0x7E3] =	sst s6;
	v0 =	vadd.f32 v48, v0;
	v61 =	vunpack.i.u.bf16.f32 v63;
	v62 =	vunpack.i.l.bf16.f32 v63  }
0x506: {  	s7 =	sadd.s32 $0x10E00, s1;
	v6 =	vld [tilespmem:s4+$0x0];
	v63 =	vunpack.i.l.bf16.f32 v5;
	v4 =	vunpack.i.u.bf16.f32 v5;
	v50 =	vmul.f32 v62, v23  }
0x507: {  	[smem:$0x7E5] =	sst s7;
	s4 =	sor.u32 s11, s7;
	v47 =	vmul.f32 v61, v23;
	v5 =	vunpack.i.l.bf16.f32 v9;
	v52 =	vmul.f32 v63, v24  }
0x508: {  	s3 =	sor.u32 s5, s3;
	s13 =	sadd.s32 $0x10E80, s1;
	v56 =	vunpack.i.u.bf16.f32 v9;
	v9 =	vld [tilespmem:s4+$0x0];
	v55 =	vmul.f32 v4, v24;
	v57 =	vmul.f32 v5, v25  }
0x509: {  	s10 =	sadd.s32 $0x10F00, s1;
	s8 =	sor.u32 s11, s13;
	v7 =	vunpack.i.l.bf16.f32 v60;
	v8 =	vmul.f32 v56, v25;
	v53 =	vunpack.i.u.bf16.f32 v60;
	v60 =	vld [tilespmem:s3+$0x0]  }
0x50a: {  	s9 =	sor.u32 s11, s10;
	v10 =	vunpack.i.l.bf16.f32 v3;
	v54 =	vunpack.i.u.bf16.f32 v3;
	v63 =	vld [tilespmem:s8+$0x0];
	v53 =	vmul.f32 v53, v26  }
0x50b: {  	v5 =	vld [tilespmem:s9+$0x0];
	v61 =	vunpack.i.l.bf16.f32 v6;
	v50 =	vadd.f32 v52, v50;
	v47 =	vadd.f32 v55, v47  }
0x50c: {  	s4 =	sld [smem:$0x7D3];
	v62 =	vmul.f32 v54, v27;
	v58 =	vunpack.i.u.bf16.f32 v6;
	v52 =	vmul.f32 v7, v26  }
0x50d: {  	v4 =	vmul.f32 v58, v28;
	v50 =	vadd.f32 v57, v50;
	v47 =	vadd.f32 v8, v47  }
0x50e: {  	v57 =	vmul.f32 v10, v27;
	v3 =	vunpack.i.l.bf16.f32 v9;
	v56 =	vunpack.i.u.bf16.f32 v9  }
0x50f: {  	s7 =	sld [smem:$0x7D4];
	s3 =	sor.u32 s19, s4;
	v6 =	vunpack.i.u.bf16.f32 v60;
	v7 =	vmul.f32 v56, v29;
	v10 =	vunpack.i.l.bf16.f32 v63  }
0x510: {  	s9 =	sadd.s32 $0x10F80, s1;
	s8 =	sld [smem:$0x7D5];
	v8 =	vld [tilespmem:s3+$0x0];
	[tilespmem:$0x1FED0] =	vst v11;
	v54 =	vunpack.i.u.bf16.f32 v63;
	v55 =	vunpack.i.l.bf16.f32 v60;
	v11 =	vunpack.i.l.bf16.f32 v5  }
0x511: {  	s6 =	sor.u32 s11, s9;
	v50 =	vadd.f32 v52, v50;
	v47 =	vadd.f32 v53, v47;
	v52 =	vmul.f32 v61, v28  }
0x512: {  	s3 =	sor.u32 s19, s7;
	v9 =	vld [tilespmem:s6+$0x0];
	v58 =	vunpack.i.u.bf16.f32 v5;
	v53 =	vmul.f32 v10, v30;
	v54 =	vmul.f32 v54, v30  }
0x513: {  	v60 =	vld [tilespmem:s3+$0x0];
	s3 =	sor.u32 s22, s8;
	[tilespmem:$0x1FEE0] =	vst v12;
	v48 =	vmul.f32 v11, v32;
	v50 =	vadd.f32 v57, v50;
	v47 =	vadd.f32 v62, v47  }
0x514: {  	v1 =	vadd.f32 v59, v1;
	v55 =	vmul.f32 v55, v12;
	v58 =	vmul.f32 v58, v32;
	[tilespmem:s3+$0x0] =	vst v2  }
0x515: {  	s3 =	sld [smem:$0x7D6];
	v57 =	vmul.f32 v3, v29;
	v50 =	vadd.f32 v52, v50;
	v47 =	vadd.f32 v4, v47  }
0x516: {  	s4 =	sld [smem:$0x7D7];
	v1 =	vadd.f32 v55, v1;
	v61 =	vunpack.i.u.bf16.f32 v8;
	v56 =	vunpack.i.l.bf16.f32 v8  }
0x517: {  	v52 =	vmul.f32 v6, v12;
	v50 =	vadd.f32 v57, v50;
	v47 =	vadd.f32 v7, v47  }
0x518: {  	s3 =	sor.u32 s22, s3;
	v62 =	vunpack.i.l.bf16.f32 v9;
	v5 =	vmul.f32 v56, v33;
	v6 =	vunpack.i.u.bf16.f32 v60  }
0x519: {  	v63 =	vld [tilespmem:s3+$0x0];
	s3 =	sor.u32 s22, s4;
	v2 =	vmul.f32 v62, v31;
	v50 =	vadd.f32 v53, v50;
	v47 =	vadd.f32 v54, v47  }
0x51a: {  	v10 =	vmul.f32 v6, v42;
	v57 =	vunpack.i.u.bf16.f32 v9;
	v4 =	vld [tilespmem:s3+$0x0];
	v0 =	vadd.f32 v52, v0  }
0x51b: {  	v57 =	vmul.f32 v57, v31;
	v48 =	vadd.f32 v48, v50;
	v47 =	vadd.f32 v58, v47  }
0x51c: {  	s0 =	sor.u32 s5, s0;
	v8 =	vadd.f32 v5, v51;
	v54 =	vmul.f32 v61, v33;
	v0 =	vpack.i.f32.bf16 v0, v1  }
0x51d: {  	s7 =	sor.u32 s5, s2;
	v7 =	vunpack.i.l.bf16.f32 v60;
	[tilespmem:s0+$0x0] =	vst v0;
	v2 =	vadd.f32 v2, v48;
	v47 =	vadd.f32 v57, v47  }
0x51e: {  	s29 =	sadd.s32 $0x15E00, s24;
	s6 =	sor.u32 s22, s31;
	v0 =	vmul.f32 v7, v42;
	v51 =	vld [tilespmem:s7+$0x0];
	v9 =	vadd.f32 v54, v49;
	v60 =	vunpack.i.u.bf16.f32 v63  }
0x51f: {  	s8 =	sadd.s32 $0x11000, s1;
	s31 =	sor.u32 s11, s29;
	v50 =	vunpack.i.l.bf16.f32 v63;
	v61 =	vunpack.i.u.bf16.f32 v4;
	v48 =	vld [tilespmem:s6+$0x0];
	v2 =	vpack.i.f32.bf16 v47, v2  }
0x520: {  	s2 =	sor.u32 s11, s8;
	s7 =	sadd.s32 $0x11080, s1;
	v50 =	vmul.f32 v50, v40;
	v63 =	vmul.f32 v60, v40;
	v4 =	vunpack.i.l.bf16.f32 v4;
	[tilespmem:s31+$0x0] =	vst v2  }
0x521: {  	v46 =	vpack.i.f32.bf16 v46, v45;
	s3 =	sor.u32 s11, s7;
	s6 =	sadd.s32 $0x12D00, s1;
	v56 =	vmul.f32 v4, v41;
	v53 =	vmul.f32 v61, v41;
	v11 =	vld [tilespmem:s2+$0x0]  }
0x522: {  	s4 =	sor.u32 s11, s6;
	v47 =	vpack.i.f32.bf16 v44, v43;
	v43 =	vadd.f32 v0, v8;
	v44 =	vadd.f32 v10, v9;
	v62 =	vld [tilespmem:s3+$0x0]  }
0x523: {  	v7 =	vadd.f32 v56, v50;
	v50 =	vunpack.i.u.bf16.f32 v51;
	v51 =	vunpack.i.l.bf16.f32 v51;
	v5 =	vld [tilespmem:s4+$0x0];
	s4 =	sadd.s32 $0x12D80, s1  }
0x524: {  	v45 =	vadd.f32 v53, v63;
	v1 =	vmul.f32 v51, v13;
	v6 =	vunpack.i.l.bf16.f32 v48;
	s31 =	sor.u32 s11, s4  }
0x525: {  	s3 =	sadd.s32 $0x12E00, s1;
	v50 =	vmul.f32 v50, v13;
	v48 =	vunpack.i.u.bf16.f32 v48;
	v8 =	vld [tilespmem:s31+$0x0];
	v0 =	vmul.f32 v6, v39  }
0x526: {  	s2 =	sor.u32 s11, s3;
	v48 =	vmul.f32 v48, v39;
	v9 =	vunpack.i.u.bf16.f32 v11;
	v52 =	vunpack.i.l.bf16.f32 v11  }
0x527: {  	v10 =	vunpack.i.l.bf16.f32 v62;
	v11 =	vld [tilespmem:s2+$0x0];
	v54 =	vunpack.i.u.bf16.f32 v62;
	s2 =	sadd.s32 $0x12E80, s1;
	v52 =	vmul.f32 v52, v40  }
0x528: {  	v60 =	vunpack.i.l.bf16.f32 v5;
	v53 =	vmul.f32 v10, v41;
	v49 =	vmul.f32 v9, v40;
	s31 =	sor.u32 s11, s2  }
0x529: {  	s0 =	sadd.s32 $0x12F00, s1;
	v57 =	vunpack.i.u.bf16.f32 v5;
	v54 =	vmul.f32 v54, v41;
	v56 =	vmul.f32 v60, v39;
	v61 =	vld [tilespmem:s31+$0x0]  }
0x52a: {  	v63 =	vmul.f32 v57, v39;
	v62 =	vunpack.i.l.bf16.f32 v8;
	s31 =	sor.u32 s11, s0;
	v52 =	vadd.f32 v53, v52  }
0x52b: {  	v2 =	vunpack.i.u.bf16.f32 v8;
	v49 =	vadd.f32 v54, v49;
	v57 =	vld [tilespmem:s31+$0x0];
	v53 =	vmul.f32 v62, v38  }
0x52c: {  	s31 =	sor.u32 s5, s17;
	v2 =	vmul.f32 v2, v38;
	s17 =	sadd.s32 $0x12F80, s1;
	v52 =	vadd.f32 v56, v52;
	v4 =	vunpack.i.l.bf16.f32 v11  }
0x52d: {  	v59 =	vld [tilespmem:s31+$0x0];
	s31 =	sor.u32 s11, s17;
	v54 =	vadd.f32 v63, v49;
	v49 =	vadd.f32 v0, v7;
	v8 =	vunpack.i.u.bf16.f32 v11  }
0x52e: {  	v7 =	vld [tilespmem:s31+$0x0];
	v5 =	vmul.f32 v4, v37;
	v6 =	vadd.f32 v53, v52;
	v9 =	vunpack.i.l.bf16.f32 v61  }
0x52f: {  	v2 =	vadd.f32 v2, v54;
	v53 =	vmul.f32 v8, v37;
	v11 =	vunpack.i.u.bf16.f32 v61  }
0x530: {  	s31 =	sor.u32 s5, s12;
	s12 =	sadd.s32 $0x13000, s1;
	v10 =	vmul.f32 v9, v36;
	v60 =	vunpack.i.l.bf16.f32 v57;
	v51 =	vmul.f32 v11, v36  }
0x531: {  	v61 =	vld [tilespmem:s31+$0x0];
	s31 =	sor.u32 s11, s12;
	v57 =	vunpack.i.u.bf16.f32 v57;
	v0 =	vadd.f32 v5, v6;
	v2 =	vadd.f32 v53, v2  }
0x532: {  	v62 =	vld [tilespmem:s31+$0x0];
	s31 =	sld [smem:$0x7D8];
	v63 =	vunpack.i.u.bf16.f32 v59;
	v55 =	vmul.f32 v60, v35;
	v57 =	vmul.f32 v57, v35  }
0x533: {  	v5 =	vunpack.i.l.bf16.f32 v59;
	v4 =	vunpack.i.l.bf16.f32 v7;
	v52 =	vunpack.i.u.bf16.f32 v7  }
0x534: {  	v7 =	vmul.f32 v5, v14;
	v54 =	vmul.f32 v63, v14;
	v0 =	vadd.f32 v10, v0  }
0x535: {  	v2 =	vadd.f32 v51, v2;
	v51 =	vmul.f32 v4, v34;
	s31 =	sor.u32 s5, s31;
	v52 =	vmul.f32 v52, v34  }
0x536: {  	v6 =	vld [tilespmem:s31+$0x0];
	v8 =	vunpack.i.u.bf16.f32 v61;
	v1 =	vadd.f32 v7, v1;
	v50 =	vadd.f32 v54, v50  }
0x537: {  	s30 =	sor.u32 s5, s30;
	[tilespmem:$0x1FEF0] =	vst v13;
	v56 =	vunpack.i.l.bf16.f32 v61;
	v0 =	vadd.f32 v55, v0;
	v2 =	vadd.f32 v57, v2  }
0x538: {  	s21 =	sor.u32 s5, s21;
	v9 =	vunpack.i.l.bf16.f32 v62;
	v10 =	vld [tilespmem:s30+$0x0];
	[tilespmem:$0x1FF00] =	vst v14;
	v53 =	vunpack.i.u.bf16.f32 v62;
	v56 =	vmul.f32 v56, v15  }
0x539: {  	s15 =	sor.u32 s5, s15;
	v60 =	vmul.f32 v8, v15;
	v11 =	vld [tilespmem:s21+$0x0];
	v0 =	vadd.f32 v51, v0;
	v51 =	vmul.f32 v9, v33  }
0x53a: {  	s1 =	sadd.s32 $0x13080, s1;
	s31 =	sld [smem:$0x7D9];
	v53 =	vmul.f32 v53, v33;
	v62 =	vld [tilespmem:s15+$0x0];
	v2 =	vadd.f32 v52, v2;
	v1 =	vadd.f32 v56, v1  }
0x53b: {  	s21 =	sor.u32 s11, s1;
	v50 =	vadd.f32 v60, v50;
	v0 =	vadd.f32 v51, v0;
	v61 =	vunpack.i.l.bf16.f32 v6  }
0x53c: {  	v5 =	vld [tilespmem:s21+$0x0];
	s21 =	sld [smem:$0x7DA];
	v2 =	vadd.f32 v53, v2;
	v55 =	vunpack.i.u.bf16.f32 v6;
	v53 =	vmul.f32 v61, v16  }
0x53d: {  	s15 =	sor.u32 s5, s31;
	v63 =	vmul.f32 v55, v16;
	v4 =	vunpack.i.l.bf16.f32 v10;
	v52 =	vunpack.i.u.bf16.f32 v10  }
0x53e: {  	s31 =	sld [smem:$0x7DB];
	v8 =	vld [tilespmem:s15+$0x0];
	v6 =	vmul.f32 v4, v17;
	v52 =	vmul.f32 v52, v17;
	v7 =	vunpack.i.l.bf16.f32 v11  }
0x53f: {  	s15 =	sor.u32 s5, s21;
	s21 =	sld [smem:$0x7DC];
	v57 =	vunpack.i.u.bf16.f32 v11;
	v10 =	vunpack.i.l.bf16.f32 v62;
	v54 =	vunpack.i.u.bf16.f32 v62  }
0x540: {  	v11 =	vld [tilespmem:s15+$0x0];
	v1 =	vadd.f32 v53, v1;
	v50 =	vadd.f32 v63, v50;
	v51 =	vmul.f32 v7, v18  }
0x541: {  	s15 =	sor.u32 s22, s31;
	v9 =	vmul.f32 v57, v18;
	v60 =	vmul.f32 v10, v19;
	v61 =	vunpack.i.l.bf16.f32 v5  }
0x542: {  	v54 =	vmul.f32 v54, v19;
	v62 =	vld [tilespmem:s15+$0x0];
	s15 =	sor.u32 s5, s21;
	v1 =	vadd.f32 v6, v1;
	v50 =	vadd.f32 v52, v50  }
0x543: {  	v56 =	vunpack.i.u.bf16.f32 v5;
	v4 =	vunpack.i.u.bf16.f32 v8;
	v55 =	vunpack.i.l.bf16.f32 v8;
	v63 =	vld [tilespmem:s15+$0x0]  }
0x544: {  	s31 =	sld [smem:$0x7DD];
	v52 =	vmul.f32 v61, v42;
	v1 =	vadd.f32 v51, v1;
	v50 =	vadd.f32 v9, v50  }
0x545: {  	v55 =	vmul.f32 v55, v20;
	v5 =	vunpack.i.u.bf16.f32 v11;
	v57 =	vunpack.i.l.bf16.f32 v11  }
0x546: {  	v1 =	vadd.f32 v60, v1;
	v50 =	vadd.f32 v54, v50;
	v54 =	vmul.f32 v4, v20  }
0x547: {  	s21 =	sld [smem:$0x7DE];
	s15 =	sor.u32 s22, s31;
	v0 =	vadd.f32 v52, v0;
	v6 =	vmul.f32 v57, v21;
	v52 =	vmul.f32 v5, v21  }
0x548: {  	v7 =	vld [tilespmem:s15+$0x0];
	v9 =	vunpack.i.u.bf16.f32 v63;
	v1 =	vadd.f32 v55, v1;
	v50 =	vadd.f32 v54, v50  }
0x549: {  	v45 =	vadd.f32 v48, v45;
	s31 =	sld [smem:$0x7DF];
	v51 =	vunpack.i.l.bf16.f32 v63;
	v54 =	vmul.f32 v9, v22  }
0x54a: {  	s15 =	sor.u32 s22, s21;
	v51 =	vmul.f32 v51, v22;
	v1 =	vadd.f32 v6, v1;
	v50 =	vadd.f32 v52, v50  }
0x54b: {  	v56 =	vmul.f32 v56, v42;
	s21 =	sld [smem:$0x7E0];
	v8 =	vunpack.i.u.bf16.f32 v62;
	v10 =	vld [tilespmem:s15+$0x0];
	v53 =	vunpack.i.l.bf16.f32 v62  }
0x54c: {  	s15 =	sor.u32 s22, s31;
	v58 =	vmul.f32 v53, v38;
	v1 =	vadd.f32 v51, v1;
	v50 =	vadd.f32 v54, v50  }
0x54d: {  	v2 =	vadd.f32 v56, v2;
	v11 =	vmul.f32 v8, v38;
	v57 =	vld [tilespmem:s15+$0x0];
	v59 =	vunpack.i.l.bf16.f32 v7  }
0x54e: {  	s31 =	sor.u32 s5, s25;
	s15 =	sor.u32 s22, s21;
	v60 =	vunpack.i.u.bf16.f32 v7;
	v62 =	vadd.f32 v58, v49;
	v1 =	vpack.i.f32.bf16 v50, v1  }
0x54f: {  	s25 =	sor.u32 s5, s28;
	v61 =	vld [tilespmem:s15+$0x0];
	v45 =	vadd.f32 v11, v45;
	v53 =	vmul.f32 v59, v37;
	v63 =	vmul.f32 v60, v37;
	[tilespmem:s31+$0x0] =	vst v1  }
0x550: {  	s26 =	sor.u32 s5, s26;
	v0 =	vpack.i.f32.bf16 v2, v0;
	v5 =	vunpack.i.u.bf16.f32 v10;
	v52 =	vunpack.i.l.bf16.f32 v10;
	v4 =	vld [tilespmem:s25+$0x0]  }
0x551: {  	s14 =	sor.u32 s5, s14;
	v45 =	vadd.f32 v63, v45;
	v7 =	vmul.f32 v52, v36;
	v1 =	vadd.f32 v53, v62;
	v6 =	vld [tilespmem:s26+$0x0]  }
0x552: {  	s15 =	sor.u32 s5, s16;
	v2 =	vmul.f32 v5, v36;
	v8 =	vunpack.i.u.bf16.f32 v57;
	v51 =	vunpack.i.l.bf16.f32 v57;
	s31 =	sor.u32 s5, s18;
	v9 =	vld [tilespmem:s14+$0x0];
	s16 =	sld [smem:$0x7E1]  }
0x553: {  	v11 =	vmul.f32 v8, v35;
	v10 =	vmul.f32 v51, v35;
	v60 =	vld [tilespmem:s31+$0x0];
	v1 =	vadd.f32 v7, v1  }
0x554: {  	v2 =	vadd.f32 v2, v45;
	v59 =	vunpack.i.u.bf16.f32 v61;
	v50 =	vunpack.i.l.bf16.f32 v61  }
0x555: {  	v48 =	vmul.f32 v59, v34;
	v50 =	vmul.f32 v50, v34;
	s18 =	sld [smem:$0x7E2];
	v1 =	vadd.f32 v10, v1;
	s14 =	sadd.s32 $0x15E80, s16  }
0x556: {  	s30 =	sor.u32 s19, s14;
	s19 =	sld [smem:$0x7E3];
	v61 =	vunpack.i.u.bf16.f32 v4;
	v49 =	vunpack.i.l.bf16.f32 v4;
	v62 =	vunpack.i.l.bf16.f32 v6  }
0x557: {  	v63 =	vld [tilespmem:s15+$0x0];
	s25 =	sld [smem:$0x7E5];
	v54 =	vunpack.i.u.bf16.f32 v6;
	v4 =	vunpack.i.l.bf16.f32 v9;
	v53 =	vunpack.i.u.bf16.f32 v9  }
0x558: {  	s15 =	sor.u32 s22, s18;
	v9 =	vunpack.i.u.bf16.f32 v60;
	v49 =	vmul.f32 v49, v23;
	v55 =	vmul.f32 v62, v24  }
0x559: {  	s26 =	sld [smem:$0x7E6];
	v5 =	vld [tilespmem:s15+$0x0];
	v45 =	vunpack.i.l.bf16.f32 v60;
	v52 =	vmul.f32 v61, v23;
	v54 =	vmul.f32 v54, v24;
	s15 =	sor.u32 s5, s19  }
0x55a: {  	s16 =	sor.u32 s5, s25;
	v51 =	vadd.f32 v50, v1;
	v57 =	vmul.f32 v4, v25;
	v55 =	vadd.f32 v55, v49;
	v8 =	vld [tilespmem:s15+$0x0]  }
0x55b: {  	s13 =	sor.u32 s5, s13;
	s10 =	sor.u32 s5, s10;
	s9 =	sor.u32 s5, s9;
	v6 =	vmul.f32 v53, v25;
	v49 =	vadd.f32 v11, v2;
	v7 =	vadd.f32 v54, v52;
	v11 =	vld [tilespmem:s16+$0x0]  }
0x55c: {  	s28 =	sor.u32 s5, s6;
	s21 =	sld [smem:$0x7E4];
	s18 =	sor.u32 s22, s26;
	v60 =	vunpack.i.u.bf16.f32 v63;
	v45 =	vmul.f32 v45, v26;
	v61 =	vunpack.i.l.bf16.f32 v63  }
0x55d: {  	s26 =	sor.u32 s5, s29;
	s29 =	sor.u32 s5, s8;
	s25 =	sor.u32 s5, s7;
	v52 =	vmul.f32 v9, v26;
	v10 =	vadd.f32 v57, v55;
	v2 =	vadd.f32 v6, v7  }
0x55e: {  	s7 =	sor.u32 s5, s2;
	s14 =	sor.u32 s20, s14;
	v1 =	vmul.f32 v60, v27;
	v53 =	vld [tilespmem:s13+$0x0];
	s13 =	sor.u32 s5, s0;
	v56 =	vmul.f32 v61, v27;
	v50 =	vunpack.i.u.bf16.f32 v5  }
0x55f: {  	s15 =	sadd.s32 $0x15E80, s21;
	s21 =	sadd.s32 $0x15E80, s24;
	s24 =	sor.u32 s5, s1;
	v55 =	vadd.f32 v45, v10;
	v2 =	vadd.f32 v52, v2;
	v52 =	vunpack.i.l.bf16.f32 v5  }
0x560: {  	[tilespmem:s14+$0x0] =	vst v47;
	v47 =	vld [tilespmem:s10+$0x0];
	s20 =	sor.u32 s22, s15;
	s31 =	sor.u32 s23, s15;
	s22 =	sor.u32 s5, s4;
	v62 =	vunpack.i.u.bf16.f32 v8;
	v54 =	vunpack.i.l.bf16.f32 v8;
	v63 =	vunpack.i.u.bf16.f32 v11  }
0x561: {  	s15 =	sor.u32 s5, s3;
	s23 =	sor.u32 s5, s12;
	[tilespmem:s31+$0x0] =	vst v46;
	s31 =	sor.u32 s11, s21;
	v46 =	vld [tilespmem:s9+$0x0];
	v59 =	vunpack.i.l.bf16.f32 v11;
	v56 =	vadd.f32 v56, v55;
	v55 =	vmul.f32 v62, v28  }
0x562: {  	s1 =	sor.u32 s5, s21;
	s21 =	simm.s32 $0x4;
	[tilespmem:s31+$0x0] =	vst v0;
	v45 =	vld [tilespmem:s18+$0x0];
	s18 =	sor.u32 s5, s17;
	v57 =	vadd.f32 v1, v2;
	v58 =	vmul.f32 v54, v28;
	v54 =	vmul.f32 v63, v29  }
.LBB2_9:
0x563: {  	s21 =	sadd.s32 $0x2, s21;
	s2 =	rddreg [dreg:$0x6]  }
0x564: {  	s0 =	sshll.u32 s21, $0x7;
	s2 =	sadd.s32 $0x20, s2  }
0x565: {  	[dreg:$0x6] =	wrdreg s2;
	s5 =	sand.u32 $0x60, s2;
	s2 =	sand.u32 $0x3FFFFC00, s0  }
0x566: {  	s0 =	sadd.s32 $0xAD00, s2;
	s11 =	sor.u32 $0x10, s5  }
0x567: {  	s3 =	sor.u32 s5, s0;
	s0 =	sor.u32 s11, s0  }
0x568: {  	v1 =	vmul.f32 v59, v29;
	v0 =	vadd.f32 v58, v56;
	v55 =	vadd.f32 v55, v57;
	s6 =	sadd.s32 $0xAD80, s2;
	s17 =	sadd.s32 $0xAE00, s2;
	v5 =	vld [tilespmem:s0+$0x0]  }
0x569: {  	v49 =	vadd.f32 v48, v49;
	v2 =	vunpack.i.u.bf16.f32 v53;
	v58 =	vunpack.i.l.bf16.f32 v53;
	s8 =	sor.u32 s5, s6;
	s16 =	sor.u32 s11, s6;
	s6 =	sor.u32 s11, s17;
	v53 =	vld [tilespmem:s3+$0x0]  }
0x56a: {  	v0 =	vadd.f32 v1, v0;
	v54 =	vadd.f32 v54, v55;
	v55 =	vld [tilespmem:s6+$0x0]  }
0x56b: {  	s12 =	sadd.s32 $0xAF80, s2;
	v60 =	vunpack.i.u.bf16.f32 v47;
	v4 =	vunpack.i.u.bf16.f32 v46;
	v59 =	vmul.f32 v58, v30;
	v1 =	vld [tilespmem:s8+$0x0]  }
0x56c: {  	v61 =	vunpack.i.l.bf16.f32 v47;
	s19 =	sor.u32 s5, s17;
	s17 =	sor.u32 s11, s12;
	v2 =	vmul.f32 v2, v30;
	v47 =	vmul.f32 v4, v31;
	v4 =	vld [tilespmem:$0x1FE50]  }
0x56d: {  	v6 =	vunpack.i.l.bf16.f32 v46;
	v63 =	vmul.f32 v61, v32;
	v56 =	vld [tilespmem:s17+$0x0];
	v0 =	vadd.f32 v59, v0  }
0x56e: {  	v62 =	vmul.f32 v60, v32;
	v7 =	vmul.f32 v6, v31;
	v6 =	vld [tilespmem:$0x1FE70];
	v2 =	vadd.f32 v2, v54  }
0x56f: {  	v8 =	vmul.f32 v52, v33;
	v9 =	vmul.f32 v50, v33;
	s31 =	sadd.s32 $0xAE80, s2;
	v54 =	vld [tilespmem:s16+$0x0];
	v0 =	vadd.f32 v63, v0  }
0x570: {  	s4 =	sadd.s32 $0xAF00, s2;
	s3 =	sor.u32 s11, s31;
	v2 =	vadd.f32 v62, v2;
	v61 =	vunpack.i.u.bf16.f32 v5;
	v62 =	vunpack.i.l.bf16.f32 v5;
	v5 =	vld [tilespmem:$0x1FE60]  }
0x571: {  	v10 =	vunpack.i.u.bf16.f32 v45;
	v11 =	vunpack.i.l.bf16.f32 v45;
	s6 =	sor.u32 s11, s4;
	v60 =	vpack.i.f32.bf16 v44, v43;
	v57 =	vld [tilespmem:s3+$0x0]  }
0x572: {  	v48 =	vmul.f32 v11, v42;
	v45 =	vadd.f32 v8, v51;
	s9 =	sor.u32 s5, s31;
	v51 =	vld [tilespmem:s6+$0x0];
	[tilespmem:s30+$0x0] =	vst v60;
	v46 =	vadd.f32 v7, v0  }
0x573: {  	v58 =	vld [tilespmem:s9+$0x0];
	v50 =	vadd.f32 v47, v2;
	v47 =	vadd.f32 v9, v49;
	v49 =	vmul.f32 v10, v42  }
0x574: {  	v43 =	vmul.f32 v62, v4;
	v2 =	vmul.f32 v61, v4;
	v7 =	vld [tilespmem:$0x1FE80];
	v8 =	vunpack.i.l.bf16.f32 v54  }
0x575: {  	v0 =	vld [tilespmem:s19+$0x0];
	v9 =	vunpack.i.l.bf16.f32 v55;
	v63 =	vunpack.i.u.bf16.f32 v54;
	v52 =	vmul.f32 v8, v5  }
0x576: {  	s19 =	sadd.s32 $0xB000, s2;
	v55 =	vunpack.i.u.bf16.f32 v55;
	v10 =	vunpack.i.l.bf16.f32 v57;
	v44 =	vmul.f32 v63, v5;
	v8 =	vld [tilespmem:$0x1FE90]  }
0x577: {  	v59 =	vunpack.i.l.bf16.f32 v51;
	v54 =	vmul.f32 v9, v6;
	s6 =	sor.u32 s11, s19;
	v9 =	vld [tilespmem:$0x1FEA0];
	v43 =	vadd.f32 v52, v43  }
0x578: {  	s31 =	sadd.s32 $0xB080, s2;
	v51 =	vunpack.i.u.bf16.f32 v51;
	v11 =	vmul.f32 v55, v6;
	v55 =	vld [tilespmem:s6+$0x0];
	v2 =	vadd.f32 v44, v2  }
0x579: {  	s8 =	sor.u32 s11, s31;
	v63 =	vunpack.i.u.bf16.f32 v57;
	v57 =	vmul.f32 v10, v7;
	v10 =	vld [tilespmem:$0x1FEB0];
	v43 =	vadd.f32 v54, v43  }
0x57a: {  	s9 =	sadd.s32 $0xCD00, s2;
	v3 =	vmul.f32 v63, v7;
	v63 =	vunpack.i.l.bf16.f32 v56;
	v2 =	vadd.f32 v11, v2;
	v54 =	vld [tilespmem:s8+$0x0]  }
0x57b: {  	s14 =	smov.u32 s1;
	s16 =	sor.u32 s5, s12;
	s12 =	sor.u32 s11, s9;
	v56 =	vunpack.i.u.bf16.f32 v56;
	v11 =	vld [tilespmem:$0x1FEC0];
	v52 =	vmul.f32 v59, v8;
	v43 =	vadd.f32 v57, v43  }
0x57c: {  	[dreg:$0x8] =	wrdreg s14;
	s14 =	sadd.s32 $0xCD80, s2;
	v56 =	vmul.f32 v56, v9;
	v2 =	vadd.f32 v3, v2;
	v3 =	vmul.f32 v51, v8;
	v57 =	vld [tilespmem:s12+$0x0]  }
0x57d: {  	v12 =	vld [tilespmem:$0x1FED0];
	s17 =	sor.u32 s11, s14;
	v62 =	vunpack.i.l.bf16.f32 v55;
	v59 =	vmul.f32 v63, v9;
	v43 =	vadd.f32 v52, v43  }
0x57e: {  	v55 =	vunpack.i.u.bf16.f32 v55;
	v63 =	vld [tilespmem:s17+$0x0];
	v62 =	vmul.f32 v62, v10;
	v2 =	vadd.f32 v3, v2  }
0x57f: {  	v55 =	vmul.f32 v55, v10;
	v3 =	vunpack.i.l.bf16.f32 v54;
	v59 =	vadd.f32 v59, v43  }
0x580: {  	v13 =	vld [tilespmem:$0x1FEE0];
	v54 =	vunpack.i.u.bf16.f32 v54;
	v2 =	vadd.f32 v56, v2;
	v3 =	vmul.f32 v3, v11  }
0x581: {  	v54 =	vmul.f32 v54, v11;
	v56 =	vunpack.i.l.bf16.f32 v57;
	v59 =	vadd.f32 v62, v59  }
0x582: {  	v2 =	vadd.f32 v55, v2;
	v62 =	vunpack.i.u.bf16.f32 v57;
	v56 =	vmul.f32 v56, v12  }
0x583: {  	v57 =	vunpack.i.l.bf16.f32 v63;
	v55 =	vunpack.i.u.bf16.f32 v53;
	v53 =	vunpack.i.l.bf16.f32 v53  }
0x584: {  	v62 =	vmul.f32 v62, v12;
	v3 =	vadd.f32 v3, v59;
	v2 =	vadd.f32 v54, v2  }
0x585: {  	s10 =	sor.u32 s5, s4;
	v63 =	vunpack.i.u.bf16.f32 v63;
	v57 =	vmul.f32 v57, v13;
	v53 =	vmul.f32 v53, v4  }
0x586: {  	v60 =	vld [tilespmem:s10+$0x0];
	v54 =	vmul.f32 v55, v4;
	v3 =	vadd.f32 v56, v3;
	v2 =	vadd.f32 v62, v2  }
0x587: {  	s10 =	sor.u32 s5, s9;
	v61 =	vld [tilespmem:s16+$0x0];
	v62 =	vmul.f32 v63, v13;
	v63 =	vunpack.i.u.bf16.f32 v1;
	v1 =	vunpack.i.l.bf16.f32 v1  }
0x588: {  	s4 =	smov.u32 s20;
	s20 =	sor.u32 s5, s19;
	s19 =	sshll.u32 s21, $0x6;
	v44 =	vld [tilespmem:s10+$0x0];
	v1 =	vmul.f32 v1, v5;
	v56 =	vmul.f32 v63, v5;
	v3 =	vadd.f32 v57, v3  }
0x589: {  	[dreg:$0x9] =	wrdreg s4;
	s4 =	sor.u32 s5, s31;
	s1 =	sand.u32 $0x3FFFFE00, s19;
	v51 =	vld [tilespmem:s20+$0x0];
	v2 =	vadd.f32 v62, v2;
	v62 =	vunpack.i.u.bf16.f32 v0;
	v0 =	vunpack.i.l.bf16.f32 v0  }
0x58a: {  	s0 =	sadd.s32 $0x15D00, s1;
	v52 =	vld [tilespmem:s4+$0x0];
	v0 =	vmul.f32 v0, v6;
	v63 =	vmul.f32 v62, v6;
	v6 =	vadd.f32 v56, v54  }
0x58b: {  	s20 =	sadd.s32 $0xCE00, s2;
	s4 =	sor.u32 s5, s0;
	s0 =	sor.u32 s11, s0;
	v59 =	vunpack.i.l.bf16.f32 v58;
	v4 =	vld [tilespmem:$0x1FEF0];
	v5 =	vunpack.i.l.bf16.f32 v60;
	v2 =	vpack.i.f32.bf16 v2, v3  }
0x58c: {  	s31 =	sadd.s32 $0xCE80, s2;
	s3 =	sor.u32 s11, s20;
	v1 =	vadd.f32 v1, v53;
	[tilespmem:s0+$0x0] =	vst v2;
	v2 =	vadd.f32 v63, v6;
	v6 =	vmul.f32 v5, v8;
	v5 =	vld [tilespmem:$0x1FF00]  }
0x58d: {  	s10 =	sadd.s32 $0xCF80, s2;
	s8 =	sor.u32 s11, s31;
	v57 =	vunpack.i.u.bf16.f32 v58;
	v62 =	vmul.f32 v59, v7;
	v55 =	vld [tilespmem:s3+$0x0]  }
0x58e: {  	s9 =	sadd.s32 $0xCF00, s2;
	v53 =	vmul.f32 v57, v7;
	v0 =	vadd.f32 v0, v1;
	v63 =	vunpack.i.u.bf16.f32 v60;
	s0 =	sor.u32 s11, s10;
	v54 =	vld [tilespmem:s8+$0x0]  }
0x58f: {  	v7 =	vunpack.i.u.bf16.f32 v61;
	s3 =	sor.u32 s11, s9;
	v3 =	vmul.f32 v63, v8;
	v58 =	vld [tilespmem:s0+$0x0]  }
0x590: {  	s16 =	sor.u32 s5, s14;
	v8 =	vunpack.i.l.bf16.f32 v61;
	v0 =	vadd.f32 v62, v0;
	v56 =	vld [tilespmem:s3+$0x0];
	v2 =	vadd.f32 v53, v2  }
0x591: {  	v43 =	vld [tilespmem:s16+$0x0];
	s16 =	sadd.s32 $0xD000, s2;
	v1 =	vmul.f32 v8, v9;
	v53 =	vmul.f32 v7, v9  }
0x592: {  	s17 =	sor.u32 s11, s16;
	v0 =	vadd.f32 v6, v0;
	v2 =	vadd.f32 v3, v2;
	v9 =	vunpack.i.u.bf16.f32 v55  }
0x593: {  	s19 =	sadd.s32 $0xD080, s2;
	v60 =	vld [tilespmem:s17+$0x0];
	v55 =	vunpack.i.l.bf16.f32 v55;
	v8 =	vunpack.i.u.bf16.f32 v54;
	v54 =	vunpack.i.l.bf16.f32 v54  }
0x594: {  	s3 =	sor.u32 s11, s19;
	v6 =	vunpack.i.l.bf16.f32 v58;
	v55 =	vmul.f32 v55, v4;
	v57 =	vmul.f32 v9, v4  }
0x595: {  	s14 =	sor.u32 s5, s20;
	s20 =	sadd.s32 $0xED00, s2;
	v62 =	vld [tilespmem:s3+$0x0];
	v54 =	vmul.f32 v54, v5;
	v59 =	vmul.f32 v8, v5;
	v9 =	vunpack.i.l.bf16.f32 v56  }
0x596: {  	s8 =	sor.u32 s11, s20;
	v58 =	vunpack.i.u.bf16.f32 v58;
	v56 =	vunpack.i.u.bf16.f32 v56;
	v61 =	vmul.f32 v9, v15  }
0x597: {  	s30 =	sor.u32 s5, s31;
	s31 =	sor.u32 s5, s9;
	s9 =	sadd.s32 $0xED80, s2;
	v56 =	vmul.f32 v56, v15;
	v54 =	vadd.f32 v54, v55;
	v7 =	vadd.f32 v59, v57;
	v57 =	vld [tilespmem:s8+$0x0]  }
0x598: {  	s12 =	sor.u32 s5, s10;
	s10 =	sor.u32 s11, s9;
	v8 =	vmul.f32 v6, v16;
	v6 =	vmul.f32 v58, v16;
	v9 =	vunpack.i.l.bf16.f32 v60  }
0x599: {  	v58 =	vld [tilespmem:s10+$0x0];
	v60 =	vunpack.i.u.bf16.f32 v60;
	v54 =	vadd.f32 v61, v54;
	v55 =	vadd.f32 v56, v7  }
0x59a: {  	s6 =	sor.u32 s5, s16;
	s16 =	sadd.s32 $0xEE00, s2;
	s17 =	sor.u32 s5, s20;
	v61 =	vmul.f32 v9, v17;
	v7 =	vunpack.i.l.bf16.f32 v62;
	v9 =	vunpack.i.u.bf16.f32 v62  }
0x59b: {  	s20 =	sor.u32 s5, s9;
	s9 =	sadd.s32 $0xEE80, s2;
	s8 =	sor.u32 s11, s16;
	v54 =	vadd.f32 v8, v54;
	v55 =	vadd.f32 v6, v55;
	v8 =	vmul.f32 v60, v17  }
0x59c: {  	v59 =	vld [tilespmem:s8+$0x0];
	s8 =	sor.u32 s11, s9;
	v6 =	vmul.f32 v7, v18;
	v7 =	vunpack.i.l.bf16.f32 v57;
	v57 =	vunpack.i.u.bf16.f32 v57  }
0x59d: {  	v60 =	vld [tilespmem:s8+$0x0];
	v54 =	vadd.f32 v61, v54;
	v55 =	vadd.f32 v8, v55;
	v8 =	vmul.f32 v9, v18  }
0x59e: {  	v61 =	vmul.f32 v7, v19;
	v9 =	vunpack.i.l.bf16.f32 v58;
	v7 =	vunpack.i.u.bf16.f32 v58  }
0x59f: {  	v54 =	vadd.f32 v6, v54;
	v55 =	vadd.f32 v8, v55;
	v6 =	vmul.f32 v57, v19  }
0x5a0: {  	v62 =	vunpack.i.u.bf16.f32 v51;
	v58 =	vmul.f32 v9, v20;
	v9 =	vmul.f32 v7, v20  }
0x5a1: {  	v8 =	vunpack.i.l.bf16.f32 v59;
	v54 =	vadd.f32 v61, v54;
	v55 =	vadd.f32 v6, v55  }
0x5a2: {  	v7 =	vmul.f32 v8, v21;
	v8 =	vunpack.i.l.bf16.f32 v60;
	v6 =	vunpack.i.u.bf16.f32 v59  }
0x5a3: {  	v54 =	vadd.f32 v58, v54;
	v55 =	vadd.f32 v9, v55;
	v9 =	vmul.f32 v6, v21  }
0x5a4: {  	v51 =	vunpack.i.l.bf16.f32 v51;
	v60 =	vunpack.i.u.bf16.f32 v60;
	v61 =	vmul.f32 v8, v22  }
0x5a5: {  	v3 =	vmul.f32 v60, v22;
	v54 =	vadd.f32 v7, v54;
	v55 =	vadd.f32 v9, v55  }
0x5a6: {  	v0 =	vadd.f32 v1, v0;
	v2 =	vadd.f32 v53, v2;
	v51 =	vmul.f32 v51, v10  }
0x5a7: {  	s0 =	sor.u32 s5, s19;
	v1 =	vmul.f32 v62, v10;
	s8 =	sadd.s32 $0x15D80, s1;
	v54 =	vadd.f32 v61, v54;
	v3 =	vadd.f32 v3, v55  }
0x5a8: {  	v63 =	vunpack.i.u.bf16.f32 v52;
	s19 =	sor.u32 s5, s16;
	s16 =	sadd.s32 $0xEF00, s2;
	v0 =	vadd.f32 v51, v0;
	s10 =	sor.u32 s5, s8;
	v6 =	vunpack.i.l.bf16.f32 v52  }
0x5a9: {  	s8 =	sor.u32 s11, s8;
	v1 =	vadd.f32 v1, v2;
	[dreg:$0xa] =	wrdreg s10;
	s10 =	sor.u32 s5, s16;
	v7 =	vmul.f32 v6, v11;
	v3 =	vpack.i.f32.bf16 v3, v54  }
0x5aa: {  	[dreg:$0xb] =	wrdreg s10;
	s10 =	sadd.s32 $0xEF80, s2;
	v8 =	vmul.f32 v63, v11;
	v9 =	vunpack.i.u.bf16.f32 v44;
	v44 =	vunpack.i.l.bf16.f32 v44;
	[tilespmem:s8+$0x0] =	vst v3;
	s8 =	sor.u32 s11, s16  }
0x5ab: {  	v10 =	vunpack.i.u.bf16.f32 v43;
	v57 =	vmul.f32 v44, v12;
	v0 =	vadd.f32 v7, v0;
	s16 =	sor.u32 s5, s10;
	s10 =	sor.u32 s11, s10;
	v11 =	vld [tilespmem:s8+$0x0]  }
0x5ac: {  	v43 =	vunpack.i.l.bf16.f32 v43;
	v1 =	vadd.f32 v8, v1;
	v3 =	vmul.f32 v9, v12;
	[dreg:$0xc] =	wrdreg s16;
	s16 =	sadd.s32 $0xF000, s2;
	v58 =	vld [tilespmem:s10+$0x0]  }
0x5ad: {  	s3 =	sor.u32 s5, s9;
	v59 =	vmul.f32 v43, v13;
	v0 =	vadd.f32 v57, v0;
	s8 =	sadd.s32 $0xF080, s2;
	s9 =	sor.u32 s11, s16  }
0x5ae: {  	v43 =	vadd.f32 v48, v45;
	v52 =	vmul.f32 v10, v13;
	s10 =	sor.u32 s5, s16;
	s16 =	sor.u32 s5, s8;
	s8 =	sor.u32 s11, s8;
	v1 =	vadd.f32 v3, v1;
	v60 =	vld [tilespmem:s9+$0x0]  }
0x5af: {  	v44 =	vadd.f32 v49, v47;
	v61 =	vpack.i.f32.bf16 v50, v46;
	v0 =	vadd.f32 v59, v0;
	[dreg:$0x10] =	wrdreg s16;
	s16 =	sadd.s32 $0x10D00, s2;
	v62 =	vld [tilespmem:s8+$0x0]  }
0x5b0: {  	[dreg:$0xf] =	wrdreg s10;
	s10 =	sor.u32 s11, s16;
	v1 =	vadd.f32 v52, v1;
	v63 =	vunpack.i.u.bf16.f32 v11;
	v6 =	vunpack.i.l.bf16.f32 v11  }
0x5b1: {  	[tilespmem:s26+$0x0] =	vst v61;
	s26 =	sor.u32 s5, s16;
	s16 =	sadd.s32 $0x10D80, s2;
	v8 =	vld [tilespmem:s10+$0x0];
	v7 =	vunpack.i.u.bf16.f32 v58;
	v9 =	vunpack.i.l.bf16.f32 v58;
	v46 =	vmul.f32 v6, v23  }
0x5b2: {  	s9 =	sor.u32 s11, s16;
	v0 =	vpack.i.f32.bf16 v1, v0;
	v45 =	vmul.f32 v63, v23;
	v49 =	vmul.f32 v9, v24  }
0x5b3: {  	v11 =	vld [tilespmem:s9+$0x0];
	v47 =	vmul.f32 v7, v24;
	v10 =	vunpack.i.l.bf16.f32 v60;
	v54 =	vunpack.i.u.bf16.f32 v60  }
0x5b4: {  	v2 =	vld [tilespmem:s29+$0x0];
	s10 =	sadd.s32 $0x10E00, s2;
	v60 =	vunpack.i.l.bf16.f32 v62;
	v3 =	vunpack.i.u.bf16.f32 v62;
	v50 =	vmul.f32 v10, v25  }
0x5b5: {  	v51 =	vld [tilespmem:s25+$0x0];
	s9 =	sor.u32 s11, s10;
	v46 =	vadd.f32 v49, v46;
	v45 =	vadd.f32 v47, v45;
	v61 =	vmul.f32 v54, v25  }
0x5b6: {  	[dreg:$0x13] =	wrdreg s26;
	s26 =	sor.u32 s5, s16;
	s16 =	sadd.s32 $0x10E80, s2;
	v54 =	vld [tilespmem:s9+$0x0];
	v62 =	vmul.f32 v60, v26;
	v3 =	vmul.f32 v3, v26;
	v63 =	vunpack.i.l.bf16.f32 v8  }
0x5b7: {  	s8 =	sor.u32 s5, s10;
	s10 =	sor.u32 s11, s16;
	v6 =	vunpack.i.u.bf16.f32 v8;
	v46 =	vadd.f32 v50, v46;
	v45 =	vadd.f32 v61, v45  }
0x5b8: {  	v58 =	vld [tilespmem:s10+$0x0];
	s9 =	sor.u32 s5, s16;
	s16 =	sadd.s32 $0x10F00, s2;
	v7 =	vmul.f32 v63, v27;
	v8 =	vunpack.i.l.bf16.f32 v11;
	v9 =	vmul.f32 v6, v27  }
0x5b9: {  	v57 =	vld [tilespmem:s22+$0x0];
	s10 =	sor.u32 s5, s16;
	s16 =	sor.u32 s11, s16;
	v10 =	vunpack.i.u.bf16.f32 v11;
	v61 =	vunpack.i.u.bf16.f32 v2;
	v2 =	vunpack.i.l.bf16.f32 v2  }
0x5ba: {  	s22 =	sadd.s32 $0x10F80, s2;
	v59 =	vld [tilespmem:s16+$0x0];
	v63 =	vunpack.i.u.bf16.f32 v51;
	v46 =	vadd.f32 v62, v46;
	v3 =	vadd.f32 v3, v45  }
0x5bb: {  	v48 =	vld [tilespmem:s15+$0x0];
	s15 =	sor.u32 s11, s22;
	v51 =	vunpack.i.l.bf16.f32 v51;
	v11 =	vmul.f32 v8, v28;
	v6 =	vunpack.i.l.bf16.f32 v54  }
0x5bc: {  	v60 =	vld [tilespmem:s15+$0x0];
	v46 =	vadd.f32 v7, v46;
	v3 =	vadd.f32 v9, v3;
	v7 =	vmul.f32 v10, v28  }
0x5bd: {  	v56 =	vld [tilespmem:s28+$0x0];
	v8 =	vunpack.i.u.bf16.f32 v54;
	v9 =	vmul.f32 v6, v29;
	v10 =	vunpack.i.l.bf16.f32 v58  }
0x5be: {  	v49 =	vld [tilespmem:s7+$0x0];
	v53 =	vadd.f32 v11, v46;
	v3 =	vadd.f32 v7, v3;
	v11 =	vmul.f32 v8, v29  }
0x5bf: {  	v47 =	vld [tilespmem:s18+$0x0];
	v58 =	vunpack.i.u.bf16.f32 v58;
	v55 =	vmul.f32 v10, v30;
	v6 =	vunpack.i.l.bf16.f32 v59  }
0x5c0: {  	v50 =	vld [tilespmem:s13+$0x0];
	v7 =	vmul.f32 v58, v30;
	v53 =	vadd.f32 v9, v53;
	v3 =	vadd.f32 v11, v3  }
0x5c1: {  	v45 =	vld [tilespmem:s24+$0x0];
	v10 =	vunpack.i.l.bf16.f32 v60;
	v8 =	vunpack.i.u.bf16.f32 v59;
	v9 =	vmul.f32 v6, v32  }
0x5c2: {  	v46 =	vld [tilespmem:s23+$0x0];
	[tilespmem:s4+$0x0] =	vst v0;
	v11 =	vmul.f32 v8, v32;
	v53 =	vadd.f32 v55, v53;
	v3 =	vadd.f32 v7, v3  }
0x5c3: {  	v2 =	vmul.f32 v2, v40;
	v58 =	vunpack.i.u.bf16.f32 v60;
	v60 =	vmul.f32 v10, v31;
	v54 =	vld [tilespmem:s14+$0x0]  }
0x5c4: {  	v52 =	vmul.f32 v58, v31;
	v53 =	vadd.f32 v9, v53;
	v3 =	vadd.f32 v11, v3  }
0x5c5: {  	v1 =	vmul.f32 v61, v40;
	v58 =	vld [tilespmem:s30+$0x0];
	v6 =	vmul.f32 v51, v41  }
0x5c6: {  	v8 =	vunpack.i.u.bf16.f32 v56;
	v62 =	vadd.f32 v60, v53;
	v3 =	vadd.f32 v52, v3  }
0x5c7: {  	s24 =	sadd.s32 $0x15E00, s1;
	v10 =	vunpack.i.u.bf16.f32 v57;
	v59 =	vld [tilespmem:s31+$0x0];
	v7 =	vmul.f32 v63, v41;
	v55 =	vmul.f32 v8, v39  }
0x5c8: {  	s25 =	sadd.s32 $0x11000, s2;
	s4 =	sor.u32 s11, s24;
	v9 =	vunpack.i.l.bf16.f32 v56;
	v63 =	vunpack.i.u.bf16.f32 v54;
	v0 =	vpack.i.f32.bf16 v3, v62  }
0x5c9: {  	s7 =	sor.u32 s11, s25;
	s31 =	sadd.s32 $0x11080, s2;
	v2 =	vadd.f32 v6, v2;
	v62 =	vmul.f32 v9, v39;
	[tilespmem:s4+$0x0] =	vst v0;
	v0 =	vmul.f32 v63, v4;
	v63 =	vld [tilespmem:s6+$0x0]  }
0x5ca: {  	s14 =	sor.u32 s11, s31;
	v6 =	vunpack.i.l.bf16.f32 v54;
	v52 =	vadd.f32 v7, v1;
	v7 =	vunpack.i.u.bf16.f32 v58;
	v11 =	vld [tilespmem:s7+$0x0]  }
0x5cb: {  	s15 =	sadd.s32 $0x12D00, s2;
	v8 =	vunpack.i.l.bf16.f32 v58;
	v3 =	vld [tilespmem:s14+$0x0];
	v54 =	vadd.f32 v62, v2;
	v2 =	vmul.f32 v7, v5  }
0x5cc: {  	s18 =	sadd.s32 $0x12D80, s2;
	v53 =	vunpack.i.l.bf16.f32 v57;
	v1 =	vmul.f32 v6, v4;
	v9 =	vunpack.i.u.bf16.f32 v59;
	s7 =	sor.u32 s11, s15  }
0x5cd: {  	v57 =	vmul.f32 v8, v5;
	s4 =	sor.u32 s11, s18;
	v61 =	vmul.f32 v9, v15;
	v58 =	vld [tilespmem:s7+$0x0];
	v0 =	vadd.f32 v2, v0  }
0x5ce: {  	s23 =	sadd.s32 $0x12E00, s2;
	v51 =	vmul.f32 v10, v38;
	v59 =	vunpack.i.l.bf16.f32 v59;
	v62 =	vld [tilespmem:s4+$0x0]  }
0x5cf: {  	[dreg:$0x14] =	wrdreg s26;
	s26 =	sor.u32 s5, s24;
	s24 =	sor.u32 s11, s23;
	v1 =	vadd.f32 v57, v1;
	v0 =	vadd.f32 v61, v0;
	v61 =	vunpack.i.l.bf16.f32 v63  }
0x5d0: {  	s29 =	sor.u32 s5, s25;
	s25 =	sor.u32 s5, s31;
	s31 =	sadd.s32 $0x12E80, s2;
	v6 =	vld [tilespmem:s24+$0x0];
	v10 =	vunpack.i.u.bf16.f32 v11;
	v60 =	vunpack.i.l.bf16.f32 v11;
	v11 =	vunpack.i.u.bf16.f32 v3  }
0x5d1: {  	s6 =	sor.u32 s11, s31;
	v3 =	vunpack.i.l.bf16.f32 v3;
	v60 =	vmul.f32 v60, v40;
	v4 =	vmul.f32 v10, v40  }
0x5d2: {  	v9 =	vld [tilespmem:s6+$0x0];
	v3 =	vmul.f32 v3, v41;
	v5 =	vmul.f32 v11, v41;
	v8 =	vunpack.i.l.bf16.f32 v58  }
0x5d3: {  	v56 =	vld [tilespmem:s12+$0x0];
	s12 =	sadd.s32 $0x12F00, s2;
	v58 =	vunpack.i.u.bf16.f32 v58;
	v11 =	vunpack.i.l.bf16.f32 v62;
	v8 =	vmul.f32 v8, v39  }
0x5d4: {  	s14 =	sor.u32 s11, s12;
	v10 =	vld [tilespmem:s17+$0x0];
	v3 =	vadd.f32 v3, v60;
	v4 =	vadd.f32 v5, v4;
	v5 =	vmul.f32 v58, v39  }
0x5d5: {  	v12 =	vunpack.i.l.bf16.f32 v6;
	s17 =	sadd.s32 $0x12F80, s2;
	v62 =	vunpack.i.u.bf16.f32 v62;
	v11 =	vmul.f32 v11, v38;
	v58 =	vld [tilespmem:s14+$0x0]  }
0x5d6: {  	s28 =	sor.u32 s5, s15;
	s15 =	sor.u32 s5, s23;
	s23 =	sor.u32 s11, s17;
	v3 =	vadd.f32 v8, v3;
	v4 =	vadd.f32 v5, v4;
	v5 =	vmul.f32 v62, v38  }
0x5d7: {  	s24 =	sadd.s32 $0x13000, s2;
	v6 =	vunpack.i.u.bf16.f32 v6;
	v13 =	vunpack.i.l.bf16.f32 v9;
	v12 =	vmul.f32 v12, v37;
	v8 =	vld [tilespmem:s23+$0x0]  }
0x5d8: {  	s7 =	sor.u32 s5, s31;
	s31 =	sor.u32 s11, s24;
	v3 =	vadd.f32 v11, v3;
	v4 =	vadd.f32 v5, v4;
	v5 =	vmul.f32 v6, v37  }
0x5d9: {  	v9 =	vunpack.i.u.bf16.f32 v9;
	v2 =	vmul.f32 v61, v17;
	s2 =	sadd.s32 $0x13080, s2;
	v13 =	vmul.f32 v13, v36;
	v6 =	vld [tilespmem:s31+$0x0]  }
0x5da: {  	v11 =	vld [tilespmem:s3+$0x0];
	s3 =	sor.u32 s11, s2;
	v14 =	vunpack.i.l.bf16.f32 v58;
	v3 =	vadd.f32 v12, v3;
	v4 =	vadd.f32 v5, v4  }
0x5db: {  	v5 =	vmul.f32 v9, v36;
	v9 =	vld [tilespmem:s3+$0x0];
	v12 =	vunpack.i.u.bf16.f32 v58;
	v14 =	vmul.f32 v14, v35  }
0x5dc: {  	v58 =	vunpack.i.l.bf16.f32 v8;
	v8 =	vunpack.i.u.bf16.f32 v8;
	v3 =	vadd.f32 v13, v3  }
0x5dd: {  	v4 =	vadd.f32 v5, v4;
	v5 =	vmul.f32 v12, v35;
	v12 =	vmul.f32 v58, v34  }
0x5de: {  	v58 =	vmul.f32 v8, v34;
	v13 =	vunpack.i.l.bf16.f32 v6;
	v3 =	vadd.f32 v14, v3  }
0x5df: {  	v6 =	vunpack.i.u.bf16.f32 v6;
	v4 =	vadd.f32 v5, v4;
	v8 =	vmul.f32 v13, v33  }
0x5e0: {  	v5 =	vmul.f32 v6, v33;
	v13 =	vunpack.i.l.bf16.f32 v9;
	v3 =	vadd.f32 v12, v3  }
0x5e1: {  	v7 =	vld [tilespmem:s0+$0x0];
	v4 =	vadd.f32 v58, v4;
	v58 =	vunpack.i.u.bf16.f32 v9;
	v9 =	vmul.f32 v13, v42  }
0x5e2: {  	v57 =	vmul.f32 v58, v42;
	v58 =	vmul.f32 v59, v15;
	v59 =	vunpack.i.u.bf16.f32 v56  }
0x5e3: {  	v56 =	vunpack.i.l.bf16.f32 v56;
	v3 =	vadd.f32 v8, v3;
	v4 =	vadd.f32 v5, v4  }
0x5e4: {  	v1 =	vadd.f32 v58, v1;
	v58 =	vmul.f32 v59, v16;
	v59 =	vunpack.i.u.bf16.f32 v63  }
0x5e5: {  	v60 =	vld [tilespmem:s20+$0x0];
	v3 =	vadd.f32 v9, v3;
	v4 =	vadd.f32 v57, v4;
	v57 =	vmul.f32 v56, v16  }
0x5e6: {  	v63 =	vmul.f32 v59, v17;
	v9 =	vunpack.i.u.bf16.f32 v7;
	v56 =	vunpack.i.l.bf16.f32 v7  }
0x5e7: {  	s4 =	sadd.s32 $0x15E80, s1;
	v62 =	vld [tilespmem:s19+$0x0];
	v59 =	vunpack.i.l.bf16.f32 v10;
	v0 =	vadd.f32 v58, v0;
	v1 =	vadd.f32 v57, v1  }
0x5e8: {  	s0 =	sor.u32 s11, s4;
	v58 =	vmul.f32 v56, v18;
	v3 =	vpack.i.f32.bf16 v4, v3;
	v57 =	vunpack.i.u.bf16.f32 v10  }
0x5e9: {  	[tilespmem:s0+$0x0] =	vst v3;
	v3 =	vmul.f32 v9, v18;
	v0 =	vadd.f32 v63, v0;
	v1 =	vadd.f32 v2, v1  }
0x5ea: {  	v10 =	vunpack.i.l.bf16.f32 v60;
	v61 =	vmul.f32 v57, v19;
	v63 =	vunpack.i.u.bf16.f32 v60  }
0x5eb: {  	v9 =	vmul.f32 v59, v19;
	v0 =	vadd.f32 v3, v0;
	v1 =	vadd.f32 v58, v1  }
0x5ec: {  	v57 =	vunpack.i.u.bf16.f32 v62;
	v59 =	vunpack.i.l.bf16.f32 v62;
	v56 =	vmul.f32 v63, v20  }
0x5ed: {  	v58 =	vmul.f32 v10, v20;
	v0 =	vadd.f32 v61, v0;
	v1 =	vadd.f32 v9, v1  }
0x5ee: {  	v60 =	vmul.f32 v57, v21;
	v62 =	vmul.f32 v59, v21  }
0x5ef: {  	v63 =	vunpack.i.l.bf16.f32 v11;
	v0 =	vadd.f32 v56, v0;
	v1 =	vadd.f32 v58, v1  }
0x5f0: {  	v61 =	vunpack.i.u.bf16.f32 v11;
	v11 =	vmul.f32 v63, v22  }
0x5f1: {  	v9 =	vmul.f32 v61, v22;
	v0 =	vadd.f32 v60, v0;
	v1 =	vadd.f32 v62, v1  }
0x5f2: {  	v10 =	vadd.f32 v55, v52  }
0x5f3: {  	v52 =	vmul.f32 v53, v38;
	v0 =	vadd.f32 v9, v0;
	v1 =	vadd.f32 v11, v1  }
0x5f4: {  	v59 =	vunpack.i.l.bf16.f32 v49;
	v53 =	vunpack.i.u.bf16.f32 v48;
	v55 =	vunpack.i.l.bf16.f32 v48  }
0x5f5: {  	s6 =	rddreg [dreg:$0xa];
	v3 =	vadd.f32 v52, v54;
	v56 =	vmul.f32 v55, v37;
	v0 =	vpack.i.f32.bf16 v0, v1  }
0x5f6: {  	s11 =	rddreg [dreg:$0xb];
	v5 =	vmul.f32 v53, v37;
	v57 =	vadd.f32 v51, v10;
	v54 =	vunpack.i.u.bf16.f32 v50;
	[tilespmem:s6+$0x0] =	vst v0  }
0x5f7: {  	s13 =	sor.u32 s5, s12;
	s12 =	rddreg [dreg:$0xc];
	v58 =	vunpack.i.u.bf16.f32 v49;
	v60 =	vadd.f32 v56, v3;
	v62 =	vmul.f32 v59, v36;
	v63 =	vld [tilespmem:s11+$0x0]  }
0x5f8: {  	s14 =	rddreg [dreg:$0xf];
	v55 =	vunpack.i.l.bf16.f32 v50;
	v61 =	vadd.f32 v5, v57;
	v1 =	vmul.f32 v58, v36;
	v56 =	vld [tilespmem:s12+$0x0]  }
0x5f9: {  	s16 =	sor.u32 s5, s22;
	v52 =	vunpack.i.l.bf16.f32 v46;
	v57 =	vmul.f32 v55, v35;
	v0 =	vadd.f32 v62, v60;
	v6 =	vld [tilespmem:s14+$0x0]  }
0x5fa: {  	s22 =	sor.u32 s5, s18;
	s18 =	sor.u32 s5, s17;
	s17 =	rddreg [dreg:$0x10];
	v5 =	vmul.f32 v54, v35;
	v59 =	vunpack.i.l.bf16.f32 v47;
	v1 =	vadd.f32 v1, v61  }
0x5fb: {  	s19 =	rddreg [dreg:$0x13];
	v58 =	vunpack.i.u.bf16.f32 v47;
	v60 =	vld [tilespmem:s17+$0x0];
	v61 =	vmul.f32 v59, v34;
	v0 =	vadd.f32 v57, v0  }
0x5fc: {  	v50 =	vunpack.i.u.bf16.f32 v46;
	v48 =	vmul.f32 v58, v34;
	v2 =	vld [tilespmem:s19+$0x0];
	v49 =	vadd.f32 v5, v1  }
0x5fd: {  	v51 =	vadd.f32 v61, v0;
	v62 =	vunpack.i.u.bf16.f32 v63;
	v4 =	vunpack.i.l.bf16.f32 v63  }
0x5fe: {  	v47 =	vunpack.i.u.bf16.f32 v56;
	v56 =	vunpack.i.l.bf16.f32 v56;
	v57 =	vunpack.i.u.bf16.f32 v6  }
0x5ff: {  	s31 =	rddreg [dreg:$0x14];
	v7 =	vld [tilespmem:s8+$0x0];
	v6 =	vunpack.i.l.bf16.f32 v6;
	v63 =	vmul.f32 v4, v23;
	v1 =	vmul.f32 v62, v23  }
0x600: {  	v5 =	vld [tilespmem:s31+$0x0];
	v59 =	vunpack.i.u.bf16.f32 v60;
	v4 =	vmul.f32 v56, v24;
	v3 =	vmul.f32 v47, v24  }
0x601: {  	v61 =	vunpack.i.u.bf16.f32 v2;
	v2 =	vunpack.i.l.bf16.f32 v2;
	v8 =	vmul.f32 v57, v25  }
0x602: {  	v58 =	vmul.f32 v6, v25;
	v0 =	vadd.f32 v4, v63;
	v1 =	vadd.f32 v3, v1  }
0x603: {  	p0 =	slt.u32 s21, $0x3E;
	v60 =	vunpack.i.l.bf16.f32 v60;
	v6 =	vmul.f32 v59, v26;
	v2 =	vmul.f32 v2, v27  }
.Ltmp6:
0x604: {  	v3 =	vmul.f32 v60, v26;
	v0 =	vadd.f32 v58, v0;
	v1 =	vadd.f32 v8, v1;
	(pc) =	sbr.rel @p0 .LBB2_9-.Ltmp6, $4  }
0x605: {  	v59 =	vunpack.i.l.bf16.f32 v7;
	v62 =	vunpack.i.u.bf16.f32 v5;
	v4 =	vmul.f32 v61, v27  }
0x606: {  	v53 =	vld [tilespmem:s9+$0x0];
	v63 =	vunpack.i.u.bf16.f32 v7;
	v0 =	vadd.f32 v3, v0;
	v1 =	vadd.f32 v6, v1  }
0x607: {  	s30 =	rddreg [dreg:$0x9];
	s1 =	sor.u32 s5, s4;
	v46 =	vld [tilespmem:s16+$0x0];
	v5 =	vunpack.i.l.bf16.f32 v5;
	v55 =	vmul.f32 v62, v28;
	v54 =	vmul.f32 v63, v29  }
0x608: {  	s20 =	rddreg [dreg:$0x8];
	s23 =	sor.u32 s5, s24;
	s24 =	sor.u32 s5, s2;
	v47 =	vld [tilespmem:s10+$0x0];
	v58 =	vmul.f32 v5, v28;
	v56 =	vadd.f32 v2, v0;
	v57 =	vadd.f32 v4, v1  }
0x609: {  	_ = 	snop  }
0x60a: {  	v1 =	vmul.f32 v59, v29;
	v0 =	vadd.f32 v58, v56  }
0x60b: {  	v2 =	vadd.f32 v55, v57;
	v3 =	vunpack.i.l.bf16.f32 v53  }
0x60c: {  	v4 =	vunpack.i.u.bf16.f32 v53;
	v0 =	vadd.f32 v1, v0;
	v18 =	vmul.f32 v3, v30  }
0x60d: {  	v19 =	vmul.f32 v4, v30;
	v2 =	vadd.f32 v54, v2;
	v20 =	vunpack.i.u.bf16.f32 v47  }
0x60e: {  	v23 =	vunpack.i.l.bf16.f32 v46;
	v5 =	vunpack.i.l.bf16.f32 v47;
	v4 =	vmul.f32 v20, v32  }
0x60f: {  	v0 =	vadd.f32 v18, v0;
	v21 =	vmul.f32 v5, v32;
	v2 =	vadd.f32 v19, v2  }
0x610: {  	v22 =	vunpack.i.u.bf16.f32 v46;
	v24 =	vmul.f32 v23, v31  }
0x611: {  	v5 =	vmul.f32 v22, v31;
	v0 =	vadd.f32 v21, v0;
	v2 =	vadd.f32 v4, v2;
	_ =	sdelay $0x1  }
0x612: {  	v0 =	vadd.f32 v24, v0;
	v25 =	vadd.f32 v5, v2;
	_ =	sdelay $0x1  }
0x613: {  	v0 =	vpack.i.f32.bf16 v25, v0  }
0x614: {  	[tilespmem:s26+$0x0] =	vst v0  }
0x615: {  	v0 =	vld [tilespmem:s29+$0x0]  }
0x616: {  	v26 =	vld [tilespmem:s25+$0x0]  }
0x617: {  	v30 =	vld [tilespmem:s28+$0x0]  }
0x618: {  	v27 =	vadd.f32 v48, v49;
	v28 =	vmul.f32 v52, v33;
	v31 =	vld [tilespmem:s22+$0x0]  }
0x619: {  	v29 =	vmul.f32 v50, v33;
	v6 =	vunpack.i.u.bf16.f32 v45;
	v7 =	vunpack.i.l.bf16.f32 v45;
	v10 =	vld [tilespmem:s15+$0x0]  }
0x61a: {  	v7 =	vmul.f32 v7, v42;
	v6 =	vmul.f32 v6, v42;
	v8 =	vunpack.i.u.bf16.f32 v0  }
0x61b: {  	v0 =	vunpack.i.l.bf16.f32 v0;
	v9 =	vunpack.i.l.bf16.f32 v26;
	v1 =	vunpack.i.u.bf16.f32 v26  }
0x61c: {  	v11 =	vunpack.i.l.bf16.f32 v30;
	v0 =	vmul.f32 v0, v40;
	v9 =	vmul.f32 v9, v41  }
0x61d: {  	v12 =	vld [tilespmem:s7+$0x0];
	v5 =	vunpack.i.u.bf16.f32 v30;
	v8 =	vmul.f32 v8, v40;
	v1 =	vmul.f32 v1, v41  }
0x61e: {  	v4 =	vunpack.i.u.bf16.f32 v31;
	v45 =	vunpack.i.l.bf16.f32 v10;
	v32 =	vmul.f32 v11, v39  }
0x61f: {  	v5 =	vmul.f32 v5, v39;
	v0 =	vadd.f32 v9, v0;
	v1 =	vadd.f32 v1, v8  }
0x620: {  	v10 =	vunpack.i.u.bf16.f32 v10;
	v40 =	vunpack.i.l.bf16.f32 v31;
	v41 =	vld [tilespmem:s13+$0x0];
	v4 =	vmul.f32 v4, v38  }
0x621: {  	v46 =	vld [tilespmem:s18+$0x0];
	v8 =	vmul.f32 v40, v38;
	v0 =	vadd.f32 v32, v0;
	v1 =	vadd.f32 v5, v1  }
0x622: {  	v48 =	vunpack.i.l.bf16.f32 v12;
	v12 =	vunpack.i.u.bf16.f32 v12;
	v47 =	vmul.f32 v10, v37  }
0x623: {  	v49 =	vld [tilespmem:s23+$0x0];
	v5 =	vmul.f32 v45, v37;
	v0 =	vadd.f32 v8, v0;
	v1 =	vadd.f32 v4, v1  }
0x624: {  	v3 =	vadd.f32 v28, v51;
	v50 =	vmul.f32 v48, v36;
	v51 =	vmul.f32 v12, v36  }
0x625: {  	v54 =	vld [tilespmem:s24+$0x0];
	v52 =	vunpack.i.l.bf16.f32 v41;
	v0 =	vadd.f32 v5, v0;
	v1 =	vadd.f32 v47, v1  }
0x626: {  	v9 =	vunpack.i.u.bf16.f32 v46;
	v11 =	vunpack.i.u.bf16.f32 v41;
	v53 =	vmul.f32 v52, v35  }
0x627: {  	v11 =	vmul.f32 v11, v35;
	v0 =	vadd.f32 v50, v0;
	v1 =	vadd.f32 v51, v1  }
0x628: {  	v55 =	vunpack.i.l.bf16.f32 v46;
	v57 =	vunpack.i.l.bf16.f32 v49;
	v56 =	vmul.f32 v9, v34  }
0x629: {  	v4 =	vmul.f32 v55, v34;
	v0 =	vadd.f32 v53, v0;
	v1 =	vadd.f32 v11, v1  }
0x62a: {  	v60 =	vunpack.i.u.bf16.f32 v54;
	v10 =	vunpack.i.u.bf16.f32 v49;
	v58 =	vmul.f32 v57, v33  }
0x62b: {  	v59 =	vmul.f32 v10, v33;
	v0 =	vadd.f32 v4, v0;
	v1 =	vadd.f32 v56, v1  }
0x62c: {  	v2 =	vadd.f32 v29, v27;
	v62 =	vmul.f32 v60, v42;
	v8 =	vunpack.i.l.bf16.f32 v54  }
0x62d: {  	v61 =	vmul.f32 v8, v42;
	v0 =	vadd.f32 v58, v0;
	v1 =	vadd.f32 v59, v1  }
0x62e: {  	v3 =	vadd.f32 v7, v3;
	v2 =	vadd.f32 v6, v2  }
0x62f: {  	v63 =	vpack.i.f32.bf16 v44, v43;
	v0 =	vadd.f32 v61, v0;
	v1 =	vadd.f32 v62, v1  }
0x630: {  	[tilespmem:s30+$0x0] =	vst v63;
	v2 =	vpack.i.f32.bf16 v2, v3  }
0x631: {  	[tilespmem:s20+$0x0] =	vst v2;
	v0 =	vpack.i.f32.bf16 v1, v0  }
0x632: {  	[tilespmem:s1+$0x0] =	vst v0  }
0x633: {  	s7 =	sld [smem:$0x7E8];
	_ =	sdelay $0x2  }
0x634: {  	p0 =	seq.s32 s7, $0xF  }
.Ltmp7:
0x635: {  	s1 =	sld [smem:$0x7E7];
	(pc) =	sbr.rel @p0 .LBB2_12-.Ltmp7, $4  }
0x636: {  	_ = 	snop  }
0x637: {  	s31 =	simm.s32 $0x200;
	s0 =	rddreg [dreg:$0x1d]  }
0x638: {  	s2 =	simm.s32 $0x400;
	s3 =	simm.s32 $0x15D00;
	s0 =	sadd.s32 s1, s0  }
0x639: {  	[hbm4b:s0+s31] =	stream.strided.scatter [tilespmem:s3], [sflag:$0x4], $0x1000, s2, s31, $0x38;
	[tilespmem:$0x16D00] =	vst v63  }
0x63a: {  	s0 =	smul.u32 $0x140, s7;
	_ =	sdelay $0x1  }
0x63b: {  	s0 =	sshra.s32 s0, $0x2  }
0x63c: {  	v0 =	vld [tilespmem:s0+$0x78];
	_ =	sdelay $0x2  }
0x63d: {  	v2 =	vld [tilespmem:$0x1FFD0];
	_ =	sdelay $0x1  }
0x63e: {  	v3 =	vld [tilespmem:$0x1FFE0];
	v1 =	vshll.u32 v0, $0x3  }
0x63f: {  	v0 =	vand.u32 $0x7, v0;
	v1 =	vand.u32 $0xFFFFFFC0, v1  }
0x640: {  	v0 =	vor.u32 v0, v1  }
0x641: {  	v1 =	vperm.xlane v0, v2;
	_ =	sdelay $0x1  }
0x642: {  	v1 =	vadd.s32 v3, v1  }
0x643: {  	v4 =	vld [tilespmem:$0x1FFF0];
	_ =	sdelay $0x2  }
0x644: {  	s1 =	rddreg [dreg:$0x0];
	s2 =	simm.s32 $0x0;
	s3 =	simm.s32 $0xAD00  }
0x645: {  	[tilespmem:s3], [sflag:$0x2] =	stream.indirect_vreg.gather [hbm4b:s1+s2], $0x80, v1, vm0, $0xb8;
	[tilespmem:$0x16D00] =	vst v63  }
0x646: {  	s12 =	rddreg [dreg:$0x1a];
	s4 =	simm.s32 $0xB500;
	v0 =	vperm.xlane v0, v4  }
0x647: {  	[tilespmem:s4], [sflag:$0x2] =	stream.indirect_vreg.gather [hbm4b:s12+s2], $0x80, v1, vm0, $0xb8;
	[tilespmem:$0x16D00] =	vst v63  }
0x648: {  	s13 =	rddreg [dreg:$0x1b];
	s5 =	simm.s32 $0xBD00;
	v0 =	vadd.s32 v3, v0  }
0x649: {  	[tilespmem:s5], [sflag:$0x2] =	stream.indirect_vreg.gather [hbm4b:s13+s2], $0x80, v1, vm0, $0xb8;
	[tilespmem:$0x16D00] =	vst v63  }
0x64a: {  	s14 =	rddreg [dreg:$0x1c];
	s6 =	simm.s32 $0xC500  }
0x64b: {  	[tilespmem:s6], [sflag:$0x2] =	stream.indirect_vreg.gather [hbm4b:s14+s2], $0x80, v1, vm0, $0xb8;
	[tilespmem:$0x16D00] =	vst v63  }
0x64c: {  	s15 =	simm.s32 $0xCD00  }
0x64d: {  	[tilespmem:s15], [sflag:$0x2] =	stream.indirect_vreg.gather [hbm4b:s1+s2], $0x80, v0, vm0, $0xb8;
	[tilespmem:$0x16D00] =	vst v63  }
0x64e: {  	s16 =	simm.s32 $0xD500  }
0x64f: {  	[tilespmem:s16], [sflag:$0x2] =	stream.indirect_vreg.gather [hbm4b:s12+s2], $0x80, v0, vm0, $0xb8;
	[tilespmem:$0x16D00] =	vst v63  }
0x650: {  	s17 =	simm.s32 $0xDD00  }
0x651: {  	[tilespmem:s17], [sflag:$0x2] =	stream.indirect_vreg.gather [hbm4b:s13+s2], $0x80, v0, vm0, $0xb8;
	[tilespmem:$0x16D00] =	vst v63  }
0x652: {  	s18 =	simm.s32 $0xE500  }
0x653: {  	[tilespmem:s18], [sflag:$0x2] =	stream.indirect_vreg.gather [hbm4b:s14+s2], $0x80, v0, vm0, $0xb8;
	[tilespmem:$0x16D00] =	vst v63  }
0x654: {  	v0 =	vld [tilespmem:s0+$0x88];
	_ =	sdelay $0x4  }
0x655: {  	v62 =	vshll.u32 v0, $0x3  }
0x656: {  	v0 =	vand.u32 $0x7, v0;
	v1 =	vand.u32 $0xFFFFFFC0, v62  }
0x657: {  	v0 =	vor.u32 v0, v1  }
0x658: {  	v1 =	vperm.xlane v0, v2;
	_ =	sdelay $0x1  }
0x659: {  	v1 =	vadd.s32 v3, v1;
	_ =	sdelay $0x3  }
0x65a: {  	s19 =	simm.s32 $0xED00  }
0x65b: {  	[tilespmem:s19], [sflag:$0x2] =	stream.indirect_vreg.gather [hbm4b:s1+s2], $0x80, v1, vm0, $0xb8;
	[tilespmem:$0x16D00] =	vst v63  }
0x65c: {  	s20 =	simm.s32 $0xF500;
	v0 =	vperm.xlane v0, v4  }
0x65d: {  	[tilespmem:s20], [sflag:$0x2] =	stream.indirect_vreg.gather [hbm4b:s12+s2], $0x80, v1, vm0, $0xb8;
	[tilespmem:$0x16D00] =	vst v63  }
0x65e: {  	s21 =	simm.s32 $0xFD00;
	v0 =	vadd.s32 v3, v0  }
0x65f: {  	[tilespmem:s21], [sflag:$0x2] =	stream.indirect_vreg.gather [hbm4b:s13+s2], $0x80, v1, vm0, $0xb8;
	[tilespmem:$0x16D00] =	vst v63  }
0x660: {  	s22 =	simm.s32 $0x10500  }
0x661: {  	[tilespmem:s22], [sflag:$0x2] =	stream.indirect_vreg.gather [hbm4b:s14+s2], $0x80, v1, vm0, $0xb8;
	[tilespmem:$0x16D00] =	vst v63  }
0x662: {  	s23 =	simm.s32 $0x10D00  }
0x663: {  	[tilespmem:s23], [sflag:$0x2] =	stream.indirect_vreg.gather [hbm4b:s1+s2], $0x80, v0, vm0, $0xb8;
	[tilespmem:$0x16D00] =	vst v63  }
0x664: {  	s24 =	simm.s32 $0x11500  }
0x665: {  	[tilespmem:s24], [sflag:$0x2] =	stream.indirect_vreg.gather [hbm4b:s12+s2], $0x80, v0, vm0, $0xb8;
	[tilespmem:$0x16D00] =	vst v63  }
0x666: {  	s25 =	simm.s32 $0x11D00  }
0x667: {  	[tilespmem:s25], [sflag:$0x2] =	stream.indirect_vreg.gather [hbm4b:s13+s2], $0x80, v0, vm0, $0xb8;
	[tilespmem:$0x16D00] =	vst v63  }
0x668: {  	s26 =	simm.s32 $0x12500  }
0x669: {  	[tilespmem:s26], [sflag:$0x2] =	stream.indirect_vreg.gather [hbm4b:s14+s2], $0x80, v0, vm0, $0xb8;
	[tilespmem:$0x16D00] =	vst v63  }
0x66a: {  	v0 =	vld.msk [tilespmem:s0+$0x98], $0xff;
	_ =	sdelay $0x4  }
0x66b: {  	v63 =	vshll.u32 v0, $0x3  }
0x66c: {  	v0 =	vand.u32 $0x7, v0;
	v1 =	vand.u32 $0xFFFFFFC0, v63  }
0x66d: {  	v0 =	vor.u32 v0, v1  }
0x66e: {  	v0 =	vperm.xlane v0, v2;
	_ =	sdelay $0x1  }
0x66f: {  	v0 =	vadd.s32 v3, v0;
	_ =	sdelay $0x3  }
0x670: {  	s28 =	simm.s32 $0x12D00  }
0x671: {  	[tilespmem:s28], [sflag:$0x2] =	stream.indirect_vreg.gather [hbm4b:s1+s2], $0x80, v0, vm0, $0xb8;
	[tilespmem:$0x16D00] =	vst v63  }
0x672: {  	s29 =	simm.s32 $0x13500  }
0x673: {  	[tilespmem:s29], [sflag:$0x2] =	stream.indirect_vreg.gather [hbm4b:s12+s2], $0x80, v0, vm0, $0xb8;
	[tilespmem:$0x16D00] =	vst v63  }
.Ltmp8:
0x674: {  	_ = 	snop;
	(pc) =	sbr.rel .LBB2_2-.Ltmp8, $4  }
0x675: {  	s30 =	simm.s32 $0x13D00  }
0x676: {  	[tilespmem:s30], [sflag:$0x2] =	stream.indirect_vreg.gather [hbm4b:s13+s2], $0x80, v0, vm0, $0xb8;
	[tilespmem:$0x16D00] =	vst v63  }
0x677: {  	s31 =	simm.s32 $0x14500;
	s7 =	sadd.s32 $0x1, s7  }
0x678: {  	[tilespmem:s31], [sflag:$0x2] =	stream.indirect_vreg.gather [hbm4b:s14+s2], $0x80, v0, vm0, $0xb8;
	[tilespmem:$0x16D00] =	vst v63  }
.LBB2_13:
0x679: {  	_ =	sfence.sel $0x180000  }
0x67a: {  	[bflag:$0x0] =	sbarrier.arrive $0xFFFF  }
0x67b: {  	_ =	strace $0x90000047  }
0x67c: {  	s0 =	stileid.u32;
	[bflag:$0x2] =	sbarrier.arrive $0xFFFF  }
0x67d: {  	p0 =	sne.s32 s0, $0x0;
	s0 =	rddreg [dreg:$0x3]  }
0x67e: {  	s0 =	sadd.s32 @!p0 $0x100000, s0  }
0x67f: {  	[sflag:s0] =	ssyncadd.tile.s32 @!p0 $0x1;
	_ =	shalt  }
.Lfunc_end2:
_tile_overlayer_lowered:
.L_overlay_start_2:
0x680: {  	(tag) =	ssettag $0x2  }
0x681: {  	s0 =	rddreg [dreg:$0x0];
	s2 =	stileid.u32  }
0x682: {  	s1 =	rddreg [dreg:$0x1];
	p0 =	sne.s32 s2, $0x0  }
0x683: {  	s3 =	rddreg [dreg:$0x2];
	[bflag:$0x3] =	sbarrier.arrive $0xFFFF;
	s2 =	simm.s32 @!p0 $0x1C05  }
0x684: {  	[timem:s3], [sflag:s2] =	dma.local @!p0 [hbm:s0], s1  }
0x685: {  	s0 =	simm.s32 @!p0 $0x5  }
0x686: {  	_ =	swait.ge @!p0 [sflag:s0], s1  }
0x687: {  	s1 =	ssub.s32 @!p0 $0x0, s1;
	[sflag:s0] =	ssyncset.done @!p0 $0x0  }
0x688: {  	[sflag:s0] =	ssyncadd.s32 @!p0 s1  }
0x689: {  	[bflag:$0x3] =	sbarrier.arrive $0xFFFF  }
0x68a: {  	_ =	shalt  }

</sc_bundles>
